<compile_context>
chip_gen: v7x
topology: tpu7x:2x2x1
jax: 0.10.2.dev20260603
libtpu: 0.0.44.dev20260713+nightly
codegen_flags: <defaults>
</compile_context>

<pallas_src>
import jax
import jax.numpy as jnp
from jax import lax
from jax.experimental import pallas as pl
from jax.experimental.pallas import tpu as pltpu
from jax.experimental.pallas import tpu_sc as plsc

D = 128
HID = 128
EB = 1024
KC = 16
NC = 2
NS = 16
NW = NC * NS
EPW = 640
ROWCH = 128

_HIGH = lax.Precision.HIGHEST


def _make_gather_body(epw):
    def _gather_body(x_hbm, src_hbm, out_hbm, idx_v, rows_v, sem):
        c = lax.axis_index("c")
        s = lax.axis_index("s")
        wid = c * NS + s
        pltpu.sync_copy(src_hbm.at[wid], idx_v)
        hs = []
        for j in range(epw // ROWCH):
            hs.append(pltpu.async_copy(x_hbm.at[idx_v.at[j]],
                                       rows_v.at[pl.ds(j * ROWCH, ROWCH)],
                                       sem))
        for h in hs:
            h.wait()
        pltpu.sync_copy(rows_v, out_hbm.at[pl.ds(wid * epw, epw)])
    return _gather_body


def _sc_gather(x, src_r, e_chunk):
    epw = e_chunk // NW
    mesh = plsc.VectorSubcoreMesh(core_axis_name="c", subcore_axis_name="s")
    k = pl.kernel(
        _make_gather_body(epw),
        out_type=jax.ShapeDtypeStruct((e_chunk, D), jnp.float32),
        mesh=mesh,
        scratch_types=[
            pltpu.VMEM((epw // ROWCH, ROWCH), jnp.int32),
            pltpu.VMEM((epw, D), jnp.float32),
            pltpu.SemaphoreType.DMA,
        ],
    )
    return k(x, src_r)


HALF = 5120
ACC1 = 5248
CNT2 = 128
CH = 1


def _make_scatter_body(ngrp):
    def _scatter_body(msg_hbm, hot_hbm, idxr_hbm, idxlo_hbm, zero_hbm,
                      z16_hbm, out1_hbm, out2_hbm, idx_v, lo_v, mb0, mb1,
                      hb0, hb1, acc_sh, cnt_sh, sl0, sl1):
        per1 = ACC1 // NS
        per2 = CNT2 // NS
        c = lax.axis_index("c")
        s = lax.axis_index("s")

        pltpu.sync_copy(zero_hbm, acc_sh.at[pl.ds(s * per1, per1)])
        pltpu.sync_copy(z16_hbm, cnt_sh.at[pl.ds(s * per2, per2)])
        pltpu.sync_copy(idxr_hbm.at[c, s], idx_v)
        pltpu.sync_copy(idxlo_hbm.at[c, s], lo_v)
        plsc.subcore_barrier()

        mbufs, hbufs, sls = (mb0, mb1), (hb0, hb1), (sl0, sl1)
        base0 = s * ngrp * ROWCH

        def load(cidx, b):
            off = base0 + cidx * ROWCH
            return (pltpu.async_copy(msg_hbm.at[pl.ds(off, ROWCH)],
                                     mbufs[b], sls[b]),
                    pltpu.async_copy(hot_hbm.at[pl.ds(off, ROWCH)],
                                     hbufs[b], sls[b]))

        lh = load(0, 0)
        for cidx in range(ngrp):
            b = cidx % 2
            for h in lh:
                h.wait()
            if cidx + 1 < ngrp:
                lh = load(cidx + 1, 1 - b)
            pltpu.sync_copy(mbufs[b], acc_sh.at[idx_v.at[cidx]], add=True)
            pltpu.sync_copy(hbufs[b], cnt_sh.at[lo_v.at[cidx]], add=True)

        plsc.subcore_barrier()
        pltpu.sync_copy(acc_sh.at[pl.ds(s * per1, per1)],
                        out1_hbm.at[c, pl.ds(s * per1, per1)])
        pltpu.sync_copy(cnt_sh.at[pl.ds(s * per2, per2)],
                        out2_hbm.at[c, pl.ds(s * per2, per2)])
    return _scatter_body


def _sc_scatter(msg, hot, idxr, idxlo, zeros, z16):
    e_chunk = msg.shape[0]
    ngrp = e_chunk // NS // ROWCH
    mesh = plsc.VectorSubcoreMesh(core_axis_name="c", subcore_axis_name="s")
    k = pl.kernel(
        _make_scatter_body(ngrp),
        out_type=(jax.ShapeDtypeStruct((NC, ACC1, D), jnp.float32),
                  jax.ShapeDtypeStruct((NC, CNT2, D), jnp.float32)),
        mesh=mesh,
        scratch_types=[
            pltpu.VMEM((ngrp, ROWCH), jnp.int32),
            pltpu.VMEM((ngrp, ROWCH), jnp.int32),
            pltpu.VMEM((ROWCH, D), jnp.float32),
            pltpu.VMEM((ROWCH, D), jnp.float32),
            pltpu.VMEM((ROWCH, D), jnp.float32),
            pltpu.VMEM((ROWCH, D), jnp.float32),
            pltpu.VMEM_SHARED((ACC1, D), jnp.float32),
            pltpu.VMEM_SHARED((CNT2, D), jnp.float32),
            pltpu.SemaphoreType.DMA,
            pltpu.SemaphoreType.DMA,
        ],
    )
    return k(msg, hot, idxr, idxlo, zeros, z16)


def _edge_kernel(ea_ref, xj_ref, dm_ref, W1_ref, b1_ref, Mt_ref, B2_ref,
                 msg_ref, hot_ref, gt_ref, gt2_ref):
    h = jnp.maximum(
        jnp.dot(ea_ref[...], W1_ref[...], preferred_element_type=jnp.float32,
                precision=_HIGH) + b1_ref[...], 0.0)
    xj = xj_ref[...]
    hbt = h.astype(jnp.bfloat16).T
    xbt = xj.astype(jnp.bfloat16).T
    acc_t = jnp.zeros((D, EB), jnp.float32)
    bufs = (gt_ref, gt2_ref)
    for t, kc in enumerate(range(0, HID, KC)):
        buf = bufs[t % 2]
        for j in range(KC):
            buf[j * D:(j + 1) * D, :] = hbt[kc + j:kc + j + 1, :] * xbt
        acc_t = acc_t + jnp.dot(
            Mt_ref[:, kc * D:(kc + KC) * D], buf[...],
            preferred_element_type=jnp.float32)
    acc = acc_t.T + jnp.dot(xj, B2_ref[...],
                            preferred_element_type=jnp.float32,
                            precision=_HIGH)
    msg_ref[...] = acc
    lanes = lax.broadcasted_iota(jnp.int32, (EB, D), 1)
    hot_ref[...] = jnp.where(lanes == dm_ref[...], 1.0, 0.0)


def _tc_edge(ea, xj, dm16, W1, b1, Mt, B2, e_pad):
    grid = e_pad // EB
    return pl.pallas_call(
        _edge_kernel,
        grid=(grid,),
        in_specs=[
            pl.BlockSpec((EB, D), lambda i: (i, 0)),
            pl.BlockSpec((EB, D), lambda i: (i, 0)),
            pl.BlockSpec((EB, 1), lambda i: (i, 0)),
            pl.BlockSpec((D, HID), lambda i: (0, 0)),
            pl.BlockSpec((1, HID), lambda i: (0, 0)),
            pl.BlockSpec((D, HID * D), lambda i: (0, 0)),
            pl.BlockSpec((D, D), lambda i: (0, 0)),
        ],
        out_specs=[
            pl.BlockSpec((EB, D), lambda i: (i, 0)),
            pl.BlockSpec((EB, D), lambda i: (i, 0)),
        ],
        out_shape=[
            jax.ShapeDtypeStruct((e_pad, D), jnp.float32),
            jax.ShapeDtypeStruct((e_pad, D), jnp.float32),
        ],
        scratch_shapes=[pltpu.VMEM((KC * D, EB), jnp.bfloat16),
                        pltpu.VMEM((KC * D, EB), jnp.bfloat16)],
    )(ea, xj, dm16, W1, b1, Mt, B2)


def _final_kernel(x_ref, s_ref, cnt_ref, root_ref, bias_ref, out_ref):
    x = x_ref[...]
    aggr = s_ref[...] / jnp.maximum(cnt_ref[...], 1.0)
    pre = aggr + jnp.dot(x, root_ref[...], preferred_element_type=jnp.float32,
                         precision=_HIGH) + bias_ref[...]
    out_ref[...] = x + 0.5 * pre * (1.0 + lax.erf(pre * 0.7071067811865476))


def _tc_final(x, summed, cnt, root, bias, n):
    nb = 1000
    return pl.pallas_call(
        _final_kernel,
        grid=(n // nb,),
        in_specs=[
            pl.BlockSpec((nb, D), lambda i: (i, 0)),
            pl.BlockSpec((nb, D), lambda i: (i, 0)),
            pl.BlockSpec((nb, 1), lambda i: (i, 0)),
            pl.BlockSpec((D, D), lambda i: (0, 0)),
            pl.BlockSpec((1, D), lambda i: (0, 0)),
        ],
        out_specs=pl.BlockSpec((nb, D), lambda i: (i, 0)),
        out_shape=jax.ShapeDtypeStruct((n, D), jnp.float32),
    )(x, summed, cnt, root, bias)


CHUNKS = (12288, 8192)


def kernel(x, edge_index, edge_attr, W1, b1, W2, b2, root, bias):
    n, d = x.shape
    e = edge_attr.shape[0]
    e_pad = sum(CHUNKS)

    src = edge_index[0].astype(jnp.int32)
    dst = edge_index[1].astype(jnp.int32)
    src_p = jnp.pad(src, (0, e_pad - e))
    dst_p = jnp.pad(dst, (0, e_pad - e), constant_values=n)
    ea_p = jnp.pad(edge_attr, ((0, e_pad - e), (0, 0)))

    idxr, idxlo = [], []
    for c in range(NC):
        loc = dst_p - c * HALF
        ok = (loc >= 0) & (loc < HALF)
        idxr.append(jnp.where(ok, loc, HALF))
        idxlo.append(jnp.where(ok, loc // D, HALF // D))
    idxr = jnp.stack(idxr)
    idxlo = jnp.stack(idxlo)
    dmod = (dst_p % D).reshape(e_pad, 1)
    zeros = jnp.zeros((ACC1 // NS, D), jnp.float32)
    z16 = jnp.zeros((CNT2 // NS, D), jnp.float32)

    Mt = W2.reshape(HID * D, D).astype(jnp.bfloat16).T
    B2 = b2.reshape(D, D)
    b1r = b1.reshape(1, HID)
    biasr = bias.reshape(1, D)

    parts, cnts = [], []
    off = 0
    for ce in CHUNKS:
        sl = slice(off, off + ce)
        src_r = src_p[sl].reshape(NW, ce // NW // ROWCH, ROWCH)
        ir = idxr[:, sl].reshape(NC, NS, ce // NS // ROWCH, ROWCH)
        il = idxlo[:, sl].reshape(NC, NS, ce // NS // ROWCH, ROWCH)
        xj = _sc_gather(x, src_r, ce)
        msg, hot = _tc_edge(ea_p[sl], xj, dmod[sl], W1, b1r, Mt, B2, ce)
        part, cnthot = _sc_scatter(msg, hot, ir, il, zeros, z16)
        parts.append(part)
        cnts.append(cnthot)
        off += ce

    part = parts[0]
    cnthot = cnts[0]
    for p, cn in zip(parts[1:], cnts[1:]):
        part = part + p
        cnthot = cnthot + cn
    summed = jnp.concatenate([part[0, :HALF], part[1, :HALF]])[:n]
    cnt = jnp.concatenate(
        [cnthot[0, :HALF // D], cnthot[1, :HALF // D]]).reshape(-1)[:n]
    return _tc_final(x, summed, cnt.reshape(n, 1), root, biasr, n)

# --- scband reference (transcript-rebuilt; emitter-appended) ---
"""Pipeline reference for scband-nnconv-5738076308179 (READ-ONLY COPY).

The authoritative reference and input builder live on the scoring server;
editing this copy changes nothing except your own understanding.
"""

import jax, jax.numpy as jnp
import numpy as np

N_NODES = 10000
N_EDGES = 20000
D = 128
HID = 128


def setup_inputs(seed: int = 0) -> dict:
    key = jax.random.key(seed)
    ks = jax.random.split(key, 10)
    x = jax.random.normal(ks[0], (N_NODES, D), dtype=jnp.float32)
    edge_index = jax.random.randint(ks[1], (2, N_EDGES), 0, N_NODES, dtype=jnp.int64)
    edge_attr = jax.random.normal(ks[2], (N_EDGES, D), dtype=jnp.float32)
    # edge_net = MLPNet(128, 128*128): Linear(128, HID) -> ReLU -> Linear(HID, 128*128)
    W1 = jax.random.normal(ks[3], (D, HID), dtype=jnp.float32) * (1.0 / np.sqrt(D))
    b1 = jnp.zeros((HID,), dtype=jnp.float32)
    W2 = jax.random.normal(ks[4], (HID, D * D), dtype=jnp.float32) * (1.0 / np.sqrt(HID))
    b2 = jnp.zeros((D * D,), dtype=jnp.float32)
    # NNConv root weight and bias
    root = jax.random.normal(ks[5], (D, D), dtype=jnp.float32) * (1.0 / np.sqrt(D))
    bias = jnp.zeros((D,), dtype=jnp.float32)
    return {"x": x, "edge_index": edge_index, "edge_attr": edge_attr,
            "W1": W1, "b1": b1, "W2": W2, "b2": b2, "root": root, "bias": bias}


def reference(x, edge_index, edge_attr, W1, b1, W2, b2, root, bias):
    src = edge_index[0]
    dst = edge_index[1]
    # edge_net: per-edge [D, D] weight matrix
    h = jax.nn.relu(edge_attr @ W1 + b1)
    w = (h @ W2 + b2).reshape(-1, D, D)
    # message: x_j @ W_e  (x_j = source node features)
    x_j = jnp.take(x, src, axis=0)
    msg = jnp.einsum('ei,eio->eo', x_j, w)
    # aggr='mean' over destination nodes
    summed = jax.ops.segment_sum(msg, dst, num_segments=N_NODES)
    cnt = jax.ops.segment_sum(jnp.ones((msg.shape[0],), dtype=x.dtype), dst, num_segments=N_NODES)
    aggr = summed / jnp.clip(cnt, 1.0, None)[:, None]
    # root weight + bias
    out = aggr + x @ root + bias
    # residual + GELU (torch nn.GELU default = exact erf)
    return x + jax.nn.gelu(out, approximate=False)

if __name__ == "__main__":
    import jax
    _d = setup_inputs()
    print(jax.jit(kernel)(*tuple(_d.values())))

</pallas_src>

<mosaic_0001>
#map = affine_map<(d0, d1) -> (0, 0)>
#map1 = affine_map<(d0, d1) -> (0, 0, 0)>
module attributes {stable_mosaic.version = 14 : i64} {
  func.func @_gather_body(%arg0: i32, %arg1: i32, %arg2: memref<10000x128xf32, #tpu.memory_space<hbm>>, %arg3: memref<32x2x128xi32, #tpu.memory_space<hbm>>, %arg4: memref<8192x128xf32, #tpu.memory_space<hbm>>, %arg5: memref<2x128xi32, #tpu.memory_space<vmem>>, %arg6: memref<256x128xf32, #tpu.memory_space<vmem>>, %arg7: memref<!tpu.dma_semaphore, #tpu.memory_space<semaphore_mem>>) attributes {dimension_semantics = [#tpu.dimension_semantics<core_parallel>, #tpu.dimension_semantics<subcore_parallel>], iteration_bounds = array<i64: 2, 16>, scalar_prefetch = 0 : i64, scratch_operands = 3 : i64, tpu.core_type = #tpu.core_type<sc_vector_subcore>, window_params = [{transform_indices = #map}, {transform_indices = #map1}, {transform_indices = #map}]} {
    %mul3A = arith.constant 16 : i32
    %mul3A_0 = arith.muli %arg0, %mul3A : i32
    %add3A = arith.addi %mul3A_0, %arg1 : i32
    "tpu.region"() ({
      %run_scoped3A = tpu.sem_alloc : memref<!tpu.dma_semaphore, #tpu.memory_space<semaphore_mem>>
      %dma_start3A_41 = arith.constant 0 : i32
      %dma_start3A_42 = arith.constant 0 : i32
      %dma_start3A_43 = tpu.memref_slice %arg3[%add3A, %dma_start3A_41, %dma_start3A_42] : memref<32x2x128xi32, #tpu.memory_space<hbm>> -> memref<1x2x128xi32, #tpu.memory_space<hbm>>
      %dma_start3A_44 = tpu.memref_squeeze %dma_start3A_43 : memref<1x2x128xi32, #tpu.memory_space<hbm>> -> memref<2x128xi32, #tpu.memory_space<hbm>>
      %dma_start3A_45 = arith.constant 0 : i32
      %dma_start3A_46 = arith.constant 0 : i32
      %dma_start3A_47 = tpu.memref_slice %arg3[%add3A, %dma_start3A_45, %dma_start3A_46] : memref<32x2x128xi32, #tpu.memory_space<hbm>> -> memref<1x2x128xi32, #tpu.memory_space<hbm>>
      %dma_start3A_48 = tpu.memref_squeeze %dma_start3A_47 : memref<1x2x128xi32, #tpu.memory_space<hbm>> -> memref<2x128xi32, #tpu.memory_space<hbm>>
      tpu.enqueue_dma source(%dma_start3A_48 : memref<2x128xi32, #tpu.memory_space<hbm>>) target(%arg5 : memref<2x128xi32, #tpu.memory_space<vmem>>) target_semaphore(%run_scoped3A : memref<!tpu.dma_semaphore, #tpu.memory_space<semaphore_mem>>)
      %dma_wait3A_49 = arith.constant 0 : i32
      %dma_wait3A_50 = arith.constant 0 : i32
      %dma_wait3A_51 = tpu.memref_slice %arg3[%add3A, %dma_wait3A_49, %dma_wait3A_50] : memref<32x2x128xi32, #tpu.memory_space<hbm>> -> memref<1x2x128xi32, #tpu.memory_space<hbm>>
      %dma_wait3A_52 = tpu.memref_squeeze %dma_wait3A_51 : memref<1x2x128xi32, #tpu.memory_space<hbm>> -> memref<2x128xi32, #tpu.memory_space<hbm>>
      %dma_wait3A_53 = arith.constant 0 : i32
      %dma_wait3A_54 = arith.constant 0 : i32
      %dma_wait3A_55 = tpu.memref_slice %arg3[%add3A, %dma_wait3A_53, %dma_wait3A_54] : memref<32x2x128xi32, #tpu.memory_space<hbm>> -> memref<1x2x128xi32, #tpu.memory_space<hbm>>
      %dma_wait3A_56 = tpu.memref_squeeze %dma_wait3A_55 : memref<1x2x128xi32, #tpu.memory_space<hbm>> -> memref<2x128xi32, #tpu.memory_space<hbm>>
      tpu.wait_dma2 semaphore(%run_scoped3A : memref<!tpu.dma_semaphore, #tpu.memory_space<semaphore_mem>>) src(%dma_wait3A_56 : memref<2x128xi32, #tpu.memory_space<hbm>>) dst(%arg5 : memref<2x128xi32, #tpu.memory_space<vmem>>)
      tpu.yield
    }) : () -> ()
    %dma_start3A = arith.constant 0 : i32
    %dma_start3A_1 = arith.constant 0 : i32
    %dma_start3A_2 = arith.constant 0 : i32
    %dma_start3A_3 = tpu.memref_slice %arg6[%dma_start3A_1, %dma_start3A_2] : memref<256x128xf32, #tpu.memory_space<vmem>> -> memref<128x128xf32, #tpu.memory_space<vmem>>
    %dma_start3A_4 = arith.constant 0 : i32
    %dma_start3A_5 = tpu.memref_slice %arg5[%dma_start3A, %dma_start3A_4] : memref<2x128xi32, #tpu.memory_space<vmem>> -> memref<1x128xi32, #tpu.memory_space<vmem>>
    %dma_start3A_6 = tpu.memref_squeeze %dma_start3A_5 : memref<1x128xi32, #tpu.memory_space<vmem>> -> memref<128xi32, #tpu.memory_space<vmem>>
    %dma_start3A_7 = arith.constant 0 : i32
    %dma_start3A_8 = arith.constant 0 : i32
    %dma_start3A_9 = tpu.memref_slice %arg2[%dma_start3A_7, %dma_start3A_8] : memref<10000x128xf32, #tpu.memory_space<hbm>> -> memref<10000x128xf32, #tpu.memory_space<hbm>>
    tpu.enqueue_indirect_dma source(%dma_start3A_9 : memref<10000x128xf32, #tpu.memory_space<hbm>>) target(%dma_start3A_3 : memref<128x128xf32, #tpu.memory_space<vmem>>) offsets(%dma_start3A_6 : memref<128xi32, #tpu.memory_space<vmem>>) semaphore(%arg7 : memref<!tpu.dma_semaphore, #tpu.memory_space<semaphore_mem>>)
    %dma_start3A_10 = arith.constant 1 : i32
    %dma_start3A_11 = arith.constant 128 : i32
    %dma_start3A_12 = arith.constant 0 : i32
    %dma_start3A_13 = tpu.memref_slice %arg6[%dma_start3A_11, %dma_start3A_12] : memref<256x128xf32, #tpu.memory_space<vmem>> -> memref<128x128xf32, #tpu.memory_space<vmem>>
    %dma_start3A_14 = arith.constant 0 : i32
    %dma_start3A_15 = tpu.memref_slice %arg5[%dma_start3A_10, %dma_start3A_14] : memref<2x128xi32, #tpu.memory_space<vmem>> -> memref<1x128xi32, #tpu.memory_space<vmem>>
    %dma_start3A_16 = tpu.memref_squeeze %dma_start3A_15 : memref<1x128xi32, #tpu.memory_space<vmem>> -> memref<128xi32, #tpu.memory_space<vmem>>
    %dma_start3A_17 = arith.constant 0 : i32
    %dma_start3A_18 = arith.constant 0 : i32
    %dma_start3A_19 = tpu.memref_slice %arg2[%dma_start3A_17, %dma_start3A_18] : memref<10000x128xf32, #tpu.memory_space<hbm>> -> memref<10000x128xf32, #tpu.memory_space<hbm>>
    tpu.enqueue_indirect_dma source(%dma_start3A_19 : memref<10000x128xf32, #tpu.memory_space<hbm>>) target(%dma_start3A_13 : memref<128x128xf32, #tpu.memory_space<vmem>>) offsets(%dma_start3A_16 : memref<128xi32, #tpu.memory_space<vmem>>) semaphore(%arg7 : memref<!tpu.dma_semaphore, #tpu.memory_space<semaphore_mem>>)
    %dma_wait3A = arith.constant 0 : i32
    %dma_wait3A_20 = arith.constant 0 : i32
    %dma_wait3A_21 = arith.constant 0 : i32
    %dma_wait3A_22 = tpu.memref_slice %arg6[%dma_wait3A_20, %dma_wait3A_21] : memref<256x128xf32, #tpu.memory_space<vmem>> -> memref<128x128xf32, #tpu.memory_space<vmem>>
    %dma_wait3A_23 = arith.constant 0 : i32
    %dma_wait3A_24 = tpu.memref_slice %arg5[%dma_wait3A, %dma_wait3A_23] : memref<2x128xi32, #tpu.memory_space<vmem>> -> memref<1x128xi32, #tpu.memory_space<vmem>>
    %dma_wait3A_25 = tpu.memref_squeeze %dma_wait3A_24 : memref<1x128xi32, #tpu.memory_space<vmem>> -> memref<128xi32, #tpu.memory_space<vmem>>
    %dma_wait3A_26 = arith.constant 0 : i32
    %dma_wait3A_27 = arith.constant 0 : i32
    %dma_wait3A_28 = tpu.memref_slice %arg2[%dma_wait3A_26, %dma_wait3A_27] : memref<10000x128xf32, #tpu.memory_space<hbm>> -> memref<10000x128xf32, #tpu.memory_space<hbm>>
    tpu.wait_indirect_dma semaphore(%arg7 : memref<!tpu.dma_semaphore, #tpu.memory_space<semaphore_mem>>) src(%dma_wait3A_28 : memref<10000x128xf32, #tpu.memory_space<hbm>>) dst(%dma_wait3A_22 : memref<128x128xf32, #tpu.memory_space<vmem>>)
    %dma_wait3A_29 = arith.constant 1 : i32
    %dma_wait3A_30 = arith.constant 128 : i32
    %dma_wait3A_31 = arith.constant 0 : i32
    %dma_wait3A_32 = tpu.memref_slice %arg6[%dma_wait3A_30, %dma_wait3A_31] : memref<256x128xf32, #tpu.memory_space<vmem>> -> memref<128x128xf32, #tpu.memory_space<vmem>>
    %dma_wait3A_33 = arith.constant 0 : i32
    %dma_wait3A_34 = tpu.memref_slice %arg5[%dma_wait3A_29, %dma_wait3A_33] : memref<2x128xi32, #tpu.memory_space<vmem>> -> memref<1x128xi32, #tpu.memory_space<vmem>>
    %dma_wait3A_35 = tpu.memref_squeeze %dma_wait3A_34 : memref<1x128xi32, #tpu.memory_space<vmem>> -> memref<128xi32, #tpu.memory_space<vmem>>
    %dma_wait3A_36 = arith.constant 0 : i32
    %dma_wait3A_37 = arith.constant 0 : i32
    %dma_wait3A_38 = tpu.memref_slice %arg2[%dma_wait3A_36, %dma_wait3A_37] : memref<10000x128xf32, #tpu.memory_space<hbm>> -> memref<10000x128xf32, #tpu.memory_space<hbm>>
    tpu.wait_indirect_dma semaphore(%arg7 : memref<!tpu.dma_semaphore, #tpu.memory_space<semaphore_mem>>) src(%dma_wait3A_38 : memref<10000x128xf32, #tpu.memory_space<hbm>>) dst(%dma_wait3A_32 : memref<128x128xf32, #tpu.memory_space<vmem>>)
    %mul3A_39 = arith.constant 256 : i32
    %mul3A_40 = arith.muli %add3A, %mul3A_39 : i32
    "tpu.region"() ({
      %run_scoped3A = tpu.sem_alloc : memref<!tpu.dma_semaphore, #tpu.memory_space<semaphore_mem>>
      %dma_start3A_41 = arith.constant 0 : i32
      %dma_start3A_42 = tpu.memref_slice %arg4[%mul3A_40, %dma_start3A_41] : memref<8192x128xf32, #tpu.memory_space<hbm>> -> memref<256x128xf32, #tpu.memory_space<hbm>>
      %dma_start3A_43 = arith.constant 0 : i32
      %dma_start3A_44 = tpu.memref_slice %arg4[%mul3A_40, %dma_start3A_43] : memref<8192x128xf32, #tpu.memory_space<hbm>> -> memref<256x128xf32, #tpu.memory_space<hbm>>
      tpu.enqueue_dma source(%arg6 : memref<256x128xf32, #tpu.memory_space<vmem>>) target(%dma_start3A_44 : memref<256x128xf32, #tpu.memory_space<hbm>>) target_semaphore(%run_scoped3A : memref<!tpu.dma_semaphore, #tpu.memory_space<semaphore_mem>>)
      %dma_wait3A_45 = arith.constant 0 : i32
      %dma_wait3A_46 = tpu.memref_slice %arg4[%mul3A_40, %dma_wait3A_45] : memref<8192x128xf32, #tpu.memory_space<hbm>> -> memref<256x128xf32, #tpu.memory_space<hbm>>
      %dma_wait3A_47 = arith.constant 0 : i32
      %dma_wait3A_48 = tpu.memref_slice %arg4[%mul3A_40, %dma_wait3A_47] : memref<8192x128xf32, #tpu.memory_space<hbm>> -> memref<256x128xf32, #tpu.memory_space<hbm>>
      tpu.wait_dma2 semaphore(%run_scoped3A : memref<!tpu.dma_semaphore, #tpu.memory_space<semaphore_mem>>) src(%arg6 : memref<256x128xf32, #tpu.memory_space<vmem>>) dst(%dma_wait3A_48 : memref<256x128xf32, #tpu.memory_space<hbm>>)
      tpu.yield
    }) : () -> ()
    return
  }
}

#map = affine_map<(d0, d1) -> (0, 0)>
#map1 = affine_map<(d0, d1) -> (0, 0, 0)>
module attributes {stable_mosaic.version = 14 : i64} {
  func.func @_gather_body(%arg0: i32, %arg1: i32, %arg2: memref<10000x128xf32, #tpu.memory_space<hbm>>, %arg3: memref<32x3x128xi32, #tpu.memory_space<hbm>>, %arg4: memref<12288x128xf32, #tpu.memory_space<hbm>>, %arg5: memref<3x128xi32, #tpu.memory_space<vmem>>, %arg6: memref<384x128xf32, #tpu.memory_space<vmem>>, %arg7: memref<!tpu.dma_semaphore, #tpu.memory_space<semaphore_mem>>) attributes {dimension_semantics = [#tpu.dimension_semantics<core_parallel>, #tpu.dimension_semantics<subcore_parallel>], iteration_bounds = array<i64: 2, 16>, scalar_prefetch = 0 : i64, scratch_operands = 3 : i64, tpu.core_type = #tpu.core_type<sc_vector_subcore>, window_params = [{transform_indices = #map}, {transform_indices = #map1}, {transform_indices = #map}]} {
    %mul3A = arith.constant 16 : i32
    %mul3A_0 = arith.muli %arg0, %mul3A : i32
    %add3A = arith.addi %mul3A_0, %arg1 : i32
    "tpu.region"() ({
      %run_scoped3A = tpu.sem_alloc : memref<!tpu.dma_semaphore, #tpu.memory_space<semaphore_mem>>
      %dma_start3A_61 = arith.constant 0 : i32
      %dma_start3A_62 = arith.constant 0 : i32
      %dma_start3A_63 = tpu.memref_slice %arg3[%add3A, %dma_start3A_61, %dma_start3A_62] : memref<32x3x128xi32, #tpu.memory_space<hbm>> -> memref<1x3x128xi32, #tpu.memory_space<hbm>>
      %dma_start3A_64 = tpu.memref_squeeze %dma_start3A_63 : memref<1x3x128xi32, #tpu.memory_space<hbm>> -> memref<3x128xi32, #tpu.memory_space<hbm>>
      %dma_start3A_65 = arith.constant 0 : i32
      %dma_start3A_66 = arith.constant 0 : i32
      %dma_start3A_67 = tpu.memref_slice %arg3[%add3A, %dma_start3A_65, %dma_start3A_66] : memref<32x3x128xi32, #tpu.memory_space<hbm>> -> memref<1x3x128xi32, #tpu.memory_space<hbm>>
      %dma_start3A_68 = tpu.memref_squeeze %dma_start3A_67 : memref<1x3x128xi32, #tpu.memory_space<hbm>> -> memref<3x128xi32, #tpu.memory_space<hbm>>
      tpu.enqueue_dma source(%dma_start3A_68 : memref<3x128xi32, #tpu.memory_space<hbm>>) target(%arg5 : memref<3x128xi32, #tpu.memory_space<vmem>>) target_semaphore(%run_scoped3A : memref<!tpu.dma_semaphore, #tpu.memory_space<semaphore_mem>>)
      %dma_wait3A_69 = arith.constant 0 : i32
      %dma_wait3A_70 = arith.constant 0 : i32
      %dma_wait3A_71 = tpu.memref_slice %arg3[%add3A, %dma_wait3A_69, %dma_wait3A_70] : memref<32x3x128xi32, #tpu.memory_space<hbm>> -> memref<1x3x128xi32, #tpu.memory_space<hbm>>
      %dma_wait3A_72 = tpu.memref_squeeze %dma_wait3A_71 : memref<1x3x128xi32, #tpu.memory_space<hbm>> -> memref<3x128xi32, #tpu.memory_space<hbm>>
      %dma_wait3A_73 = arith.constant 0 : i32
      %dma_wait3A_74 = arith.constant 0 : i32
      %dma_wait3A_75 = tpu.memref_slice %arg3[%add3A, %dma_wait3A_73, %dma_wait3A_74] : memref<32x3x128xi32, #tpu.memory_space<hbm>> -> memref<1x3x128xi32, #tpu.memory_space<hbm>>
      %dma_wait3A_76 = tpu.memref_squeeze %dma_wait3A_75 : memref<1x3x128xi32, #tpu.memory_space<hbm>> -> memref<3x128xi32, #tpu.memory_space<hbm>>
      tpu.wait_dma2 semaphore(%run_scoped3A : memref<!tpu.dma_semaphore, #tpu.memory_space<semaphore_mem>>) src(%dma_wait3A_76 : memref<3x128xi32, #tpu.memory_space<hbm>>) dst(%arg5 : memref<3x128xi32, #tpu.memory_space<vmem>>)
      tpu.yield
    }) : () -> ()
    %dma_start3A = arith.constant 0 : i32
    %dma_start3A_1 = arith.constant 0 : i32
    %dma_start3A_2 = arith.constant 0 : i32
    %dma_start3A_3 = tpu.memref_slice %arg6[%dma_start3A_1, %dma_start3A_2] : memref<384x128xf32, #tpu.memory_space<vmem>> -> memref<128x128xf32, #tpu.memory_space<vmem>>
    %dma_start3A_4 = arith.constant 0 : i32
    %dma_start3A_5 = tpu.memref_slice %arg5[%dma_start3A, %dma_start3A_4] : memref<3x128xi32, #tpu.memory_space<vmem>> -> memref<1x128xi32, #tpu.memory_space<vmem>>
    %dma_start3A_6 = tpu.memref_squeeze %dma_start3A_5 : memref<1x128xi32, #tpu.memory_space<vmem>> -> memref<128xi32, #tpu.memory_space<vmem>>
    %dma_start3A_7 = arith.constant 0 : i32
    %dma_start3A_8 = arith.constant 0 : i32
    %dma_start3A_9 = tpu.memref_slice %arg2[%dma_start3A_7, %dma_start3A_8] : memref<10000x128xf32, #tpu.memory_space<hbm>> -> memref<10000x128xf32, #tpu.memory_space<hbm>>
    tpu.enqueue_indirect_dma source(%dma_start3A_9 : memref<10000x128xf32, #tpu.memory_space<hbm>>) target(%dma_start3A_3 : memref<128x128xf32, #tpu.memory_space<vmem>>) offsets(%dma_start3A_6 : memref<128xi32, #tpu.memory_space<vmem>>) semaphore(%arg7 : memref<!tpu.dma_semaphore, #tpu.memory_space<semaphore_mem>>)
    %dma_start3A_10 = arith.constant 1 : i32
    %dma_start3A_11 = arith.constant 128 : i32
    %dma_start3A_12 = arith.constant 0 : i32
    %dma_start3A_13 = tpu.memref_slice %arg6[%dma_start3A_11, %dma_start3A_12] : memref<384x128xf32, #tpu.memory_space<vmem>> -> memref<128x128xf32, #tpu.memory_space<vmem>>
    %dma_start3A_14 = arith.constant 0 : i32
    %dma_start3A_15 = tpu.memref_slice %arg5[%dma_start3A_10, %dma_start3A_14] : memref<3x128xi32, #tpu.memory_space<vmem>> -> memref<1x128xi32, #tpu.memory_space<vmem>>
    %dma_start3A_16 = tpu.memref_squeeze %dma_start3A_15 : memref<1x128xi32, #tpu.memory_space<vmem>> -> memref<128xi32, #tpu.memory_space<vmem>>
    %dma_start3A_17 = arith.constant 0 : i32
    %dma_start3A_18 = arith.constant 0 : i32
    %dma_start3A_19 = tpu.memref_slice %arg2[%dma_start3A_17, %dma_start3A_18] : memref<10000x128xf32, #tpu.memory_space<hbm>> -> memref<10000x128xf32, #tpu.memory_space<hbm>>
    tpu.enqueue_indirect_dma source(%dma_start3A_19 : memref<10000x128xf32, #tpu.memory_space<hbm>>) target(%dma_start3A_13 : memref<128x128xf32, #tpu.memory_space<vmem>>) offsets(%dma_start3A_16 : memref<128xi32, #tpu.memory_space<vmem>>) semaphore(%arg7 : memref<!tpu.dma_semaphore, #tpu.memory_space<semaphore_mem>>)
    %dma_start3A_20 = arith.constant 2 : i32
    %dma_start3A_21 = arith.constant 256 : i32
    %dma_start3A_22 = arith.constant 0 : i32
    %dma_start3A_23 = tpu.memref_slice %arg6[%dma_start3A_21, %dma_start3A_22] : memref<384x128xf32, #tpu.memory_space<vmem>> -> memref<128x128xf32, #tpu.memory_space<vmem>>
    %dma_start3A_24 = arith.constant 0 : i32
    %dma_start3A_25 = tpu.memref_slice %arg5[%dma_start3A_20, %dma_start3A_24] : memref<3x128xi32, #tpu.memory_space<vmem>> -> memref<1x128xi32, #tpu.memory_space<vmem>>
    %dma_start3A_26 = tpu.memref_squeeze %dma_start3A_25 : memref<1x128xi32, #tpu.memory_space<vmem>> -> memref<128xi32, #tpu.memory_space<vmem>>
    %dma_start3A_27 = arith.constant 0 : i32
    %dma_start3A_28 = arith.constant 0 : i32
    %dma_start3A_29 = tpu.memref_slice %arg2[%dma_start3A_27, %dma_start3A_28] : memref<10000x128xf32, #tpu.memory_space<hbm>> -> memref<10000x128xf32, #tpu.memory_space<hbm>>
    tpu.enqueue_indirect_dma source(%dma_start3A_29 : memref<10000x128xf32, #tpu.memory_space<hbm>>) target(%dma_start3A_23 : memref<128x128xf32, #tpu.memory_space<vmem>>) offsets(%dma_start3A_26 : memref<128xi32, #tpu.memory_space<vmem>>) semaphore(%arg7 : memref<!tpu.dma_semaphore, #tpu.memory_space<semaphore_mem>>)
    %dma_wait3A = arith.constant 0 : i32
    %dma_wait3A_30 = arith.constant 0 : i32
    %dma_wait3A_31 = arith.constant 0 : i32
    %dma_wait3A_32 = tpu.memref_slice %arg6[%dma_wait3A_30, %dma_wait3A_31] : memref<384x128xf32, #tpu.memory_space<vmem>> -> memref<128x128xf32, #tpu.memory_space<vmem>>
    %dma_wait3A_33 = arith.constant 0 : i32
    %dma_wait3A_34 = tpu.memref_slice %arg5[%dma_wait3A, %dma_wait3A_33] : memref<3x128xi32, #tpu.memory_space<vmem>> -> memref<1x128xi32, #tpu.memory_space<vmem>>
    %dma_wait3A_35 = tpu.memref_squeeze %dma_wait3A_34 : memref<1x128xi32, #tpu.memory_space<vmem>> -> memref<128xi32, #tpu.memory_space<vmem>>
    %dma_wait3A_36 = arith.constant 0 : i32
    %dma_wait3A_37 = arith.constant 0 : i32
    %dma_wait3A_38 = tpu.memref_slice %arg2[%dma_wait3A_36, %dma_wait3A_37] : memref<10000x128xf32, #tpu.memory_space<hbm>> -> memref<10000x128xf32, #tpu.memory_space<hbm>>
    tpu.wait_indirect_dma semaphore(%arg7 : memref<!tpu.dma_semaphore, #tpu.memory_space<semaphore_mem>>) src(%dma_wait3A_38 : memref<10000x128xf32, #tpu.memory_space<hbm>>) dst(%dma_wait3A_32 : memref<128x128xf32, #tpu.memory_space<vmem>>)
    %dma_wait3A_39 = arith.constant 1 : i32
    %dma_wait3A_40 = arith.constant 128 : i32
    %dma_wait3A_41 = arith.constant 0 : i32
    %dma_wait3A_42 = tpu.memref_slice %arg6[%dma_wait3A_40, %dma_wait3A_41] : memref<384x128xf32, #tpu.memory_space<vmem>> -> memref<128x128xf32, #tpu.memory_space<vmem>>
    %dma_wait3A_43 = arith.constant 0 : i32
    %dma_wait3A_44 = tpu.memref_slice %arg5[%dma_wait3A_39, %dma_wait3A_43] : memref<3x128xi32, #tpu.memory_space<vmem>> -> memref<1x128xi32, #tpu.memory_space<vmem>>
    %dma_wait3A_45 = tpu.memref_squeeze %dma_wait3A_44 : memref<1x128xi32, #tpu.memory_space<vmem>> -> memref<128xi32, #tpu.memory_space<vmem>>
    %dma_wait3A_46 = arith.constant 0 : i32
    %dma_wait3A_47 = arith.constant 0 : i32
    %dma_wait3A_48 = tpu.memref_slice %arg2[%dma_wait3A_46, %dma_wait3A_47] : memref<10000x128xf32, #tpu.memory_space<hbm>> -> memref<10000x128xf32, #tpu.memory_space<hbm>>
    tpu.wait_indirect_dma semaphore(%arg7 : memref<!tpu.dma_semaphore, #tpu.memory_space<semaphore_mem>>) src(%dma_wait3A_48 : memref<10000x128xf32, #tpu.memory_space<hbm>>) dst(%dma_wait3A_42 : memref<128x128xf32, #tpu.memory_space<vmem>>)
    %dma_wait3A_49 = arith.constant 2 : i32
    %dma_wait3A_50 = arith.constant 256 : i32
    %dma_wait3A_51 = arith.constant 0 : i32
    %dma_wait3A_52 = tpu.memref_slice %arg6[%dma_wait3A_50, %dma_wait3A_51] : memref<384x128xf32, #tpu.memory_space<vmem>> -> memref<128x128xf32, #tpu.memory_space<vmem>>
    %dma_wait3A_53 = arith.constant 0 : i32
    %dma_wait3A_54 = tpu.memref_slice %arg5[%dma_wait3A_49, %dma_wait3A_53] : memref<3x128xi32, #tpu.memory_space<vmem>> -> memref<1x128xi32, #tpu.memory_space<vmem>>
    %dma_wait3A_55 = tpu.memref_squeeze %dma_wait3A_54 : memref<1x128xi32, #tpu.memory_space<vmem>> -> memref<128xi32, #tpu.memory_space<vmem>>
    %dma_wait3A_56 = arith.constant 0 : i32
    %dma_wait3A_57 = arith.constant 0 : i32
    %dma_wait3A_58 = tpu.memref_slice %arg2[%dma_wait3A_56, %dma_wait3A_57] : memref<10000x128xf32, #tpu.memory_space<hbm>> -> memref<10000x128xf32, #tpu.memory_space<hbm>>
    tpu.wait_indirect_dma semaphore(%arg7 : memref<!tpu.dma_semaphore, #tpu.memory_space<semaphore_mem>>) src(%dma_wait3A_58 : memref<10000x128xf32, #tpu.memory_space<hbm>>) dst(%dma_wait3A_52 : memref<128x128xf32, #tpu.memory_space<vmem>>)
    %mul3A_59 = arith.constant 384 : i32
    %mul3A_60 = arith.muli %add3A, %mul3A_59 : i32
    "tpu.region"() ({
      %run_scoped3A = tpu.sem_alloc : memref<!tpu.dma_semaphore, #tpu.memory_space<semaphore_mem>>
      %dma_start3A_61 = arith.constant 0 : i32
      %dma_start3A_62 = tpu.memref_slice %arg4[%mul3A_60, %dma_start3A_61] : memref<12288x128xf32, #tpu.memory_space<hbm>> -> memref<384x128xf32, #tpu.memory_space<hbm>>
      %dma_start3A_63 = arith.constant 0 : i32
      %dma_start3A_64 = tpu.memref_slice %arg4[%mul3A_60, %dma_start3A_63] : memref<12288x128xf32, #tpu.memory_space<hbm>> -> memref<384x128xf32, #tpu.memory_space<hbm>>
      tpu.enqueue_dma source(%arg6 : memref<384x128xf32, #tpu.memory_space<vmem>>) target(%dma_start3A_64 : memref<384x128xf32, #tpu.memory_space<hbm>>) target_semaphore(%run_scoped3A : memref<!tpu.dma_semaphore, #tpu.memory_space<semaphore_mem>>)
      %dma_wait3A_65 = arith.constant 0 : i32
      %dma_wait3A_66 = tpu.memref_slice %arg4[%mul3A_60, %dma_wait3A_65] : memref<12288x128xf32, #tpu.memory_space<hbm>> -> memref<384x128xf32, #tpu.memory_space<hbm>>
      %dma_wait3A_67 = arith.constant 0 : i32
      %dma_wait3A_68 = tpu.memref_slice %arg4[%mul3A_60, %dma_wait3A_67] : memref<12288x128xf32, #tpu.memory_space<hbm>> -> memref<384x128xf32, #tpu.memory_space<hbm>>
      tpu.wait_dma2 semaphore(%run_scoped3A : memref<!tpu.dma_semaphore, #tpu.memory_space<semaphore_mem>>) src(%arg6 : memref<384x128xf32, #tpu.memory_space<vmem>>) dst(%dma_wait3A_68 : memref<384x128xf32, #tpu.memory_space<hbm>>)
      tpu.yield
    }) : () -> ()
    return
  }
}

#map = affine_map<(d0, d1) -> (0, 0)>
#map1 = affine_map<(d0, d1) -> (0, 0, 0, 0)>
#map2 = affine_map<(d0, d1) -> (0, 0, 0)>
module attributes {stable_mosaic.version = 14 : i64} {
  func.func @_scatter_body(%arg0: i32, %arg1: i32, %arg2: memref<8192x128xf32, #tpu.memory_space<hbm>>, %arg3: memref<8192x128xf32, #tpu.memory_space<hbm>>, %arg4: memref<2x16x4x128xi32, #tpu.memory_space<hbm>>, %arg5: memref<2x16x4x128xi32, #tpu.memory_space<hbm>>, %arg6: memref<328x128xf32, #tpu.memory_space<hbm>>, %arg7: memref<8x128xf32, #tpu.memory_space<hbm>>, %arg8: memref<2x5248x128xf32, #tpu.memory_space<hbm>>, %arg9: memref<2x128x128xf32, #tpu.memory_space<hbm>>, %arg10: memref<4x128xi32, #tpu.memory_space<vmem>>, %arg11: memref<4x128xi32, #tpu.memory_space<vmem>>, %arg12: memref<128x128xf32, #tpu.memory_space<vmem>>, %arg13: memref<128x128xf32, #tpu.memory_space<vmem>>, %arg14: memref<128x128xf32, #tpu.memory_space<vmem>>, %arg15: memref<128x128xf32, #tpu.memory_space<vmem>>, %arg16: memref<5248x128xf32, #tpu.memory_space<vmem_shared>>, %arg17: memref<128x128xf32, #tpu.memory_space<vmem_shared>>, %arg18: memref<!tpu.dma_semaphore, #tpu.memory_space<semaphore_mem>>, %arg19: memref<!tpu.dma_semaphore, #tpu.memory_space<semaphore_mem>>) attributes {dimension_semantics = [#tpu.dimension_semantics<core_parallel>, #tpu.dimension_semantics<subcore_parallel>], iteration_bounds = array<i64: 2, 16>, scalar_prefetch = 0 : i64, scratch_operands = 10 : i64, tpu.core_type = #tpu.core_type<sc_vector_subcore>, window_params = [{transform_indices = #map}, {transform_indices = #map}, {transform_indices = #map1}, {transform_indices = #map1}, {transform_indices = #map}, {transform_indices = #map}, {transform_indices = #map2}, {transform_indices = #map2}]} {
    %mul3A = arith.constant 328 : i32
    %mul3A_0 = arith.muli %arg1, %mul3A : i32
    "tpu.region"() ({
      %run_scoped3A_92 = tpu.sem_alloc : memref<!tpu.dma_semaphore, #tpu.memory_space<semaphore_mem>>
      %dma_start3A_93 = arith.constant 0 : i32
      %dma_start3A_94 = tpu.memref_slice %arg16[%mul3A_0, %dma_start3A_93] : memref<5248x128xf32, #tpu.memory_space<vmem_shared>> -> memref<328x128xf32, #tpu.memory_space<vmem_shared>>
      tpu.enqueue_dma source(%arg6 : memref<328x128xf32, #tpu.memory_space<hbm>>) target(%dma_start3A_94 : memref<328x128xf32, #tpu.memory_space<vmem_shared>>) target_semaphore(%run_scoped3A_92 : memref<!tpu.dma_semaphore, #tpu.memory_space<semaphore_mem>>)
      %dma_wait3A_95 = arith.constant 0 : i32
      %dma_wait3A_96 = tpu.memref_slice %arg16[%mul3A_0, %dma_wait3A_95] : memref<5248x128xf32, #tpu.memory_space<vmem_shared>> -> memref<328x128xf32, #tpu.memory_space<vmem_shared>>
      tpu.wait_dma2 semaphore(%run_scoped3A_92 : memref<!tpu.dma_semaphore, #tpu.memory_space<semaphore_mem>>) src(%arg6 : memref<328x128xf32, #tpu.memory_space<hbm>>) dst(%dma_wait3A_96 : memref<328x128xf32, #tpu.memory_space<vmem_shared>>)
      tpu.yield
    }) : () -> ()
    %mul3A_1 = arith.constant 8 : i32
    %mul3A_2 = arith.muli %arg1, %mul3A_1 : i32
    "tpu.region"() ({
      %run_scoped3A_92 = tpu.sem_alloc : memref<!tpu.dma_semaphore, #tpu.memory_space<semaphore_mem>>
      %dma_start3A_93 = arith.constant 0 : i32
      %dma_start3A_94 = tpu.memref_slice %arg17[%mul3A_2, %dma_start3A_93] : memref<128x128xf32, #tpu.memory_space<vmem_shared>> -> memref<8x128xf32, #tpu.memory_space<vmem_shared>>
      tpu.enqueue_dma source(%arg7 : memref<8x128xf32, #tpu.memory_space<hbm>>) target(%dma_start3A_94 : memref<8x128xf32, #tpu.memory_space<vmem_shared>>) target_semaphore(%run_scoped3A_92 : memref<!tpu.dma_semaphore, #tpu.memory_space<semaphore_mem>>)
      %dma_wait3A_95 = arith.constant 0 : i32
      %dma_wait3A_96 = tpu.memref_slice %arg17[%mul3A_2, %dma_wait3A_95] : memref<128x128xf32, #tpu.memory_space<vmem_shared>> -> memref<8x128xf32, #tpu.memory_space<vmem_shared>>
      tpu.wait_dma2 semaphore(%run_scoped3A_92 : memref<!tpu.dma_semaphore, #tpu.memory_space<semaphore_mem>>) src(%arg7 : memref<8x128xf32, #tpu.memory_space<hbm>>) dst(%dma_wait3A_96 : memref<8x128xf32, #tpu.memory_space<vmem_shared>>)
      tpu.yield
    }) : () -> ()
    "tpu.region"() ({
      %run_scoped3A_92 = tpu.sem_alloc : memref<!tpu.dma_semaphore, #tpu.memory_space<semaphore_mem>>
      %dma_start3A_93 = arith.constant 0 : i32
      %dma_start3A_94 = arith.constant 0 : i32
      %dma_start3A_95 = tpu.memref_slice %arg4[%arg0, %arg1, %dma_start3A_93, %dma_start3A_94] : memref<2x16x4x128xi32, #tpu.memory_space<hbm>> -> memref<1x1x4x128xi32, #tpu.memory_space<hbm>>
      %dma_start3A_96 = tpu.memref_squeeze %dma_start3A_95 : memref<1x1x4x128xi32, #tpu.memory_space<hbm>> -> memref<4x128xi32, #tpu.memory_space<hbm>>
      %dma_start3A_97 = arith.constant 0 : i32
      %dma_start3A_98 = arith.constant 0 : i32
      %dma_start3A_99 = tpu.memref_slice %arg4[%arg0, %arg1, %dma_start3A_97, %dma_start3A_98] : memref<2x16x4x128xi32, #tpu.memory_space<hbm>> -> memref<1x1x4x128xi32, #tpu.memory_space<hbm>>
      %dma_start3A_100 = tpu.memref_squeeze %dma_start3A_99 : memref<1x1x4x128xi32, #tpu.memory_space<hbm>> -> memref<4x128xi32, #tpu.memory_space<hbm>>
      tpu.enqueue_dma source(%dma_start3A_100 : memref<4x128xi32, #tpu.memory_space<hbm>>) target(%arg10 : memref<4x128xi32, #tpu.memory_space<vmem>>) target_semaphore(%run_scoped3A_92 : memref<!tpu.dma_semaphore, #tpu.memory_space<semaphore_mem>>)
      %dma_wait3A_101 = arith.constant 0 : i32
      %dma_wait3A_102 = arith.constant 0 : i32
      %dma_wait3A_103 = tpu.memref_slice %arg4[%arg0, %arg1, %dma_wait3A_101, %dma_wait3A_102] : memref<2x16x4x128xi32, #tpu.memory_space<hbm>> -> memref<1x1x4x128xi32, #tpu.memory_space<hbm>>
      %dma_wait3A_104 = tpu.memref_squeeze %dma_wait3A_103 : memref<1x1x4x128xi32, #tpu.memory_space<hbm>> -> memref<4x128xi32, #tpu.memory_space<hbm>>
      %dma_wait3A_105 = arith.constant 0 : i32
      %dma_wait3A_106 = arith.constant 0 : i32
      %dma_wait3A_107 = tpu.memref_slice %arg4[%arg0, %arg1, %dma_wait3A_105, %dma_wait3A_106] : memref<2x16x4x128xi32, #tpu.memory_space<hbm>> -> memref<1x1x4x128xi32, #tpu.memory_space<hbm>>
      %dma_wait3A_108 = tpu.memref_squeeze %dma_wait3A_107 : memref<1x1x4x128xi32, #tpu.memory_space<hbm>> -> memref<4x128xi32, #tpu.memory_space<hbm>>
      tpu.wait_dma2 semaphore(%run_scoped3A_92 : memref<!tpu.dma_semaphore, #tpu.memory_space<semaphore_mem>>) src(%dma_wait3A_108 : memref<4x128xi32, #tpu.memory_space<hbm>>) dst(%arg10 : memref<4x128xi32, #tpu.memory_space<vmem>>)
      tpu.yield
    }) : () -> ()
    "tpu.region"() ({
      %run_scoped3A_92 = tpu.sem_alloc : memref<!tpu.dma_semaphore, #tpu.memory_space<semaphore_mem>>
      %dma_start3A_93 = arith.constant 0 : i32
      %dma_start3A_94 = arith.constant 0 : i32
      %dma_start3A_95 = tpu.memref_slice %arg5[%arg0, %arg1, %dma_start3A_93, %dma_start3A_94] : memref<2x16x4x128xi32, #tpu.memory_space<hbm>> -> memref<1x1x4x128xi32, #tpu.memory_space<hbm>>
      %dma_start3A_96 = tpu.memref_squeeze %dma_start3A_95 : memref<1x1x4x128xi32, #tpu.memory_space<hbm>> -> memref<4x128xi32, #tpu.memory_space<hbm>>
      %dma_start3A_97 = arith.constant 0 : i32
      %dma_start3A_98 = arith.constant 0 : i32
      %dma_start3A_99 = tpu.memref_slice %arg5[%arg0, %arg1, %dma_start3A_97, %dma_start3A_98] : memref<2x16x4x128xi32, #tpu.memory_space<hbm>> -> memref<1x1x4x128xi32, #tpu.memory_space<hbm>>
      %dma_start3A_100 = tpu.memref_squeeze %dma_start3A_99 : memref<1x1x4x128xi32, #tpu.memory_space<hbm>> -> memref<4x128xi32, #tpu.memory_space<hbm>>
      tpu.enqueue_dma source(%dma_start3A_100 : memref<4x128xi32, #tpu.memory_space<hbm>>) target(%arg11 : memref<4x128xi32, #tpu.memory_space<vmem>>) target_semaphore(%run_scoped3A_92 : memref<!tpu.dma_semaphore, #tpu.memory_space<semaphore_mem>>)
      %dma_wait3A_101 = arith.constant 0 : i32
      %dma_wait3A_102 = arith.constant 0 : i32
      %dma_wait3A_103 = tpu.memref_slice %arg5[%arg0, %arg1, %dma_wait3A_101, %dma_wait3A_102] : memref<2x16x4x128xi32, #tpu.memory_space<hbm>> -> memref<1x1x4x128xi32, #tpu.memory_space<hbm>>
      %dma_wait3A_104 = tpu.memref_squeeze %dma_wait3A_103 : memref<1x1x4x128xi32, #tpu.memory_space<hbm>> -> memref<4x128xi32, #tpu.memory_space<hbm>>
      %dma_wait3A_105 = arith.constant 0 : i32
      %dma_wait3A_106 = arith.constant 0 : i32
      %dma_wait3A_107 = tpu.memref_slice %arg5[%arg0, %arg1, %dma_wait3A_105, %dma_wait3A_106] : memref<2x16x4x128xi32, #tpu.memory_space<hbm>> -> memref<1x1x4x128xi32, #tpu.memory_space<hbm>>
      %dma_wait3A_108 = tpu.memref_squeeze %dma_wait3A_107 : memref<1x1x4x128xi32, #tpu.memory_space<hbm>> -> memref<4x128xi32, #tpu.memory_space<hbm>>
      tpu.wait_dma2 semaphore(%run_scoped3A_92 : memref<!tpu.dma_semaphore, #tpu.memory_space<semaphore_mem>>) src(%dma_wait3A_108 : memref<4x128xi32, #tpu.memory_space<hbm>>) dst(%arg11 : memref<4x128xi32, #tpu.memory_space<vmem>>)
      tpu.yield
    }) : () -> ()
    %barrier3A = arith.constant 0 : index
    tpu.barrier barrier_id(%barrier3A)
    %mul3A_3 = arith.constant 4 : i32
    %mul3A_4 = arith.muli %arg1, %mul3A_3 : i32
    %mul3A_5 = arith.constant 128 : i32
    %mul3A_6 = arith.muli %mul3A_4, %mul3A_5 : i32
    %add3A = arith.constant 0 : i32
    %add3A_7 = arith.addi %mul3A_6, %add3A : i32
    %dma_start3A = arith.constant 0 : i32
    %dma_start3A_8 = tpu.memref_slice %arg2[%add3A_7, %dma_start3A] : memref<8192x128xf32, #tpu.memory_space<hbm>> -> memref<128x128xf32, #tpu.memory_space<hbm>>
    %dma_start3A_9 = arith.constant 0 : i32
    %dma_start3A_10 = tpu.memref_slice %arg2[%add3A_7, %dma_start3A_9] : memref<8192x128xf32, #tpu.memory_space<hbm>> -> memref<128x128xf32, #tpu.memory_space<hbm>>
    tpu.enqueue_dma source(%dma_start3A_10 : memref<128x128xf32, #tpu.memory_space<hbm>>) target(%arg12 : memref<128x128xf32, #tpu.memory_space<vmem>>) target_semaphore(%arg18 : memref<!tpu.dma_semaphore, #tpu.memory_space<semaphore_mem>>)
    %dma_start3A_11 = arith.constant 0 : i32
    %dma_start3A_12 = tpu.memref_slice %arg3[%add3A_7, %dma_start3A_11] : memref<8192x128xf32, #tpu.memory_space<hbm>> -> memref<128x128xf32, #tpu.memory_space<hbm>>
    %dma_start3A_13 = arith.constant 0 : i32
    %dma_start3A_14 = tpu.memref_slice %arg3[%add3A_7, %dma_start3A_13] : memref<8192x128xf32, #tpu.memory_space<hbm>> -> memref<128x128xf32, #tpu.memory_space<hbm>>
    tpu.enqueue_dma source(%dma_start3A_14 : memref<128x128xf32, #tpu.memory_space<hbm>>) target(%arg14 : memref<128x128xf32, #tpu.memory_space<vmem>>) target_semaphore(%arg18 : memref<!tpu.dma_semaphore, #tpu.memory_space<semaphore_mem>>)
    %dma_wait3A = arith.constant 0 : i32
    %dma_wait3A_15 = tpu.memref_slice %arg2[%add3A_7, %dma_wait3A] : memref<8192x128xf32, #tpu.memory_space<hbm>> -> memref<128x128xf32, #tpu.memory_space<hbm>>
    %dma_wait3A_16 = arith.constant 0 : i32
    %dma_wait3A_17 = tpu.memref_slice %arg2[%add3A_7, %dma_wait3A_16] : memref<8192x128xf32, #tpu.memory_space<hbm>> -> memref<128x128xf32, #tpu.memory_space<hbm>>
    tpu.wait_dma2 semaphore(%arg18 : memref<!tpu.dma_semaphore, #tpu.memory_space<semaphore_mem>>) src(%dma_wait3A_17 : memref<128x128xf32, #tpu.memory_space<hbm>>) dst(%arg12 : memref<128x128xf32, #tpu.memory_space<vmem>>)
    %dma_wait3A_18 = arith.constant 0 : i32
    %dma_wait3A_19 = tpu.memref_slice %arg3[%add3A_7, %dma_wait3A_18] : memref<8192x128xf32, #tpu.memory_space<hbm>> -> memref<128x128xf32, #tpu.memory_space<hbm>>
    %dma_wait3A_20 = arith.constant 0 : i32
    %dma_wait3A_21 = tpu.memref_slice %arg3[%add3A_7, %dma_wait3A_20] : memref<8192x128xf32, #tpu.memory_space<hbm>> -> memref<128x128xf32, #tpu.memory_space<hbm>>
    tpu.wait_dma2 semaphore(%arg18 : memref<!tpu.dma_semaphore, #tpu.memory_space<semaphore_mem>>) src(%dma_wait3A_21 : memref<128x128xf32, #tpu.memory_space<hbm>>) dst(%arg14 : memref<128x128xf32, #tpu.memory_space<vmem>>)
    %add3A_22 = arith.constant 128 : i32
    %add3A_23 = arith.addi %mul3A_6, %add3A_22 : i32
    %dma_start3A_24 = arith.constant 0 : i32
    %dma_start3A_25 = tpu.memref_slice %arg2[%add3A_23, %dma_start3A_24] : memref<8192x128xf32, #tpu.memory_space<hbm>> -> memref<128x128xf32, #tpu.memory_space<hbm>>
    %dma_start3A_26 = arith.constant 0 : i32
    %dma_start3A_27 = tpu.memref_slice %arg2[%add3A_23, %dma_start3A_26] : memref<8192x128xf32, #tpu.memory_space<hbm>> -> memref<128x128xf32, #tpu.memory_space<hbm>>
    tpu.enqueue_dma source(%dma_start3A_27 : memref<128x128xf32, #tpu.memory_space<hbm>>) target(%arg13 : memref<128x128xf32, #tpu.memory_space<vmem>>) target_semaphore(%arg19 : memref<!tpu.dma_semaphore, #tpu.memory_space<semaphore_mem>>)
    %dma_start3A_28 = arith.constant 0 : i32
    %dma_start3A_29 = tpu.memref_slice %arg3[%add3A_23, %dma_start3A_28] : memref<8192x128xf32, #tpu.memory_space<hbm>> -> memref<128x128xf32, #tpu.memory_space<hbm>>
    %dma_start3A_30 = arith.constant 0 : i32
    %dma_start3A_31 = tpu.memref_slice %arg3[%add3A_23, %dma_start3A_30] : memref<8192x128xf32, #tpu.memory_space<hbm>> -> memref<128x128xf32, #tpu.memory_space<hbm>>
    tpu.enqueue_dma source(%dma_start3A_31 : memref<128x128xf32, #tpu.memory_space<hbm>>) target(%arg15 : memref<128x128xf32, #tpu.memory_space<vmem>>) target_semaphore(%arg19 : memref<!tpu.dma_semaphore, #tpu.memory_space<semaphore_mem>>)
    %run_scoped3A = arith.constant 0 : i32
    "tpu.region"() ({
      %run_scoped3A_92 = tpu.sem_alloc : memref<!tpu.dma_semaphore, #tpu.memory_space<semaphore_mem>>
      %dma_start3A_93 = arith.constant 0 : i32
      %dma_start3A_94 = tpu.memref_slice %arg10[%run_scoped3A, %dma_start3A_93] : memref<4x128xi32, #tpu.memory_space<vmem>> -> memref<1x128xi32, #tpu.memory_space<vmem>>
      %dma_start3A_95 = tpu.memref_squeeze %dma_start3A_94 : memref<1x128xi32, #tpu.memory_space<vmem>> -> memref<128xi32, #tpu.memory_space<vmem>>
      %dma_start3A_96 = arith.constant 0 : i32
      %dma_start3A_97 = arith.constant 0 : i32
      %dma_start3A_98 = tpu.memref_slice %arg16[%dma_start3A_96, %dma_start3A_97] : memref<5248x128xf32, #tpu.memory_space<vmem_shared>> -> memref<5248x128xf32, #tpu.memory_space<vmem_shared>>
      tpu.enqueue_indirect_dma source(%arg12 : memref<128x128xf32, #tpu.memory_space<vmem>>) target(%dma_start3A_98 : memref<5248x128xf32, #tpu.memory_space<vmem_shared>>) offsets(%dma_start3A_95 : memref<128xi32, #tpu.memory_space<vmem>>) semaphore(%run_scoped3A_92 : memref<!tpu.dma_semaphore, #tpu.memory_space<semaphore_mem>>) {add = true}
      %dma_wait3A_99 = arith.constant 0 : i32
      %dma_wait3A_100 = tpu.memref_slice %arg10[%run_scoped3A, %dma_wait3A_99] : memref<4x128xi32, #tpu.memory_space<vmem>> -> memref<1x128xi32, #tpu.memory_space<vmem>>
      %dma_wait3A_101 = tpu.memref_squeeze %dma_wait3A_100 : memref<1x128xi32, #tpu.memory_space<vmem>> -> memref<128xi32, #tpu.memory_space<vmem>>
      %dma_wait3A_102 = arith.constant 0 : i32
      %dma_wait3A_103 = arith.constant 0 : i32
      %dma_wait3A_104 = tpu.memref_slice %arg16[%dma_wait3A_102, %dma_wait3A_103] : memref<5248x128xf32, #tpu.memory_space<vmem_shared>> -> memref<5248x128xf32, #tpu.memory_space<vmem_shared>>
      tpu.wait_indirect_dma semaphore(%run_scoped3A_92 : memref<!tpu.dma_semaphore, #tpu.memory_space<semaphore_mem>>) src(%arg12 : memref<128x128xf32, #tpu.memory_space<vmem>>) dst(%dma_wait3A_104 : memref<5248x128xf32, #tpu.memory_space<vmem_shared>>)
      tpu.yield
    }) : () -> ()
    %run_scoped3A_32 = arith.constant 0 : i32
    "tpu.region"() ({
      %run_scoped3A_92 = tpu.sem_alloc : memref<!tpu.dma_semaphore, #tpu.memory_space<semaphore_mem>>
      %dma_start3A_93 = arith.constant 0 : i32
      %dma_start3A_94 = tpu.memref_slice %arg11[%run_scoped3A_32, %dma_start3A_93] : memref<4x128xi32, #tpu.memory_space<vmem>> -> memref<1x128xi32, #tpu.memory_space<vmem>>
      %dma_start3A_95 = tpu.memref_squeeze %dma_start3A_94 : memref<1x128xi32, #tpu.memory_space<vmem>> -> memref<128xi32, #tpu.memory_space<vmem>>
      %dma_start3A_96 = arith.constant 0 : i32
      %dma_start3A_97 = arith.constant 0 : i32
      %dma_start3A_98 = tpu.memref_slice %arg17[%dma_start3A_96, %dma_start3A_97] : memref<128x128xf32, #tpu.memory_space<vmem_shared>> -> memref<128x128xf32, #tpu.memory_space<vmem_shared>>
      tpu.enqueue_indirect_dma source(%arg14 : memref<128x128xf32, #tpu.memory_space<vmem>>) target(%dma_start3A_98 : memref<128x128xf32, #tpu.memory_space<vmem_shared>>) offsets(%dma_start3A_95 : memref<128xi32, #tpu.memory_space<vmem>>) semaphore(%run_scoped3A_92 : memref<!tpu.dma_semaphore, #tpu.memory_space<semaphore_mem>>) {add = true}
      %dma_wait3A_99 = arith.constant 0 : i32
      %dma_wait3A_100 = tpu.memref_slice %arg11[%run_scoped3A_32, %dma_wait3A_99] : memref<4x128xi32, #tpu.memory_space<vmem>> -> memref<1x128xi32, #tpu.memory_space<vmem>>
      %dma_wait3A_101 = tpu.memref_squeeze %dma_wait3A_100 : memref<1x128xi32, #tpu.memory_space<vmem>> -> memref<128xi32, #tpu.memory_space<vmem>>
      %dma_wait3A_102 = arith.constant 0 : i32
      %dma_wait3A_103 = arith.constant 0 : i32
      %dma_wait3A_104 = tpu.memref_slice %arg17[%dma_wait3A_102, %dma_wait3A_103] : memref<128x128xf32, #tpu.memory_space<vmem_shared>> -> memref<128x128xf32, #tpu.memory_space<vmem_shared>>
      tpu.wait_indirect_dma semaphore(%run_scoped3A_92 : memref<!tpu.dma_semaphore, #tpu.memory_space<semaphore_mem>>) src(%arg14 : memref<128x128xf32, #tpu.memory_space<vmem>>) dst(%dma_wait3A_104 : memref<128x128xf32, #tpu.memory_space<vmem_shared>>)
      tpu.yield
    }) : () -> ()
    %dma_wait3A_33 = arith.constant 0 : i32
    %dma_wait3A_34 = tpu.memref_slice %arg2[%add3A_23, %dma_wait3A_33] : memref<8192x128xf32, #tpu.memory_space<hbm>> -> memref<128x128xf32, #tpu.memory_space<hbm>>
    %dma_wait3A_35 = arith.constant 0 : i32
    %dma_wait3A_36 = tpu.memref_slice %arg2[%add3A_23, %dma_wait3A_35] : memref<8192x128xf32, #tpu.memory_space<hbm>> -> memref<128x128xf32, #tpu.memory_space<hbm>>
    tpu.wait_dma2 semaphore(%arg19 : memref<!tpu.dma_semaphore, #tpu.memory_space<semaphore_mem>>) src(%dma_wait3A_36 : memref<128x128xf32, #tpu.memory_space<hbm>>) dst(%arg13 : memref<128x128xf32, #tpu.memory_space<vmem>>)
    %dma_wait3A_37 = arith.constant 0 : i32
    %dma_wait3A_38 = tpu.memref_slice %arg3[%add3A_23, %dma_wait3A_37] : memref<8192x128xf32, #tpu.memory_space<hbm>> -> memref<128x128xf32, #tpu.memory_space<hbm>>
    %dma_wait3A_39 = arith.constant 0 : i32
    %dma_wait3A_40 = tpu.memref_slice %arg3[%add3A_23, %dma_wait3A_39] : memref<8192x128xf32, #tpu.memory_space<hbm>> -> memref<128x128xf32, #tpu.memory_space<hbm>>
    tpu.wait_dma2 semaphore(%arg19 : memref<!tpu.dma_semaphore, #tpu.memory_space<semaphore_mem>>) src(%dma_wait3A_40 : memref<128x128xf32, #tpu.memory_space<hbm>>) dst(%arg15 : memref<128x128xf32, #tpu.memory_space<vmem>>)
    %add3A_41 = arith.constant 256 : i32
    %add3A_42 = arith.addi %mul3A_6, %add3A_41 : i32
    %dma_start3A_43 = arith.constant 0 : i32
    %dma_start3A_44 = tpu.memref_slice %arg2[%add3A_42, %dma_start3A_43] : memref<8192x128xf32, #tpu.memory_space<hbm>> -> memref<128x128xf32, #tpu.memory_space<hbm>>
    %dma_start3A_45 = arith.constant 0 : i32
    %dma_start3A_46 = tpu.memref_slice %arg2[%add3A_42, %dma_start3A_45] : memref<8192x128xf32, #tpu.memory_space<hbm>> -> memref<128x128xf32, #tpu.memory_space<hbm>>
    tpu.enqueue_dma source(%dma_start3A_46 : memref<128x128xf32, #tpu.memory_space<hbm>>) target(%arg12 : memref<128x128xf32, #tpu.memory_space<vmem>>) target_semaphore(%arg18 : memref<!tpu.dma_semaphore, #tpu.memory_space<semaphore_mem>>)
    %dma_start3A_47 = arith.constant 0 : i32
    %dma_start3A_48 = tpu.memref_slice %arg3[%add3A_42, %dma_start3A_47] : memref<8192x128xf32, #tpu.memory_space<hbm>> -> memref<128x128xf32, #tpu.memory_space<hbm>>
    %dma_start3A_49 = arith.constant 0 : i32
    %dma_start3A_50 = tpu.memref_slice %arg3[%add3A_42, %dma_start3A_49] : memref<8192x128xf32, #tpu.memory_space<hbm>> -> memref<128x128xf32, #tpu.memory_space<hbm>>
    tpu.enqueue_dma source(%dma_start3A_50 : memref<128x128xf32, #tpu.memory_space<hbm>>) target(%arg14 : memref<128x128xf32, #tpu.memory_space<vmem>>) target_semaphore(%arg18 : memref<!tpu.dma_semaphore, #tpu.memory_space<semaphore_mem>>)
    %run_scoped3A_51 = arith.constant 1 : i32
    "tpu.region"() ({
      %run_scoped3A_92 = tpu.sem_alloc : memref<!tpu.dma_semaphore, #tpu.memory_space<semaphore_mem>>
      %dma_start3A_93 = arith.constant 0 : i32
      %dma_start3A_94 = tpu.memref_slice %arg10[%run_scoped3A_51, %dma_start3A_93] : memref<4x128xi32, #tpu.memory_space<vmem>> -> memref<1x128xi32, #tpu.memory_space<vmem>>
      %dma_start3A_95 = tpu.memref_squeeze %dma_start3A_94 : memref<1x128xi32, #tpu.memory_space<vmem>> -> memref<128xi32, #tpu.memory_space<vmem>>
      %dma_start3A_96 = arith.constant 0 : i32
      %dma_start3A_97 = arith.constant 0 : i32
      %dma_start3A_98 = tpu.memref_slice %arg16[%dma_start3A_96, %dma_start3A_97] : memref<5248x128xf32, #tpu.memory_space<vmem_shared>> -> memref<5248x128xf32, #tpu.memory_space<vmem_shared>>
      tpu.enqueue_indirect_dma source(%arg13 : memref<128x128xf32, #tpu.memory_space<vmem>>) target(%dma_start3A_98 : memref<5248x128xf32, #tpu.memory_space<vmem_shared>>) offsets(%dma_start3A_95 : memref<128xi32, #tpu.memory_space<vmem>>) semaphore(%run_scoped3A_92 : memref<!tpu.dma_semaphore, #tpu.memory_space<semaphore_mem>>) {add = true}
      %dma_wait3A_99 = arith.constant 0 : i32
      %dma_wait3A_100 = tpu.memref_slice %arg10[%run_scoped3A_51, %dma_wait3A_99] : memref<4x128xi32, #tpu.memory_space<vmem>> -> memref<1x128xi32, #tpu.memory_space<vmem>>
      %dma_wait3A_101 = tpu.memref_squeeze %dma_wait3A_100 : memref<1x128xi32, #tpu.memory_space<vmem>> -> memref<128xi32, #tpu.memory_space<vmem>>
      %dma_wait3A_102 = arith.constant 0 : i32
      %dma_wait3A_103 = arith.constant 0 : i32
      %dma_wait3A_104 = tpu.memref_slice %arg16[%dma_wait3A_102, %dma_wait3A_103] : memref<5248x128xf32, #tpu.memory_space<vmem_shared>> -> memref<5248x128xf32, #tpu.memory_space<vmem_shared>>
      tpu.wait_indirect_dma semaphore(%run_scoped3A_92 : memref<!tpu.dma_semaphore, #tpu.memory_space<semaphore_mem>>) src(%arg13 : memref<128x128xf32, #tpu.memory_space<vmem>>) dst(%dma_wait3A_104 : memref<5248x128xf32, #tpu.memory_space<vmem_shared>>)
      tpu.yield
    }) : () -> ()
    %run_scoped3A_52 = arith.constant 1 : i32
    "tpu.region"() ({
      %run_scoped3A_92 = tpu.sem_alloc : memref<!tpu.dma_semaphore, #tpu.memory_space<semaphore_mem>>
      %dma_start3A_93 = arith.constant 0 : i32
      %dma_start3A_94 = tpu.memref_slice %arg11[%run_scoped3A_52, %dma_start3A_93] : memref<4x128xi32, #tpu.memory_space<vmem>> -> memref<1x128xi32, #tpu.memory_space<vmem>>
      %dma_start3A_95 = tpu.memref_squeeze %dma_start3A_94 : memref<1x128xi32, #tpu.memory_space<vmem>> -> memref<128xi32, #tpu.memory_space<vmem>>
      %dma_start3A_96 = arith.constant 0 : i32
      %dma_start3A_97 = arith.constant 0 : i32
      %dma_start3A_98 = tpu.memref_slice %arg17[%dma_start3A_96, %dma_start3A_97] : memref<128x128xf32, #tpu.memory_space<vmem_shared>> -> memref<128x128xf32, #tpu.memory_space<vmem_shared>>
      tpu.enqueue_indirect_dma source(%arg15 : memref<128x128xf32, #tpu.memory_space<vmem>>) target(%dma_start3A_98 : memref<128x128xf32, #tpu.memory_space<vmem_shared>>) offsets(%dma_start3A_95 : memref<128xi32, #tpu.memory_space<vmem>>) semaphore(%run_scoped3A_92 : memref<!tpu.dma_semaphore, #tpu.memory_space<semaphore_mem>>) {add = true}
      %dma_wait3A_99 = arith.constant 0 : i32
      %dma_wait3A_100 = tpu.memref_slice %arg11[%run_scoped3A_52, %dma_wait3A_99] : memref<4x128xi32, #tpu.memory_space<vmem>> -> memref<1x128xi32, #tpu.memory_space<vmem>>
      %dma_wait3A_101 = tpu.memref_squeeze %dma_wait3A_100 : memref<1x128xi32, #tpu.memory_space<vmem>> -> memref<128xi32, #tpu.memory_space<vmem>>
      %dma_wait3A_102 = arith.constant 0 : i32
      %dma_wait3A_103 = arith.constant 0 : i32
      %dma_wait3A_104 = tpu.memref_slice %arg17[%dma_wait3A_102, %dma_wait3A_103] : memref<128x128xf32, #tpu.memory_space<vmem_shared>> -> memref<128x128xf32, #tpu.memory_space<vmem_shared>>
      tpu.wait_indirect_dma semaphore(%run_scoped3A_92 : memref<!tpu.dma_semaphore, #tpu.memory_space<semaphore_mem>>) src(%arg15 : memref<128x128xf32, #tpu.memory_space<vmem>>) dst(%dma_wait3A_104 : memref<128x128xf32, #tpu.memory_space<vmem_shared>>)
      tpu.yield
    }) : () -> ()
    %dma_wait3A_53 = arith.constant 0 : i32
    %dma_wait3A_54 = tpu.memref_slice %arg2[%add3A_42, %dma_wait3A_53] : memref<8192x128xf32, #tpu.memory_space<hbm>> -> memref<128x128xf32, #tpu.memory_space<hbm>>
    %dma_wait3A_55 = arith.constant 0 : i32
    %dma_wait3A_56 = tpu.memref_slice %arg2[%add3A_42, %dma_wait3A_55] : memref<8192x128xf32, #tpu.memory_space<hbm>> -> memref<128x128xf32, #tpu.memory_space<hbm>>
    tpu.wait_dma2 semaphore(%arg18 : memref<!tpu.dma_semaphore, #tpu.memory_space<semaphore_mem>>) src(%dma_wait3A_56 : memref<128x128xf32, #tpu.memory_space<hbm>>) dst(%arg12 : memref<128x128xf32, #tpu.memory_space<vmem>>)
    %dma_wait3A_57 = arith.constant 0 : i32
    %dma_wait3A_58 = tpu.memref_slice %arg3[%add3A_42, %dma_wait3A_57] : memref<8192x128xf32, #tpu.memory_space<hbm>> -> memref<128x128xf32, #tpu.memory_space<hbm>>
    %dma_wait3A_59 = arith.constant 0 : i32
    %dma_wait3A_60 = tpu.memref_slice %arg3[%add3A_42, %dma_wait3A_59] : memref<8192x128xf32, #tpu.memory_space<hbm>> -> memref<128x128xf32, #tpu.memory_space<hbm>>
    tpu.wait_dma2 semaphore(%arg18 : memref<!tpu.dma_semaphore, #tpu.memory_space<semaphore_mem>>) src(%dma_wait3A_60 : memref<128x128xf32, #tpu.memory_space<hbm>>) dst(%arg14 : memref<128x128xf32, #tpu.memory_space<vmem>>)
    %add3A_61 = arith.constant 384 : i32
    %add3A_62 = arith.addi %mul3A_6, %add3A_61 : i32
    %dma_start3A_63 = arith.constant 0 : i32
    %dma_start3A_64 = tpu.memref_slice %arg2[%add3A_62, %dma_start3A_63] : memref<8192x128xf32, #tpu.memory_space<hbm>> -> memref<128x128xf32, #tpu.memory_space<hbm>>
    %dma_start3A_65 = arith.constant 0 : i32
    %dma_start3A_66 = tpu.memref_slice %arg2[%add3A_62, %dma_start3A_65] : memref<8192x128xf32, #tpu.memory_space<hbm>> -> memref<128x128xf32, #tpu.memory_space<hbm>>
    tpu.enqueue_dma source(%dma_start3A_66 : memref<128x128xf32, #tpu.memory_space<hbm>>) target(%arg13 : memref<128x128xf32, #tpu.memory_space<vmem>>) target_semaphore(%arg19 : memref<!tpu.dma_semaphore, #tpu.memory_space<semaphore_mem>>)
    %dma_start3A_67 = arith.constant 0 : i32
    %dma_start3A_68 = tpu.memref_slice %arg3[%add3A_62, %dma_start3A_67] : memref<8192x128xf32, #tpu.memory_space<hbm>> -> memref<128x128xf32, #tpu.memory_space<hbm>>
    %dma_start3A_69 = arith.constant 0 : i32
    %dma_start3A_70 = tpu.memref_slice %arg3[%add3A_62, %dma_start3A_69] : memref<8192x128xf32, #tpu.memory_space<hbm>> -> memref<128x128xf32, #tpu.memory_space<hbm>>
    tpu.enqueue_dma source(%dma_start3A_70 : memref<128x128xf32, #tpu.memory_space<hbm>>) target(%arg15 : memref<128x128xf32, #tpu.memory_space<vmem>>) target_semaphore(%arg19 : memref<!tpu.dma_semaphore, #tpu.memory_space<semaphore_mem>>)
    %run_scoped3A_71 = arith.constant 2 : i32
    "tpu.region"() ({
      %run_scoped3A_92 = tpu.sem_alloc : memref<!tpu.dma_semaphore, #tpu.memory_space<semaphore_mem>>
      %dma_start3A_93 = arith.constant 0 : i32
      %dma_start3A_94 = tpu.memref_slice %arg10[%run_scoped3A_71, %dma_start3A_93] : memref<4x128xi32, #tpu.memory_space<vmem>> -> memref<1x128xi32, #tpu.memory_space<vmem>>
      %dma_start3A_95 = tpu.memref_squeeze %dma_start3A_94 : memref<1x128xi32, #tpu.memory_space<vmem>> -> memref<128xi32, #tpu.memory_space<vmem>>
      %dma_start3A_96 = arith.constant 0 : i32
      %dma_start3A_97 = arith.constant 0 : i32
      %dma_start3A_98 = tpu.memref_slice %arg16[%dma_start3A_96, %dma_start3A_97] : memref<5248x128xf32, #tpu.memory_space<vmem_shared>> -> memref<5248x128xf32, #tpu.memory_space<vmem_shared>>
      tpu.enqueue_indirect_dma source(%arg12 : memref<128x128xf32, #tpu.memory_space<vmem>>) target(%dma_start3A_98 : memref<5248x128xf32, #tpu.memory_space<vmem_shared>>) offsets(%dma_start3A_95 : memref<128xi32, #tpu.memory_space<vmem>>) semaphore(%run_scoped3A_92 : memref<!tpu.dma_semaphore, #tpu.memory_space<semaphore_mem>>) {add = true}
      %dma_wait3A_99 = arith.constant 0 : i32
      %dma_wait3A_100 = tpu.memref_slice %arg10[%run_scoped3A_71, %dma_wait3A_99] : memref<4x128xi32, #tpu.memory_space<vmem>> -> memref<1x128xi32, #tpu.memory_space<vmem>>
      %dma_wait3A_101 = tpu.memref_squeeze %dma_wait3A_100 : memref<1x128xi32, #tpu.memory_space<vmem>> -> memref<128xi32, #tpu.memory_space<vmem>>
      %dma_wait3A_102 = arith.constant 0 : i32
      %dma_wait3A_103 = arith.constant 0 : i32
      %dma_wait3A_104 = tpu.memref_slice %arg16[%dma_wait3A_102, %dma_wait3A_103] : memref<5248x128xf32, #tpu.memory_space<vmem_shared>> -> memref<5248x128xf32, #tpu.memory_space<vmem_shared>>
      tpu.wait_indirect_dma semaphore(%run_scoped3A_92 : memref<!tpu.dma_semaphore, #tpu.memory_space<semaphore_mem>>) src(%arg12 : memref<128x128xf32, #tpu.memory_space<vmem>>) dst(%dma_wait3A_104 : memref<5248x128xf32, #tpu.memory_space<vmem_shared>>)
      tpu.yield
    }) : () -> ()
    %run_scoped3A_72 = arith.constant 2 : i32
    "tpu.region"() ({
      %run_scoped3A_92 = tpu.sem_alloc : memref<!tpu.dma_semaphore, #tpu.memory_space<semaphore_mem>>
      %dma_start3A_93 = arith.constant 0 : i32
      %dma_start3A_94 = tpu.memref_slice %arg11[%run_scoped3A_72, %dma_start3A_93] : memref<4x128xi32, #tpu.memory_space<vmem>> -> memref<1x128xi32, #tpu.memory_space<vmem>>
      %dma_start3A_95 = tpu.memref_squeeze %dma_start3A_94 : memref<1x128xi32, #tpu.memory_space<vmem>> -> memref<128xi32, #tpu.memory_space<vmem>>
      %dma_start3A_96 = arith.constant 0 : i32
      %dma_start3A_97 = arith.constant 0 : i32
      %dma_start3A_98 = tpu.memref_slice %arg17[%dma_start3A_96, %dma_start3A_97] : memref<128x128xf32, #tpu.memory_space<vmem_shared>> -> memref<128x128xf32, #tpu.memory_space<vmem_shared>>
      tpu.enqueue_indirect_dma source(%arg14 : memref<128x128xf32, #tpu.memory_space<vmem>>) target(%dma_start3A_98 : memref<128x128xf32, #tpu.memory_space<vmem_shared>>) offsets(%dma_start3A_95 : memref<128xi32, #tpu.memory_space<vmem>>) semaphore(%run_scoped3A_92 : memref<!tpu.dma_semaphore, #tpu.memory_space<semaphore_mem>>) {add = true}
      %dma_wait3A_99 = arith.constant 0 : i32
      %dma_wait3A_100 = tpu.memref_slice %arg11[%run_scoped3A_72, %dma_wait3A_99] : memref<4x128xi32, #tpu.memory_space<vmem>> -> memref<1x128xi32, #tpu.memory_space<vmem>>
      %dma_wait3A_101 = tpu.memref_squeeze %dma_wait3A_100 : memref<1x128xi32, #tpu.memory_space<vmem>> -> memref<128xi32, #tpu.memory_space<vmem>>
      %dma_wait3A_102 = arith.constant 0 : i32
      %dma_wait3A_103 = arith.constant 0 : i32
      %dma_wait3A_104 = tpu.memref_slice %arg17[%dma_wait3A_102, %dma_wait3A_103] : memref<128x128xf32, #tpu.memory_space<vmem_shared>> -> memref<128x128xf32, #tpu.memory_space<vmem_shared>>
      tpu.wait_indirect_dma semaphore(%run_scoped3A_92 : memref<!tpu.dma_semaphore, #tpu.memory_space<semaphore_mem>>) src(%arg14 : memref<128x128xf32, #tpu.memory_space<vmem>>) dst(%dma_wait3A_104 : memref<128x128xf32, #tpu.memory_space<vmem_shared>>)
      tpu.yield
    }) : () -> ()
    %dma_wait3A_73 = arith.constant 0 : i32
    %dma_wait3A_74 = tpu.memref_slice %arg2[%add3A_62, %dma_wait3A_73] : memref<8192x128xf32, #tpu.memory_space<hbm>> -> memref<128x128xf32, #tpu.memory_space<hbm>>
    %dma_wait3A_75 = arith.constant 0 : i32
    %dma_wait3A_76 = tpu.memref_slice %arg2[%add3A_62, %dma_wait3A_75] : memref<8192x128xf32, #tpu.memory_space<hbm>> -> memref<128x128xf32, #tpu.memory_space<hbm>>
    tpu.wait_dma2 semaphore(%arg19 : memref<!tpu.dma_semaphore, #tpu.memory_space<semaphore_mem>>) src(%dma_wait3A_76 : memref<128x128xf32, #tpu.memory_space<hbm>>) dst(%arg13 : memref<128x128xf32, #tpu.memory_space<vmem>>)
    %dma_wait3A_77 = arith.constant 0 : i32
    %dma_wait3A_78 = tpu.memref_slice %arg3[%add3A_62, %dma_wait3A_77] : memref<8192x128xf32, #tpu.memory_space<hbm>> -> memref<128x128xf32, #tpu.memory_space<hbm>>
    %dma_wait3A_79 = arith.constant 0 : i32
    %dma_wait3A_80 = tpu.memref_slice %arg3[%add3A_62, %dma_wait3A_79] : memref<8192x128xf32, #tpu.memory_space<hbm>> -> memref<128x128xf32, #tpu.memory_space<hbm>>
    tpu.wait_dma2 semaphore(%arg19 : memref<!tpu.dma_semaphore, #tpu.memory_space<semaphore_mem>>) src(%dma_wait3A_80 : memref<128x128xf32, #tpu.memory_space<hbm>>) dst(%arg15 : memref<128x128xf32, #tpu.memory_space<vmem>>)
    %run_scoped3A_81 = arith.constant 3 : i32
    "tpu.region"() ({
      %run_scoped3A_92 = tpu.sem_alloc : memref<!tpu.dma_semaphore, #tpu.memory_space<semaphore_mem>>
      %dma_start3A_93 = arith.constant 0 : i32
      %dma_start3A_94 = tpu.memref_slice %arg10[%run_scoped3A_81, %dma_start3A_93] : memref<4x128xi32, #tpu.memory_space<vmem>> -> memref<1x128xi32, #tpu.memory_space<vmem>>
      %dma_start3A_95 = tpu.memref_squeeze %dma_start3A_94 : memref<1x128xi32, #tpu.memory_space<vmem>> -> memref<128xi32, #tpu.memory_space<vmem>>
      %dma_start3A_96 = arith.constant 0 : i32
      %dma_start3A_97 = arith.constant 0 : i32
      %dma_start3A_98 = tpu.memref_slice %arg16[%dma_start3A_96, %dma_start3A_97] : memref<5248x128xf32, #tpu.memory_space<vmem_shared>> -> memref<5248x128xf32, #tpu.memory_space<vmem_shared>>
      tpu.enqueue_indirect_dma source(%arg13 : memref<128x128xf32, #tpu.memory_space<vmem>>) target(%dma_start3A_98 : memref<5248x128xf32, #tpu.memory_space<vmem_shared>>) offsets(%dma_start3A_95 : memref<128xi32, #tpu.memory_space<vmem>>) semaphore(%run_scoped3A_92 : memref<!tpu.dma_semaphore, #tpu.memory_space<semaphore_mem>>) {add = true}
      %dma_wait3A_99 = arith.constant 0 : i32
      %dma_wait3A_100 = tpu.memref_slice %arg10[%run_scoped3A_81, %dma_wait3A_99] : memref<4x128xi32, #tpu.memory_space<vmem>> -> memref<1x128xi32, #tpu.memory_space<vmem>>
      %dma_wait3A_101 = tpu.memref_squeeze %dma_wait3A_100 : memref<1x128xi32, #tpu.memory_space<vmem>> -> memref<128xi32, #tpu.memory_space<vmem>>
      %dma_wait3A_102 = arith.constant 0 : i32
      %dma_wait3A_103 = arith.constant 0 : i32
      %dma_wait3A_104 = tpu.memref_slice %arg16[%dma_wait3A_102, %dma_wait3A_103] : memref<5248x128xf32, #tpu.memory_space<vmem_shared>> -> memref<5248x128xf32, #tpu.memory_space<vmem_shared>>
      tpu.wait_indirect_dma semaphore(%run_scoped3A_92 : memref<!tpu.dma_semaphore, #tpu.memory_space<semaphore_mem>>) src(%arg13 : memref<128x128xf32, #tpu.memory_space<vmem>>) dst(%dma_wait3A_104 : memref<5248x128xf32, #tpu.memory_space<vmem_shared>>)
      tpu.yield
    }) : () -> ()
    %run_scoped3A_82 = arith.constant 3 : i32
    "tpu.region"() ({
      %run_scoped3A_92 = tpu.sem_alloc : memref<!tpu.dma_semaphore, #tpu.memory_space<semaphore_mem>>
      %dma_start3A_93 = arith.constant 0 : i32
      %dma_start3A_94 = tpu.memref_slice %arg11[%run_scoped3A_82, %dma_start3A_93] : memref<4x128xi32, #tpu.memory_space<vmem>> -> memref<1x128xi32, #tpu.memory_space<vmem>>
      %dma_start3A_95 = tpu.memref_squeeze %dma_start3A_94 : memref<1x128xi32, #tpu.memory_space<vmem>> -> memref<128xi32, #tpu.memory_space<vmem>>
      %dma_start3A_96 = arith.constant 0 : i32
      %dma_start3A_97 = arith.constant 0 : i32
      %dma_start3A_98 = tpu.memref_slice %arg17[%dma_start3A_96, %dma_start3A_97] : memref<128x128xf32, #tpu.memory_space<vmem_shared>> -> memref<128x128xf32, #tpu.memory_space<vmem_shared>>
      tpu.enqueue_indirect_dma source(%arg15 : memref<128x128xf32, #tpu.memory_space<vmem>>) target(%dma_start3A_98 : memref<128x128xf32, #tpu.memory_space<vmem_shared>>) offsets(%dma_start3A_95 : memref<128xi32, #tpu.memory_space<vmem>>) semaphore(%run_scoped3A_92 : memref<!tpu.dma_semaphore, #tpu.memory_space<semaphore_mem>>) {add = true}
      %dma_wait3A_99 = arith.constant 0 : i32
      %dma_wait3A_100 = tpu.memref_slice %arg11[%run_scoped3A_82, %dma_wait3A_99] : memref<4x128xi32, #tpu.memory_space<vmem>> -> memref<1x128xi32, #tpu.memory_space<vmem>>
      %dma_wait3A_101 = tpu.memref_squeeze %dma_wait3A_100 : memref<1x128xi32, #tpu.memory_space<vmem>> -> memref<128xi32, #tpu.memory_space<vmem>>
      %dma_wait3A_102 = arith.constant 0 : i32
      %dma_wait3A_103 = arith.constant 0 : i32
      %dma_wait3A_104 = tpu.memref_slice %arg17[%dma_wait3A_102, %dma_wait3A_103] : memref<128x128xf32, #tpu.memory_space<vmem_shared>> -> memref<128x128xf32, #tpu.memory_space<vmem_shared>>
      tpu.wait_indirect_dma semaphore(%run_scoped3A_92 : memref<!tpu.dma_semaphore, #tpu.memory_space<semaphore_mem>>) src(%arg15 : memref<128x128xf32, #tpu.memory_space<vmem>>) dst(%dma_wait3A_104 : memref<128x128xf32, #tpu.memory_space<vmem_shared>>)
      tpu.yield
    }) : () -> ()
    %barrier3A_83 = arith.constant 0 : index
    tpu.barrier barrier_id(%barrier3A_83)
    %mul3A_84 = arith.constant 328 : i32
    %mul3A_85 = arith.muli %arg1, %mul3A_84 : i32
    %mul3A_86 = arith.constant 328 : i32
    %mul3A_87 = arith.muli %arg1, %mul3A_86 : i32
    "tpu.region"() ({
      %run_scoped3A_92 = tpu.sem_alloc : memref<!tpu.dma_semaphore, #tpu.memory_space<semaphore_mem>>
      %dma_start3A_93 = arith.constant 0 : i32
      %dma_start3A_94 = tpu.memref_slice %arg8[%arg0, %mul3A_87, %dma_start3A_93] : memref<2x5248x128xf32, #tpu.memory_space<hbm>> -> memref<1x328x128xf32, #tpu.memory_space<hbm>>
      %dma_start3A_95 = tpu.memref_squeeze %dma_start3A_94 : memref<1x328x128xf32, #tpu.memory_space<hbm>> -> memref<328x128xf32, #tpu.memory_space<hbm>>
      %dma_start3A_96 = arith.constant 0 : i32
      %dma_start3A_97 = tpu.memref_slice %arg16[%mul3A_85, %dma_start3A_96] : memref<5248x128xf32, #tpu.memory_space<vmem_shared>> -> memref<328x128xf32, #tpu.memory_space<vmem_shared>>
      tpu.enqueue_dma source(%dma_start3A_97 : memref<328x128xf32, #tpu.memory_space<vmem_shared>>) target(%dma_start3A_95 : memref<328x128xf32, #tpu.memory_space<hbm>>) target_semaphore(%run_scoped3A_92 : memref<!tpu.dma_semaphore, #tpu.memory_space<semaphore_mem>>)
      %dma_wait3A_98 = arith.constant 0 : i32
      %dma_wait3A_99 = tpu.memref_slice %arg8[%arg0, %mul3A_87, %dma_wait3A_98] : memref<2x5248x128xf32, #tpu.memory_space<hbm>> -> memref<1x328x128xf32, #tpu.memory_space<hbm>>
      %dma_wait3A_100 = tpu.memref_squeeze %dma_wait3A_99 : memref<1x328x128xf32, #tpu.memory_space<hbm>> -> memref<328x128xf32, #tpu.memory_space<hbm>>
      %dma_wait3A_101 = arith.constant 0 : i32
      %dma_wait3A_102 = tpu.memref_slice %arg16[%mul3A_85, %dma_wait3A_101] : memref<5248x128xf32, #tpu.memory_space<vmem_shared>> -> memref<328x128xf32, #tpu.memory_space<vmem_shared>>
      tpu.wait_dma2 semaphore(%run_scoped3A_92 : memref<!tpu.dma_semaphore, #tpu.memory_space<semaphore_mem>>) src(%dma_wait3A_102 : memref<328x128xf32, #tpu.memory_space<vmem_shared>>) dst(%dma_wait3A_100 : memref<328x128xf32, #tpu.memory_space<hbm>>)
      tpu.yield
    }) : () -> ()
    %mul3A_88 = arith.constant 8 : i32
    %mul3A_89 = arith.muli %arg1, %mul3A_88 : i32
    %mul3A_90 = arith.constant 8 : i32
    %mul3A_91 = arith.muli %arg1, %mul3A_90 : i32
    "tpu.region"() ({
      %run_scoped3A_92 = tpu.sem_alloc : memref<!tpu.dma_semaphore, #tpu.memory_space<semaphore_mem>>
      %dma_start3A_93 = arith.constant 0 : i32
      %dma_start3A_94 = tpu.memref_slice %arg9[%arg0, %mul3A_91, %dma_start3A_93] : memref<2x128x128xf32, #tpu.memory_space<hbm>> -> memref<1x8x128xf32, #tpu.memory_space<hbm>>
      %dma_start3A_95 = tpu.memref_squeeze %dma_start3A_94 : memref<1x8x128xf32, #tpu.memory_space<hbm>> -> memref<8x128xf32, #tpu.memory_space<hbm>>
      %dma_start3A_96 = arith.constant 0 : i32
      %dma_start3A_97 = tpu.memref_slice %arg17[%mul3A_89, %dma_start3A_96] : memref<128x128xf32, #tpu.memory_space<vmem_shared>> -> memref<8x128xf32, #tpu.memory_space<vmem_shared>>
      tpu.enqueue_dma source(%dma_start3A_97 : memref<8x128xf32, #tpu.memory_space<vmem_shared>>) target(%dma_start3A_95 : memref<8x128xf32, #tpu.memory_space<hbm>>) target_semaphore(%run_scoped3A_92 : memref<!tpu.dma_semaphore, #tpu.memory_space<semaphore_mem>>)
      %dma_wait3A_98 = arith.constant 0 : i32
      %dma_wait3A_99 = tpu.memref_slice %arg9[%arg0, %mul3A_91, %dma_wait3A_98] : memref<2x128x128xf32, #tpu.memory_space<hbm>> -> memref<1x8x128xf32, #tpu.memory_space<hbm>>
      %dma_wait3A_100 = tpu.memref_squeeze %dma_wait3A_99 : memref<1x8x128xf32, #tpu.memory_space<hbm>> -> memref<8x128xf32, #tpu.memory_space<hbm>>
      %dma_wait3A_101 = arith.constant 0 : i32
      %dma_wait3A_102 = tpu.memref_slice %arg17[%mul3A_89, %dma_wait3A_101] : memref<128x128xf32, #tpu.memory_space<vmem_shared>> -> memref<8x128xf32, #tpu.memory_space<vmem_shared>>
      tpu.wait_dma2 semaphore(%run_scoped3A_92 : memref<!tpu.dma_semaphore, #tpu.memory_space<semaphore_mem>>) src(%dma_wait3A_102 : memref<8x128xf32, #tpu.memory_space<vmem_shared>>) dst(%dma_wait3A_100 : memref<8x128xf32, #tpu.memory_space<hbm>>)
      tpu.yield
    }) : () -> ()
    return
  }
}

#map = affine_map<(d0, d1) -> (0, 0)>
#map1 = affine_map<(d0, d1) -> (0, 0, 0, 0)>
#map2 = affine_map<(d0, d1) -> (0, 0, 0)>
module attributes {stable_mosaic.version = 14 : i64} {
  func.func @_scatter_body(%arg0: i32, %arg1: i32, %arg2: memref<12288x128xf32, #tpu.memory_space<hbm>>, %arg3: memref<12288x128xf32, #tpu.memory_space<hbm>>, %arg4: memref<2x16x6x128xi32, #tpu.memory_space<hbm>>, %arg5: memref<2x16x6x128xi32, #tpu.memory_space<hbm>>, %arg6: memref<328x128xf32, #tpu.memory_space<hbm>>, %arg7: memref<8x128xf32, #tpu.memory_space<hbm>>, %arg8: memref<2x5248x128xf32, #tpu.memory_space<hbm>>, %arg9: memref<2x128x128xf32, #tpu.memory_space<hbm>>, %arg10: memref<6x128xi32, #tpu.memory_space<vmem>>, %arg11: memref<6x128xi32, #tpu.memory_space<vmem>>, %arg12: memref<128x128xf32, #tpu.memory_space<vmem>>, %arg13: memref<128x128xf32, #tpu.memory_space<vmem>>, %arg14: memref<128x128xf32, #tpu.memory_space<vmem>>, %arg15: memref<128x128xf32, #tpu.memory_space<vmem>>, %arg16: memref<5248x128xf32, #tpu.memory_space<vmem_shared>>, %arg17: memref<128x128xf32, #tpu.memory_space<vmem_shared>>, %arg18: memref<!tpu.dma_semaphore, #tpu.memory_space<semaphore_mem>>, %arg19: memref<!tpu.dma_semaphore, #tpu.memory_space<semaphore_mem>>) attributes {dimension_semantics = [#tpu.dimension_semantics<core_parallel>, #tpu.dimension_semantics<subcore_parallel>], iteration_bounds = array<i64: 2, 16>, scalar_prefetch = 0 : i64, scratch_operands = 10 : i64, tpu.core_type = #tpu.core_type<sc_vector_subcore>, window_params = [{transform_indices = #map}, {transform_indices = #map}, {transform_indices = #map1}, {transform_indices = #map1}, {transform_indices = #map}, {transform_indices = #map}, {transform_indices = #map2}, {transform_indices = #map2}]} {
    %mul3A = arith.constant 328 : i32
    %mul3A_0 = arith.muli %arg1, %mul3A : i32
    "tpu.region"() ({
      %run_scoped3A_132 = tpu.sem_alloc : memref<!tpu.dma_semaphore, #tpu.memory_space<semaphore_mem>>
      %dma_start3A_133 = arith.constant 0 : i32
      %dma_start3A_134 = tpu.memref_slice %arg16[%mul3A_0, %dma_start3A_133] : memref<5248x128xf32, #tpu.memory_space<vmem_shared>> -> memref<328x128xf32, #tpu.memory_space<vmem_shared>>
      tpu.enqueue_dma source(%arg6 : memref<328x128xf32, #tpu.memory_space<hbm>>) target(%dma_start3A_134 : memref<328x128xf32, #tpu.memory_space<vmem_shared>>) target_semaphore(%run_scoped3A_132 : memref<!tpu.dma_semaphore, #tpu.memory_space<semaphore_mem>>)
      %dma_wait3A_135 = arith.constant 0 : i32
      %dma_wait3A_136 = tpu.memref_slice %arg16[%mul3A_0, %dma_wait3A_135] : memref<5248x128xf32, #tpu.memory_space<vmem_shared>> -> memref<328x128xf32, #tpu.memory_space<vmem_shared>>
      tpu.wait_dma2 semaphore(%run_scoped3A_132 : memref<!tpu.dma_semaphore, #tpu.memory_space<semaphore_mem>>) src(%arg6 : memref<328x128xf32, #tpu.memory_space<hbm>>) dst(%dma_wait3A_136 : memref<328x128xf32, #tpu.memory_space<vmem_shared>>)
      tpu.yield
    }) : () -> ()
    %mul3A_1 = arith.constant 8 : i32
    %mul3A_2 = arith.muli %arg1, %mul3A_1 : i32
    "tpu.region"() ({
      %run_scoped3A_132 = tpu.sem_alloc : memref<!tpu.dma_semaphore, #tpu.memory_space<semaphore_mem>>
      %dma_start3A_133 = arith.constant 0 : i32
      %dma_start3A_134 = tpu.memref_slice %arg17[%mul3A_2, %dma_start3A_133] : memref<128x128xf32, #tpu.memory_space<vmem_shared>> -> memref<8x128xf32, #tpu.memory_space<vmem_shared>>
      tpu.enqueue_dma source(%arg7 : memref<8x128xf32, #tpu.memory_space<hbm>>) target(%dma_start3A_134 : memref<8x128xf32, #tpu.memory_space<vmem_shared>>) target_semaphore(%run_scoped3A_132 : memref<!tpu.dma_semaphore, #tpu.memory_space<semaphore_mem>>)
      %dma_wait3A_135 = arith.constant 0 : i32
      %dma_wait3A_136 = tpu.memref_slice %arg17[%mul3A_2, %dma_wait3A_135] : memref<128x128xf32, #tpu.memory_space<vmem_shared>> -> memref<8x128xf32, #tpu.memory_space<vmem_shared>>
      tpu.wait_dma2 semaphore(%run_scoped3A_132 : memref<!tpu.dma_semaphore, #tpu.memory_space<semaphore_mem>>) src(%arg7 : memref<8x128xf32, #tpu.memory_space<hbm>>) dst(%dma_wait3A_136 : memref<8x128xf32, #tpu.memory_space<vmem_shared>>)
      tpu.yield
    }) : () -> ()
    "tpu.region"() ({
      %run_scoped3A_132 = tpu.sem_alloc : memref<!tpu.dma_semaphore, #tpu.memory_space<semaphore_mem>>
      %dma_start3A_133 = arith.constant 0 : i32
      %dma_start3A_134 = arith.constant 0 : i32
      %dma_start3A_135 = tpu.memref_slice %arg4[%arg0, %arg1, %dma_start3A_133, %dma_start3A_134] : memref<2x16x6x128xi32, #tpu.memory_space<hbm>> -> memref<1x1x6x128xi32, #tpu.memory_space<hbm>>
      %dma_start3A_136 = tpu.memref_squeeze %dma_start3A_135 : memref<1x1x6x128xi32, #tpu.memory_space<hbm>> -> memref<6x128xi32, #tpu.memory_space<hbm>>
      %dma_start3A_137 = arith.constant 0 : i32
      %dma_start3A_138 = arith.constant 0 : i32
      %dma_start3A_139 = tpu.memref_slice %arg4[%arg0, %arg1, %dma_start3A_137, %dma_start3A_138] : memref<2x16x6x128xi32, #tpu.memory_space<hbm>> -> memref<1x1x6x128xi32, #tpu.memory_space<hbm>>
      %dma_start3A_140 = tpu.memref_squeeze %dma_start3A_139 : memref<1x1x6x128xi32, #tpu.memory_space<hbm>> -> memref<6x128xi32, #tpu.memory_space<hbm>>
      tpu.enqueue_dma source(%dma_start3A_140 : memref<6x128xi32, #tpu.memory_space<hbm>>) target(%arg10 : memref<6x128xi32, #tpu.memory_space<vmem>>) target_semaphore(%run_scoped3A_132 : memref<!tpu.dma_semaphore, #tpu.memory_space<semaphore_mem>>)
      %dma_wait3A_141 = arith.constant 0 : i32
      %dma_wait3A_142 = arith.constant 0 : i32
      %dma_wait3A_143 = tpu.memref_slice %arg4[%arg0, %arg1, %dma_wait3A_141, %dma_wait3A_142] : memref<2x16x6x128xi32, #tpu.memory_space<hbm>> -> memref<1x1x6x128xi32, #tpu.memory_space<hbm>>
      %dma_wait3A_144 = tpu.memref_squeeze %dma_wait3A_143 : memref<1x1x6x128xi32, #tpu.memory_space<hbm>> -> memref<6x128xi32, #tpu.memory_space<hbm>>
      %dma_wait3A_145 = arith.constant 0 : i32
      %dma_wait3A_146 = arith.constant 0 : i32
      %dma_wait3A_147 = tpu.memref_slice %arg4[%arg0, %arg1, %dma_wait3A_145, %dma_wait3A_146] : memref<2x16x6x128xi32, #tpu.memory_space<hbm>> -> memref<1x1x6x128xi32, #tpu.memory_space<hbm>>
      %dma_wait3A_148 = tpu.memref_squeeze %dma_wait3A_147 : memref<1x1x6x128xi32, #tpu.memory_space<hbm>> -> memref<6x128xi32, #tpu.memory_space<hbm>>
      tpu.wait_dma2 semaphore(%run_scoped3A_132 : memref<!tpu.dma_semaphore, #tpu.memory_space<semaphore_mem>>) src(%dma_wait3A_148 : memref<6x128xi32, #tpu.memory_space<hbm>>) dst(%arg10 : memref<6x128xi32, #tpu.memory_space<vmem>>)
      tpu.yield
    }) : () -> ()
    "tpu.region"() ({
      %run_scoped3A_132 = tpu.sem_alloc : memref<!tpu.dma_semaphore, #tpu.memory_space<semaphore_mem>>
      %dma_start3A_133 = arith.constant 0 : i32
      %dma_start3A_134 = arith.constant 0 : i32
      %dma_start3A_135 = tpu.memref_slice %arg5[%arg0, %arg1, %dma_start3A_133, %dma_start3A_134] : memref<2x16x6x128xi32, #tpu.memory_space<hbm>> -> memref<1x1x6x128xi32, #tpu.memory_space<hbm>>
      %dma_start3A_136 = tpu.memref_squeeze %dma_start3A_135 : memref<1x1x6x128xi32, #tpu.memory_space<hbm>> -> memref<6x128xi32, #tpu.memory_space<hbm>>
      %dma_start3A_137 = arith.constant 0 : i32
      %dma_start3A_138 = arith.constant 0 : i32
      %dma_start3A_139 = tpu.memref_slice %arg5[%arg0, %arg1, %dma_start3A_137, %dma_start3A_138] : memref<2x16x6x128xi32, #tpu.memory_space<hbm>> -> memref<1x1x6x128xi32, #tpu.memory_space<hbm>>
      %dma_start3A_140 = tpu.memref_squeeze %dma_start3A_139 : memref<1x1x6x128xi32, #tpu.memory_space<hbm>> -> memref<6x128xi32, #tpu.memory_space<hbm>>
      tpu.enqueue_dma source(%dma_start3A_140 : memref<6x128xi32, #tpu.memory_space<hbm>>) target(%arg11 : memref<6x128xi32, #tpu.memory_space<vmem>>) target_semaphore(%run_scoped3A_132 : memref<!tpu.dma_semaphore, #tpu.memory_space<semaphore_mem>>)
      %dma_wait3A_141 = arith.constant 0 : i32
      %dma_wait3A_142 = arith.constant 0 : i32
      %dma_wait3A_143 = tpu.memref_slice %arg5[%arg0, %arg1, %dma_wait3A_141, %dma_wait3A_142] : memref<2x16x6x128xi32, #tpu.memory_space<hbm>> -> memref<1x1x6x128xi32, #tpu.memory_space<hbm>>
      %dma_wait3A_144 = tpu.memref_squeeze %dma_wait3A_143 : memref<1x1x6x128xi32, #tpu.memory_space<hbm>> -> memref<6x128xi32, #tpu.memory_space<hbm>>
      %dma_wait3A_145 = arith.constant 0 : i32
      %dma_wait3A_146 = arith.constant 0 : i32
      %dma_wait3A_147 = tpu.memref_slice %arg5[%arg0, %arg1, %dma_wait3A_145, %dma_wait3A_146] : memref<2x16x6x128xi32, #tpu.memory_space<hbm>> -> memref<1x1x6x128xi32, #tpu.memory_space<hbm>>
      %dma_wait3A_148 = tpu.memref_squeeze %dma_wait3A_147 : memref<1x1x6x128xi32, #tpu.memory_space<hbm>> -> memref<6x128xi32, #tpu.memory_space<hbm>>
      tpu.wait_dma2 semaphore(%run_scoped3A_132 : memref<!tpu.dma_semaphore, #tpu.memory_space<semaphore_mem>>) src(%dma_wait3A_148 : memref<6x128xi32, #tpu.memory_space<hbm>>) dst(%arg11 : memref<6x128xi32, #tpu.memory_space<vmem>>)
      tpu.yield
    }) : () -> ()
    %barrier3A = arith.constant 0 : index
    tpu.barrier barrier_id(%barrier3A)
    %mul3A_3 = arith.constant 6 : i32
    %mul3A_4 = arith.muli %arg1, %mul3A_3 : i32
    %mul3A_5 = arith.constant 128 : i32
    %mul3A_6 = arith.muli %mul3A_4, %mul3A_5 : i32
    %add3A = arith.constant 0 : i32
    %add3A_7 = arith.addi %mul3A_6, %add3A : i32
    %dma_start3A = arith.constant 0 : i32
    %dma_start3A_8 = tpu.memref_slice %arg2[%add3A_7, %dma_start3A] : memref<12288x128xf32, #tpu.memory_space<hbm>> -> memref<128x128xf32, #tpu.memory_space<hbm>>
    %dma_start3A_9 = arith.constant 0 : i32
    %dma_start3A_10 = tpu.memref_slice %arg2[%add3A_7, %dma_start3A_9] : memref<12288x128xf32, #tpu.memory_space<hbm>> -> memref<128x128xf32, #tpu.memory_space<hbm>>
    tpu.enqueue_dma source(%dma_start3A_10 : memref<128x128xf32, #tpu.memory_space<hbm>>) target(%arg12 : memref<128x128xf32, #tpu.memory_space<vmem>>) target_semaphore(%arg18 : memref<!tpu.dma_semaphore, #tpu.memory_space<semaphore_mem>>)
    %dma_start3A_11 = arith.constant 0 : i32
    %dma_start3A_12 = tpu.memref_slice %arg3[%add3A_7, %dma_start3A_11] : memref<12288x128xf32, #tpu.memory_space<hbm>> -> memref<128x128xf32, #tpu.memory_space<hbm>>
    %dma_start3A_13 = arith.constant 0 : i32
    %dma_start3A_14 = tpu.memref_slice %arg3[%add3A_7, %dma_start3A_13] : memref<12288x128xf32, #tpu.memory_space<hbm>> -> memref<128x128xf32, #tpu.memory_space<hbm>>
    tpu.enqueue_dma source(%dma_start3A_14 : memref<128x128xf32, #tpu.memory_space<hbm>>) target(%arg14 : memref<128x128xf32, #tpu.memory_space<vmem>>) target_semaphore(%arg18 : memref<!tpu.dma_semaphore, #tpu.memory_space<semaphore_mem>>)
    %dma_wait3A = arith.constant 0 : i32
    %dma_wait3A_15 = tpu.memref_slice %arg2[%add3A_7, %dma_wait3A] : memref<12288x128xf32, #tpu.memory_space<hbm>> -> memref<128x128xf32, #tpu.memory_space<hbm>>
    %dma_wait3A_16 = arith.constant 0 : i32
    %dma_wait3A_17 = tpu.memref_slice %arg2[%add3A_7, %dma_wait3A_16] : memref<12288x128xf32, #tpu.memory_space<hbm>> -> memref<128x128xf32, #tpu.memory_space<hbm>>
    tpu.wait_dma2 semaphore(%arg18 : memref<!tpu.dma_semaphore, #tpu.memory_space<semaphore_mem>>) src(%dma_wait3A_17 : memref<128x128xf32, #tpu.memory_space<hbm>>) dst(%arg12 : memref<128x128xf32, #tpu.memory_space<vmem>>)
    %dma_wait3A_18 = arith.constant 0 : i32
    %dma_wait3A_19 = tpu.memref_slice %arg3[%add3A_7, %dma_wait3A_18] : memref<12288x128xf32, #tpu.memory_space<hbm>> -> memref<128x128xf32, #tpu.memory_space<hbm>>
    %dma_wait3A_20 = arith.constant 0 : i32
    %dma_wait3A_21 = tpu.memref_slice %arg3[%add3A_7, %dma_wait3A_20] : memref<12288x128xf32, #tpu.memory_space<hbm>> -> memref<128x128xf32, #tpu.memory_space<hbm>>
    tpu.wait_dma2 semaphore(%arg18 : memref<!tpu.dma_semaphore, #tpu.memory_space<semaphore_mem>>) src(%dma_wait3A_21 : memref<128x128xf32, #tpu.memory_space<hbm>>) dst(%arg14 : memref<128x128xf32, #tpu.memory_space<vmem>>)
    %add3A_22 = arith.constant 128 : i32
    %add3A_23 = arith.addi %mul3A_6, %add3A_22 : i32
    %dma_start3A_24 = arith.constant 0 : i32
    %dma_start3A_25 = tpu.memref_slice %arg2[%add3A_23, %dma_start3A_24] : memref<12288x128xf32, #tpu.memory_space<hbm>> -> memref<128x128xf32, #tpu.memory_space<hbm>>
    %dma_start3A_26 = arith.constant 0 : i32
    %dma_start3A_27 = tpu.memref_slice %arg2[%add3A_23, %dma_start3A_26] : memref<12288x128xf32, #tpu.memory_space<hbm>> -> memref<128x128xf32, #tpu.memory_space<hbm>>
    tpu.enqueue_dma source(%dma_start3A_27 : memref<128x128xf32, #tpu.memory_space<hbm>>) target(%arg13 : memref<128x128xf32, #tpu.memory_space<vmem>>) target_semaphore(%arg19 : memref<!tpu.dma_semaphore, #tpu.memory_space<semaphore_mem>>)
    %dma_start3A_28 = arith.constant 0 : i32
    %dma_start3A_29 = tpu.memref_slice %arg3[%add3A_23, %dma_start3A_28] : memref<12288x128xf32, #tpu.memory_space<hbm>> -> memref<128x128xf32, #tpu.memory_space<hbm>>
    %dma_start3A_30 = arith.constant 0 : i32
    %dma_start3A_31 = tpu.memref_slice %arg3[%add3A_23, %dma_start3A_30] : memref<12288x128xf32, #tpu.memory_space<hbm>> -> memref<128x128xf32, #tpu.memory_space<hbm>>
    tpu.enqueue_dma source(%dma_start3A_31 : memref<128x128xf32, #tpu.memory_space<hbm>>) target(%arg15 : memref<128x128xf32, #tpu.memory_space<vmem>>) target_semaphore(%arg19 : memref<!tpu.dma_semaphore, #tpu.memory_space<semaphore_mem>>)
    %run_scoped3A = arith.constant 0 : i32
    "tpu.region"() ({
      %run_scoped3A_132 = tpu.sem_alloc : memref<!tpu.dma_semaphore, #tpu.memory_space<semaphore_mem>>
      %dma_start3A_133 = arith.constant 0 : i32
      %dma_start3A_134 = tpu.memref_slice %arg10[%run_scoped3A, %dma_start3A_133] : memref<6x128xi32, #tpu.memory_space<vmem>> -> memref<1x128xi32, #tpu.memory_space<vmem>>
      %dma_start3A_135 = tpu.memref_squeeze %dma_start3A_134 : memref<1x128xi32, #tpu.memory_space<vmem>> -> memref<128xi32, #tpu.memory_space<vmem>>
      %dma_start3A_136 = arith.constant 0 : i32
      %dma_start3A_137 = arith.constant 0 : i32
      %dma_start3A_138 = tpu.memref_slice %arg16[%dma_start3A_136, %dma_start3A_137] : memref<5248x128xf32, #tpu.memory_space<vmem_shared>> -> memref<5248x128xf32, #tpu.memory_space<vmem_shared>>
      tpu.enqueue_indirect_dma source(%arg12 : memref<128x128xf32, #tpu.memory_space<vmem>>) target(%dma_start3A_138 : memref<5248x128xf32, #tpu.memory_space<vmem_shared>>) offsets(%dma_start3A_135 : memref<128xi32, #tpu.memory_space<vmem>>) semaphore(%run_scoped3A_132 : memref<!tpu.dma_semaphore, #tpu.memory_space<semaphore_mem>>) {add = true}
      %dma_wait3A_139 = arith.constant 0 : i32
      %dma_wait3A_140 = tpu.memref_slice %arg10[%run_scoped3A, %dma_wait3A_139] : memref<6x128xi32, #tpu.memory_space<vmem>> -> memref<1x128xi32, #tpu.memory_space<vmem>>
      %dma_wait3A_141 = tpu.memref_squeeze %dma_wait3A_140 : memref<1x128xi32, #tpu.memory_space<vmem>> -> memref<128xi32, #tpu.memory_space<vmem>>
      %dma_wait3A_142 = arith.constant 0 : i32
      %dma_wait3A_143 = arith.constant 0 : i32
      %dma_wait3A_144 = tpu.memref_slice %arg16[%dma_wait3A_142, %dma_wait3A_143] : memref<5248x128xf32, #tpu.memory_space<vmem_shared>> -> memref<5248x128xf32, #tpu.memory_space<vmem_shared>>
      tpu.wait_indirect_dma semaphore(%run_scoped3A_132 : memref<!tpu.dma_semaphore, #tpu.memory_space<semaphore_mem>>) src(%arg12 : memref<128x128xf32, #tpu.memory_space<vmem>>) dst(%dma_wait3A_144 : memref<5248x128xf32, #tpu.memory_space<vmem_shared>>)
      tpu.yield
    }) : () -> ()
    %run_scoped3A_32 = arith.constant 0 : i32
    "tpu.region"() ({
      %run_scoped3A_132 = tpu.sem_alloc : memref<!tpu.dma_semaphore, #tpu.memory_space<semaphore_mem>>
      %dma_start3A_133 = arith.constant 0 : i32
      %dma_start3A_134 = tpu.memref_slice %arg11[%run_scoped3A_32, %dma_start3A_133] : memref<6x128xi32, #tpu.memory_space<vmem>> -> memref<1x128xi32, #tpu.memory_space<vmem>>
      %dma_start3A_135 = tpu.memref_squeeze %dma_start3A_134 : memref<1x128xi32, #tpu.memory_space<vmem>> -> memref<128xi32, #tpu.memory_space<vmem>>
      %dma_start3A_136 = arith.constant 0 : i32
      %dma_start3A_137 = arith.constant 0 : i32
      %dma_start3A_138 = tpu.memref_slice %arg17[%dma_start3A_136, %dma_start3A_137] : memref<128x128xf32, #tpu.memory_space<vmem_shared>> -> memref<128x128xf32, #tpu.memory_space<vmem_shared>>
      tpu.enqueue_indirect_dma source(%arg14 : memref<128x128xf32, #tpu.memory_space<vmem>>) target(%dma_start3A_138 : memref<128x128xf32, #tpu.memory_space<vmem_shared>>) offsets(%dma_start3A_135 : memref<128xi32, #tpu.memory_space<vmem>>) semaphore(%run_scoped3A_132 : memref<!tpu.dma_semaphore, #tpu.memory_space<semaphore_mem>>) {add = true}
      %dma_wait3A_139 = arith.constant 0 : i32
      %dma_wait3A_140 = tpu.memref_slice %arg11[%run_scoped3A_32, %dma_wait3A_139] : memref<6x128xi32, #tpu.memory_space<vmem>> -> memref<1x128xi32, #tpu.memory_space<vmem>>
      %dma_wait3A_141 = tpu.memref_squeeze %dma_wait3A_140 : memref<1x128xi32, #tpu.memory_space<vmem>> -> memref<128xi32, #tpu.memory_space<vmem>>
      %dma_wait3A_142 = arith.constant 0 : i32
      %dma_wait3A_143 = arith.constant 0 : i32
      %dma_wait3A_144 = tpu.memref_slice %arg17[%dma_wait3A_142, %dma_wait3A_143] : memref<128x128xf32, #tpu.memory_space<vmem_shared>> -> memref<128x128xf32, #tpu.memory_space<vmem_shared>>
      tpu.wait_indirect_dma semaphore(%run_scoped3A_132 : memref<!tpu.dma_semaphore, #tpu.memory_space<semaphore_mem>>) src(%arg14 : memref<128x128xf32, #tpu.memory_space<vmem>>) dst(%dma_wait3A_144 : memref<128x128xf32, #tpu.memory_space<vmem_shared>>)
      tpu.yield
    }) : () -> ()
    %dma_wait3A_33 = arith.constant 0 : i32
    %dma_wait3A_34 = tpu.memref_slice %arg2[%add3A_23, %dma_wait3A_33] : memref<12288x128xf32, #tpu.memory_space<hbm>> -> memref<128x128xf32, #tpu.memory_space<hbm>>
    %dma_wait3A_35 = arith.constant 0 : i32
    %dma_wait3A_36 = tpu.memref_slice %arg2[%add3A_23, %dma_wait3A_35] : memref<12288x128xf32, #tpu.memory_space<hbm>> -> memref<128x128xf32, #tpu.memory_space<hbm>>
    tpu.wait_dma2 semaphore(%arg19 : memref<!tpu.dma_semaphore, #tpu.memory_space<semaphore_mem>>) src(%dma_wait3A_36 : memref<128x128xf32, #tpu.memory_space<hbm>>) dst(%arg13 : memref<128x128xf32, #tpu.memory_space<vmem>>)
    %dma_wait3A_37 = arith.constant 0 : i32
    %dma_wait3A_38 = tpu.memref_slice %arg3[%add3A_23, %dma_wait3A_37] : memref<12288x128xf32, #tpu.memory_space<hbm>> -> memref<128x128xf32, #tpu.memory_space<hbm>>
    %dma_wait3A_39 = arith.constant 0 : i32
    %dma_wait3A_40 = tpu.memref_slice %arg3[%add3A_23, %dma_wait3A_39] : memref<12288x128xf32, #tpu.memory_space<hbm>> -> memref<128x128xf32, #tpu.memory_space<hbm>>
    tpu.wait_dma2 semaphore(%arg19 : memref<!tpu.dma_semaphore, #tpu.memory_space<semaphore_mem>>) src(%dma_wait3A_40 : memref<128x128xf32, #tpu.memory_space<hbm>>) dst(%arg15 : memref<128x128xf32, #tpu.memory_space<vmem>>)
    %add3A_41 = arith.constant 256 : i32
    %add3A_42 = arith.addi %mul3A_6, %add3A_41 : i32
    %dma_start3A_43 = arith.constant 0 : i32
    %dma_start3A_44 = tpu.memref_slice %arg2[%add3A_42, %dma_start3A_43] : memref<12288x128xf32, #tpu.memory_space<hbm>> -> memref<128x128xf32, #tpu.memory_space<hbm>>
    %dma_start3A_45 = arith.constant 0 : i32
    %dma_start3A_46 = tpu.memref_slice %arg2[%add3A_42, %dma_start3A_45] : memref<12288x128xf32, #tpu.memory_space<hbm>> -> memref<128x128xf32, #tpu.memory_space<hbm>>
    tpu.enqueue_dma source(%dma_start3A_46 : memref<128x128xf32, #tpu.memory_space<hbm>>) target(%arg12 : memref<128x128xf32, #tpu.memory_space<vmem>>) target_semaphore(%arg18 : memref<!tpu.dma_semaphore, #tpu.memory_space<semaphore_mem>>)
    %dma_start3A_47 = arith.constant 0 : i32
    %dma_start3A_48 = tpu.memref_slice %arg3[%add3A_42, %dma_start3A_47] : memref<12288x128xf32, #tpu.memory_space<hbm>> -> memref<128x128xf32, #tpu.memory_space<hbm>>
    %dma_start3A_49 = arith.constant 0 : i32
    %dma_start3A_50 = tpu.memref_slice %arg3[%add3A_42, %dma_start3A_49] : memref<12288x128xf32, #tpu.memory_space<hbm>> -> memref<128x128xf32, #tpu.memory_space<hbm>>
    tpu.enqueue_dma source(%dma_start3A_50 : memref<128x128xf32, #tpu.memory_space<hbm>>) target(%arg14 : memref<128x128xf32, #tpu.memory_space<vmem>>) target_semaphore(%arg18 : memref<!tpu.dma_semaphore, #tpu.memory_space<semaphore_mem>>)
    %run_scoped3A_51 = arith.constant 1 : i32
    "tpu.region"() ({
      %run_scoped3A_132 = tpu.sem_alloc : memref<!tpu.dma_semaphore, #tpu.memory_space<semaphore_mem>>
      %dma_start3A_133 = arith.constant 0 : i32
      %dma_start3A_134 = tpu.memref_slice %arg10[%run_scoped3A_51, %dma_start3A_133] : memref<6x128xi32, #tpu.memory_space<vmem>> -> memref<1x128xi32, #tpu.memory_space<vmem>>
      %dma_start3A_135 = tpu.memref_squeeze %dma_start3A_134 : memref<1x128xi32, #tpu.memory_space<vmem>> -> memref<128xi32, #tpu.memory_space<vmem>>
      %dma_start3A_136 = arith.constant 0 : i32
      %dma_start3A_137 = arith.constant 0 : i32
      %dma_start3A_138 = tpu.memref_slice %arg16[%dma_start3A_136, %dma_start3A_137] : memref<5248x128xf32, #tpu.memory_space<vmem_shared>> -> memref<5248x128xf32, #tpu.memory_space<vmem_shared>>
      tpu.enqueue_indirect_dma source(%arg13 : memref<128x128xf32, #tpu.memory_space<vmem>>) target(%dma_start3A_138 : memref<5248x128xf32, #tpu.memory_space<vmem_shared>>) offsets(%dma_start3A_135 : memref<128xi32, #tpu.memory_space<vmem>>) semaphore(%run_scoped3A_132 : memref<!tpu.dma_semaphore, #tpu.memory_space<semaphore_mem>>) {add = true}
      %dma_wait3A_139 = arith.constant 0 : i32
      %dma_wait3A_140 = tpu.memref_slice %arg10[%run_scoped3A_51, %dma_wait3A_139] : memref<6x128xi32, #tpu.memory_space<vmem>> -> memref<1x128xi32, #tpu.memory_space<vmem>>
      %dma_wait3A_141 = tpu.memref_squeeze %dma_wait3A_140 : memref<1x128xi32, #tpu.memory_space<vmem>> -> memref<128xi32, #tpu.memory_space<vmem>>
      %dma_wait3A_142 = arith.constant 0 : i32
      %dma_wait3A_143 = arith.constant 0 : i32
      %dma_wait3A_144 = tpu.memref_slice %arg16[%dma_wait3A_142, %dma_wait3A_143] : memref<5248x128xf32, #tpu.memory_space<vmem_shared>> -> memref<5248x128xf32, #tpu.memory_space<vmem_shared>>
      tpu.wait_indirect_dma semaphore(%run_scoped3A_132 : memref<!tpu.dma_semaphore, #tpu.memory_space<semaphore_mem>>) src(%arg13 : memref<128x128xf32, #tpu.memory_space<vmem>>) dst(%dma_wait3A_144 : memref<5248x128xf32, #tpu.memory_space<vmem_shared>>)
      tpu.yield
    }) : () -> ()
    %run_scoped3A_52 = arith.constant 1 : i32
    "tpu.region"() ({
      %run_scoped3A_132 = tpu.sem_alloc : memref<!tpu.dma_semaphore, #tpu.memory_space<semaphore_mem>>
      %dma_start3A_133 = arith.constant 0 : i32
      %dma_start3A_134 = tpu.memref_slice %arg11[%run_scoped3A_52, %dma_start3A_133] : memref<6x128xi32, #tpu.memory_space<vmem>> -> memref<1x128xi32, #tpu.memory_space<vmem>>
      %dma_start3A_135 = tpu.memref_squeeze %dma_start3A_134 : memref<1x128xi32, #tpu.memory_space<vmem>> -> memref<128xi32, #tpu.memory_space<vmem>>
      %dma_start3A_136 = arith.constant 0 : i32
      %dma_start3A_137 = arith.constant 0 : i32
      %dma_start3A_138 = tpu.memref_slice %arg17[%dma_start3A_136, %dma_start3A_137] : memref<128x128xf32, #tpu.memory_space<vmem_shared>> -> memref<128x128xf32, #tpu.memory_space<vmem_shared>>
      tpu.enqueue_indirect_dma source(%arg15 : memref<128x128xf32, #tpu.memory_space<vmem>>) target(%dma_start3A_138 : memref<128x128xf32, #tpu.memory_space<vmem_shared>>) offsets(%dma_start3A_135 : memref<128xi32, #tpu.memory_space<vmem>>) semaphore(%run_scoped3A_132 : memref<!tpu.dma_semaphore, #tpu.memory_space<semaphore_mem>>) {add = true}
      %dma_wait3A_139 = arith.constant 0 : i32
      %dma_wait3A_140 = tpu.memref_slice %arg11[%run_scoped3A_52, %dma_wait3A_139] : memref<6x128xi32, #tpu.memory_space<vmem>> -> memref<1x128xi32, #tpu.memory_space<vmem>>
      %dma_wait3A_141 = tpu.memref_squeeze %dma_wait3A_140 : memref<1x128xi32, #tpu.memory_space<vmem>> -> memref<128xi32, #tpu.memory_space<vmem>>
      %dma_wait3A_142 = arith.constant 0 : i32
      %dma_wait3A_143 = arith.constant 0 : i32
      %dma_wait3A_144 = tpu.memref_slice %arg17[%dma_wait3A_142, %dma_wait3A_143] : memref<128x128xf32, #tpu.memory_space<vmem_shared>> -> memref<128x128xf32, #tpu.memory_space<vmem_shared>>
      tpu.wait_indirect_dma semaphore(%run_scoped3A_132 : memref<!tpu.dma_semaphore, #tpu.memory_space<semaphore_mem>>) src(%arg15 : memref<128x128xf32, #tpu.memory_space<vmem>>) dst(%dma_wait3A_144 : memref<128x128xf32, #tpu.memory_space<vmem_shared>>)
      tpu.yield
    }) : () -> ()
    %dma_wait3A_53 = arith.constant 0 : i32
    %dma_wait3A_54 = tpu.memref_slice %arg2[%add3A_42, %dma_wait3A_53] : memref<12288x128xf32, #tpu.memory_space<hbm>> -> memref<128x128xf32, #tpu.memory_space<hbm>>
    %dma_wait3A_55 = arith.constant 0 : i32
    %dma_wait3A_56 = tpu.memref_slice %arg2[%add3A_42, %dma_wait3A_55] : memref<12288x128xf32, #tpu.memory_space<hbm>> -> memref<128x128xf32, #tpu.memory_space<hbm>>
    tpu.wait_dma2 semaphore(%arg18 : memref<!tpu.dma_semaphore, #tpu.memory_space<semaphore_mem>>) src(%dma_wait3A_56 : memref<128x128xf32, #tpu.memory_space<hbm>>) dst(%arg12 : memref<128x128xf32, #tpu.memory_space<vmem>>)
    %dma_wait3A_57 = arith.constant 0 : i32
    %dma_wait3A_58 = tpu.memref_slice %arg3[%add3A_42, %dma_wait3A_57] : memref<12288x128xf32, #tpu.memory_space<hbm>> -> memref<128x128xf32, #tpu.memory_space<hbm>>
    %dma_wait3A_59 = arith.constant 0 : i32
    %dma_wait3A_60 = tpu.memref_slice %arg3[%add3A_42, %dma_wait3A_59] : memref<12288x128xf32, #tpu.memory_space<hbm>> -> memref<128x128xf32, #tpu.memory_space<hbm>>
    tpu.wait_dma2 semaphore(%arg18 : memref<!tpu.dma_semaphore, #tpu.memory_space<semaphore_mem>>) src(%dma_wait3A_60 : memref<128x128xf32, #tpu.memory_space<hbm>>) dst(%arg14 : memref<128x128xf32, #tpu.memory_space<vmem>>)
    %add3A_61 = arith.constant 384 : i32
    %add3A_62 = arith.addi %mul3A_6, %add3A_61 : i32
    %dma_start3A_63 = arith.constant 0 : i32
    %dma_start3A_64 = tpu.memref_slice %arg2[%add3A_62, %dma_start3A_63] : memref<12288x128xf32, #tpu.memory_space<hbm>> -> memref<128x128xf32, #tpu.memory_space<hbm>>
    %dma_start3A_65 = arith.constant 0 : i32
    %dma_start3A_66 = tpu.memref_slice %arg2[%add3A_62, %dma_start3A_65] : memref<12288x128xf32, #tpu.memory_space<hbm>> -> memref<128x128xf32, #tpu.memory_space<hbm>>
    tpu.enqueue_dma source(%dma_start3A_66 : memref<128x128xf32, #tpu.memory_space<hbm>>) target(%arg13 : memref<128x128xf32, #tpu.memory_space<vmem>>) target_semaphore(%arg19 : memref<!tpu.dma_semaphore, #tpu.memory_space<semaphore_mem>>)
    %dma_start3A_67 = arith.constant 0 : i32
    %dma_start3A_68 = tpu.memref_slice %arg3[%add3A_62, %dma_start3A_67] : memref<12288x128xf32, #tpu.memory_space<hbm>> -> memref<128x128xf32, #tpu.memory_space<hbm>>
    %dma_start3A_69 = arith.constant 0 : i32
    %dma_start3A_70 = tpu.memref_slice %arg3[%add3A_62, %dma_start3A_69] : memref<12288x128xf32, #tpu.memory_space<hbm>> -> memref<128x128xf32, #tpu.memory_space<hbm>>
    tpu.enqueue_dma source(%dma_start3A_70 : memref<128x128xf32, #tpu.memory_space<hbm>>) target(%arg15 : memref<128x128xf32, #tpu.memory_space<vmem>>) target_semaphore(%arg19 : memref<!tpu.dma_semaphore, #tpu.memory_space<semaphore_mem>>)
    %run_scoped3A_71 = arith.constant 2 : i32
    "tpu.region"() ({
      %run_scoped3A_132 = tpu.sem_alloc : memref<!tpu.dma_semaphore, #tpu.memory_space<semaphore_mem>>
      %dma_start3A_133 = arith.constant 0 : i32
      %dma_start3A_134 = tpu.memref_slice %arg10[%run_scoped3A_71, %dma_start3A_133] : memref<6x128xi32, #tpu.memory_space<vmem>> -> memref<1x128xi32, #tpu.memory_space<vmem>>
      %dma_start3A_135 = tpu.memref_squeeze %dma_start3A_134 : memref<1x128xi32, #tpu.memory_space<vmem>> -> memref<128xi32, #tpu.memory_space<vmem>>
      %dma_start3A_136 = arith.constant 0 : i32
      %dma_start3A_137 = arith.constant 0 : i32
      %dma_start3A_138 = tpu.memref_slice %arg16[%dma_start3A_136, %dma_start3A_137] : memref<5248x128xf32, #tpu.memory_space<vmem_shared>> -> memref<5248x128xf32, #tpu.memory_space<vmem_shared>>
      tpu.enqueue_indirect_dma source(%arg12 : memref<128x128xf32, #tpu.memory_space<vmem>>) target(%dma_start3A_138 : memref<5248x128xf32, #tpu.memory_space<vmem_shared>>) offsets(%dma_start3A_135 : memref<128xi32, #tpu.memory_space<vmem>>) semaphore(%run_scoped3A_132 : memref<!tpu.dma_semaphore, #tpu.memory_space<semaphore_mem>>) {add = true}
      %dma_wait3A_139 = arith.constant 0 : i32
      %dma_wait3A_140 = tpu.memref_slice %arg10[%run_scoped3A_71, %dma_wait3A_139] : memref<6x128xi32, #tpu.memory_space<vmem>> -> memref<1x128xi32, #tpu.memory_space<vmem>>
      %dma_wait3A_141 = tpu.memref_squeeze %dma_wait3A_140 : memref<1x128xi32, #tpu.memory_space<vmem>> -> memref<128xi32, #tpu.memory_space<vmem>>
      %dma_wait3A_142 = arith.constant 0 : i32
      %dma_wait3A_143 = arith.constant 0 : i32
      %dma_wait3A_144 = tpu.memref_slice %arg16[%dma_wait3A_142, %dma_wait3A_143] : memref<5248x128xf32, #tpu.memory_space<vmem_shared>> -> memref<5248x128xf32, #tpu.memory_space<vmem_shared>>
      tpu.wait_indirect_dma semaphore(%run_scoped3A_132 : memref<!tpu.dma_semaphore, #tpu.memory_space<semaphore_mem>>) src(%arg12 : memref<128x128xf32, #tpu.memory_space<vmem>>) dst(%dma_wait3A_144 : memref<5248x128xf32, #tpu.memory_space<vmem_shared>>)
      tpu.yield
    }) : () -> ()
    %run_scoped3A_72 = arith.constant 2 : i32
    "tpu.region"() ({
      %run_scoped3A_132 = tpu.sem_alloc : memref<!tpu.dma_semaphore, #tpu.memory_space<semaphore_mem>>
      %dma_start3A_133 = arith.constant 0 : i32
      %dma_start3A_134 = tpu.memref_slice %arg11[%run_scoped3A_72, %dma_start3A_133] : memref<6x128xi32, #tpu.memory_space<vmem>> -> memref<1x128xi32, #tpu.memory_space<vmem>>
      %dma_start3A_135 = tpu.memref_squeeze %dma_start3A_134 : memref<1x128xi32, #tpu.memory_space<vmem>> -> memref<128xi32, #tpu.memory_space<vmem>>
      %dma_start3A_136 = arith.constant 0 : i32
      %dma_start3A_137 = arith.constant 0 : i32
      %dma_start3A_138 = tpu.memref_slice %arg17[%dma_start3A_136, %dma_start3A_137] : memref<128x128xf32, #tpu.memory_space<vmem_shared>> -> memref<128x128xf32, #tpu.memory_space<vmem_shared>>
      tpu.enqueue_indirect_dma source(%arg14 : memref<128x128xf32, #tpu.memory_space<vmem>>) target(%dma_start3A_138 : memref<128x128xf32, #tpu.memory_space<vmem_shared>>) offsets(%dma_start3A_135 : memref<128xi32, #tpu.memory_space<vmem>>) semaphore(%run_scoped3A_132 : memref<!tpu.dma_semaphore, #tpu.memory_space<semaphore_mem>>) {add = true}
      %dma_wait3A_139 = arith.constant 0 : i32
      %dma_wait3A_140 = tpu.memref_slice %arg11[%run_scoped3A_72, %dma_wait3A_139] : memref<6x128xi32, #tpu.memory_space<vmem>> -> memref<1x128xi32, #tpu.memory_space<vmem>>
      %dma_wait3A_141 = tpu.memref_squeeze %dma_wait3A_140 : memref<1x128xi32, #tpu.memory_space<vmem>> -> memref<128xi32, #tpu.memory_space<vmem>>
      %dma_wait3A_142 = arith.constant 0 : i32
      %dma_wait3A_143 = arith.constant 0 : i32
      %dma_wait3A_144 = tpu.memref_slice %arg17[%dma_wait3A_142, %dma_wait3A_143] : memref<128x128xf32, #tpu.memory_space<vmem_shared>> -> memref<128x128xf32, #tpu.memory_space<vmem_shared>>
      tpu.wait_indirect_dma semaphore(%run_scoped3A_132 : memref<!tpu.dma_semaphore, #tpu.memory_space<semaphore_mem>>) src(%arg14 : memref<128x128xf32, #tpu.memory_space<vmem>>) dst(%dma_wait3A_144 : memref<128x128xf32, #tpu.memory_space<vmem_shared>>)
      tpu.yield
    }) : () -> ()
    %dma_wait3A_73 = arith.constant 0 : i32
    %dma_wait3A_74 = tpu.memref_slice %arg2[%add3A_62, %dma_wait3A_73] : memref<12288x128xf32, #tpu.memory_space<hbm>> -> memref<128x128xf32, #tpu.memory_space<hbm>>
    %dma_wait3A_75 = arith.constant 0 : i32
    %dma_wait3A_76 = tpu.memref_slice %arg2[%add3A_62, %dma_wait3A_75] : memref<12288x128xf32, #tpu.memory_space<hbm>> -> memref<128x128xf32, #tpu.memory_space<hbm>>
    tpu.wait_dma2 semaphore(%arg19 : memref<!tpu.dma_semaphore, #tpu.memory_space<semaphore_mem>>) src(%dma_wait3A_76 : memref<128x128xf32, #tpu.memory_space<hbm>>) dst(%arg13 : memref<128x128xf32, #tpu.memory_space<vmem>>)
    %dma_wait3A_77 = arith.constant 0 : i32
    %dma_wait3A_78 = tpu.memref_slice %arg3[%add3A_62, %dma_wait3A_77] : memref<12288x128xf32, #tpu.memory_space<hbm>> -> memref<128x128xf32, #tpu.memory_space<hbm>>
    %dma_wait3A_79 = arith.constant 0 : i32
    %dma_wait3A_80 = tpu.memref_slice %arg3[%add3A_62, %dma_wait3A_79] : memref<12288x128xf32, #tpu.memory_space<hbm>> -> memref<128x128xf32, #tpu.memory_space<hbm>>
    tpu.wait_dma2 semaphore(%arg19 : memref<!tpu.dma_semaphore, #tpu.memory_space<semaphore_mem>>) src(%dma_wait3A_80 : memref<128x128xf32, #tpu.memory_space<hbm>>) dst(%arg15 : memref<128x128xf32, #tpu.memory_space<vmem>>)
    %add3A_81 = arith.constant 512 : i32
    %add3A_82 = arith.addi %mul3A_6, %add3A_81 : i32
    %dma_start3A_83 = arith.constant 0 : i32
    %dma_start3A_84 = tpu.memref_slice %arg2[%add3A_82, %dma_start3A_83] : memref<12288x128xf32, #tpu.memory_space<hbm>> -> memref<128x128xf32, #tpu.memory_space<hbm>>
    %dma_start3A_85 = arith.constant 0 : i32
    %dma_start3A_86 = tpu.memref_slice %arg2[%add3A_82, %dma_start3A_85] : memref<12288x128xf32, #tpu.memory_space<hbm>> -> memref<128x128xf32, #tpu.memory_space<hbm>>
    tpu.enqueue_dma source(%dma_start3A_86 : memref<128x128xf32, #tpu.memory_space<hbm>>) target(%arg12 : memref<128x128xf32, #tpu.memory_space<vmem>>) target_semaphore(%arg18 : memref<!tpu.dma_semaphore, #tpu.memory_space<semaphore_mem>>)
    %dma_start3A_87 = arith.constant 0 : i32
    %dma_start3A_88 = tpu.memref_slice %arg3[%add3A_82, %dma_start3A_87] : memref<12288x128xf32, #tpu.memory_space<hbm>> -> memref<128x128xf32, #tpu.memory_space<hbm>>
    %dma_start3A_89 = arith.constant 0 : i32
    %dma_start3A_90 = tpu.memref_slice %arg3[%add3A_82, %dma_start3A_89] : memref<12288x128xf32, #tpu.memory_space<hbm>> -> memref<128x128xf32, #tpu.memory_space<hbm>>
    tpu.enqueue_dma source(%dma_start3A_90 : memref<128x128xf32, #tpu.memory_space<hbm>>) target(%arg14 : memref<128x128xf32, #tpu.memory_space<vmem>>) target_semaphore(%arg18 : memref<!tpu.dma_semaphore, #tpu.memory_space<semaphore_mem>>)
    %run_scoped3A_91 = arith.constant 3 : i32
    "tpu.region"() ({
      %run_scoped3A_132 = tpu.sem_alloc : memref<!tpu.dma_semaphore, #tpu.memory_space<semaphore_mem>>
      %dma_start3A_133 = arith.constant 0 : i32
      %dma_start3A_134 = tpu.memref_slice %arg10[%run_scoped3A_91, %dma_start3A_133] : memref<6x128xi32, #tpu.memory_space<vmem>> -> memref<1x128xi32, #tpu.memory_space<vmem>>
      %dma_start3A_135 = tpu.memref_squeeze %dma_start3A_134 : memref<1x128xi32, #tpu.memory_space<vmem>> -> memref<128xi32, #tpu.memory_space<vmem>>
      %dma_start3A_136 = arith.constant 0 : i32
      %dma_start3A_137 = arith.constant 0 : i32
      %dma_start3A_138 = tpu.memref_slice %arg16[%dma_start3A_136, %dma_start3A_137] : memref<5248x128xf32, #tpu.memory_space<vmem_shared>> -> memref<5248x128xf32, #tpu.memory_space<vmem_shared>>
      tpu.enqueue_indirect_dma source(%arg13 : memref<128x128xf32, #tpu.memory_space<vmem>>) target(%dma_start3A_138 : memref<5248x128xf32, #tpu.memory_space<vmem_shared>>) offsets(%dma_start3A_135 : memref<128xi32, #tpu.memory_space<vmem>>) semaphore(%run_scoped3A_132 : memref<!tpu.dma_semaphore, #tpu.memory_space<semaphore_mem>>) {add = true}
      %dma_wait3A_139 = arith.constant 0 : i32
      %dma_wait3A_140 = tpu.memref_slice %arg10[%run_scoped3A_91, %dma_wait3A_139] : memref<6x128xi32, #tpu.memory_space<vmem>> -> memref<1x128xi32, #tpu.memory_space<vmem>>
      %dma_wait3A_141 = tpu.memref_squeeze %dma_wait3A_140 : memref<1x128xi32, #tpu.memory_space<vmem>> -> memref<128xi32, #tpu.memory_space<vmem>>
      %dma_wait3A_142 = arith.constant 0 : i32
      %dma_wait3A_143 = arith.constant 0 : i32
      %dma_wait3A_144 = tpu.memref_slice %arg16[%dma_wait3A_142, %dma_wait3A_143] : memref<5248x128xf32, #tpu.memory_space<vmem_shared>> -> memref<5248x128xf32, #tpu.memory_space<vmem_shared>>
      tpu.wait_indirect_dma semaphore(%run_scoped3A_132 : memref<!tpu.dma_semaphore, #tpu.memory_space<semaphore_mem>>) src(%arg13 : memref<128x128xf32, #tpu.memory_space<vmem>>) dst(%dma_wait3A_144 : memref<5248x128xf32, #tpu.memory_space<vmem_shared>>)
      tpu.yield
    }) : () -> ()
    %run_scoped3A_92 = arith.constant 3 : i32
    "tpu.region"() ({
      %run_scoped3A_132 = tpu.sem_alloc : memref<!tpu.dma_semaphore, #tpu.memory_space<semaphore_mem>>
      %dma_start3A_133 = arith.constant 0 : i32
      %dma_start3A_134 = tpu.memref_slice %arg11[%run_scoped3A_92, %dma_start3A_133] : memref<6x128xi32, #tpu.memory_space<vmem>> -> memref<1x128xi32, #tpu.memory_space<vmem>>
      %dma_start3A_135 = tpu.memref_squeeze %dma_start3A_134 : memref<1x128xi32, #tpu.memory_space<vmem>> -> memref<128xi32, #tpu.memory_space<vmem>>
      %dma_start3A_136 = arith.constant 0 : i32
      %dma_start3A_137 = arith.constant 0 : i32
      %dma_start3A_138 = tpu.memref_slice %arg17[%dma_start3A_136, %dma_start3A_137] : memref<128x128xf32, #tpu.memory_space<vmem_shared>> -> memref<128x128xf32, #tpu.memory_space<vmem_shared>>
      tpu.enqueue_indirect_dma source(%arg15 : memref<128x128xf32, #tpu.memory_space<vmem>>) target(%dma_start3A_138 : memref<128x128xf32, #tpu.memory_space<vmem_shared>>) offsets(%dma_start3A_135 : memref<128xi32, #tpu.memory_space<vmem>>) semaphore(%run_scoped3A_132 : memref<!tpu.dma_semaphore, #tpu.memory_space<semaphore_mem>>) {add = true}
      %dma_wait3A_139 = arith.constant 0 : i32
      %dma_wait3A_140 = tpu.memref_slice %arg11[%run_scoped3A_92, %dma_wait3A_139] : memref<6x128xi32, #tpu.memory_space<vmem>> -> memref<1x128xi32, #tpu.memory_space<vmem>>
      %dma_wait3A_141 = tpu.memref_squeeze %dma_wait3A_140 : memref<1x128xi32, #tpu.memory_space<vmem>> -> memref<128xi32, #tpu.memory_space<vmem>>
      %dma_wait3A_142 = arith.constant 0 : i32
      %dma_wait3A_143 = arith.constant 0 : i32
      %dma_wait3A_144 = tpu.memref_slice %arg17[%dma_wait3A_142, %dma_wait3A_143] : memref<128x128xf32, #tpu.memory_space<vmem_shared>> -> memref<128x128xf32, #tpu.memory_space<vmem_shared>>
      tpu.wait_indirect_dma semaphore(%run_scoped3A_132 : memref<!tpu.dma_semaphore, #tpu.memory_space<semaphore_mem>>) src(%arg15 : memref<128x128xf32, #tpu.memory_space<vmem>>) dst(%dma_wait3A_144 : memref<128x128xf32, #tpu.memory_space<vmem_shared>>)
      tpu.yield
    }) : () -> ()
    %dma_wait3A_93 = arith.constant 0 : i32
    %dma_wait3A_94 = tpu.memref_slice %arg2[%add3A_82, %dma_wait3A_93] : memref<12288x128xf32, #tpu.memory_space<hbm>> -> memref<128x128xf32, #tpu.memory_space<hbm>>
    %dma_wait3A_95 = arith.constant 0 : i32
    %dma_wait3A_96 = tpu.memref_slice %arg2[%add3A_82, %dma_wait3A_95] : memref<12288x128xf32, #tpu.memory_space<hbm>> -> memref<128x128xf32, #tpu.memory_space<hbm>>
    tpu.wait_dma2 semaphore(%arg18 : memref<!tpu.dma_semaphore, #tpu.memory_space<semaphore_mem>>) src(%dma_wait3A_96 : memref<128x128xf32, #tpu.memory_space<hbm>>) dst(%arg12 : memref<128x128xf32, #tpu.memory_space<vmem>>)
    %dma_wait3A_97 = arith.constant 0 : i32
    %dma_wait3A_98 = tpu.memref_slice %arg3[%add3A_82, %dma_wait3A_97] : memref<12288x128xf32, #tpu.memory_space<hbm>> -> memref<128x128xf32, #tpu.memory_space<hbm>>
    %dma_wait3A_99 = arith.constant 0 : i32
    %dma_wait3A_100 = tpu.memref_slice %arg3[%add3A_82, %dma_wait3A_99] : memref<12288x128xf32, #tpu.memory_space<hbm>> -> memref<128x128xf32, #tpu.memory_space<hbm>>
    tpu.wait_dma2 semaphore(%arg18 : memref<!tpu.dma_semaphore, #tpu.memory_space<semaphore_mem>>) src(%dma_wait3A_100 : memref<128x128xf32, #tpu.memory_space<hbm>>) dst(%arg14 : memref<128x128xf32, #tpu.memory_space<vmem>>)
    %add3A_101 = arith.constant 640 : i32
    %add3A_102 = arith.addi %mul3A_6, %add3A_101 : i32
    %dma_start3A_103 = arith.constant 0 : i32
    %dma_start3A_104 = tpu.memref_slice %arg2[%add3A_102, %dma_start3A_103] : memref<12288x128xf32, #tpu.memory_space<hbm>> -> memref<128x128xf32, #tpu.memory_space<hbm>>
    %dma_start3A_105 = arith.constant 0 : i32
    %dma_start3A_106 = tpu.memref_slice %arg2[%add3A_102, %dma_start3A_105] : memref<12288x128xf32, #tpu.memory_space<hbm>> -> memref<128x128xf32, #tpu.memory_space<hbm>>
    tpu.enqueue_dma source(%dma_start3A_106 : memref<128x128xf32, #tpu.memory_space<hbm>>) target(%arg13 : memref<128x128xf32, #tpu.memory_space<vmem>>) target_semaphore(%arg19 : memref<!tpu.dma_semaphore, #tpu.memory_space<semaphore_mem>>)
    %dma_start3A_107 = arith.constant 0 : i32
    %dma_start3A_108 = tpu.memref_slice %arg3[%add3A_102, %dma_start3A_107] : memref<12288x128xf32, #tpu.memory_space<hbm>> -> memref<128x128xf32, #tpu.memory_space<hbm>>
    %dma_start3A_109 = arith.constant 0 : i32
    %dma_start3A_110 = tpu.memref_slice %arg3[%add3A_102, %dma_start3A_109] : memref<12288x128xf32, #tpu.memory_space<hbm>> -> memref<128x128xf32, #tpu.memory_space<hbm>>
    tpu.enqueue_dma source(%dma_start3A_110 : memref<128x128xf32, #tpu.memory_space<hbm>>) target(%arg15 : memref<128x128xf32, #tpu.memory_space<vmem>>) target_semaphore(%arg19 : memref<!tpu.dma_semaphore, #tpu.memory_space<semaphore_mem>>)
    %run_scoped3A_111 = arith.constant 4 : i32
    "tpu.region"() ({
      %run_scoped3A_132 = tpu.sem_alloc : memref<!tpu.dma_semaphore, #tpu.memory_space<semaphore_mem>>
      %dma_start3A_133 = arith.constant 0 : i32
      %dma_start3A_134 = tpu.memref_slice %arg10[%run_scoped3A_111, %dma_start3A_133] : memref<6x128xi32, #tpu.memory_space<vmem>> -> memref<1x128xi32, #tpu.memory_space<vmem>>
      %dma_start3A_135 = tpu.memref_squeeze %dma_start3A_134 : memref<1x128xi32, #tpu.memory_space<vmem>> -> memref<128xi32, #tpu.memory_space<vmem>>
      %dma_start3A_136 = arith.constant 0 : i32
      %dma_start3A_137 = arith.constant 0 : i32
      %dma_start3A_138 = tpu.memref_slice %arg16[%dma_start3A_136, %dma_start3A_137] : memref<5248x128xf32, #tpu.memory_space<vmem_shared>> -> memref<5248x128xf32, #tpu.memory_space<vmem_shared>>
      tpu.enqueue_indirect_dma source(%arg12 : memref<128x128xf32, #tpu.memory_space<vmem>>) target(%dma_start3A_138 : memref<5248x128xf32, #tpu.memory_space<vmem_shared>>) offsets(%dma_start3A_135 : memref<128xi32, #tpu.memory_space<vmem>>) semaphore(%run_scoped3A_132 : memref<!tpu.dma_semaphore, #tpu.memory_space<semaphore_mem>>) {add = true}
      %dma_wait3A_139 = arith.constant 0 : i32
      %dma_wait3A_140 = tpu.memref_slice %arg10[%run_scoped3A_111, %dma_wait3A_139] : memref<6x128xi32, #tpu.memory_space<vmem>> -> memref<1x128xi32, #tpu.memory_space<vmem>>
      %dma_wait3A_141 = tpu.memref_squeeze %dma_wait3A_140 : memref<1x128xi32, #tpu.memory_space<vmem>> -> memref<128xi32, #tpu.memory_space<vmem>>
      %dma_wait3A_142 = arith.constant 0 : i32
      %dma_wait3A_143 = arith.constant 0 : i32
      %dma_wait3A_144 = tpu.memref_slice %arg16[%dma_wait3A_142, %dma_wait3A_143] : memref<5248x128xf32, #tpu.memory_space<vmem_shared>> -> memref<5248x128xf32, #tpu.memory_space<vmem_shared>>
      tpu.wait_indirect_dma semaphore(%run_scoped3A_132 : memref<!tpu.dma_semaphore, #tpu.memory_space<semaphore_mem>>) src(%arg12 : memref<128x128xf32, #tpu.memory_space<vmem>>) dst(%dma_wait3A_144 : memref<5248x128xf32, #tpu.memory_space<vmem_shared>>)
      tpu.yield
    }) : () -> ()
    %run_scoped3A_112 = arith.constant 4 : i32
    "tpu.region"() ({
      %run_scoped3A_132 = tpu.sem_alloc : memref<!tpu.dma_semaphore, #tpu.memory_space<semaphore_mem>>
      %dma_start3A_133 = arith.constant 0 : i32
      %dma_start3A_134 = tpu.memref_slice %arg11[%run_scoped3A_112, %dma_start3A_133] : memref<6x128xi32, #tpu.memory_space<vmem>> -> memref<1x128xi32, #tpu.memory_space<vmem>>
      %dma_start3A_135 = tpu.memref_squeeze %dma_start3A_134 : memref<1x128xi32, #tpu.memory_space<vmem>> -> memref<128xi32, #tpu.memory_space<vmem>>
      %dma_start3A_136 = arith.constant 0 : i32
      %dma_start3A_137 = arith.constant 0 : i32
      %dma_start3A_138 = tpu.memref_slice %arg17[%dma_start3A_136, %dma_start3A_137] : memref<128x128xf32, #tpu.memory_space<vmem_shared>> -> memref<128x128xf32, #tpu.memory_space<vmem_shared>>
      tpu.enqueue_indirect_dma source(%arg14 : memref<128x128xf32, #tpu.memory_space<vmem>>) target(%dma_start3A_138 : memref<128x128xf32, #tpu.memory_space<vmem_shared>>) offsets(%dma_start3A_135 : memref<128xi32, #tpu.memory_space<vmem>>) semaphore(%run_scoped3A_132 : memref<!tpu.dma_semaphore, #tpu.memory_space<semaphore_mem>>) {add = true}
      %dma_wait3A_139 = arith.constant 0 : i32
      %dma_wait3A_140 = tpu.memref_slice %arg11[%run_scoped3A_112, %dma_wait3A_139] : memref<6x128xi32, #tpu.memory_space<vmem>> -> memref<1x128xi32, #tpu.memory_space<vmem>>
      %dma_wait3A_141 = tpu.memref_squeeze %dma_wait3A_140 : memref<1x128xi32, #tpu.memory_space<vmem>> -> memref<128xi32, #tpu.memory_space<vmem>>
      %dma_wait3A_142 = arith.constant 0 : i32
      %dma_wait3A_143 = arith.constant 0 : i32
      %dma_wait3A_144 = tpu.memref_slice %arg17[%dma_wait3A_142, %dma_wait3A_143] : memref<128x128xf32, #tpu.memory_space<vmem_shared>> -> memref<128x128xf32, #tpu.memory_space<vmem_shared>>
      tpu.wait_indirect_dma semaphore(%run_scoped3A_132 : memref<!tpu.dma_semaphore, #tpu.memory_space<semaphore_mem>>) src(%arg14 : memref<128x128xf32, #tpu.memory_space<vmem>>) dst(%dma_wait3A_144 : memref<128x128xf32, #tpu.memory_space<vmem_shared>>)
      tpu.yield
    }) : () -> ()
    %dma_wait3A_113 = arith.constant 0 : i32
    %dma_wait3A_114 = tpu.memref_slice %arg2[%add3A_102, %dma_wait3A_113] : memref<12288x128xf32, #tpu.memory_space<hbm>> -> memref<128x128xf32, #tpu.memory_space<hbm>>
    %dma_wait3A_115 = arith.constant 0 : i32
    %dma_wait3A_116 = tpu.memref_slice %arg2[%add3A_102, %dma_wait3A_115] : memref<12288x128xf32, #tpu.memory_space<hbm>> -> memref<128x128xf32, #tpu.memory_space<hbm>>
    tpu.wait_dma2 semaphore(%arg19 : memref<!tpu.dma_semaphore, #tpu.memory_space<semaphore_mem>>) src(%dma_wait3A_116 : memref<128x128xf32, #tpu.memory_space<hbm>>) dst(%arg13 : memref<128x128xf32, #tpu.memory_space<vmem>>)
    %dma_wait3A_117 = arith.constant 0 : i32
    %dma_wait3A_118 = tpu.memref_slice %arg3[%add3A_102, %dma_wait3A_117] : memref<12288x128xf32, #tpu.memory_space<hbm>> -> memref<128x128xf32, #tpu.memory_space<hbm>>
    %dma_wait3A_119 = arith.constant 0 : i32
    %dma_wait3A_120 = tpu.memref_slice %arg3[%add3A_102, %dma_wait3A_119] : memref<12288x128xf32, #tpu.memory_space<hbm>> -> memref<128x128xf32, #tpu.memory_space<hbm>>
    tpu.wait_dma2 semaphore(%arg19 : memref<!tpu.dma_semaphore, #tpu.memory_space<semaphore_mem>>) src(%dma_wait3A_120 : memref<128x128xf32, #tpu.memory_space<hbm>>) dst(%arg15 : memref<128x128xf32, #tpu.memory_space<vmem>>)
    %run_scoped3A_121 = arith.constant 5 : i32
    "tpu.region"() ({
      %run_scoped3A_132 = tpu.sem_alloc : memref<!tpu.dma_semaphore, #tpu.memory_space<semaphore_mem>>
      %dma_start3A_133 = arith.constant 0 : i32
      %dma_start3A_134 = tpu.memref_slice %arg10[%run_scoped3A_121, %dma_start3A_133] : memref<6x128xi32, #tpu.memory_space<vmem>> -> memref<1x128xi32, #tpu.memory_space<vmem>>
      %dma_start3A_135 = tpu.memref_squeeze %dma_start3A_134 : memref<1x128xi32, #tpu.memory_space<vmem>> -> memref<128xi32, #tpu.memory_space<vmem>>
      %dma_start3A_136 = arith.constant 0 : i32
      %dma_start3A_137 = arith.constant 0 : i32
      %dma_start3A_138 = tpu.memref_slice %arg16[%dma_start3A_136, %dma_start3A_137] : memref<5248x128xf32, #tpu.memory_space<vmem_shared>> -> memref<5248x128xf32, #tpu.memory_space<vmem_shared>>
      tpu.enqueue_indirect_dma source(%arg13 : memref<128x128xf32, #tpu.memory_space<vmem>>) target(%dma_start3A_138 : memref<5248x128xf32, #tpu.memory_space<vmem_shared>>) offsets(%dma_start3A_135 : memref<128xi32, #tpu.memory_space<vmem>>) semaphore(%run_scoped3A_132 : memref<!tpu.dma_semaphore, #tpu.memory_space<semaphore_mem>>) {add = true}
      %dma_wait3A_139 = arith.constant 0 : i32
      %dma_wait3A_140 = tpu.memref_slice %arg10[%run_scoped3A_121, %dma_wait3A_139] : memref<6x128xi32, #tpu.memory_space<vmem>> -> memref<1x128xi32, #tpu.memory_space<vmem>>
      %dma_wait3A_141 = tpu.memref_squeeze %dma_wait3A_140 : memref<1x128xi32, #tpu.memory_space<vmem>> -> memref<128xi32, #tpu.memory_space<vmem>>
      %dma_wait3A_142 = arith.constant 0 : i32
      %dma_wait3A_143 = arith.constant 0 : i32
      %dma_wait3A_144 = tpu.memref_slice %arg16[%dma_wait3A_142, %dma_wait3A_143] : memref<5248x128xf32, #tpu.memory_space<vmem_shared>> -> memref<5248x128xf32, #tpu.memory_space<vmem_shared>>
      tpu.wait_indirect_dma semaphore(%run_scoped3A_132 : memref<!tpu.dma_semaphore, #tpu.memory_space<semaphore_mem>>) src(%arg13 : memref<128x128xf32, #tpu.memory_space<vmem>>) dst(%dma_wait3A_144 : memref<5248x128xf32, #tpu.memory_space<vmem_shared>>)
      tpu.yield
    }) : () -> ()
    %run_scoped3A_122 = arith.constant 5 : i32
    "tpu.region"() ({
      %run_scoped3A_132 = tpu.sem_alloc : memref<!tpu.dma_semaphore, #tpu.memory_space<semaphore_mem>>
      %dma_start3A_133 = arith.constant 0 : i32
      %dma_start3A_134 = tpu.memref_slice %arg11[%run_scoped3A_122, %dma_start3A_133] : memref<6x128xi32, #tpu.memory_space<vmem>> -> memref<1x128xi32, #tpu.memory_space<vmem>>
      %dma_start3A_135 = tpu.memref_squeeze %dma_start3A_134 : memref<1x128xi32, #tpu.memory_space<vmem>> -> memref<128xi32, #tpu.memory_space<vmem>>
      %dma_start3A_136 = arith.constant 0 : i32
      %dma_start3A_137 = arith.constant 0 : i32
      %dma_start3A_138 = tpu.memref_slice %arg17[%dma_start3A_136, %dma_start3A_137] : memref<128x128xf32, #tpu.memory_space<vmem_shared>> -> memref<128x128xf32, #tpu.memory_space<vmem_shared>>
      tpu.enqueue_indirect_dma source(%arg15 : memref<128x128xf32, #tpu.memory_space<vmem>>) target(%dma_start3A_138 : memref<128x128xf32, #tpu.memory_space<vmem_shared>>) offsets(%dma_start3A_135 : memref<128xi32, #tpu.memory_space<vmem>>) semaphore(%run_scoped3A_132 : memref<!tpu.dma_semaphore, #tpu.memory_space<semaphore_mem>>) {add = true}
      %dma_wait3A_139 = arith.constant 0 : i32
      %dma_wait3A_140 = tpu.memref_slice %arg11[%run_scoped3A_122, %dma_wait3A_139] : memref<6x128xi32, #tpu.memory_space<vmem>> -> memref<1x128xi32, #tpu.memory_space<vmem>>
      %dma_wait3A_141 = tpu.memref_squeeze %dma_wait3A_140 : memref<1x128xi32, #tpu.memory_space<vmem>> -> memref<128xi32, #tpu.memory_space<vmem>>
      %dma_wait3A_142 = arith.constant 0 : i32
      %dma_wait3A_143 = arith.constant 0 : i32
      %dma_wait3A_144 = tpu.memref_slice %arg17[%dma_wait3A_142, %dma_wait3A_143] : memref<128x128xf32, #tpu.memory_space<vmem_shared>> -> memref<128x128xf32, #tpu.memory_space<vmem_shared>>
      tpu.wait_indirect_dma semaphore(%run_scoped3A_132 : memref<!tpu.dma_semaphore, #tpu.memory_space<semaphore_mem>>) src(%arg15 : memref<128x128xf32, #tpu.memory_space<vmem>>) dst(%dma_wait3A_144 : memref<128x128xf32, #tpu.memory_space<vmem_shared>>)
      tpu.yield
    }) : () -> ()
    %barrier3A_123 = arith.constant 0 : index
    tpu.barrier barrier_id(%barrier3A_123)
    %mul3A_124 = arith.constant 328 : i32
    %mul3A_125 = arith.muli %arg1, %mul3A_124 : i32
    %mul3A_126 = arith.constant 328 : i32
    %mul3A_127 = arith.muli %arg1, %mul3A_126 : i32
    "tpu.region"() ({
      %run_scoped3A_132 = tpu.sem_alloc : memref<!tpu.dma_semaphore, #tpu.memory_space<semaphore_mem>>
      %dma_start3A_133 = arith.constant 0 : i32
      %dma_start3A_134 = tpu.memref_slice %arg8[%arg0, %mul3A_127, %dma_start3A_133] : memref<2x5248x128xf32, #tpu.memory_space<hbm>> -> memref<1x328x128xf32, #tpu.memory_space<hbm>>
      %dma_start3A_135 = tpu.memref_squeeze %dma_start3A_134 : memref<1x328x128xf32, #tpu.memory_space<hbm>> -> memref<328x128xf32, #tpu.memory_space<hbm>>
      %dma_start3A_136 = arith.constant 0 : i32
      %dma_start3A_137 = tpu.memref_slice %arg16[%mul3A_125, %dma_start3A_136] : memref<5248x128xf32, #tpu.memory_space<vmem_shared>> -> memref<328x128xf32, #tpu.memory_space<vmem_shared>>
      tpu.enqueue_dma source(%dma_start3A_137 : memref<328x128xf32, #tpu.memory_space<vmem_shared>>) target(%dma_start3A_135 : memref<328x128xf32, #tpu.memory_space<hbm>>) target_semaphore(%run_scoped3A_132 : memref<!tpu.dma_semaphore, #tpu.memory_space<semaphore_mem>>)
      %dma_wait3A_138 = arith.constant 0 : i32
      %dma_wait3A_139 = tpu.memref_slice %arg8[%arg0, %mul3A_127, %dma_wait3A_138] : memref<2x5248x128xf32, #tpu.memory_space<hbm>> -> memref<1x328x128xf32, #tpu.memory_space<hbm>>
      %dma_wait3A_140 = tpu.memref_squeeze %dma_wait3A_139 : memref<1x328x128xf32, #tpu.memory_space<hbm>> -> memref<328x128xf32, #tpu.memory_space<hbm>>
      %dma_wait3A_141 = arith.constant 0 : i32
      %dma_wait3A_142 = tpu.memref_slice %arg16[%mul3A_125, %dma_wait3A_141] : memref<5248x128xf32, #tpu.memory_space<vmem_shared>> -> memref<328x128xf32, #tpu.memory_space<vmem_shared>>
      tpu.wait_dma2 semaphore(%run_scoped3A_132 : memref<!tpu.dma_semaphore, #tpu.memory_space<semaphore_mem>>) src(%dma_wait3A_142 : memref<328x128xf32, #tpu.memory_space<vmem_shared>>) dst(%dma_wait3A_140 : memref<328x128xf32, #tpu.memory_space<hbm>>)
      tpu.yield
    }) : () -> ()
    %mul3A_128 = arith.constant 8 : i32
    %mul3A_129 = arith.muli %arg1, %mul3A_128 : i32
    %mul3A_130 = arith.constant 8 : i32
    %mul3A_131 = arith.muli %arg1, %mul3A_130 : i32
    "tpu.region"() ({
      %run_scoped3A_132 = tpu.sem_alloc : memref<!tpu.dma_semaphore, #tpu.memory_space<semaphore_mem>>
      %dma_start3A_133 = arith.constant 0 : i32
      %dma_start3A_134 = tpu.memref_slice %arg9[%arg0, %mul3A_131, %dma_start3A_133] : memref<2x128x128xf32, #tpu.memory_space<hbm>> -> memref<1x8x128xf32, #tpu.memory_space<hbm>>
      %dma_start3A_135 = tpu.memref_squeeze %dma_start3A_134 : memref<1x8x128xf32, #tpu.memory_space<hbm>> -> memref<8x128xf32, #tpu.memory_space<hbm>>
      %dma_start3A_136 = arith.constant 0 : i32
      %dma_start3A_137 = tpu.memref_slice %arg17[%mul3A_129, %dma_start3A_136] : memref<128x128xf32, #tpu.memory_space<vmem_shared>> -> memref<8x128xf32, #tpu.memory_space<vmem_shared>>
      tpu.enqueue_dma source(%dma_start3A_137 : memref<8x128xf32, #tpu.memory_space<vmem_shared>>) target(%dma_start3A_135 : memref<8x128xf32, #tpu.memory_space<hbm>>) target_semaphore(%run_scoped3A_132 : memref<!tpu.dma_semaphore, #tpu.memory_space<semaphore_mem>>)
      %dma_wait3A_138 = arith.constant 0 : i32
      %dma_wait3A_139 = tpu.memref_slice %arg9[%arg0, %mul3A_131, %dma_wait3A_138] : memref<2x128x128xf32, #tpu.memory_space<hbm>> -> memref<1x8x128xf32, #tpu.memory_space<hbm>>
      %dma_wait3A_140 = tpu.memref_squeeze %dma_wait3A_139 : memref<1x8x128xf32, #tpu.memory_space<hbm>> -> memref<8x128xf32, #tpu.memory_space<hbm>>
      %dma_wait3A_141 = arith.constant 0 : i32
      %dma_wait3A_142 = tpu.memref_slice %arg17[%mul3A_129, %dma_wait3A_141] : memref<128x128xf32, #tpu.memory_space<vmem_shared>> -> memref<8x128xf32, #tpu.memory_space<vmem_shared>>
      tpu.wait_dma2 semaphore(%run_scoped3A_132 : memref<!tpu.dma_semaphore, #tpu.memory_space<semaphore_mem>>) src(%dma_wait3A_142 : memref<8x128xf32, #tpu.memory_space<vmem_shared>>) dst(%dma_wait3A_140 : memref<8x128xf32, #tpu.memory_space<hbm>>)
      tpu.yield
    }) : () -> ()
    return
  }
}

module attributes {stable_mosaic.version = 14 : i64} {
  func.func @_edge_kernel(%arg0: i32, %arg1: memref<1024x128xf32, #tpu.memory_space<vmem>>, %arg2: memref<1024x128xf32, #tpu.memory_space<vmem>>, %arg3: memref<1024x1xi32, #tpu.memory_space<vmem>>, %arg4: memref<128x128xf32, #tpu.memory_space<vmem>>, %arg5: memref<1x128xf32, #tpu.memory_space<vmem>>, %arg6: memref<128x16384xbf16, #tpu.memory_space<vmem>>, %arg7: memref<128x128xf32, #tpu.memory_space<vmem>>, %arg8: memref<1024x128xf32, #tpu.memory_space<vmem>>, %arg9: memref<1024x128xf32, #tpu.memory_space<vmem>>, %arg10: memref<2048x1024xbf16, #tpu.memory_space<vmem>>, %arg11: memref<2048x1024xbf16, #tpu.memory_space<vmem>>) attributes {dimension_semantics = [#tpu.dimension_semantics<arbitrary>], iteration_bounds = array<i64: 12>, scalar_prefetch = 0 : i64, scratch_operands = 2 : i64, tpu.core_type = #tpu.core_type<tc>, window_params = [{transform_indices = @transform_0, window_bounds = array<i64: 1024, 128>}, {transform_indices = @transform_1, window_bounds = array<i64: 1024, 128>}, {transform_indices = @transform_2, window_bounds = array<i64: 1024, 1>}, {pipeline_mode = #tpu.pipeline_mode<synchronous>, transform_indices = @transform_3, window_bounds = array<i64: 128, 128>}, {pipeline_mode = #tpu.pipeline_mode<synchronous>, transform_indices = @transform_4, window_bounds = array<i64: 1, 128>}, {pipeline_mode = #tpu.pipeline_mode<synchronous>, transform_indices = @transform_5, window_bounds = array<i64: 128, 16384>}, {pipeline_mode = #tpu.pipeline_mode<synchronous>, transform_indices = @transform_6, window_bounds = array<i64: 128, 128>}, {transform_indices = @transform_7, window_bounds = array<i64: 1024, 128>}, {transform_indices = @transform_8, window_bounds = array<i64: 1024, 128>}]} {
    %get3A = arith.constant 0 : index
    %get3A_0 = arith.constant 0 : index
    %get3A_1 = vector.load %arg1[%get3A, %get3A_0] : memref<1024x128xf32, #tpu.memory_space<vmem>>, vector<1024x128xf32>
    %get3A_2 = arith.constant 0 : index
    %get3A_3 = arith.constant 0 : index
    %get3A_4 = vector.load %arg4[%get3A_2, %get3A_3] : memref<128x128xf32, #tpu.memory_space<vmem>>, vector<128x128xf32>
    %dot_general3A = arith.constant dense<0.000000e+00> : vector<1024x128xf32>
    %dot_general3A_5 = tpu.matmul %get3A_1, %get3A_4, %dot_general3A {dimension_numbers = #tpu.dot_dimension_numbers<[1], [0], [0], [1], [0, 0, 1, 1], [], []>, precision = #tpu.contract_precision<fp32>, transpose_lhs_hint = false} : vector<1024x128xf32>, vector<128x128xf32>, vector<1024x128xf32> -> vector<1024x128xf32>
    %get3A_6 = arith.constant 0 : index
    %get3A_7 = arith.constant 0 : index
    %get3A_8 = vector.load %arg5[%get3A_6, %get3A_7] : memref<1x128xf32, #tpu.memory_space<vmem>>, vector<1x128xf32>
    %add3A = vector.broadcast %get3A_8 : vector<1x128xf32> to vector<1024x128xf32>
    %add3A_9 = arith.addf %dot_general3A_5, %add3A : vector<1024x128xf32>
    %max3A = arith.constant 0.000000e+00 : f32
    %max3A_10 = vector.broadcast %max3A : f32 to vector<1024x128xf32>
    %max3A_11 = arith.maximumf %add3A_9, %max3A_10 : vector<1024x128xf32>
    %get3A_12 = arith.constant 0 : index
    %get3A_13 = arith.constant 0 : index
    %get3A_14 = vector.load %arg2[%get3A_12, %get3A_13] : memref<1024x128xf32, #tpu.memory_space<vmem>>, vector<1024x128xf32>
    %convert_element_type3A = arith.truncf %max3A_11 : vector<1024x128xf32> to vector<1024x128xbf16>
    %transpose3A = tpu.transpose %convert_element_type3A, [1, 0] : vector<1024x128xbf16> -> vector<128x1024xbf16>
    %convert_element_type3A_15 = arith.truncf %get3A_14 : vector<1024x128xf32> to vector<1024x128xbf16>
    %transpose3A_16 = tpu.transpose %convert_element_type3A_15, [1, 0] : vector<1024x128xbf16> -> vector<128x1024xbf16>
    %broadcast_in_dim3A = arith.constant 0.000000e+00 : f32
    %broadcast_in_dim3A_17 = vector.broadcast %broadcast_in_dim3A : f32 to vector<128x1024xf32>
    %slice3A = vector.extract_strided_slice %transpose3A {offsets = [0, 0], sizes = [1, 1024], strides = [1, 1]} : vector<128x1024xbf16> to vector<1x1024xbf16>
    %mul3A = vector.broadcast %slice3A : vector<1x1024xbf16> to vector<128x1024xbf16>
    %mul3A_18 = arith.mulf %mul3A, %transpose3A_16 : vector<128x1024xbf16>
    %swap3A = arith.constant 0 : index
    %swap3A_19 = arith.constant 0 : index
    %swap3A_20 = vector.load %arg10[%swap3A, %swap3A_19] : memref<2048x1024xbf16, #tpu.memory_space<vmem>>, vector<128x1024xbf16>
    tpu.vector_store %arg10[%swap3A, %swap3A_19], %mul3A_18 {strides = array<i32>} : memref<2048x1024xbf16, #tpu.memory_space<vmem>>, vector<128x1024xbf16>,
    %slice3A_21 = vector.extract_strided_slice %transpose3A {offsets = [1, 0], sizes = [1, 1024], strides = [1, 1]} : vector<128x1024xbf16> to vector<1x1024xbf16>
    %mul3A_22 = vector.broadcast %slice3A_21 : vector<1x1024xbf16> to vector<128x1024xbf16>
    %mul3A_23 = arith.mulf %mul3A_22, %transpose3A_16 : vector<128x1024xbf16>
    %swap3A_24 = arith.constant 128 : index
    %swap3A_25 = arith.constant 0 : index
    %swap3A_26 = vector.load %arg10[%swap3A_24, %swap3A_25] : memref<2048x1024xbf16, #tpu.memory_space<vmem>>, vector<128x1024xbf16>
    tpu.vector_store %arg10[%swap3A_24, %swap3A_25], %mul3A_23 {strides = array<i32>} : memref<2048x1024xbf16, #tpu.memory_space<vmem>>, vector<128x1024xbf16>,
    %slice3A_27 = vector.extract_strided_slice %transpose3A {offsets = [2, 0], sizes = [1, 1024], strides = [1, 1]} : vector<128x1024xbf16> to vector<1x1024xbf16>
    %mul3A_28 = vector.broadcast %slice3A_27 : vector<1x1024xbf16> to vector<128x1024xbf16>
    %mul3A_29 = arith.mulf %mul3A_28, %transpose3A_16 : vector<128x1024xbf16>
    %swap3A_30 = arith.constant 256 : index
    %swap3A_31 = arith.constant 0 : index
    %swap3A_32 = vector.load %arg10[%swap3A_30, %swap3A_31] : memref<2048x1024xbf16, #tpu.memory_space<vmem>>, vector<128x1024xbf16>
    tpu.vector_store %arg10[%swap3A_30, %swap3A_31], %mul3A_29 {strides = array<i32>} : memref<2048x1024xbf16, #tpu.memory_space<vmem>>, vector<128x1024xbf16>,
    %slice3A_33 = vector.extract_strided_slice %transpose3A {offsets = [3, 0], sizes = [1, 1024], strides = [1, 1]} : vector<128x1024xbf16> to vector<1x1024xbf16>
    %mul3A_34 = vector.broadcast %slice3A_33 : vector<1x1024xbf16> to vector<128x1024xbf16>
    %mul3A_35 = arith.mulf %mul3A_34, %transpose3A_16 : vector<128x1024xbf16>
    %swap3A_36 = arith.constant 384 : index
    %swap3A_37 = arith.constant 0 : index
    %swap3A_38 = vector.load %arg10[%swap3A_36, %swap3A_37] : memref<2048x1024xbf16, #tpu.memory_space<vmem>>, vector<128x1024xbf16>
    tpu.vector_store %arg10[%swap3A_36, %swap3A_37], %mul3A_35 {strides = array<i32>} : memref<2048x1024xbf16, #tpu.memory_space<vmem>>, vector<128x1024xbf16>,
    %slice3A_39 = vector.extract_strided_slice %transpose3A {offsets = [4, 0], sizes = [1, 1024], strides = [1, 1]} : vector<128x1024xbf16> to vector<1x1024xbf16>
    %mul3A_40 = vector.broadcast %slice3A_39 : vector<1x1024xbf16> to vector<128x1024xbf16>
    %mul3A_41 = arith.mulf %mul3A_40, %transpose3A_16 : vector<128x1024xbf16>
    %swap3A_42 = arith.constant 512 : index
    %swap3A_43 = arith.constant 0 : index
    %swap3A_44 = vector.load %arg10[%swap3A_42, %swap3A_43] : memref<2048x1024xbf16, #tpu.memory_space<vmem>>, vector<128x1024xbf16>
    tpu.vector_store %arg10[%swap3A_42, %swap3A_43], %mul3A_41 {strides = array<i32>} : memref<2048x1024xbf16, #tpu.memory_space<vmem>>, vector<128x1024xbf16>,
    %slice3A_45 = vector.extract_strided_slice %transpose3A {offsets = [5, 0], sizes = [1, 1024], strides = [1, 1]} : vector<128x1024xbf16> to vector<1x1024xbf16>
    %mul3A_46 = vector.broadcast %slice3A_45 : vector<1x1024xbf16> to vector<128x1024xbf16>
    %mul3A_47 = arith.mulf %mul3A_46, %transpose3A_16 : vector<128x1024xbf16>
    %swap3A_48 = arith.constant 640 : index
    %swap3A_49 = arith.constant 0 : index
    %swap3A_50 = vector.load %arg10[%swap3A_48, %swap3A_49] : memref<2048x1024xbf16, #tpu.memory_space<vmem>>, vector<128x1024xbf16>
    tpu.vector_store %arg10[%swap3A_48, %swap3A_49], %mul3A_47 {strides = array<i32>} : memref<2048x1024xbf16, #tpu.memory_space<vmem>>, vector<128x1024xbf16>,
    %slice3A_51 = vector.extract_strided_slice %transpose3A {offsets = [6, 0], sizes = [1, 1024], strides = [1, 1]} : vector<128x1024xbf16> to vector<1x1024xbf16>
    %mul3A_52 = vector.broadcast %slice3A_51 : vector<1x1024xbf16> to vector<128x1024xbf16>
    %mul3A_53 = arith.mulf %mul3A_52, %transpose3A_16 : vector<128x1024xbf16>
    %swap3A_54 = arith.constant 768 : index
    %swap3A_55 = arith.constant 0 : index
    %swap3A_56 = vector.load %arg10[%swap3A_54, %swap3A_55] : memref<2048x1024xbf16, #tpu.memory_space<vmem>>, vector<128x1024xbf16>
    tpu.vector_store %arg10[%swap3A_54, %swap3A_55], %mul3A_53 {strides = array<i32>} : memref<2048x1024xbf16, #tpu.memory_space<vmem>>, vector<128x1024xbf16>,
    %slice3A_57 = vector.extract_strided_slice %transpose3A {offsets = [7, 0], sizes = [1, 1024], strides = [1, 1]} : vector<128x1024xbf16> to vector<1x1024xbf16>
    %mul3A_58 = vector.broadcast %slice3A_57 : vector<1x1024xbf16> to vector<128x1024xbf16>
    %mul3A_59 = arith.mulf %mul3A_58, %transpose3A_16 : vector<128x1024xbf16>
    %swap3A_60 = arith.constant 896 : index
    %swap3A_61 = arith.constant 0 : index
    %swap3A_62 = vector.load %arg10[%swap3A_60, %swap3A_61] : memref<2048x1024xbf16, #tpu.memory_space<vmem>>, vector<128x1024xbf16>
    tpu.vector_store %arg10[%swap3A_60, %swap3A_61], %mul3A_59 {strides = array<i32>} : memref<2048x1024xbf16, #tpu.memory_space<vmem>>, vector<128x1024xbf16>,
    %slice3A_63 = vector.extract_strided_slice %transpose3A {offsets = [8, 0], sizes = [1, 1024], strides = [1, 1]} : vector<128x1024xbf16> to vector<1x1024xbf16>
    %mul3A_64 = vector.broadcast %slice3A_63 : vector<1x1024xbf16> to vector<128x1024xbf16>
    %mul3A_65 = arith.mulf %mul3A_64, %transpose3A_16 : vector<128x1024xbf16>
    %swap3A_66 = arith.constant 1024 : index
    %swap3A_67 = arith.constant 0 : index
    %swap3A_68 = vector.load %arg10[%swap3A_66, %swap3A_67] : memref<2048x1024xbf16, #tpu.memory_space<vmem>>, vector<128x1024xbf16>
    tpu.vector_store %arg10[%swap3A_66, %swap3A_67], %mul3A_65 {strides = array<i32>} : memref<2048x1024xbf16, #tpu.memory_space<vmem>>, vector<128x1024xbf16>,
    %slice3A_69 = vector.extract_strided_slice %transpose3A {offsets = [9, 0], sizes = [1, 1024], strides = [1, 1]} : vector<128x1024xbf16> to vector<1x1024xbf16>
    %mul3A_70 = vector.broadcast %slice3A_69 : vector<1x1024xbf16> to vector<128x1024xbf16>
    %mul3A_71 = arith.mulf %mul3A_70, %transpose3A_16 : vector<128x1024xbf16>
    %swap3A_72 = arith.constant 1152 : index
    %swap3A_73 = arith.constant 0 : index
    %swap3A_74 = vector.load %arg10[%swap3A_72, %swap3A_73] : memref<2048x1024xbf16, #tpu.memory_space<vmem>>, vector<128x1024xbf16>
    tpu.vector_store %arg10[%swap3A_72, %swap3A_73], %mul3A_71 {strides = array<i32>} : memref<2048x1024xbf16, #tpu.memory_space<vmem>>, vector<128x1024xbf16>,
    %slice3A_75 = vector.extract_strided_slice %transpose3A {offsets = [10, 0], sizes = [1, 1024], strides = [1, 1]} : vector<128x1024xbf16> to vector<1x1024xbf16>
    %mul3A_76 = vector.broadcast %slice3A_75 : vector<1x1024xbf16> to vector<128x1024xbf16>
    %mul3A_77 = arith.mulf %mul3A_76, %transpose3A_16 : vector<128x1024xbf16>
    %swap3A_78 = arith.constant 1280 : index
    %swap3A_79 = arith.constant 0 : index
    %swap3A_80 = vector.load %arg10[%swap3A_78, %swap3A_79] : memref<2048x1024xbf16, #tpu.memory_space<vmem>>, vector<128x1024xbf16>
    tpu.vector_store %arg10[%swap3A_78, %swap3A_79], %mul3A_77 {strides = array<i32>} : memref<2048x1024xbf16, #tpu.memory_space<vmem>>, vector<128x1024xbf16>,
    %slice3A_81 = vector.extract_strided_slice %transpose3A {offsets = [11, 0], sizes = [1, 1024], strides = [1, 1]} : vector<128x1024xbf16> to vector<1x1024xbf16>
    %mul3A_82 = vector.broadcast %slice3A_81 : vector<1x1024xbf16> to vector<128x1024xbf16>
    %mul3A_83 = arith.mulf %mul3A_82, %transpose3A_16 : vector<128x1024xbf16>
    %swap3A_84 = arith.constant 1408 : index
    %swap3A_85 = arith.constant 0 : index
    %swap3A_86 = vector.load %arg10[%swap3A_84, %swap3A_85] : memref<2048x1024xbf16, #tpu.memory_space<vmem>>, vector<128x1024xbf16>
    tpu.vector_store %arg10[%swap3A_84, %swap3A_85], %mul3A_83 {strides = array<i32>} : memref<2048x1024xbf16, #tpu.memory_space<vmem>>, vector<128x1024xbf16>,
    %slice3A_87 = vector.extract_strided_slice %transpose3A {offsets = [12, 0], sizes = [1, 1024], strides = [1, 1]} : vector<128x1024xbf16> to vector<1x1024xbf16>
    %mul3A_88 = vector.broadcast %slice3A_87 : vector<1x1024xbf16> to vector<128x1024xbf16>
    %mul3A_89 = arith.mulf %mul3A_88, %transpose3A_16 : vector<128x1024xbf16>
    %swap3A_90 = arith.constant 1536 : index
    %swap3A_91 = arith.constant 0 : index
    %swap3A_92 = vector.load %arg10[%swap3A_90, %swap3A_91] : memref<2048x1024xbf16, #tpu.memory_space<vmem>>, vector<128x1024xbf16>
    tpu.vector_store %arg10[%swap3A_90, %swap3A_91], %mul3A_89 {strides = array<i32>} : memref<2048x1024xbf16, #tpu.memory_space<vmem>>, vector<128x1024xbf16>,
    %slice3A_93 = vector.extract_strided_slice %transpose3A {offsets = [13, 0], sizes = [1, 1024], strides = [1, 1]} : vector<128x1024xbf16> to vector<1x1024xbf16>
    %mul3A_94 = vector.broadcast %slice3A_93 : vector<1x1024xbf16> to vector<128x1024xbf16>
    %mul3A_95 = arith.mulf %mul3A_94, %transpose3A_16 : vector<128x1024xbf16>
    %swap3A_96 = arith.constant 1664 : index
    %swap3A_97 = arith.constant 0 : index
    %swap3A_98 = vector.load %arg10[%swap3A_96, %swap3A_97] : memref<2048x1024xbf16, #tpu.memory_space<vmem>>, vector<128x1024xbf16>
    tpu.vector_store %arg10[%swap3A_96, %swap3A_97], %mul3A_95 {strides = array<i32>} : memref<2048x1024xbf16, #tpu.memory_space<vmem>>, vector<128x1024xbf16>,
    %slice3A_99 = vector.extract_strided_slice %transpose3A {offsets = [14, 0], sizes = [1, 1024], strides = [1, 1]} : vector<128x1024xbf16> to vector<1x1024xbf16>
    %mul3A_100 = vector.broadcast %slice3A_99 : vector<1x1024xbf16> to vector<128x1024xbf16>
    %mul3A_101 = arith.mulf %mul3A_100, %transpose3A_16 : vector<128x1024xbf16>
    %swap3A_102 = arith.constant 1792 : index
    %swap3A_103 = arith.constant 0 : index
    %swap3A_104 = vector.load %arg10[%swap3A_102, %swap3A_103] : memref<2048x1024xbf16, #tpu.memory_space<vmem>>, vector<128x1024xbf16>
    tpu.vector_store %arg10[%swap3A_102, %swap3A_103], %mul3A_101 {strides = array<i32>} : memref<2048x1024xbf16, #tpu.memory_space<vmem>>, vector<128x1024xbf16>,
    %slice3A_105 = vector.extract_strided_slice %transpose3A {offsets = [15, 0], sizes = [1, 1024], strides = [1, 1]} : vector<128x1024xbf16> to vector<1x1024xbf16>
    %mul3A_106 = vector.broadcast %slice3A_105 : vector<1x1024xbf16> to vector<128x1024xbf16>
    %mul3A_107 = arith.mulf %mul3A_106, %transpose3A_16 : vector<128x1024xbf16>
    %swap3A_108 = arith.constant 1920 : index
    %swap3A_109 = arith.constant 0 : index
    %swap3A_110 = vector.load %arg10[%swap3A_108, %swap3A_109] : memref<2048x1024xbf16, #tpu.memory_space<vmem>>, vector<128x1024xbf16>
    tpu.vector_store %arg10[%swap3A_108, %swap3A_109], %mul3A_107 {strides = array<i32>} : memref<2048x1024xbf16, #tpu.memory_space<vmem>>, vector<128x1024xbf16>,
    %get3A_111 = arith.constant 0 : index
    %get3A_112 = arith.constant 0 : index
    %get3A_113 = vector.load %arg6[%get3A_111, %get3A_112] : memref<128x16384xbf16, #tpu.memory_space<vmem>>, vector<128x2048xbf16>
    %get3A_114 = arith.constant 0 : index
    %get3A_115 = arith.constant 0 : index
    %get3A_116 = vector.load %arg10[%get3A_114, %get3A_115] : memref<2048x1024xbf16, #tpu.memory_space<vmem>>, vector<2048x1024xbf16>
    %dot_general3A_117 = arith.constant dense<0.000000e+00> : vector<128x1024xf32>
    %dot_general3A_118 = tpu.matmul %get3A_113, %get3A_116, %dot_general3A_117 {dimension_numbers = #tpu.dot_dimension_numbers<[1], [0], [0], [1], [0, 0, 1, 1], [], []>, transpose_lhs_hint = false} : vector<128x2048xbf16>, vector<2048x1024xbf16>, vector<128x1024xf32> -> vector<128x1024xf32>
    %add3A_119 = arith.addf %broadcast_in_dim3A_17, %dot_general3A_118 : vector<128x1024xf32>
    %slice3A_120 = vector.extract_strided_slice %transpose3A {offsets = [16, 0], sizes = [1, 1024], strides = [1, 1]} : vector<128x1024xbf16> to vector<1x1024xbf16>
    %mul3A_121 = vector.broadcast %slice3A_120 : vector<1x1024xbf16> to vector<128x1024xbf16>
    %mul3A_122 = arith.mulf %mul3A_121, %transpose3A_16 : vector<128x1024xbf16>
    %swap3A_123 = arith.constant 0 : index
    %swap3A_124 = arith.constant 0 : index
    %swap3A_125 = vector.load %arg11[%swap3A_123, %swap3A_124] : memref<2048x1024xbf16, #tpu.memory_space<vmem>>, vector<128x1024xbf16>
    tpu.vector_store %arg11[%swap3A_123, %swap3A_124], %mul3A_122 {strides = array<i32>} : memref<2048x1024xbf16, #tpu.memory_space<vmem>>, vector<128x1024xbf16>,
    %slice3A_126 = vector.extract_strided_slice %transpose3A {offsets = [17, 0], sizes = [1, 1024], strides = [1, 1]} : vector<128x1024xbf16> to vector<1x1024xbf16>
    %mul3A_127 = vector.broadcast %slice3A_126 : vector<1x1024xbf16> to vector<128x1024xbf16>
    %mul3A_128 = arith.mulf %mul3A_127, %transpose3A_16 : vector<128x1024xbf16>
    %swap3A_129 = arith.constant 128 : index
    %swap3A_130 = arith.constant 0 : index
    %swap3A_131 = vector.load %arg11[%swap3A_129, %swap3A_130] : memref<2048x1024xbf16, #tpu.memory_space<vmem>>, vector<128x1024xbf16>
    tpu.vector_store %arg11[%swap3A_129, %swap3A_130], %mul3A_128 {strides = array<i32>} : memref<2048x1024xbf16, #tpu.memory_space<vmem>>, vector<128x1024xbf16>,
    %slice3A_132 = vector.extract_strided_slice %transpose3A {offsets = [18, 0], sizes = [1, 1024], strides = [1, 1]} : vector<128x1024xbf16> to vector<1x1024xbf16>
    %mul3A_133 = vector.broadcast %slice3A_132 : vector<1x1024xbf16> to vector<128x1024xbf16>
    %mul3A_134 = arith.mulf %mul3A_133, %transpose3A_16 : vector<128x1024xbf16>
    %swap3A_135 = arith.constant 256 : index
    %swap3A_136 = arith.constant 0 : index
    %swap3A_137 = vector.load %arg11[%swap3A_135, %swap3A_136] : memref<2048x1024xbf16, #tpu.memory_space<vmem>>, vector<128x1024xbf16>
    tpu.vector_store %arg11[%swap3A_135, %swap3A_136], %mul3A_134 {strides = array<i32>} : memref<2048x1024xbf16, #tpu.memory_space<vmem>>, vector<128x1024xbf16>,
    %slice3A_138 = vector.extract_strided_slice %transpose3A {offsets = [19, 0], sizes = [1, 1024], strides = [1, 1]} : vector<128x1024xbf16> to vector<1x1024xbf16>
    %mul3A_139 = vector.broadcast %slice3A_138 : vector<1x1024xbf16> to vector<128x1024xbf16>
    %mul3A_140 = arith.mulf %mul3A_139, %transpose3A_16 : vector<128x1024xbf16>
    %swap3A_141 = arith.constant 384 : index
    %swap3A_142 = arith.constant 0 : index
    %swap3A_143 = vector.load %arg11[%swap3A_141, %swap3A_142] : memref<2048x1024xbf16, #tpu.memory_space<vmem>>, vector<128x1024xbf16>
    tpu.vector_store %arg11[%swap3A_141, %swap3A_142], %mul3A_140 {strides = array<i32>} : memref<2048x1024xbf16, #tpu.memory_space<vmem>>, vector<128x1024xbf16>,
    %slice3A_144 = vector.extract_strided_slice %transpose3A {offsets = [20, 0], sizes = [1, 1024], strides = [1, 1]} : vector<128x1024xbf16> to vector<1x1024xbf16>
    %mul3A_145 = vector.broadcast %slice3A_144 : vector<1x1024xbf16> to vector<128x1024xbf16>
    %mul3A_146 = arith.mulf %mul3A_145, %transpose3A_16 : vector<128x1024xbf16>
    %swap3A_147 = arith.constant 512 : index
    %swap3A_148 = arith.constant 0 : index
    %swap3A_149 = vector.load %arg11[%swap3A_147, %swap3A_148] : memref<2048x1024xbf16, #tpu.memory_space<vmem>>, vector<128x1024xbf16>
    tpu.vector_store %arg11[%swap3A_147, %swap3A_148], %mul3A_146 {strides = array<i32>} : memref<2048x1024xbf16, #tpu.memory_space<vmem>>, vector<128x1024xbf16>,
    %slice3A_150 = vector.extract_strided_slice %transpose3A {offsets = [21, 0], sizes = [1, 1024], strides = [1, 1]} : vector<128x1024xbf16> to vector<1x1024xbf16>
    %mul3A_151 = vector.broadcast %slice3A_150 : vector<1x1024xbf16> to vector<128x1024xbf16>
    %mul3A_152 = arith.mulf %mul3A_151, %transpose3A_16 : vector<128x1024xbf16>
    %swap3A_153 = arith.constant 640 : index
    %swap3A_154 = arith.constant 0 : index
    %swap3A_155 = vector.load %arg11[%swap3A_153, %swap3A_154] : memref<2048x1024xbf16, #tpu.memory_space<vmem>>, vector<128x1024xbf16>
    tpu.vector_store %arg11[%swap3A_153, %swap3A_154], %mul3A_152 {strides = array<i32>} : memref<2048x1024xbf16, #tpu.memory_space<vmem>>, vector<128x1024xbf16>,
    %slice3A_156 = vector.extract_strided_slice %transpose3A {offsets = [22, 0], sizes = [1, 1024], strides = [1, 1]} : vector<128x1024xbf16> to vector<1x1024xbf16>
    %mul3A_157 = vector.broadcast %slice3A_156 : vector<1x1024xbf16> to vector<128x1024xbf16>
    %mul3A_158 = arith.mulf %mul3A_157, %transpose3A_16 : vector<128x1024xbf16>
    %swap3A_159 = arith.constant 768 : index
    %swap3A_160 = arith.constant 0 : index
    %swap3A_161 = vector.load %arg11[%swap3A_159, %swap3A_160] : memref<2048x1024xbf16, #tpu.memory_space<vmem>>, vector<128x1024xbf16>
    tpu.vector_store %arg11[%swap3A_159, %swap3A_160], %mul3A_158 {strides = array<i32>} : memref<2048x1024xbf16, #tpu.memory_space<vmem>>, vector<128x1024xbf16>,
    %slice3A_162 = vector.extract_strided_slice %transpose3A {offsets = [23, 0], sizes = [1, 1024], strides = [1, 1]} : vector<128x1024xbf16> to vector<1x1024xbf16>
    %mul3A_163 = vector.broadcast %slice3A_162 : vector<1x1024xbf16> to vector<128x1024xbf16>
    %mul3A_164 = arith.mulf %mul3A_163, %transpose3A_16 : vector<128x1024xbf16>
    %swap3A_165 = arith.constant 896 : index
    %swap3A_166 = arith.constant 0 : index
    %swap3A_167 = vector.load %arg11[%swap3A_165, %swap3A_166] : memref<2048x1024xbf16, #tpu.memory_space<vmem>>, vector<128x1024xbf16>
    tpu.vector_store %arg11[%swap3A_165, %swap3A_166], %mul3A_164 {strides = array<i32>} : memref<2048x1024xbf16, #tpu.memory_space<vmem>>, vector<128x1024xbf16>,
    %slice3A_168 = vector.extract_strided_slice %transpose3A {offsets = [24, 0], sizes = [1, 1024], strides = [1, 1]} : vector<128x1024xbf16> to vector<1x1024xbf16>
    %mul3A_169 = vector.broadcast %slice3A_168 : vector<1x1024xbf16> to vector<128x1024xbf16>
    %mul3A_170 = arith.mulf %mul3A_169, %transpose3A_16 : vector<128x1024xbf16>
    %swap3A_171 = arith.constant 1024 : index
    %swap3A_172 = arith.constant 0 : index
    %swap3A_173 = vector.load %arg11[%swap3A_171, %swap3A_172] : memref<2048x1024xbf16, #tpu.memory_space<vmem>>, vector<128x1024xbf16>
    tpu.vector_store %arg11[%swap3A_171, %swap3A_172], %mul3A_170 {strides = array<i32>} : memref<2048x1024xbf16, #tpu.memory_space<vmem>>, vector<128x1024xbf16>,
    %slice3A_174 = vector.extract_strided_slice %transpose3A {offsets = [25, 0], sizes = [1, 1024], strides = [1, 1]} : vector<128x1024xbf16> to vector<1x1024xbf16>
    %mul3A_175 = vector.broadcast %slice3A_174 : vector<1x1024xbf16> to vector<128x1024xbf16>
    %mul3A_176 = arith.mulf %mul3A_175, %transpose3A_16 : vector<128x1024xbf16>
    %swap3A_177 = arith.constant 1152 : index
    %swap3A_178 = arith.constant 0 : index
    %swap3A_179 = vector.load %arg11[%swap3A_177, %swap3A_178] : memref<2048x1024xbf16, #tpu.memory_space<vmem>>, vector<128x1024xbf16>
    tpu.vector_store %arg11[%swap3A_177, %swap3A_178], %mul3A_176 {strides = array<i32>} : memref<2048x1024xbf16, #tpu.memory_space<vmem>>, vector<128x1024xbf16>,
    %slice3A_180 = vector.extract_strided_slice %transpose3A {offsets = [26, 0], sizes = [1, 1024], strides = [1, 1]} : vector<128x1024xbf16> to vector<1x1024xbf16>
    %mul3A_181 = vector.broadcast %slice3A_180 : vector<1x1024xbf16> to vector<128x1024xbf16>
    %mul3A_182 = arith.mulf %mul3A_181, %transpose3A_16 : vector<128x1024xbf16>
    %swap3A_183 = arith.constant 1280 : index
    %swap3A_184 = arith.constant 0 : index
    %swap3A_185 = vector.load %arg11[%swap3A_183, %swap3A_184] : memref<2048x1024xbf16, #tpu.memory_space<vmem>>, vector<128x1024xbf16>
    tpu.vector_store %arg11[%swap3A_183, %swap3A_184], %mul3A_182 {strides = array<i32>} : memref<2048x1024xbf16, #tpu.memory_space<vmem>>, vector<128x1024xbf16>,
    %slice3A_186 = vector.extract_strided_slice %transpose3A {offsets = [27, 0], sizes = [1, 1024], strides = [1, 1]} : vector<128x1024xbf16> to vector<1x1024xbf16>
    %mul3A_187 = vector.broadcast %slice3A_186 : vector<1x1024xbf16> to vector<128x1024xbf16>
    %mul3A_188 = arith.mulf %mul3A_187, %transpose3A_16 : vector<128x1024xbf16>
    %swap3A_189 = arith.constant 1408 : index
    %swap3A_190 = arith.constant 0 : index
    %swap3A_191 = vector.load %arg11[%swap3A_189, %swap3A_190] : memref<2048x1024xbf16, #tpu.memory_space<vmem>>, vector<128x1024xbf16>
    tpu.vector_store %arg11[%swap3A_189, %swap3A_190], %mul3A_188 {strides = array<i32>} : memref<2048x1024xbf16, #tpu.memory_space<vmem>>, vector<128x1024xbf16>,
    %slice3A_192 = vector.extract_strided_slice %transpose3A {offsets = [28, 0], sizes = [1, 1024], strides = [1, 1]} : vector<128x1024xbf16> to vector<1x1024xbf16>
    %mul3A_193 = vector.broadcast %slice3A_192 : vector<1x1024xbf16> to vector<128x1024xbf16>
    %mul3A_194 = arith.mulf %mul3A_193, %transpose3A_16 : vector<128x1024xbf16>
    %swap3A_195 = arith.constant 1536 : index
    %swap3A_196 = arith.constant 0 : index
    %swap3A_197 = vector.load %arg11[%swap3A_195, %swap3A_196] : memref<2048x1024xbf16, #tpu.memory_space<vmem>>, vector<128x1024xbf16>
    tpu.vector_store %arg11[%swap3A_195, %swap3A_196], %mul3A_194 {strides = array<i32>} : memref<2048x1024xbf16, #tpu.memory_space<vmem>>, vector<128x1024xbf16>,
    %slice3A_198 = vector.extract_strided_slice %transpose3A {offsets = [29, 0], sizes = [1, 1024], strides = [1, 1]} : vector<128x1024xbf16> to vector<1x1024xbf16>
    %mul3A_199 = vector.broadcast %slice3A_198 : vector<1x1024xbf16> to vector<128x1024xbf16>
    %mul3A_200 = arith.mulf %mul3A_199, %transpose3A_16 : vector<128x1024xbf16>
    %swap3A_201 = arith.constant 1664 : index
    %swap3A_202 = arith.constant 0 : index
    %swap3A_203 = vector.load %arg11[%swap3A_201, %swap3A_202] : memref<2048x1024xbf16, #tpu.memory_space<vmem>>, vector<128x1024xbf16>
    tpu.vector_store %arg11[%swap3A_201, %swap3A_202], %mul3A_200 {strides = array<i32>} : memref<2048x1024xbf16, #tpu.memory_space<vmem>>, vector<128x1024xbf16>,
    %slice3A_204 = vector.extract_strided_slice %transpose3A {offsets = [30, 0], sizes = [1, 1024], strides = [1, 1]} : vector<128x1024xbf16> to vector<1x1024xbf16>
    %mul3A_205 = vector.broadcast %slice3A_204 : vector<1x1024xbf16> to vector<128x1024xbf16>
    %mul3A_206 = arith.mulf %mul3A_205, %transpose3A_16 : vector<128x1024xbf16>
    %swap3A_207 = arith.constant 1792 : index
    %swap3A_208 = arith.constant 0 : index
    %swap3A_209 = vector.load %arg11[%swap3A_207, %swap3A_208] : memref<2048x1024xbf16, #tpu.memory_space<vmem>>, vector<128x1024xbf16>
    tpu.vector_store %arg11[%swap3A_207, %swap3A_208], %mul3A_206 {strides = array<i32>} : memref<2048x1024xbf16, #tpu.memory_space<vmem>>, vector<128x1024xbf16>,
    %slice3A_210 = vector.extract_strided_slice %transpose3A {offsets = [31, 0], sizes = [1, 1024], strides = [1, 1]} : vector<128x1024xbf16> to vector<1x1024xbf16>
    %mul3A_211 = vector.broadcast %slice3A_210 : vector<1x1024xbf16> to vector<128x1024xbf16>
    %mul3A_212 = arith.mulf %mul3A_211, %transpose3A_16 : vector<128x1024xbf16>
    %swap3A_213 = arith.constant 1920 : index
    %swap3A_214 = arith.constant 0 : index
    %swap3A_215 = vector.load %arg11[%swap3A_213, %swap3A_214] : memref<2048x1024xbf16, #tpu.memory_space<vmem>>, vector<128x1024xbf16>
    tpu.vector_store %arg11[%swap3A_213, %swap3A_214], %mul3A_212 {strides = array<i32>} : memref<2048x1024xbf16, #tpu.memory_space<vmem>>, vector<128x1024xbf16>,
    %get3A_216 = arith.constant 0 : index
    %get3A_217 = arith.constant 2048 : index
    %get3A_218 = vector.load %arg6[%get3A_216, %get3A_217] : memref<128x16384xbf16, #tpu.memory_space<vmem>>, vector<128x2048xbf16>
    %get3A_219 = arith.constant 0 : index
    %get3A_220 = arith.constant 0 : index
    %get3A_221 = vector.load %arg11[%get3A_219, %get3A_220] : memref<2048x1024xbf16, #tpu.memory_space<vmem>>, vector<2048x1024xbf16>
    %dot_general3A_222 = arith.constant dense<0.000000e+00> : vector<128x1024xf32>
    %dot_general3A_223 = tpu.matmul %get3A_218, %get3A_221, %dot_general3A_222 {dimension_numbers = #tpu.dot_dimension_numbers<[1], [0], [0], [1], [0, 0, 1, 1], [], []>, transpose_lhs_hint = false} : vector<128x2048xbf16>, vector<2048x1024xbf16>, vector<128x1024xf32> -> vector<128x1024xf32>
    %add3A_224 = arith.addf %add3A_119, %dot_general3A_223 : vector<128x1024xf32>
    %slice3A_225 = vector.extract_strided_slice %transpose3A {offsets = [32, 0], sizes = [1, 1024], strides = [1, 1]} : vector<128x1024xbf16> to vector<1x1024xbf16>
    %mul3A_226 = vector.broadcast %slice3A_225 : vector<1x1024xbf16> to vector<128x1024xbf16>
    %mul3A_227 = arith.mulf %mul3A_226, %transpose3A_16 : vector<128x1024xbf16>
    %swap3A_228 = arith.constant 0 : index
    %swap3A_229 = arith.constant 0 : index
    %swap3A_230 = vector.load %arg10[%swap3A_228, %swap3A_229] : memref<2048x1024xbf16, #tpu.memory_space<vmem>>, vector<128x1024xbf16>
    tpu.vector_store %arg10[%swap3A_228, %swap3A_229], %mul3A_227 {strides = array<i32>} : memref<2048x1024xbf16, #tpu.memory_space<vmem>>, vector<128x1024xbf16>,
    %slice3A_231 = vector.extract_strided_slice %transpose3A {offsets = [33, 0], sizes = [1, 1024], strides = [1, 1]} : vector<128x1024xbf16> to vector<1x1024xbf16>
    %mul3A_232 = vector.broadcast %slice3A_231 : vector<1x1024xbf16> to vector<128x1024xbf16>
    %mul3A_233 = arith.mulf %mul3A_232, %transpose3A_16 : vector<128x1024xbf16>
    %swap3A_234 = arith.constant 128 : index
    %swap3A_235 = arith.constant 0 : index
    %swap3A_236 = vector.load %arg10[%swap3A_234, %swap3A_235] : memref<2048x1024xbf16, #tpu.memory_space<vmem>>, vector<128x1024xbf16>
    tpu.vector_store %arg10[%swap3A_234, %swap3A_235], %mul3A_233 {strides = array<i32>} : memref<2048x1024xbf16, #tpu.memory_space<vmem>>, vector<128x1024xbf16>,
    %slice3A_237 = vector.extract_strided_slice %transpose3A {offsets = [34, 0], sizes = [1, 1024], strides = [1, 1]} : vector<128x1024xbf16> to vector<1x1024xbf16>
    %mul3A_238 = vector.broadcast %slice3A_237 : vector<1x1024xbf16> to vector<128x1024xbf16>
    %mul3A_239 = arith.mulf %mul3A_238, %transpose3A_16 : vector<128x1024xbf16>
    %swap3A_240 = arith.constant 256 : index
    %swap3A_241 = arith.constant 0 : index
    %swap3A_242 = vector.load %arg10[%swap3A_240, %swap3A_241] : memref<2048x1024xbf16, #tpu.memory_space<vmem>>, vector<128x1024xbf16>
    tpu.vector_store %arg10[%swap3A_240, %swap3A_241], %mul3A_239 {strides = array<i32>} : memref<2048x1024xbf16, #tpu.memory_space<vmem>>, vector<128x1024xbf16>,
    %slice3A_243 = vector.extract_strided_slice %transpose3A {offsets = [35, 0], sizes = [1, 1024], strides = [1, 1]} : vector<128x1024xbf16> to vector<1x1024xbf16>
    %mul3A_244 = vector.broadcast %slice3A_243 : vector<1x1024xbf16> to vector<128x1024xbf16>
    %mul3A_245 = arith.mulf %mul3A_244, %transpose3A_16 : vector<128x1024xbf16>
    %swap3A_246 = arith.constant 384 : index
    %swap3A_247 = arith.constant 0 : index
    %swap3A_248 = vector.load %arg10[%swap3A_246, %swap3A_247] : memref<2048x1024xbf16, #tpu.memory_space<vmem>>, vector<128x1024xbf16>
    tpu.vector_store %arg10[%swap3A_246, %swap3A_247], %mul3A_245 {strides = array<i32>} : memref<2048x1024xbf16, #tpu.memory_space<vmem>>, vector<128x1024xbf16>,
    %slice3A_249 = vector.extract_strided_slice %transpose3A {offsets = [36, 0], sizes = [1, 1024], strides = [1, 1]} : vector<128x1024xbf16> to vector<1x1024xbf16>
    %mul3A_250 = vector.broadcast %slice3A_249 : vector<1x1024xbf16> to vector<128x1024xbf16>
    %mul3A_251 = arith.mulf %mul3A_250, %transpose3A_16 : vector<128x1024xbf16>
    %swap3A_252 = arith.constant 512 : index
    %swap3A_253 = arith.constant 0 : index
    %swap3A_254 = vector.load %arg10[%swap3A_252, %swap3A_253] : memref<2048x1024xbf16, #tpu.memory_space<vmem>>, vector<128x1024xbf16>
    tpu.vector_store %arg10[%swap3A_252, %swap3A_253], %mul3A_251 {strides = array<i32>} : memref<2048x1024xbf16, #tpu.memory_space<vmem>>, vector<128x1024xbf16>,
    %slice3A_255 = vector.extract_strided_slice %transpose3A {offsets = [37, 0], sizes = [1, 1024], strides = [1, 1]} : vector<128x1024xbf16> to vector<1x1024xbf16>
    %mul3A_256 = vector.broadcast %slice3A_255 : vector<1x1024xbf16> to vector<128x1024xbf16>
    %mul3A_257 = arith.mulf %mul3A_256, %transpose3A_16 : vector<128x1024xbf16>
    %swap3A_258 = arith.constant 640 : index
    %swap3A_259 = arith.constant 0 : index
    %swap3A_260 = vector.load %arg10[%swap3A_258, %swap3A_259] : memref<2048x1024xbf16, #tpu.memory_space<vmem>>, vector<128x1024xbf16>
    tpu.vector_store %arg10[%swap3A_258, %swap3A_259], %mul3A_257 {strides = array<i32>} : memref<2048x1024xbf16, #tpu.memory_space<vmem>>, vector<128x1024xbf16>,
    %slice3A_261 = vector.extract_strided_slice %transpose3A {offsets = [38, 0], sizes = [1, 1024], strides = [1, 1]} : vector<128x1024xbf16> to vector<1x1024xbf16>
    %mul3A_262 = vector.broadcast %slice3A_261 : vector<1x1024xbf16> to vector<128x1024xbf16>
    %mul3A_263 = arith.mulf %mul3A_262, %transpose3A_16 : vector<128x1024xbf16>
    %swap3A_264 = arith.constant 768 : index
    %swap3A_265 = arith.constant 0 : index
    %swap3A_266 = vector.load %arg10[%swap3A_264, %swap3A_265] : memref<2048x1024xbf16, #tpu.memory_space<vmem>>, vector<128x1024xbf16>
    tpu.vector_store %arg10[%swap3A_264, %swap3A_265], %mul3A_263 {strides = array<i32>} : memref<2048x1024xbf16, #tpu.memory_space<vmem>>, vector<128x1024xbf16>,
    %slice3A_267 = vector.extract_strided_slice %transpose3A {offsets = [39, 0], sizes = [1, 1024], strides = [1, 1]} : vector<128x1024xbf16> to vector<1x1024xbf16>
    %mul3A_268 = vector.broadcast %slice3A_267 : vector<1x1024xbf16> to vector<128x1024xbf16>
    %mul3A_269 = arith.mulf %mul3A_268, %transpose3A_16 : vector<128x1024xbf16>
    %swap3A_270 = arith.constant 896 : index
    %swap3A_271 = arith.constant 0 : index
    %swap3A_272 = vector.load %arg10[%swap3A_270, %swap3A_271] : memref<2048x1024xbf16, #tpu.memory_space<vmem>>, vector<128x1024xbf16>
    tpu.vector_store %arg10[%swap3A_270, %swap3A_271], %mul3A_269 {strides = array<i32>} : memref<2048x1024xbf16, #tpu.memory_space<vmem>>, vector<128x1024xbf16>,
    %slice3A_273 = vector.extract_strided_slice %transpose3A {offsets = [40, 0], sizes = [1, 1024], strides = [1, 1]} : vector<128x1024xbf16> to vector<1x1024xbf16>
    %mul3A_274 = vector.broadcast %slice3A_273 : vector<1x1024xbf16> to vector<128x1024xbf16>
    %mul3A_275 = arith.mulf %mul3A_274, %transpose3A_16 : vector<128x1024xbf16>
    %swap3A_276 = arith.constant 1024 : index
    %swap3A_277 = arith.constant 0 : index
    %swap3A_278 = vector.load %arg10[%swap3A_276, %swap3A_277] : memref<2048x1024xbf16, #tpu.memory_space<vmem>>, vector<128x1024xbf16>
    tpu.vector_store %arg10[%swap3A_276, %swap3A_277], %mul3A_275 {strides = array<i32>} : memref<2048x1024xbf16, #tpu.memory_space<vmem>>, vector<128x1024xbf16>,
    %slice3A_279 = vector.extract_strided_slice %transpose3A {offsets = [41, 0], sizes = [1, 1024], strides = [1, 1]} : vector<128x1024xbf16> to vector<1x1024xbf16>
    %mul3A_280 = vector.broadcast %slice3A_279 : vector<1x1024xbf16> to vector<128x1024xbf16>
    %mul3A_281 = arith.mulf %mul3A_280, %transpose3A_16 : vector<128x1024xbf16>
    %swap3A_282 = arith.constant 1152 : index
    %swap3A_283 = arith.constant 0 : index
    %swap3A_284 = vector.load %arg10[%swap3A_282, %swap3A_283] : memref<2048x1024xbf16, #tpu.memory_space<vmem>>, vector<128x1024xbf16>
    tpu.vector_store %arg10[%swap3A_282, %swap3A_283], %mul3A_281 {strides = array<i32>} : memref<2048x1024xbf16, #tpu.memory_space<vmem>>, vector<128x1024xbf16>,
    %slice3A_285 = vector.extract_strided_slice %transpose3A {offsets = [42, 0], sizes = [1, 1024], strides = [1, 1]} : vector<128x1024xbf16> to vector<1x1024xbf16>
    %mul3A_286 = vector.broadcast %slice3A_285 : vector<1x1024xbf16> to vector<128x1024xbf16>
    %mul3A_287 = arith.mulf %mul3A_286, %transpose3A_16 : vector<128x1024xbf16>
    %swap3A_288 = arith.constant 1280 : index
    %swap3A_289 = arith.constant 0 : index
    %swap3A_290 = vector.load %arg10[%swap3A_288, %swap3A_289] : memref<2048x1024xbf16, #tpu.memory_space<vmem>>, vector<128x1024xbf16>
    tpu.vector_store %arg10[%swap3A_288, %swap3A_289], %mul3A_287 {strides = array<i32>} : memref<2048x1024xbf16, #tpu.memory_space<vmem>>, vector<128x1024xbf16>,
    %slice3A_291 = vector.extract_strided_slice %transpose3A {offsets = [43, 0], sizes = [1, 1024], strides = [1, 1]} : vector<128x1024xbf16> to vector<1x1024xbf16>
    %mul3A_292 = vector.broadcast %slice3A_291 : vector<1x1024xbf16> to vector<128x1024xbf16>
    %mul3A_293 = arith.mulf %mul3A_292, %transpose3A_16 : vector<128x1024xbf16>
    %swap3A_294 = arith.constant 1408 : index
    %swap3A_295 = arith.constant 0 : index
    %swap3A_296 = vector.load %arg10[%swap3A_294, %swap3A_295] : memref<2048x1024xbf16, #tpu.memory_space<vmem>>, vector<128x1024xbf16>
    tpu.vector_store %arg10[%swap3A_294, %swap3A_295], %mul3A_293 {strides = array<i32>} : memref<2048x1024xbf16, #tpu.memory_space<vmem>>, vector<128x1024xbf16>,
    %slice3A_297 = vector.extract_strided_slice %transpose3A {offsets = [44, 0], sizes = [1, 1024], strides = [1, 1]} : vector<128x1024xbf16> to vector<1x1024xbf16>
    %mul3A_298 = vector.broadcast %slice3A_297 : vector<1x1024xbf16> to vector<128x1024xbf16>
    %mul3A_299 = arith.mulf %mul3A_298, %transpose3A_16 : vector<128x1024xbf16>
    %swap3A_300 = arith.constant 1536 : index
    %swap3A_301 = arith.constant 0 : index
    %swap3A_302 = vector.load %arg10[%swap3A_300, %swap3A_301] : memref<2048x1024xbf16, #tpu.memory_space<vmem>>, vector<128x1024xbf16>
    tpu.vector_store %arg10[%swap3A_300, %swap3A_301], %mul3A_299 {strides = array<i32>} : memref<2048x1024xbf16, #tpu.memory_space<vmem>>, vector<128x1024xbf16>,
    %slice3A_303 = vector.extract_strided_slice %transpose3A {offsets = [45, 0], sizes = [1, 1024], strides = [1, 1]} : vector<128x1024xbf16> to vector<1x1024xbf16>
    %mul3A_304 = vector.broadcast %slice3A_303 : vector<1x1024xbf16> to vector<128x1024xbf16>
    %mul3A_305 = arith.mulf %mul3A_304, %transpose3A_16 : vector<128x1024xbf16>
    %swap3A_306 = arith.constant 1664 : index
    %swap3A_307 = arith.constant 0 : index
    %swap3A_308 = vector.load %arg10[%swap3A_306, %swap3A_307] : memref<2048x1024xbf16, #tpu.memory_space<vmem>>, vector<128x1024xbf16>
    tpu.vector_store %arg10[%swap3A_306, %swap3A_307], %mul3A_305 {strides = array<i32>} : memref<2048x1024xbf16, #tpu.memory_space<vmem>>, vector<128x1024xbf16>,
    %slice3A_309 = vector.extract_strided_slice %transpose3A {offsets = [46, 0], sizes = [1, 1024], strides = [1, 1]} : vector<128x1024xbf16> to vector<1x1024xbf16>
    %mul3A_310 = vector.broadcast %slice3A_309 : vector<1x1024xbf16> to vector<128x1024xbf16>
    %mul3A_311 = arith.mulf %mul3A_310, %transpose3A_16 : vector<128x1024xbf16>
    %swap3A_312 = arith.constant 1792 : index
    %swap3A_313 = arith.constant 0 : index
    %swap3A_314 = vector.load %arg10[%swap3A_312, %swap3A_313] : memref<2048x1024xbf16, #tpu.memory_space<vmem>>, vector<128x1024xbf16>
    tpu.vector_store %arg10[%swap3A_312, %swap3A_313], %mul3A_311 {strides = array<i32>} : memref<2048x1024xbf16, #tpu.memory_space<vmem>>, vector<128x1024xbf16>,
    %slice3A_315 = vector.extract_strided_slice %transpose3A {offsets = [47, 0], sizes = [1, 1024], strides = [1, 1]} : vector<128x1024xbf16> to vector<1x1024xbf16>
    %mul3A_316 = vector.broadcast %slice3A_315 : vector<1x1024xbf16> to vector<128x1024xbf16>
    %mul3A_317 = arith.mulf %mul3A_316, %transpose3A_16 : vector<128x1024xbf16>
    %swap3A_318 = arith.constant 1920 : index
    %swap3A_319 = arith.constant 0 : index
    %swap3A_320 = vector.load %arg10[%swap3A_318, %swap3A_319] : memref<2048x1024xbf16, #tpu.memory_space<vmem>>, vector<128x1024xbf16>
    tpu.vector_store %arg10[%swap3A_318, %swap3A_319], %mul3A_317 {strides = array<i32>} : memref<2048x1024xbf16, #tpu.memory_space<vmem>>, vector<128x1024xbf16>,
    %get3A_321 = arith.constant 0 : index
    %get3A_322 = arith.constant 4096 : index
    %get3A_323 = vector.load %arg6[%get3A_321, %get3A_322] : memref<128x16384xbf16, #tpu.memory_space<vmem>>, vector<128x2048xbf16>
    %get3A_324 = arith.constant 0 : index
    %get3A_325 = arith.constant 0 : index
    %get3A_326 = vector.load %arg10[%get3A_324, %get3A_325] : memref<2048x1024xbf16, #tpu.memory_space<vmem>>, vector<2048x1024xbf16>
    %dot_general3A_327 = arith.constant dense<0.000000e+00> : vector<128x1024xf32>
    %dot_general3A_328 = tpu.matmul %get3A_323, %get3A_326, %dot_general3A_327 {dimension_numbers = #tpu.dot_dimension_numbers<[1], [0], [0], [1], [0, 0, 1, 1], [], []>, transpose_lhs_hint = false} : vector<128x2048xbf16>, vector<2048x1024xbf16>, vector<128x1024xf32> -> vector<128x1024xf32>
    %add3A_329 = arith.addf %add3A_224, %dot_general3A_328 : vector<128x1024xf32>
    %slice3A_330 = vector.extract_strided_slice %transpose3A {offsets = [48, 0], sizes = [1, 1024], strides = [1, 1]} : vector<128x1024xbf16> to vector<1x1024xbf16>
    %mul3A_331 = vector.broadcast %slice3A_330 : vector<1x1024xbf16> to vector<128x1024xbf16>
    %mul3A_332 = arith.mulf %mul3A_331, %transpose3A_16 : vector<128x1024xbf16>
    %swap3A_333 = arith.constant 0 : index
    %swap3A_334 = arith.constant 0 : index
    %swap3A_335 = vector.load %arg11[%swap3A_333, %swap3A_334] : memref<2048x1024xbf16, #tpu.memory_space<vmem>>, vector<128x1024xbf16>
    tpu.vector_store %arg11[%swap3A_333, %swap3A_334], %mul3A_332 {strides = array<i32>} : memref<2048x1024xbf16, #tpu.memory_space<vmem>>, vector<128x1024xbf16>,
    %slice3A_336 = vector.extract_strided_slice %transpose3A {offsets = [49, 0], sizes = [1, 1024], strides = [1, 1]} : vector<128x1024xbf16> to vector<1x1024xbf16>
    %mul3A_337 = vector.broadcast %slice3A_336 : vector<1x1024xbf16> to vector<128x1024xbf16>
    %mul3A_338 = arith.mulf %mul3A_337, %transpose3A_16 : vector<128x1024xbf16>
    %swap3A_339 = arith.constant 128 : index
    %swap3A_340 = arith.constant 0 : index
    %swap3A_341 = vector.load %arg11[%swap3A_339, %swap3A_340] : memref<2048x1024xbf16, #tpu.memory_space<vmem>>, vector<128x1024xbf16>
    tpu.vector_store %arg11[%swap3A_339, %swap3A_340], %mul3A_338 {strides = array<i32>} : memref<2048x1024xbf16, #tpu.memory_space<vmem>>, vector<128x1024xbf16>,
    %slice3A_342 = vector.extract_strided_slice %transpose3A {offsets = [50, 0], sizes = [1, 1024], strides = [1, 1]} : vector<128x1024xbf16> to vector<1x1024xbf16>
    %mul3A_343 = vector.broadcast %slice3A_342 : vector<1x1024xbf16> to vector<128x1024xbf16>
    %mul3A_344 = arith.mulf %mul3A_343, %transpose3A_16 : vector<128x1024xbf16>
    %swap3A_345 = arith.constant 256 : index
    %swap3A_346 = arith.constant 0 : index
    %swap3A_347 = vector.load %arg11[%swap3A_345, %swap3A_346] : memref<2048x1024xbf16, #tpu.memory_space<vmem>>, vector<128x1024xbf16>
    tpu.vector_store %arg11[%swap3A_345, %swap3A_346], %mul3A_344 {strides = array<i32>} : memref<2048x1024xbf16, #tpu.memory_space<vmem>>, vector<128x1024xbf16>,
    %slice3A_348 = vector.extract_strided_slice %transpose3A {offsets = [51, 0], sizes = [1, 1024], strides = [1, 1]} : vector<128x1024xbf16> to vector<1x1024xbf16>
    %mul3A_349 = vector.broadcast %slice3A_348 : vector<1x1024xbf16> to vector<128x1024xbf16>
    %mul3A_350 = arith.mulf %mul3A_349, %transpose3A_16 : vector<128x1024xbf16>
    %swap3A_351 = arith.constant 384 : index
    %swap3A_352 = arith.constant 0 : index
    %swap3A_353 = vector.load %arg11[%swap3A_351, %swap3A_352] : memref<2048x1024xbf16, #tpu.memory_space<vmem>>, vector<128x1024xbf16>
    tpu.vector_store %arg11[%swap3A_351, %swap3A_352], %mul3A_350 {strides = array<i32>} : memref<2048x1024xbf16, #tpu.memory_space<vmem>>, vector<128x1024xbf16>,
    %slice3A_354 = vector.extract_strided_slice %transpose3A {offsets = [52, 0], sizes = [1, 1024], strides = [1, 1]} : vector<128x1024xbf16> to vector<1x1024xbf16>
    %mul3A_355 = vector.broadcast %slice3A_354 : vector<1x1024xbf16> to vector<128x1024xbf16>
    %mul3A_356 = arith.mulf %mul3A_355, %transpose3A_16 : vector<128x1024xbf16>
    %swap3A_357 = arith.constant 512 : index
    %swap3A_358 = arith.constant 0 : index
    %swap3A_359 = vector.load %arg11[%swap3A_357, %swap3A_358] : memref<2048x1024xbf16, #tpu.memory_space<vmem>>, vector<128x1024xbf16>
    tpu.vector_store %arg11[%swap3A_357, %swap3A_358], %mul3A_356 {strides = array<i32>} : memref<2048x1024xbf16, #tpu.memory_space<vmem>>, vector<128x1024xbf16>,
    %slice3A_360 = vector.extract_strided_slice %transpose3A {offsets = [53, 0], sizes = [1, 1024], strides = [1, 1]} : vector<128x1024xbf16> to vector<1x1024xbf16>
    %mul3A_361 = vector.broadcast %slice3A_360 : vector<1x1024xbf16> to vector<128x1024xbf16>
    %mul3A_362 = arith.mulf %mul3A_361, %transpose3A_16 : vector<128x1024xbf16>
    %swap3A_363 = arith.constant 640 : index
    %swap3A_364 = arith.constant 0 : index
    %swap3A_365 = vector.load %arg11[%swap3A_363, %swap3A_364] : memref<2048x1024xbf16, #tpu.memory_space<vmem>>, vector<128x1024xbf16>
    tpu.vector_store %arg11[%swap3A_363, %swap3A_364], %mul3A_362 {strides = array<i32>} : memref<2048x1024xbf16, #tpu.memory_space<vmem>>, vector<128x1024xbf16>,
    %slice3A_366 = vector.extract_strided_slice %transpose3A {offsets = [54, 0], sizes = [1, 1024], strides = [1, 1]} : vector<128x1024xbf16> to vector<1x1024xbf16>
    %mul3A_367 = vector.broadcast %slice3A_366 : vector<1x1024xbf16> to vector<128x1024xbf16>
    %mul3A_368 = arith.mulf %mul3A_367, %transpose3A_16 : vector<128x1024xbf16>
    %swap3A_369 = arith.constant 768 : index
    %swap3A_370 = arith.constant 0 : index
    %swap3A_371 = vector.load %arg11[%swap3A_369, %swap3A_370] : memref<2048x1024xbf16, #tpu.memory_space<vmem>>, vector<128x1024xbf16>
    tpu.vector_store %arg11[%swap3A_369, %swap3A_370], %mul3A_368 {strides = array<i32>} : memref<2048x1024xbf16, #tpu.memory_space<vmem>>, vector<128x1024xbf16>,
    %slice3A_372 = vector.extract_strided_slice %transpose3A {offsets = [55, 0], sizes = [1, 1024], strides = [1, 1]} : vector<128x1024xbf16> to vector<1x1024xbf16>
    %mul3A_373 = vector.broadcast %slice3A_372 : vector<1x1024xbf16> to vector<128x1024xbf16>
    %mul3A_374 = arith.mulf %mul3A_373, %transpose3A_16 : vector<128x1024xbf16>
    %swap3A_375 = arith.constant 896 : index
    %swap3A_376 = arith.constant 0 : index
    %swap3A_377 = vector.load %arg11[%swap3A_375, %swap3A_376] : memref<2048x1024xbf16, #tpu.memory_space<vmem>>, vector<128x1024xbf16>
    tpu.vector_store %arg11[%swap3A_375, %swap3A_376], %mul3A_374 {strides = array<i32>} : memref<2048x1024xbf16, #tpu.memory_space<vmem>>, vector<128x1024xbf16>,
    %slice3A_378 = vector.extract_strided_slice %transpose3A {offsets = [56, 0], sizes = [1, 1024], strides = [1, 1]} : vector<128x1024xbf16> to vector<1x1024xbf16>
    %mul3A_379 = vector.broadcast %slice3A_378 : vector<1x1024xbf16> to vector<128x1024xbf16>
    %mul3A_380 = arith.mulf %mul3A_379, %transpose3A_16 : vector<128x1024xbf16>
    %swap3A_381 = arith.constant 1024 : index
    %swap3A_382 = arith.constant 0 : index
    %swap3A_383 = vector.load %arg11[%swap3A_381, %swap3A_382] : memref<2048x1024xbf16, #tpu.memory_space<vmem>>, vector<128x1024xbf16>
    tpu.vector_store %arg11[%swap3A_381, %swap3A_382], %mul3A_380 {strides = array<i32>} : memref<2048x1024xbf16, #tpu.memory_space<vmem>>, vector<128x1024xbf16>,
    %slice3A_384 = vector.extract_strided_slice %transpose3A {offsets = [57, 0], sizes = [1, 1024], strides = [1, 1]} : vector<128x1024xbf16> to vector<1x1024xbf16>
    %mul3A_385 = vector.broadcast %slice3A_384 : vector<1x1024xbf16> to vector<128x1024xbf16>
    %mul3A_386 = arith.mulf %mul3A_385, %transpose3A_16 : vector<128x1024xbf16>
    %swap3A_387 = arith.constant 1152 : index
    %swap3A_388 = arith.constant 0 : index
    %swap3A_389 = vector.load %arg11[%swap3A_387, %swap3A_388] : memref<2048x1024xbf16, #tpu.memory_space<vmem>>, vector<128x1024xbf16>
    tpu.vector_store %arg11[%swap3A_387, %swap3A_388], %mul3A_386 {strides = array<i32>} : memref<2048x1024xbf16, #tpu.memory_space<vmem>>, vector<128x1024xbf16>,
    %slice3A_390 = vector.extract_strided_slice %transpose3A {offsets = [58, 0], sizes = [1, 1024], strides = [1, 1]} : vector<128x1024xbf16> to vector<1x1024xbf16>
    %mul3A_391 = vector.broadcast %slice3A_390 : vector<1x1024xbf16> to vector<128x1024xbf16>
    %mul3A_392 = arith.mulf %mul3A_391, %transpose3A_16 : vector<128x1024xbf16>
    %swap3A_393 = arith.constant 1280 : index
    %swap3A_394 = arith.constant 0 : index
    %swap3A_395 = vector.load %arg11[%swap3A_393, %swap3A_394] : memref<2048x1024xbf16, #tpu.memory_space<vmem>>, vector<128x1024xbf16>
    tpu.vector_store %arg11[%swap3A_393, %swap3A_394], %mul3A_392 {strides = array<i32>} : memref<2048x1024xbf16, #tpu.memory_space<vmem>>, vector<128x1024xbf16>,
    %slice3A_396 = vector.extract_strided_slice %transpose3A {offsets = [59, 0], sizes = [1, 1024], strides = [1, 1]} : vector<128x1024xbf16> to vector<1x1024xbf16>
    %mul3A_397 = vector.broadcast %slice3A_396 : vector<1x1024xbf16> to vector<128x1024xbf16>
    %mul3A_398 = arith.mulf %mul3A_397, %transpose3A_16 : vector<128x1024xbf16>
    %swap3A_399 = arith.constant 1408 : index
    %swap3A_400 = arith.constant 0 : index
    %swap3A_401 = vector.load %arg11[%swap3A_399, %swap3A_400] : memref<2048x1024xbf16, #tpu.memory_space<vmem>>, vector<128x1024xbf16>
    tpu.vector_store %arg11[%swap3A_399, %swap3A_400], %mul3A_398 {strides = array<i32>} : memref<2048x1024xbf16, #tpu.memory_space<vmem>>, vector<128x1024xbf16>,
    %slice3A_402 = vector.extract_strided_slice %transpose3A {offsets = [60, 0], sizes = [1, 1024], strides = [1, 1]} : vector<128x1024xbf16> to vector<1x1024xbf16>
    %mul3A_403 = vector.broadcast %slice3A_402 : vector<1x1024xbf16> to vector<128x1024xbf16>
    %mul3A_404 = arith.mulf %mul3A_403, %transpose3A_16 : vector<128x1024xbf16>
    %swap3A_405 = arith.constant 1536 : index
    %swap3A_406 = arith.constant 0 : index
    %swap3A_407 = vector.load %arg11[%swap3A_405, %swap3A_406] : memref<2048x1024xbf16, #tpu.memory_space<vmem>>, vector<128x1024xbf16>
    tpu.vector_store %arg11[%swap3A_405, %swap3A_406], %mul3A_404 {strides = array<i32>} : memref<2048x1024xbf16, #tpu.memory_space<vmem>>, vector<128x1024xbf16>,
    %slice3A_408 = vector.extract_strided_slice %transpose3A {offsets = [61, 0], sizes = [1, 1024], strides = [1, 1]} : vector<128x1024xbf16> to vector<1x1024xbf16>
    %mul3A_409 = vector.broadcast %slice3A_408 : vector<1x1024xbf16> to vector<128x1024xbf16>
    %mul3A_410 = arith.mulf %mul3A_409, %transpose3A_16 : vector<128x1024xbf16>
    %swap3A_411 = arith.constant 1664 : index
    %swap3A_412 = arith.constant 0 : index
    %swap3A_413 = vector.load %arg11[%swap3A_411, %swap3A_412] : memref<2048x1024xbf16, #tpu.memory_space<vmem>>, vector<128x1024xbf16>
    tpu.vector_store %arg11[%swap3A_411, %swap3A_412], %mul3A_410 {strides = array<i32>} : memref<2048x1024xbf16, #tpu.memory_space<vmem>>, vector<128x1024xbf16>,
    %slice3A_414 = vector.extract_strided_slice %transpose3A {offsets = [62, 0], sizes = [1, 1024], strides = [1, 1]} : vector<128x1024xbf16> to vector<1x1024xbf16>
    %mul3A_415 = vector.broadcast %slice3A_414 : vector<1x1024xbf16> to vector<128x1024xbf16>
    %mul3A_416 = arith.mulf %mul3A_415, %transpose3A_16 : vector<128x1024xbf16>
    %swap3A_417 = arith.constant 1792 : index
    %swap3A_418 = arith.constant 0 : index
    %swap3A_419 = vector.load %arg11[%swap3A_417, %swap3A_418] : memref<2048x1024xbf16, #tpu.memory_space<vmem>>, vector<128x1024xbf16>
    tpu.vector_store %arg11[%swap3A_417, %swap3A_418], %mul3A_416 {strides = array<i32>} : memref<2048x1024xbf16, #tpu.memory_space<vmem>>, vector<128x1024xbf16>,
    %slice3A_420 = vector.extract_strided_slice %transpose3A {offsets = [63, 0], sizes = [1, 1024], strides = [1, 1]} : vector<128x1024xbf16> to vector<1x1024xbf16>
    %mul3A_421 = vector.broadcast %slice3A_420 : vector<1x1024xbf16> to vector<128x1024xbf16>
    %mul3A_422 = arith.mulf %mul3A_421, %transpose3A_16 : vector<128x1024xbf16>
    %swap3A_423 = arith.constant 1920 : index
    %swap3A_424 = arith.constant 0 : index
    %swap3A_425 = vector.load %arg11[%swap3A_423, %swap3A_424] : memref<2048x1024xbf16, #tpu.memory_space<vmem>>, vector<128x1024xbf16>
    tpu.vector_store %arg11[%swap3A_423, %swap3A_424], %mul3A_422 {strides = array<i32>} : memref<2048x1024xbf16, #tpu.memory_space<vmem>>, vector<128x1024xbf16>,
    %get3A_426 = arith.constant 0 : index
    %get3A_427 = arith.constant 6144 : index
    %get3A_428 = vector.load %arg6[%get3A_426, %get3A_427] : memref<128x16384xbf16, #tpu.memory_space<vmem>>, vector<128x2048xbf16>
    %get3A_429 = arith.constant 0 : index
    %get3A_430 = arith.constant 0 : index
    %get3A_431 = vector.load %arg11[%get3A_429, %get3A_430] : memref<2048x1024xbf16, #tpu.memory_space<vmem>>, vector<2048x1024xbf16>
    %dot_general3A_432 = arith.constant dense<0.000000e+00> : vector<128x1024xf32>
    %dot_general3A_433 = tpu.matmul %get3A_428, %get3A_431, %dot_general3A_432 {dimension_numbers = #tpu.dot_dimension_numbers<[1], [0], [0], [1], [0, 0, 1, 1], [], []>, transpose_lhs_hint = false} : vector<128x2048xbf16>, vector<2048x1024xbf16>, vector<128x1024xf32> -> vector<128x1024xf32>
    %add3A_434 = arith.addf %add3A_329, %dot_general3A_433 : vector<128x1024xf32>
    %slice3A_435 = vector.extract_strided_slice %transpose3A {offsets = [64, 0], sizes = [1, 1024], strides = [1, 1]} : vector<128x1024xbf16> to vector<1x1024xbf16>
    %mul3A_436 = vector.broadcast %slice3A_435 : vector<1x1024xbf16> to vector<128x1024xbf16>
    %mul3A_437 = arith.mulf %mul3A_436, %transpose3A_16 : vector<128x1024xbf16>
    %swap3A_438 = arith.constant 0 : index
    %swap3A_439 = arith.constant 0 : index
    %swap3A_440 = vector.load %arg10[%swap3A_438, %swap3A_439] : memref<2048x1024xbf16, #tpu.memory_space<vmem>>, vector<128x1024xbf16>
    tpu.vector_store %arg10[%swap3A_438, %swap3A_439], %mul3A_437 {strides = array<i32>} : memref<2048x1024xbf16, #tpu.memory_space<vmem>>, vector<128x1024xbf16>,
    %slice3A_441 = vector.extract_strided_slice %transpose3A {offsets = [65, 0], sizes = [1, 1024], strides = [1, 1]} : vector<128x1024xbf16> to vector<1x1024xbf16>
    %mul3A_442 = vector.broadcast %slice3A_441 : vector<1x1024xbf16> to vector<128x1024xbf16>
    %mul3A_443 = arith.mulf %mul3A_442, %transpose3A_16 : vector<128x1024xbf16>
    %swap3A_444 = arith.constant 128 : index
    %swap3A_445 = arith.constant 0 : index
    %swap3A_446 = vector.load %arg10[%swap3A_444, %swap3A_445] : memref<2048x1024xbf16, #tpu.memory_space<vmem>>, vector<128x1024xbf16>
    tpu.vector_store %arg10[%swap3A_444, %swap3A_445], %mul3A_443 {strides = array<i32>} : memref<2048x1024xbf16, #tpu.memory_space<vmem>>, vector<128x1024xbf16>,
    %slice3A_447 = vector.extract_strided_slice %transpose3A {offsets = [66, 0], sizes = [1, 1024], strides = [1, 1]} : vector<128x1024xbf16> to vector<1x1024xbf16>
    %mul3A_448 = vector.broadcast %slice3A_447 : vector<1x1024xbf16> to vector<128x1024xbf16>
    %mul3A_449 = arith.mulf %mul3A_448, %transpose3A_16 : vector<128x1024xbf16>
    %swap3A_450 = arith.constant 256 : index
    %swap3A_451 = arith.constant 0 : index
    %swap3A_452 = vector.load %arg10[%swap3A_450, %swap3A_451] : memref<2048x1024xbf16, #tpu.memory_space<vmem>>, vector<128x1024xbf16>
    tpu.vector_store %arg10[%swap3A_450, %swap3A_451], %mul3A_449 {strides = array<i32>} : memref<2048x1024xbf16, #tpu.memory_space<vmem>>, vector<128x1024xbf16>,
    %slice3A_453 = vector.extract_strided_slice %transpose3A {offsets = [67, 0], sizes = [1, 1024], strides = [1, 1]} : vector<128x1024xbf16> to vector<1x1024xbf16>
    %mul3A_454 = vector.broadcast %slice3A_453 : vector<1x1024xbf16> to vector<128x1024xbf16>
    %mul3A_455 = arith.mulf %mul3A_454, %transpose3A_16 : vector<128x1024xbf16>
    %swap3A_456 = arith.constant 384 : index
    %swap3A_457 = arith.constant 0 : index
    %swap3A_458 = vector.load %arg10[%swap3A_456, %swap3A_457] : memref<2048x1024xbf16, #tpu.memory_space<vmem>>, vector<128x1024xbf16>
    tpu.vector_store %arg10[%swap3A_456, %swap3A_457], %mul3A_455 {strides = array<i32>} : memref<2048x1024xbf16, #tpu.memory_space<vmem>>, vector<128x1024xbf16>,
    %slice3A_459 = vector.extract_strided_slice %transpose3A {offsets = [68, 0], sizes = [1, 1024], strides = [1, 1]} : vector<128x1024xbf16> to vector<1x1024xbf16>
    %mul3A_460 = vector.broadcast %slice3A_459 : vector<1x1024xbf16> to vector<128x1024xbf16>
    %mul3A_461 = arith.mulf %mul3A_460, %transpose3A_16 : vector<128x1024xbf16>
    %swap3A_462 = arith.constant 512 : index
    %swap3A_463 = arith.constant 0 : index
    %swap3A_464 = vector.load %arg10[%swap3A_462, %swap3A_463] : memref<2048x1024xbf16, #tpu.memory_space<vmem>>, vector<128x1024xbf16>
    tpu.vector_store %arg10[%swap3A_462, %swap3A_463], %mul3A_461 {strides = array<i32>} : memref<2048x1024xbf16, #tpu.memory_space<vmem>>, vector<128x1024xbf16>,
    %slice3A_465 = vector.extract_strided_slice %transpose3A {offsets = [69, 0], sizes = [1, 1024], strides = [1, 1]} : vector<128x1024xbf16> to vector<1x1024xbf16>
    %mul3A_466 = vector.broadcast %slice3A_465 : vector<1x1024xbf16> to vector<128x1024xbf16>
    %mul3A_467 = arith.mulf %mul3A_466, %transpose3A_16 : vector<128x1024xbf16>
    %swap3A_468 = arith.constant 640 : index
    %swap3A_469 = arith.constant 0 : index
    %swap3A_470 = vector.load %arg10[%swap3A_468, %swap3A_469] : memref<2048x1024xbf16, #tpu.memory_space<vmem>>, vector<128x1024xbf16>
    tpu.vector_store %arg10[%swap3A_468, %swap3A_469], %mul3A_467 {strides = array<i32>} : memref<2048x1024xbf16, #tpu.memory_space<vmem>>, vector<128x1024xbf16>,
    %slice3A_471 = vector.extract_strided_slice %transpose3A {offsets = [70, 0], sizes = [1, 1024], strides = [1, 1]} : vector<128x1024xbf16> to vector<1x1024xbf16>
    %mul3A_472 = vector.broadcast %slice3A_471 : vector<1x1024xbf16> to vector<128x1024xbf16>
    %mul3A_473 = arith.mulf %mul3A_472, %transpose3A_16 : vector<128x1024xbf16>
    %swap3A_474 = arith.constant 768 : index
    %swap3A_475 = arith.constant 0 : index
    %swap3A_476 = vector.load %arg10[%swap3A_474, %swap3A_475] : memref<2048x1024xbf16, #tpu.memory_space<vmem>>, vector<128x1024xbf16>
    tpu.vector_store %arg10[%swap3A_474, %swap3A_475], %mul3A_473 {strides = array<i32>} : memref<2048x1024xbf16, #tpu.memory_space<vmem>>, vector<128x1024xbf16>,
    %slice3A_477 = vector.extract_strided_slice %transpose3A {offsets = [71, 0], sizes = [1, 1024], strides = [1, 1]} : vector<128x1024xbf16> to vector<1x1024xbf16>
    %mul3A_478 = vector.broadcast %slice3A_477 : vector<1x1024xbf16> to vector<128x1024xbf16>
    %mul3A_479 = arith.mulf %mul3A_478, %transpose3A_16 : vector<128x1024xbf16>
    %swap3A_480 = arith.constant 896 : index
    %swap3A_481 = arith.constant 0 : index
    %swap3A_482 = vector.load %arg10[%swap3A_480, %swap3A_481] : memref<2048x1024xbf16, #tpu.memory_space<vmem>>, vector<128x1024xbf16>
    tpu.vector_store %arg10[%swap3A_480, %swap3A_481], %mul3A_479 {strides = array<i32>} : memref<2048x1024xbf16, #tpu.memory_space<vmem>>, vector<128x1024xbf16>,
    %slice3A_483 = vector.extract_strided_slice %transpose3A {offsets = [72, 0], sizes = [1, 1024], strides = [1, 1]} : vector<128x1024xbf16> to vector<1x1024xbf16>
    %mul3A_484 = vector.broadcast %slice3A_483 : vector<1x1024xbf16> to vector<128x1024xbf16>
    %mul3A_485 = arith.mulf %mul3A_484, %transpose3A_16 : vector<128x1024xbf16>
    %swap3A_486 = arith.constant 1024 : index
    %swap3A_487 = arith.constant 0 : index
    %swap3A_488 = vector.load %arg10[%swap3A_486, %swap3A_487] : memref<2048x1024xbf16, #tpu.memory_space<vmem>>, vector<128x1024xbf16>
    tpu.vector_store %arg10[%swap3A_486, %swap3A_487], %mul3A_485 {strides = array<i32>} : memref<2048x1024xbf16, #tpu.memory_space<vmem>>, vector<128x1024xbf16>,
    %slice3A_489 = vector.extract_strided_slice %transpose3A {offsets = [73, 0], sizes = [1, 1024], strides = [1, 1]} : vector<128x1024xbf16> to vector<1x1024xbf16>
    %mul3A_490 = vector.broadcast %slice3A_489 : vector<1x1024xbf16> to vector<128x1024xbf16>
    %mul3A_491 = arith.mulf %mul3A_490, %transpose3A_16 : vector<128x1024xbf16>
    %swap3A_492 = arith.constant 1152 : index
    %swap3A_493 = arith.constant 0 : index
    %swap3A_494 = vector.load %arg10[%swap3A_492, %swap3A_493] : memref<2048x1024xbf16, #tpu.memory_space<vmem>>, vector<128x1024xbf16>
    tpu.vector_store %arg10[%swap3A_492, %swap3A_493], %mul3A_491 {strides = array<i32>} : memref<2048x1024xbf16, #tpu.memory_space<vmem>>, vector<128x1024xbf16>,
    %slice3A_495 = vector.extract_strided_slice %transpose3A {offsets = [74, 0], sizes = [1, 1024], strides = [1, 1]} : vector<128x1024xbf16> to vector<1x1024xbf16>
    %mul3A_496 = vector.broadcast %slice3A_495 : vector<1x1024xbf16> to vector<128x1024xbf16>
    %mul3A_497 = arith.mulf %mul3A_496, %transpose3A_16 : vector<128x1024xbf16>
    %swap3A_498 = arith.constant 1280 : index
    %swap3A_499 = arith.constant 0 : index
    %swap3A_500 = vector.load %arg10[%swap3A_498, %swap3A_499] : memref<2048x1024xbf16, #tpu.memory_space<vmem>>, vector<128x1024xbf16>
    tpu.vector_store %arg10[%swap3A_498, %swap3A_499], %mul3A_497 {strides = array<i32>} : memref<2048x1024xbf16, #tpu.memory_space<vmem>>, vector<128x1024xbf16>,
    %slice3A_501 = vector.extract_strided_slice %transpose3A {offsets = [75, 0], sizes = [1, 1024], strides = [1, 1]} : vector<128x1024xbf16> to vector<1x1024xbf16>
    %mul3A_502 = vector.broadcast %slice3A_501 : vector<1x1024xbf16> to vector<128x1024xbf16>
    %mul3A_503 = arith.mulf %mul3A_502, %transpose3A_16 : vector<128x1024xbf16>
    %swap3A_504 = arith.constant 1408 : index
    %swap3A_505 = arith.constant 0 : index
    %swap3A_506 = vector.load %arg10[%swap3A_504, %swap3A_505] : memref<2048x1024xbf16, #tpu.memory_space<vmem>>, vector<128x1024xbf16>
    tpu.vector_store %arg10[%swap3A_504, %swap3A_505], %mul3A_503 {strides = array<i32>} : memref<2048x1024xbf16, #tpu.memory_space<vmem>>, vector<128x1024xbf16>,
    %slice3A_507 = vector.extract_strided_slice %transpose3A {offsets = [76, 0], sizes = [1, 1024], strides = [1, 1]} : vector<128x1024xbf16> to vector<1x1024xbf16>
    %mul3A_508 = vector.broadcast %slice3A_507 : vector<1x1024xbf16> to vector<128x1024xbf16>
    %mul3A_509 = arith.mulf %mul3A_508, %transpose3A_16 : vector<128x1024xbf16>
    %swap3A_510 = arith.constant 1536 : index
    %swap3A_511 = arith.constant 0 : index
    %swap3A_512 = vector.load %arg10[%swap3A_510, %swap3A_511] : memref<2048x1024xbf16, #tpu.memory_space<vmem>>, vector<128x1024xbf16>
    tpu.vector_store %arg10[%swap3A_510, %swap3A_511], %mul3A_509 {strides = array<i32>} : memref<2048x1024xbf16, #tpu.memory_space<vmem>>, vector<128x1024xbf16>,
    %slice3A_513 = vector.extract_strided_slice %transpose3A {offsets = [77, 0], sizes = [1, 1024], strides = [1, 1]} : vector<128x1024xbf16> to vector<1x1024xbf16>
    %mul3A_514 = vector.broadcast %slice3A_513 : vector<1x1024xbf16> to vector<128x1024xbf16>
    %mul3A_515 = arith.mulf %mul3A_514, %transpose3A_16 : vector<128x1024xbf16>
    %swap3A_516 = arith.constant 1664 : index
    %swap3A_517 = arith.constant 0 : index
    %swap3A_518 = vector.load %arg10[%swap3A_516, %swap3A_517] : memref<2048x1024xbf16, #tpu.memory_space<vmem>>, vector<128x1024xbf16>
    tpu.vector_store %arg10[%swap3A_516, %swap3A_517], %mul3A_515 {strides = array<i32>} : memref<2048x1024xbf16, #tpu.memory_space<vmem>>, vector<128x1024xbf16>,
    %slice3A_519 = vector.extract_strided_slice %transpose3A {offsets = [78, 0], sizes = [1, 1024], strides = [1, 1]} : vector<128x1024xbf16> to vector<1x1024xbf16>
    %mul3A_520 = vector.broadcast %slice3A_519 : vector<1x1024xbf16> to vector<128x1024xbf16>
    %mul3A_521 = arith.mulf %mul3A_520, %transpose3A_16 : vector<128x1024xbf16>
    %swap3A_522 = arith.constant 1792 : index
    %swap3A_523 = arith.constant 0 : index
    %swap3A_524 = vector.load %arg10[%swap3A_522, %swap3A_523] : memref<2048x1024xbf16, #tpu.memory_space<vmem>>, vector<128x1024xbf16>
    tpu.vector_store %arg10[%swap3A_522, %swap3A_523], %mul3A_521 {strides = array<i32>} : memref<2048x1024xbf16, #tpu.memory_space<vmem>>, vector<128x1024xbf16>,
    %slice3A_525 = vector.extract_strided_slice %transpose3A {offsets = [79, 0], sizes = [1, 1024], strides = [1, 1]} : vector<128x1024xbf16> to vector<1x1024xbf16>
    %mul3A_526 = vector.broadcast %slice3A_525 : vector<1x1024xbf16> to vector<128x1024xbf16>
    %mul3A_527 = arith.mulf %mul3A_526, %transpose3A_16 : vector<128x1024xbf16>
    %swap3A_528 = arith.constant 1920 : index
    %swap3A_529 = arith.constant 0 : index
    %swap3A_530 = vector.load %arg10[%swap3A_528, %swap3A_529] : memref<2048x1024xbf16, #tpu.memory_space<vmem>>, vector<128x1024xbf16>
    tpu.vector_store %arg10[%swap3A_528, %swap3A_529], %mul3A_527 {strides = array<i32>} : memref<2048x1024xbf16, #tpu.memory_space<vmem>>, vector<128x1024xbf16>,
    %get3A_531 = arith.constant 0 : index
    %get3A_532 = arith.constant 8192 : index
    %get3A_533 = vector.load %arg6[%get3A_531, %get3A_532] : memref<128x16384xbf16, #tpu.memory_space<vmem>>, vector<128x2048xbf16>
    %get3A_534 = arith.constant 0 : index
    %get3A_535 = arith.constant 0 : index
    %get3A_536 = vector.load %arg10[%get3A_534, %get3A_535] : memref<2048x1024xbf16, #tpu.memory_space<vmem>>, vector<2048x1024xbf16>
    %dot_general3A_537 = arith.constant dense<0.000000e+00> : vector<128x1024xf32>
    %dot_general3A_538 = tpu.matmul %get3A_533, %get3A_536, %dot_general3A_537 {dimension_numbers = #tpu.dot_dimension_numbers<[1], [0], [0], [1], [0, 0, 1, 1], [], []>, transpose_lhs_hint = false} : vector<128x2048xbf16>, vector<2048x1024xbf16>, vector<128x1024xf32> -> vector<128x1024xf32>
    %add3A_539 = arith.addf %add3A_434, %dot_general3A_538 : vector<128x1024xf32>
    %slice3A_540 = vector.extract_strided_slice %transpose3A {offsets = [80, 0], sizes = [1, 1024], strides = [1, 1]} : vector<128x1024xbf16> to vector<1x1024xbf16>
    %mul3A_541 = vector.broadcast %slice3A_540 : vector<1x1024xbf16> to vector<128x1024xbf16>
    %mul3A_542 = arith.mulf %mul3A_541, %transpose3A_16 : vector<128x1024xbf16>
    %swap3A_543 = arith.constant 0 : index
    %swap3A_544 = arith.constant 0 : index
    %swap3A_545 = vector.load %arg11[%swap3A_543, %swap3A_544] : memref<2048x1024xbf16, #tpu.memory_space<vmem>>, vector<128x1024xbf16>
    tpu.vector_store %arg11[%swap3A_543, %swap3A_544], %mul3A_542 {strides = array<i32>} : memref<2048x1024xbf16, #tpu.memory_space<vmem>>, vector<128x1024xbf16>,
    %slice3A_546 = vector.extract_strided_slice %transpose3A {offsets = [81, 0], sizes = [1, 1024], strides = [1, 1]} : vector<128x1024xbf16> to vector<1x1024xbf16>
    %mul3A_547 = vector.broadcast %slice3A_546 : vector<1x1024xbf16> to vector<128x1024xbf16>
    %mul3A_548 = arith.mulf %mul3A_547, %transpose3A_16 : vector<128x1024xbf16>
    %swap3A_549 = arith.constant 128 : index
    %swap3A_550 = arith.constant 0 : index
    %swap3A_551 = vector.load %arg11[%swap3A_549, %swap3A_550] : memref<2048x1024xbf16, #tpu.memory_space<vmem>>, vector<128x1024xbf16>
    tpu.vector_store %arg11[%swap3A_549, %swap3A_550], %mul3A_548 {strides = array<i32>} : memref<2048x1024xbf16, #tpu.memory_space<vmem>>, vector<128x1024xbf16>,
    %slice3A_552 = vector.extract_strided_slice %transpose3A {offsets = [82, 0], sizes = [1, 1024], strides = [1, 1]} : vector<128x1024xbf16> to vector<1x1024xbf16>
    %mul3A_553 = vector.broadcast %slice3A_552 : vector<1x1024xbf16> to vector<128x1024xbf16>
    %mul3A_554 = arith.mulf %mul3A_553, %transpose3A_16 : vector<128x1024xbf16>
    %swap3A_555 = arith.constant 256 : index
    %swap3A_556 = arith.constant 0 : index
    %swap3A_557 = vector.load %arg11[%swap3A_555, %swap3A_556] : memref<2048x1024xbf16, #tpu.memory_space<vmem>>, vector<128x1024xbf16>
    tpu.vector_store %arg11[%swap3A_555, %swap3A_556], %mul3A_554 {strides = array<i32>} : memref<2048x1024xbf16, #tpu.memory_space<vmem>>, vector<128x1024xbf16>,
    %slice3A_558 = vector.extract_strided_slice %transpose3A {offsets = [83, 0], sizes = [1, 1024], strides = [1, 1]} : vector<128x1024xbf16> to vector<1x1024xbf16>
    %mul3A_559 = vector.broadcast %slice3A_558 : vector<1x1024xbf16> to vector<128x1024xbf16>
    %mul3A_560 = arith.mulf %mul3A_559, %transpose3A_16 : vector<128x1024xbf16>
    %swap3A_561 = arith.constant 384 : index
    %swap3A_562 = arith.constant 0 : index
    %swap3A_563 = vector.load %arg11[%swap3A_561, %swap3A_562] : memref<2048x1024xbf16, #tpu.memory_space<vmem>>, vector<128x1024xbf16>
    tpu.vector_store %arg11[%swap3A_561, %swap3A_562], %mul3A_560 {strides = array<i32>} : memref<2048x1024xbf16, #tpu.memory_space<vmem>>, vector<128x1024xbf16>,
    %slice3A_564 = vector.extract_strided_slice %transpose3A {offsets = [84, 0], sizes = [1, 1024], strides = [1, 1]} : vector<128x1024xbf16> to vector<1x1024xbf16>
    %mul3A_565 = vector.broadcast %slice3A_564 : vector<1x1024xbf16> to vector<128x1024xbf16>
    %mul3A_566 = arith.mulf %mul3A_565, %transpose3A_16 : vector<128x1024xbf16>
    %swap3A_567 = arith.constant 512 : index
    %swap3A_568 = arith.constant 0 : index
    %swap3A_569 = vector.load %arg11[%swap3A_567, %swap3A_568] : memref<2048x1024xbf16, #tpu.memory_space<vmem>>, vector<128x1024xbf16>
    tpu.vector_store %arg11[%swap3A_567, %swap3A_568], %mul3A_566 {strides = array<i32>} : memref<2048x1024xbf16, #tpu.memory_space<vmem>>, vector<128x1024xbf16>,
    %slice3A_570 = vector.extract_strided_slice %transpose3A {offsets = [85, 0], sizes = [1, 1024], strides = [1, 1]} : vector<128x1024xbf16> to vector<1x1024xbf16>
    %mul3A_571 = vector.broadcast %slice3A_570 : vector<1x1024xbf16> to vector<128x1024xbf16>
    %mul3A_572 = arith.mulf %mul3A_571, %transpose3A_16 : vector<128x1024xbf16>
    %swap3A_573 = arith.constant 640 : index
    %swap3A_574 = arith.constant 0 : index
    %swap3A_575 = vector.load %arg11[%swap3A_573, %swap3A_574] : memref<2048x1024xbf16, #tpu.memory_space<vmem>>, vector<128x1024xbf16>
    tpu.vector_store %arg11[%swap3A_573, %swap3A_574], %mul3A_572 {strides = array<i32>} : memref<2048x1024xbf16, #tpu.memory_space<vmem>>, vector<128x1024xbf16>,
    %slice3A_576 = vector.extract_strided_slice %transpose3A {offsets = [86, 0], sizes = [1, 1024], strides = [1, 1]} : vector<128x1024xbf16> to vector<1x1024xbf16>
    %mul3A_577 = vector.broadcast %slice3A_576 : vector<1x1024xbf16> to vector<128x1024xbf16>
    %mul3A_578 = arith.mulf %mul3A_577, %transpose3A_16 : vector<128x1024xbf16>
    %swap3A_579 = arith.constant 768 : index
    %swap3A_580 = arith.constant 0 : index
    %swap3A_581 = vector.load %arg11[%swap3A_579, %swap3A_580] : memref<2048x1024xbf16, #tpu.memory_space<vmem>>, vector<128x1024xbf16>
    tpu.vector_store %arg11[%swap3A_579, %swap3A_580], %mul3A_578 {strides = array<i32>} : memref<2048x1024xbf16, #tpu.memory_space<vmem>>, vector<128x1024xbf16>,
    %slice3A_582 = vector.extract_strided_slice %transpose3A {offsets = [87, 0], sizes = [1, 1024], strides = [1, 1]} : vector<128x1024xbf16> to vector<1x1024xbf16>
    %mul3A_583 = vector.broadcast %slice3A_582 : vector<1x1024xbf16> to vector<128x1024xbf16>
    %mul3A_584 = arith.mulf %mul3A_583, %transpose3A_16 : vector<128x1024xbf16>
    %swap3A_585 = arith.constant 896 : index
    %swap3A_586 = arith.constant 0 : index
    %swap3A_587 = vector.load %arg11[%swap3A_585, %swap3A_586] : memref<2048x1024xbf16, #tpu.memory_space<vmem>>, vector<128x1024xbf16>
    tpu.vector_store %arg11[%swap3A_585, %swap3A_586], %mul3A_584 {strides = array<i32>} : memref<2048x1024xbf16, #tpu.memory_space<vmem>>, vector<128x1024xbf16>,
    %slice3A_588 = vector.extract_strided_slice %transpose3A {offsets = [88, 0], sizes = [1, 1024], strides = [1, 1]} : vector<128x1024xbf16> to vector<1x1024xbf16>
    %mul3A_589 = vector.broadcast %slice3A_588 : vector<1x1024xbf16> to vector<128x1024xbf16>
    %mul3A_590 = arith.mulf %mul3A_589, %transpose3A_16 : vector<128x1024xbf16>
    %swap3A_591 = arith.constant 1024 : index
    %swap3A_592 = arith.constant 0 : index
    %swap3A_593 = vector.load %arg11[%swap3A_591, %swap3A_592] : memref<2048x1024xbf16, #tpu.memory_space<vmem>>, vector<128x1024xbf16>
    tpu.vector_store %arg11[%swap3A_591, %swap3A_592], %mul3A_590 {strides = array<i32>} : memref<2048x1024xbf16, #tpu.memory_space<vmem>>, vector<128x1024xbf16>,
    %slice3A_594 = vector.extract_strided_slice %transpose3A {offsets = [89, 0], sizes = [1, 1024], strides = [1, 1]} : vector<128x1024xbf16> to vector<1x1024xbf16>
    %mul3A_595 = vector.broadcast %slice3A_594 : vector<1x1024xbf16> to vector<128x1024xbf16>
    %mul3A_596 = arith.mulf %mul3A_595, %transpose3A_16 : vector<128x1024xbf16>
    %swap3A_597 = arith.constant 1152 : index
    %swap3A_598 = arith.constant 0 : index
    %swap3A_599 = vector.load %arg11[%swap3A_597, %swap3A_598] : memref<2048x1024xbf16, #tpu.memory_space<vmem>>, vector<128x1024xbf16>
    tpu.vector_store %arg11[%swap3A_597, %swap3A_598], %mul3A_596 {strides = array<i32>} : memref<2048x1024xbf16, #tpu.memory_space<vmem>>, vector<128x1024xbf16>,
    %slice3A_600 = vector.extract_strided_slice %transpose3A {offsets = [90, 0], sizes = [1, 1024], strides = [1, 1]} : vector<128x1024xbf16> to vector<1x1024xbf16>
    %mul3A_601 = vector.broadcast %slice3A_600 : vector<1x1024xbf16> to vector<128x1024xbf16>
    %mul3A_602 = arith.mulf %mul3A_601, %transpose3A_16 : vector<128x1024xbf16>
    %swap3A_603 = arith.constant 1280 : index
    %swap3A_604 = arith.constant 0 : index
    %swap3A_605 = vector.load %arg11[%swap3A_603, %swap3A_604] : memref<2048x1024xbf16, #tpu.memory_space<vmem>>, vector<128x1024xbf16>
    tpu.vector_store %arg11[%swap3A_603, %swap3A_604], %mul3A_602 {strides = array<i32>} : memref<2048x1024xbf16, #tpu.memory_space<vmem>>, vector<128x1024xbf16>,
    %slice3A_606 = vector.extract_strided_slice %transpose3A {offsets = [91, 0], sizes = [1, 1024], strides = [1, 1]} : vector<128x1024xbf16> to vector<1x1024xbf16>
    %mul3A_607 = vector.broadcast %slice3A_606 : vector<1x1024xbf16> to vector<128x1024xbf16>
    %mul3A_608 = arith.mulf %mul3A_607, %transpose3A_16 : vector<128x1024xbf16>
    %swap3A_609 = arith.constant 1408 : index
    %swap3A_610 = arith.constant 0 : index
    %swap3A_611 = vector.load %arg11[%swap3A_609, %swap3A_610] : memref<2048x1024xbf16, #tpu.memory_space<vmem>>, vector<128x1024xbf16>
    tpu.vector_store %arg11[%swap3A_609, %swap3A_610], %mul3A_608 {strides = array<i32>} : memref<2048x1024xbf16, #tpu.memory_space<vmem>>, vector<128x1024xbf16>,
    %slice3A_612 = vector.extract_strided_slice %transpose3A {offsets = [92, 0], sizes = [1, 1024], strides = [1, 1]} : vector<128x1024xbf16> to vector<1x1024xbf16>
    %mul3A_613 = vector.broadcast %slice3A_612 : vector<1x1024xbf16> to vector<128x1024xbf16>
    %mul3A_614 = arith.mulf %mul3A_613, %transpose3A_16 : vector<128x1024xbf16>
    %swap3A_615 = arith.constant 1536 : index
    %swap3A_616 = arith.constant 0 : index
    %swap3A_617 = vector.load %arg11[%swap3A_615, %swap3A_616] : memref<2048x1024xbf16, #tpu.memory_space<vmem>>, vector<128x1024xbf16>
    tpu.vector_store %arg11[%swap3A_615, %swap3A_616], %mul3A_614 {strides = array<i32>} : memref<2048x1024xbf16, #tpu.memory_space<vmem>>, vector<128x1024xbf16>,
    %slice3A_618 = vector.extract_strided_slice %transpose3A {offsets = [93, 0], sizes = [1, 1024], strides = [1, 1]} : vector<128x1024xbf16> to vector<1x1024xbf16>
    %mul3A_619 = vector.broadcast %slice3A_618 : vector<1x1024xbf16> to vector<128x1024xbf16>
    %mul3A_620 = arith.mulf %mul3A_619, %transpose3A_16 : vector<128x1024xbf16>
    %swap3A_621 = arith.constant 1664 : index
    %swap3A_622 = arith.constant 0 : index
    %swap3A_623 = vector.load %arg11[%swap3A_621, %swap3A_622] : memref<2048x1024xbf16, #tpu.memory_space<vmem>>, vector<128x1024xbf16>
    tpu.vector_store %arg11[%swap3A_621, %swap3A_622], %mul3A_620 {strides = array<i32>} : memref<2048x1024xbf16, #tpu.memory_space<vmem>>, vector<128x1024xbf16>,
    %slice3A_624 = vector.extract_strided_slice %transpose3A {offsets = [94, 0], sizes = [1, 1024], strides = [1, 1]} : vector<128x1024xbf16> to vector<1x1024xbf16>
    %mul3A_625 = vector.broadcast %slice3A_624 : vector<1x1024xbf16> to vector<128x1024xbf16>
    %mul3A_626 = arith.mulf %mul3A_625, %transpose3A_16 : vector<128x1024xbf16>
    %swap3A_627 = arith.constant 1792 : index
    %swap3A_628 = arith.constant 0 : index
    %swap3A_629 = vector.load %arg11[%swap3A_627, %swap3A_628] : memref<2048x1024xbf16, #tpu.memory_space<vmem>>, vector<128x1024xbf16>
    tpu.vector_store %arg11[%swap3A_627, %swap3A_628], %mul3A_626 {strides = array<i32>} : memref<2048x1024xbf16, #tpu.memory_space<vmem>>, vector<128x1024xbf16>,
    %slice3A_630 = vector.extract_strided_slice %transpose3A {offsets = [95, 0], sizes = [1, 1024], strides = [1, 1]} : vector<128x1024xbf16> to vector<1x1024xbf16>
    %mul3A_631 = vector.broadcast %slice3A_630 : vector<1x1024xbf16> to vector<128x1024xbf16>
    %mul3A_632 = arith.mulf %mul3A_631, %transpose3A_16 : vector<128x1024xbf16>
    %swap3A_633 = arith.constant 1920 : index
    %swap3A_634 = arith.constant 0 : index
    %swap3A_635 = vector.load %arg11[%swap3A_633, %swap3A_634] : memref<2048x1024xbf16, #tpu.memory_space<vmem>>, vector<128x1024xbf16>
    tpu.vector_store %arg11[%swap3A_633, %swap3A_634], %mul3A_632 {strides = array<i32>} : memref<2048x1024xbf16, #tpu.memory_space<vmem>>, vector<128x1024xbf16>,
    %get3A_636 = arith.constant 0 : index
    %get3A_637 = arith.constant 10240 : index
    %get3A_638 = vector.load %arg6[%get3A_636, %get3A_637] : memref<128x16384xbf16, #tpu.memory_space<vmem>>, vector<128x2048xbf16>
    %get3A_639 = arith.constant 0 : index
    %get3A_640 = arith.constant 0 : index
    %get3A_641 = vector.load %arg11[%get3A_639, %get3A_640] : memref<2048x1024xbf16, #tpu.memory_space<vmem>>, vector<2048x1024xbf16>
    %dot_general3A_642 = arith.constant dense<0.000000e+00> : vector<128x1024xf32>
    %dot_general3A_643 = tpu.matmul %get3A_638, %get3A_641, %dot_general3A_642 {dimension_numbers = #tpu.dot_dimension_numbers<[1], [0], [0], [1], [0, 0, 1, 1], [], []>, transpose_lhs_hint = false} : vector<128x2048xbf16>, vector<2048x1024xbf16>, vector<128x1024xf32> -> vector<128x1024xf32>
    %add3A_644 = arith.addf %add3A_539, %dot_general3A_643 : vector<128x1024xf32>
    %slice3A_645 = vector.extract_strided_slice %transpose3A {offsets = [96, 0], sizes = [1, 1024], strides = [1, 1]} : vector<128x1024xbf16> to vector<1x1024xbf16>
    %mul3A_646 = vector.broadcast %slice3A_645 : vector<1x1024xbf16> to vector<128x1024xbf16>
    %mul3A_647 = arith.mulf %mul3A_646, %transpose3A_16 : vector<128x1024xbf16>
    %swap3A_648 = arith.constant 0 : index
    %swap3A_649 = arith.constant 0 : index
    %swap3A_650 = vector.load %arg10[%swap3A_648, %swap3A_649] : memref<2048x1024xbf16, #tpu.memory_space<vmem>>, vector<128x1024xbf16>
    tpu.vector_store %arg10[%swap3A_648, %swap3A_649], %mul3A_647 {strides = array<i32>} : memref<2048x1024xbf16, #tpu.memory_space<vmem>>, vector<128x1024xbf16>,
    %slice3A_651 = vector.extract_strided_slice %transpose3A {offsets = [97, 0], sizes = [1, 1024], strides = [1, 1]} : vector<128x1024xbf16> to vector<1x1024xbf16>
    %mul3A_652 = vector.broadcast %slice3A_651 : vector<1x1024xbf16> to vector<128x1024xbf16>
    %mul3A_653 = arith.mulf %mul3A_652, %transpose3A_16 : vector<128x1024xbf16>
    %swap3A_654 = arith.constant 128 : index
    %swap3A_655 = arith.constant 0 : index
    %swap3A_656 = vector.load %arg10[%swap3A_654, %swap3A_655] : memref<2048x1024xbf16, #tpu.memory_space<vmem>>, vector<128x1024xbf16>
    tpu.vector_store %arg10[%swap3A_654, %swap3A_655], %mul3A_653 {strides = array<i32>} : memref<2048x1024xbf16, #tpu.memory_space<vmem>>, vector<128x1024xbf16>,
    %slice3A_657 = vector.extract_strided_slice %transpose3A {offsets = [98, 0], sizes = [1, 1024], strides = [1, 1]} : vector<128x1024xbf16> to vector<1x1024xbf16>
    %mul3A_658 = vector.broadcast %slice3A_657 : vector<1x1024xbf16> to vector<128x1024xbf16>
    %mul3A_659 = arith.mulf %mul3A_658, %transpose3A_16 : vector<128x1024xbf16>
    %swap3A_660 = arith.constant 256 : index
    %swap3A_661 = arith.constant 0 : index
    %swap3A_662 = vector.load %arg10[%swap3A_660, %swap3A_661] : memref<2048x1024xbf16, #tpu.memory_space<vmem>>, vector<128x1024xbf16>
    tpu.vector_store %arg10[%swap3A_660, %swap3A_661], %mul3A_659 {strides = array<i32>} : memref<2048x1024xbf16, #tpu.memory_space<vmem>>, vector<128x1024xbf16>,
    %slice3A_663 = vector.extract_strided_slice %transpose3A {offsets = [99, 0], sizes = [1, 1024], strides = [1, 1]} : vector<128x1024xbf16> to vector<1x1024xbf16>
    %mul3A_664 = vector.broadcast %slice3A_663 : vector<1x1024xbf16> to vector<128x1024xbf16>
    %mul3A_665 = arith.mulf %mul3A_664, %transpose3A_16 : vector<128x1024xbf16>
    %swap3A_666 = arith.constant 384 : index
    %swap3A_667 = arith.constant 0 : index
    %swap3A_668 = vector.load %arg10[%swap3A_666, %swap3A_667] : memref<2048x1024xbf16, #tpu.memory_space<vmem>>, vector<128x1024xbf16>
    tpu.vector_store %arg10[%swap3A_666, %swap3A_667], %mul3A_665 {strides = array<i32>} : memref<2048x1024xbf16, #tpu.memory_space<vmem>>, vector<128x1024xbf16>,
    %slice3A_669 = vector.extract_strided_slice %transpose3A {offsets = [100, 0], sizes = [1, 1024], strides = [1, 1]} : vector<128x1024xbf16> to vector<1x1024xbf16>
    %mul3A_670 = vector.broadcast %slice3A_669 : vector<1x1024xbf16> to vector<128x1024xbf16>
    %mul3A_671 = arith.mulf %mul3A_670, %transpose3A_16 : vector<128x1024xbf16>
    %swap3A_672 = arith.constant 512 : index
    %swap3A_673 = arith.constant 0 : index
    %swap3A_674 = vector.load %arg10[%swap3A_672, %swap3A_673] : memref<2048x1024xbf16, #tpu.memory_space<vmem>>, vector<128x1024xbf16>
    tpu.vector_store %arg10[%swap3A_672, %swap3A_673], %mul3A_671 {strides = array<i32>} : memref<2048x1024xbf16, #tpu.memory_space<vmem>>, vector<128x1024xbf16>,
    %slice3A_675 = vector.extract_strided_slice %transpose3A {offsets = [101, 0], sizes = [1, 1024], strides = [1, 1]} : vector<128x1024xbf16> to vector<1x1024xbf16>
    %mul3A_676 = vector.broadcast %slice3A_675 : vector<1x1024xbf16> to vector<128x1024xbf16>
    %mul3A_677 = arith.mulf %mul3A_676, %transpose3A_16 : vector<128x1024xbf16>
    %swap3A_678 = arith.constant 640 : index
    %swap3A_679 = arith.constant 0 : index
    %swap3A_680 = vector.load %arg10[%swap3A_678, %swap3A_679] : memref<2048x1024xbf16, #tpu.memory_space<vmem>>, vector<128x1024xbf16>
    tpu.vector_store %arg10[%swap3A_678, %swap3A_679], %mul3A_677 {strides = array<i32>} : memref<2048x1024xbf16, #tpu.memory_space<vmem>>, vector<128x1024xbf16>,
    %slice3A_681 = vector.extract_strided_slice %transpose3A {offsets = [102, 0], sizes = [1, 1024], strides = [1, 1]} : vector<128x1024xbf16> to vector<1x1024xbf16>
    %mul3A_682 = vector.broadcast %slice3A_681 : vector<1x1024xbf16> to vector<128x1024xbf16>
    %mul3A_683 = arith.mulf %mul3A_682, %transpose3A_16 : vector<128x1024xbf16>
    %swap3A_684 = arith.constant 768 : index
    %swap3A_685 = arith.constant 0 : index
    %swap3A_686 = vector.load %arg10[%swap3A_684, %swap3A_685] : memref<2048x1024xbf16, #tpu.memory_space<vmem>>, vector<128x1024xbf16>
    tpu.vector_store %arg10[%swap3A_684, %swap3A_685], %mul3A_683 {strides = array<i32>} : memref<2048x1024xbf16, #tpu.memory_space<vmem>>, vector<128x1024xbf16>,
    %slice3A_687 = vector.extract_strided_slice %transpose3A {offsets = [103, 0], sizes = [1, 1024], strides = [1, 1]} : vector<128x1024xbf16> to vector<1x1024xbf16>
    %mul3A_688 = vector.broadcast %slice3A_687 : vector<1x1024xbf16> to vector<128x1024xbf16>
    %mul3A_689 = arith.mulf %mul3A_688, %transpose3A_16 : vector<128x1024xbf16>
    %swap3A_690 = arith.constant 896 : index
    %swap3A_691 = arith.constant 0 : index
    %swap3A_692 = vector.load %arg10[%swap3A_690, %swap3A_691] : memref<2048x1024xbf16, #tpu.memory_space<vmem>>, vector<128x1024xbf16>
    tpu.vector_store %arg10[%swap3A_690, %swap3A_691], %mul3A_689 {strides = array<i32>} : memref<2048x1024xbf16, #tpu.memory_space<vmem>>, vector<128x1024xbf16>,
    %slice3A_693 = vector.extract_strided_slice %transpose3A {offsets = [104, 0], sizes = [1, 1024], strides = [1, 1]} : vector<128x1024xbf16> to vector<1x1024xbf16>
    %mul3A_694 = vector.broadcast %slice3A_693 : vector<1x1024xbf16> to vector<128x1024xbf16>
    %mul3A_695 = arith.mulf %mul3A_694, %transpose3A_16 : vector<128x1024xbf16>
    %swap3A_696 = arith.constant 1024 : index
    %swap3A_697 = arith.constant 0 : index
    %swap3A_698 = vector.load %arg10[%swap3A_696, %swap3A_697] : memref<2048x1024xbf16, #tpu.memory_space<vmem>>, vector<128x1024xbf16>
    tpu.vector_store %arg10[%swap3A_696, %swap3A_697], %mul3A_695 {strides = array<i32>} : memref<2048x1024xbf16, #tpu.memory_space<vmem>>, vector<128x1024xbf16>,
    %slice3A_699 = vector.extract_strided_slice %transpose3A {offsets = [105, 0], sizes = [1, 1024], strides = [1, 1]} : vector<128x1024xbf16> to vector<1x1024xbf16>
    %mul3A_700 = vector.broadcast %slice3A_699 : vector<1x1024xbf16> to vector<128x1024xbf16>
    %mul3A_701 = arith.mulf %mul3A_700, %transpose3A_16 : vector<128x1024xbf16>
    %swap3A_702 = arith.constant 1152 : index
    %swap3A_703 = arith.constant 0 : index
    %swap3A_704 = vector.load %arg10[%swap3A_702, %swap3A_703] : memref<2048x1024xbf16, #tpu.memory_space<vmem>>, vector<128x1024xbf16>
    tpu.vector_store %arg10[%swap3A_702, %swap3A_703], %mul3A_701 {strides = array<i32>} : memref<2048x1024xbf16, #tpu.memory_space<vmem>>, vector<128x1024xbf16>,
    %slice3A_705 = vector.extract_strided_slice %transpose3A {offsets = [106, 0], sizes = [1, 1024], strides = [1, 1]} : vector<128x1024xbf16> to vector<1x1024xbf16>
    %mul3A_706 = vector.broadcast %slice3A_705 : vector<1x1024xbf16> to vector<128x1024xbf16>
    %mul3A_707 = arith.mulf %mul3A_706, %transpose3A_16 : vector<128x1024xbf16>
    %swap3A_708 = arith.constant 1280 : index
    %swap3A_709 = arith.constant 0 : index
    %swap3A_710 = vector.load %arg10[%swap3A_708, %swap3A_709] : memref<2048x1024xbf16, #tpu.memory_space<vmem>>, vector<128x1024xbf16>
    tpu.vector_store %arg10[%swap3A_708, %swap3A_709], %mul3A_707 {strides = array<i32>} : memref<2048x1024xbf16, #tpu.memory_space<vmem>>, vector<128x1024xbf16>,
    %slice3A_711 = vector.extract_strided_slice %transpose3A {offsets = [107, 0], sizes = [1, 1024], strides = [1, 1]} : vector<128x1024xbf16> to vector<1x1024xbf16>
    %mul3A_712 = vector.broadcast %slice3A_711 : vector<1x1024xbf16> to vector<128x1024xbf16>
    %mul3A_713 = arith.mulf %mul3A_712, %transpose3A_16 : vector<128x1024xbf16>
    %swap3A_714 = arith.constant 1408 : index
    %swap3A_715 = arith.constant 0 : index
    %swap3A_716 = vector.load %arg10[%swap3A_714, %swap3A_715] : memref<2048x1024xbf16, #tpu.memory_space<vmem>>, vector<128x1024xbf16>
    tpu.vector_store %arg10[%swap3A_714, %swap3A_715], %mul3A_713 {strides = array<i32>} : memref<2048x1024xbf16, #tpu.memory_space<vmem>>, vector<128x1024xbf16>,
    %slice3A_717 = vector.extract_strided_slice %transpose3A {offsets = [108, 0], sizes = [1, 1024], strides = [1, 1]} : vector<128x1024xbf16> to vector<1x1024xbf16>
    %mul3A_718 = vector.broadcast %slice3A_717 : vector<1x1024xbf16> to vector<128x1024xbf16>
    %mul3A_719 = arith.mulf %mul3A_718, %transpose3A_16 : vector<128x1024xbf16>
    %swap3A_720 = arith.constant 1536 : index
    %swap3A_721 = arith.constant 0 : index
    %swap3A_722 = vector.load %arg10[%swap3A_720, %swap3A_721] : memref<2048x1024xbf16, #tpu.memory_space<vmem>>, vector<128x1024xbf16>
    tpu.vector_store %arg10[%swap3A_720, %swap3A_721], %mul3A_719 {strides = array<i32>} : memref<2048x1024xbf16, #tpu.memory_space<vmem>>, vector<128x1024xbf16>,
    %slice3A_723 = vector.extract_strided_slice %transpose3A {offsets = [109, 0], sizes = [1, 1024], strides = [1, 1]} : vector<128x1024xbf16> to vector<1x1024xbf16>
    %mul3A_724 = vector.broadcast %slice3A_723 : vector<1x1024xbf16> to vector<128x1024xbf16>
    %mul3A_725 = arith.mulf %mul3A_724, %transpose3A_16 : vector<128x1024xbf16>
    %swap3A_726 = arith.constant 1664 : index
    %swap3A_727 = arith.constant 0 : index
    %swap3A_728 = vector.load %arg10[%swap3A_726, %swap3A_727] : memref<2048x1024xbf16, #tpu.memory_space<vmem>>, vector<128x1024xbf16>
    tpu.vector_store %arg10[%swap3A_726, %swap3A_727], %mul3A_725 {strides = array<i32>} : memref<2048x1024xbf16, #tpu.memory_space<vmem>>, vector<128x1024xbf16>,
    %slice3A_729 = vector.extract_strided_slice %transpose3A {offsets = [110, 0], sizes = [1, 1024], strides = [1, 1]} : vector<128x1024xbf16> to vector<1x1024xbf16>
    %mul3A_730 = vector.broadcast %slice3A_729 : vector<1x1024xbf16> to vector<128x1024xbf16>
    %mul3A_731 = arith.mulf %mul3A_730, %transpose3A_16 : vector<128x1024xbf16>
    %swap3A_732 = arith.constant 1792 : index
    %swap3A_733 = arith.constant 0 : index
    %swap3A_734 = vector.load %arg10[%swap3A_732, %swap3A_733] : memref<2048x1024xbf16, #tpu.memory_space<vmem>>, vector<128x1024xbf16>
    tpu.vector_store %arg10[%swap3A_732, %swap3A_733], %mul3A_731 {strides = array<i32>} : memref<2048x1024xbf16, #tpu.memory_space<vmem>>, vector<128x1024xbf16>,
    %slice3A_735 = vector.extract_strided_slice %transpose3A {offsets = [111, 0], sizes = [1, 1024], strides = [1, 1]} : vector<128x1024xbf16> to vector<1x1024xbf16>
    %mul3A_736 = vector.broadcast %slice3A_735 : vector<1x1024xbf16> to vector<128x1024xbf16>
    %mul3A_737 = arith.mulf %mul3A_736, %transpose3A_16 : vector<128x1024xbf16>
    %swap3A_738 = arith.constant 1920 : index
    %swap3A_739 = arith.constant 0 : index
    %swap3A_740 = vector.load %arg10[%swap3A_738, %swap3A_739] : memref<2048x1024xbf16, #tpu.memory_space<vmem>>, vector<128x1024xbf16>
    tpu.vector_store %arg10[%swap3A_738, %swap3A_739], %mul3A_737 {strides = array<i32>} : memref<2048x1024xbf16, #tpu.memory_space<vmem>>, vector<128x1024xbf16>,
    %get3A_741 = arith.constant 0 : index
    %get3A_742 = arith.constant 12288 : index
    %get3A_743 = vector.load %arg6[%get3A_741, %get3A_742] : memref<128x16384xbf16, #tpu.memory_space<vmem>>, vector<128x2048xbf16>
    %get3A_744 = arith.constant 0 : index
    %get3A_745 = arith.constant 0 : index
    %get3A_746 = vector.load %arg10[%get3A_744, %get3A_745] : memref<2048x1024xbf16, #tpu.memory_space<vmem>>, vector<2048x1024xbf16>
    %dot_general3A_747 = arith.constant dense<0.000000e+00> : vector<128x1024xf32>
    %dot_general3A_748 = tpu.matmul %get3A_743, %get3A_746, %dot_general3A_747 {dimension_numbers = #tpu.dot_dimension_numbers<[1], [0], [0], [1], [0, 0, 1, 1], [], []>, transpose_lhs_hint = false} : vector<128x2048xbf16>, vector<2048x1024xbf16>, vector<128x1024xf32> -> vector<128x1024xf32>
    %add3A_749 = arith.addf %add3A_644, %dot_general3A_748 : vector<128x1024xf32>
    %slice3A_750 = vector.extract_strided_slice %transpose3A {offsets = [112, 0], sizes = [1, 1024], strides = [1, 1]} : vector<128x1024xbf16> to vector<1x1024xbf16>
    %mul3A_751 = vector.broadcast %slice3A_750 : vector<1x1024xbf16> to vector<128x1024xbf16>
    %mul3A_752 = arith.mulf %mul3A_751, %transpose3A_16 : vector<128x1024xbf16>
    %swap3A_753 = arith.constant 0 : index
    %swap3A_754 = arith.constant 0 : index
    %swap3A_755 = vector.load %arg11[%swap3A_753, %swap3A_754] : memref<2048x1024xbf16, #tpu.memory_space<vmem>>, vector<128x1024xbf16>
    tpu.vector_store %arg11[%swap3A_753, %swap3A_754], %mul3A_752 {strides = array<i32>} : memref<2048x1024xbf16, #tpu.memory_space<vmem>>, vector<128x1024xbf16>,
    %slice3A_756 = vector.extract_strided_slice %transpose3A {offsets = [113, 0], sizes = [1, 1024], strides = [1, 1]} : vector<128x1024xbf16> to vector<1x1024xbf16>
    %mul3A_757 = vector.broadcast %slice3A_756 : vector<1x1024xbf16> to vector<128x1024xbf16>
    %mul3A_758 = arith.mulf %mul3A_757, %transpose3A_16 : vector<128x1024xbf16>
    %swap3A_759 = arith.constant 128 : index
    %swap3A_760 = arith.constant 0 : index
    %swap3A_761 = vector.load %arg11[%swap3A_759, %swap3A_760] : memref<2048x1024xbf16, #tpu.memory_space<vmem>>, vector<128x1024xbf16>
    tpu.vector_store %arg11[%swap3A_759, %swap3A_760], %mul3A_758 {strides = array<i32>} : memref<2048x1024xbf16, #tpu.memory_space<vmem>>, vector<128x1024xbf16>,
    %slice3A_762 = vector.extract_strided_slice %transpose3A {offsets = [114, 0], sizes = [1, 1024], strides = [1, 1]} : vector<128x1024xbf16> to vector<1x1024xbf16>
    %mul3A_763 = vector.broadcast %slice3A_762 : vector<1x1024xbf16> to vector<128x1024xbf16>
    %mul3A_764 = arith.mulf %mul3A_763, %transpose3A_16 : vector<128x1024xbf16>
    %swap3A_765 = arith.constant 256 : index
    %swap3A_766 = arith.constant 0 : index
    %swap3A_767 = vector.load %arg11[%swap3A_765, %swap3A_766] : memref<2048x1024xbf16, #tpu.memory_space<vmem>>, vector<128x1024xbf16>
    tpu.vector_store %arg11[%swap3A_765, %swap3A_766], %mul3A_764 {strides = array<i32>} : memref<2048x1024xbf16, #tpu.memory_space<vmem>>, vector<128x1024xbf16>,
    %slice3A_768 = vector.extract_strided_slice %transpose3A {offsets = [115, 0], sizes = [1, 1024], strides = [1, 1]} : vector<128x1024xbf16> to vector<1x1024xbf16>
    %mul3A_769 = vector.broadcast %slice3A_768 : vector<1x1024xbf16> to vector<128x1024xbf16>
    %mul3A_770 = arith.mulf %mul3A_769, %transpose3A_16 : vector<128x1024xbf16>
    %swap3A_771 = arith.constant 384 : index
    %swap3A_772 = arith.constant 0 : index
    %swap3A_773 = vector.load %arg11[%swap3A_771, %swap3A_772] : memref<2048x1024xbf16, #tpu.memory_space<vmem>>, vector<128x1024xbf16>
    tpu.vector_store %arg11[%swap3A_771, %swap3A_772], %mul3A_770 {strides = array<i32>} : memref<2048x1024xbf16, #tpu.memory_space<vmem>>, vector<128x1024xbf16>,
    %slice3A_774 = vector.extract_strided_slice %transpose3A {offsets = [116, 0], sizes = [1, 1024], strides = [1, 1]} : vector<128x1024xbf16> to vector<1x1024xbf16>
    %mul3A_775 = vector.broadcast %slice3A_774 : vector<1x1024xbf16> to vector<128x1024xbf16>
    %mul3A_776 = arith.mulf %mul3A_775, %transpose3A_16 : vector<128x1024xbf16>
    %swap3A_777 = arith.constant 512 : index
    %swap3A_778 = arith.constant 0 : index
    %swap3A_779 = vector.load %arg11[%swap3A_777, %swap3A_778] : memref<2048x1024xbf16, #tpu.memory_space<vmem>>, vector<128x1024xbf16>
    tpu.vector_store %arg11[%swap3A_777, %swap3A_778], %mul3A_776 {strides = array<i32>} : memref<2048x1024xbf16, #tpu.memory_space<vmem>>, vector<128x1024xbf16>,
    %slice3A_780 = vector.extract_strided_slice %transpose3A {offsets = [117, 0], sizes = [1, 1024], strides = [1, 1]} : vector<128x1024xbf16> to vector<1x1024xbf16>
    %mul3A_781 = vector.broadcast %slice3A_780 : vector<1x1024xbf16> to vector<128x1024xbf16>
    %mul3A_782 = arith.mulf %mul3A_781, %transpose3A_16 : vector<128x1024xbf16>
    %swap3A_783 = arith.constant 640 : index
    %swap3A_784 = arith.constant 0 : index
    %swap3A_785 = vector.load %arg11[%swap3A_783, %swap3A_784] : memref<2048x1024xbf16, #tpu.memory_space<vmem>>, vector<128x1024xbf16>
    tpu.vector_store %arg11[%swap3A_783, %swap3A_784], %mul3A_782 {strides = array<i32>} : memref<2048x1024xbf16, #tpu.memory_space<vmem>>, vector<128x1024xbf16>,
    %slice3A_786 = vector.extract_strided_slice %transpose3A {offsets = [118, 0], sizes = [1, 1024], strides = [1, 1]} : vector<128x1024xbf16> to vector<1x1024xbf16>
    %mul3A_787 = vector.broadcast %slice3A_786 : vector<1x1024xbf16> to vector<128x1024xbf16>
    %mul3A_788 = arith.mulf %mul3A_787, %transpose3A_16 : vector<128x1024xbf16>
    %swap3A_789 = arith.constant 768 : index
    %swap3A_790 = arith.constant 0 : index
    %swap3A_791 = vector.load %arg11[%swap3A_789, %swap3A_790] : memref<2048x1024xbf16, #tpu.memory_space<vmem>>, vector<128x1024xbf16>
    tpu.vector_store %arg11[%swap3A_789, %swap3A_790], %mul3A_788 {strides = array<i32>} : memref<2048x1024xbf16, #tpu.memory_space<vmem>>, vector<128x1024xbf16>,
    %slice3A_792 = vector.extract_strided_slice %transpose3A {offsets = [119, 0], sizes = [1, 1024], strides = [1, 1]} : vector<128x1024xbf16> to vector<1x1024xbf16>
    %mul3A_793 = vector.broadcast %slice3A_792 : vector<1x1024xbf16> to vector<128x1024xbf16>
    %mul3A_794 = arith.mulf %mul3A_793, %transpose3A_16 : vector<128x1024xbf16>
    %swap3A_795 = arith.constant 896 : index
    %swap3A_796 = arith.constant 0 : index
    %swap3A_797 = vector.load %arg11[%swap3A_795, %swap3A_796] : memref<2048x1024xbf16, #tpu.memory_space<vmem>>, vector<128x1024xbf16>
    tpu.vector_store %arg11[%swap3A_795, %swap3A_796], %mul3A_794 {strides = array<i32>} : memref<2048x1024xbf16, #tpu.memory_space<vmem>>, vector<128x1024xbf16>,
    %slice3A_798 = vector.extract_strided_slice %transpose3A {offsets = [120, 0], sizes = [1, 1024], strides = [1, 1]} : vector<128x1024xbf16> to vector<1x1024xbf16>
    %mul3A_799 = vector.broadcast %slice3A_798 : vector<1x1024xbf16> to vector<128x1024xbf16>
    %mul3A_800 = arith.mulf %mul3A_799, %transpose3A_16 : vector<128x1024xbf16>
    %swap3A_801 = arith.constant 1024 : index
    %swap3A_802 = arith.constant 0 : index
    %swap3A_803 = vector.load %arg11[%swap3A_801, %swap3A_802] : memref<2048x1024xbf16, #tpu.memory_space<vmem>>, vector<128x1024xbf16>
    tpu.vector_store %arg11[%swap3A_801, %swap3A_802], %mul3A_800 {strides = array<i32>} : memref<2048x1024xbf16, #tpu.memory_space<vmem>>, vector<128x1024xbf16>,
    %slice3A_804 = vector.extract_strided_slice %transpose3A {offsets = [121, 0], sizes = [1, 1024], strides = [1, 1]} : vector<128x1024xbf16> to vector<1x1024xbf16>
    %mul3A_805 = vector.broadcast %slice3A_804 : vector<1x1024xbf16> to vector<128x1024xbf16>
    %mul3A_806 = arith.mulf %mul3A_805, %transpose3A_16 : vector<128x1024xbf16>
    %swap3A_807 = arith.constant 1152 : index
    %swap3A_808 = arith.constant 0 : index
    %swap3A_809 = vector.load %arg11[%swap3A_807, %swap3A_808] : memref<2048x1024xbf16, #tpu.memory_space<vmem>>, vector<128x1024xbf16>
    tpu.vector_store %arg11[%swap3A_807, %swap3A_808], %mul3A_806 {strides = array<i32>} : memref<2048x1024xbf16, #tpu.memory_space<vmem>>, vector<128x1024xbf16>,
    %slice3A_810 = vector.extract_strided_slice %transpose3A {offsets = [122, 0], sizes = [1, 1024], strides = [1, 1]} : vector<128x1024xbf16> to vector<1x1024xbf16>
    %mul3A_811 = vector.broadcast %slice3A_810 : vector<1x1024xbf16> to vector<128x1024xbf16>
    %mul3A_812 = arith.mulf %mul3A_811, %transpose3A_16 : vector<128x1024xbf16>
    %swap3A_813 = arith.constant 1280 : index
    %swap3A_814 = arith.constant 0 : index
    %swap3A_815 = vector.load %arg11[%swap3A_813, %swap3A_814] : memref<2048x1024xbf16, #tpu.memory_space<vmem>>, vector<128x1024xbf16>
    tpu.vector_store %arg11[%swap3A_813, %swap3A_814], %mul3A_812 {strides = array<i32>} : memref<2048x1024xbf16, #tpu.memory_space<vmem>>, vector<128x1024xbf16>,
    %slice3A_816 = vector.extract_strided_slice %transpose3A {offsets = [123, 0], sizes = [1, 1024], strides = [1, 1]} : vector<128x1024xbf16> to vector<1x1024xbf16>
    %mul3A_817 = vector.broadcast %slice3A_816 : vector<1x1024xbf16> to vector<128x1024xbf16>
    %mul3A_818 = arith.mulf %mul3A_817, %transpose3A_16 : vector<128x1024xbf16>
    %swap3A_819 = arith.constant 1408 : index
    %swap3A_820 = arith.constant 0 : index
    %swap3A_821 = vector.load %arg11[%swap3A_819, %swap3A_820] : memref<2048x1024xbf16, #tpu.memory_space<vmem>>, vector<128x1024xbf16>
    tpu.vector_store %arg11[%swap3A_819, %swap3A_820], %mul3A_818 {strides = array<i32>} : memref<2048x1024xbf16, #tpu.memory_space<vmem>>, vector<128x1024xbf16>,
    %slice3A_822 = vector.extract_strided_slice %transpose3A {offsets = [124, 0], sizes = [1, 1024], strides = [1, 1]} : vector<128x1024xbf16> to vector<1x1024xbf16>
    %mul3A_823 = vector.broadcast %slice3A_822 : vector<1x1024xbf16> to vector<128x1024xbf16>
    %mul3A_824 = arith.mulf %mul3A_823, %transpose3A_16 : vector<128x1024xbf16>
    %swap3A_825 = arith.constant 1536 : index
    %swap3A_826 = arith.constant 0 : index
    %swap3A_827 = vector.load %arg11[%swap3A_825, %swap3A_826] : memref<2048x1024xbf16, #tpu.memory_space<vmem>>, vector<128x1024xbf16>
    tpu.vector_store %arg11[%swap3A_825, %swap3A_826], %mul3A_824 {strides = array<i32>} : memref<2048x1024xbf16, #tpu.memory_space<vmem>>, vector<128x1024xbf16>,
    %slice3A_828 = vector.extract_strided_slice %transpose3A {offsets = [125, 0], sizes = [1, 1024], strides = [1, 1]} : vector<128x1024xbf16> to vector<1x1024xbf16>
    %mul3A_829 = vector.broadcast %slice3A_828 : vector<1x1024xbf16> to vector<128x1024xbf16>
    %mul3A_830 = arith.mulf %mul3A_829, %transpose3A_16 : vector<128x1024xbf16>
    %swap3A_831 = arith.constant 1664 : index
    %swap3A_832 = arith.constant 0 : index
    %swap3A_833 = vector.load %arg11[%swap3A_831, %swap3A_832] : memref<2048x1024xbf16, #tpu.memory_space<vmem>>, vector<128x1024xbf16>
    tpu.vector_store %arg11[%swap3A_831, %swap3A_832], %mul3A_830 {strides = array<i32>} : memref<2048x1024xbf16, #tpu.memory_space<vmem>>, vector<128x1024xbf16>,
    %slice3A_834 = vector.extract_strided_slice %transpose3A {offsets = [126, 0], sizes = [1, 1024], strides = [1, 1]} : vector<128x1024xbf16> to vector<1x1024xbf16>
    %mul3A_835 = vector.broadcast %slice3A_834 : vector<1x1024xbf16> to vector<128x1024xbf16>
    %mul3A_836 = arith.mulf %mul3A_835, %transpose3A_16 : vector<128x1024xbf16>
    %swap3A_837 = arith.constant 1792 : index
    %swap3A_838 = arith.constant 0 : index
    %swap3A_839 = vector.load %arg11[%swap3A_837, %swap3A_838] : memref<2048x1024xbf16, #tpu.memory_space<vmem>>, vector<128x1024xbf16>
    tpu.vector_store %arg11[%swap3A_837, %swap3A_838], %mul3A_836 {strides = array<i32>} : memref<2048x1024xbf16, #tpu.memory_space<vmem>>, vector<128x1024xbf16>,
    %slice3A_840 = vector.extract_strided_slice %transpose3A {offsets = [127, 0], sizes = [1, 1024], strides = [1, 1]} : vector<128x1024xbf16> to vector<1x1024xbf16>
    %mul3A_841 = vector.broadcast %slice3A_840 : vector<1x1024xbf16> to vector<128x1024xbf16>
    %mul3A_842 = arith.mulf %mul3A_841, %transpose3A_16 : vector<128x1024xbf16>
    %swap3A_843 = arith.constant 1920 : index
    %swap3A_844 = arith.constant 0 : index
    %swap3A_845 = vector.load %arg11[%swap3A_843, %swap3A_844] : memref<2048x1024xbf16, #tpu.memory_space<vmem>>, vector<128x1024xbf16>
    tpu.vector_store %arg11[%swap3A_843, %swap3A_844], %mul3A_842 {strides = array<i32>} : memref<2048x1024xbf16, #tpu.memory_space<vmem>>, vector<128x1024xbf16>,
    %get3A_846 = arith.constant 0 : index
    %get3A_847 = arith.constant 14336 : index
    %get3A_848 = vector.load %arg6[%get3A_846, %get3A_847] : memref<128x16384xbf16, #tpu.memory_space<vmem>>, vector<128x2048xbf16>
    %get3A_849 = arith.constant 0 : index
    %get3A_850 = arith.constant 0 : index
    %get3A_851 = vector.load %arg11[%get3A_849, %get3A_850] : memref<2048x1024xbf16, #tpu.memory_space<vmem>>, vector<2048x1024xbf16>
    %dot_general3A_852 = arith.constant dense<0.000000e+00> : vector<128x1024xf32>
    %dot_general3A_853 = tpu.matmul %get3A_848, %get3A_851, %dot_general3A_852 {dimension_numbers = #tpu.dot_dimension_numbers<[1], [0], [0], [1], [0, 0, 1, 1], [], []>, transpose_lhs_hint = false} : vector<128x2048xbf16>, vector<2048x1024xbf16>, vector<128x1024xf32> -> vector<128x1024xf32>
    %add3A_854 = arith.addf %add3A_749, %dot_general3A_853 : vector<128x1024xf32>
    %transpose3A_855 = tpu.transpose %add3A_854, [1, 0] : vector<128x1024xf32> -> vector<1024x128xf32>
    %get3A_856 = arith.constant 0 : index
    %get3A_857 = arith.constant 0 : index
    %get3A_858 = vector.load %arg7[%get3A_856, %get3A_857] : memref<128x128xf32, #tpu.memory_space<vmem>>, vector<128x128xf32>
    %dot_general3A_859 = arith.constant dense<0.000000e+00> : vector<1024x128xf32>
    %dot_general3A_860 = tpu.matmul %get3A_14, %get3A_858, %dot_general3A_859 {dimension_numbers = #tpu.dot_dimension_numbers<[1], [0], [0], [1], [0, 0, 1, 1], [], []>, precision = #tpu.contract_precision<fp32>, transpose_lhs_hint = false} : vector<1024x128xf32>, vector<128x128xf32>, vector<1024x128xf32> -> vector<1024x128xf32>
    %add3A_861 = arith.addf %transpose3A_855, %dot_general3A_860 : vector<1024x128xf32>
    %swap3A_862 = arith.constant 0 : index
    %swap3A_863 = arith.constant 0 : index
    %swap3A_864 = vector.load %arg8[%swap3A_862, %swap3A_863] : memref<1024x128xf32, #tpu.memory_space<vmem>>, vector<1024x128xf32>
    tpu.vector_store %arg8[%swap3A_862, %swap3A_863], %add3A_861 {strides = array<i32>} : memref<1024x128xf32, #tpu.memory_space<vmem>>, vector<1024x128xf32>,
    %iota3A = tpu.iota {dimensions = array<i32: 1>} : vector<1024x128xi32>
    %get3A_865 = arith.constant 0 : index
    %get3A_866 = arith.constant 0 : index
    %get3A_867 = vector.load %arg3[%get3A_865, %get3A_866] : memref<1024x1xi32, #tpu.memory_space<vmem>>, vector<1024x1xi32>
    %eq3A = vector.broadcast %get3A_867 : vector<1024x1xi32> to vector<1024x128xi32>
    %eq3A_868 = arith.cmpi eq, %iota3A, %eq3A : vector<1024x128xi32>
    %jit3A = arith.constant 1.000000e+00 : f32
    %jit3A_869 = arith.constant 0.000000e+00 : f32
    %broadcast_in_dim3A_870 = vector.broadcast %jit3A : f32 to vector<1024x128xf32>
    %broadcast_in_dim3A_871 = vector.broadcast %jit3A_869 : f32 to vector<1024x128xf32>
    %select_n3A = arith.select %eq3A_868, %broadcast_in_dim3A_870, %broadcast_in_dim3A_871 : vector<1024x128xi1>, vector<1024x128xf32>
    %swap3A_872 = arith.constant 0 : index
    %swap3A_873 = arith.constant 0 : index
    %swap3A_874 = vector.load %arg9[%swap3A_872, %swap3A_873] : memref<1024x128xf32, #tpu.memory_space<vmem>>, vector<1024x128xf32>
    tpu.vector_store %arg9[%swap3A_872, %swap3A_873], %select_n3A {strides = array<i32>} : memref<1024x128xf32, #tpu.memory_space<vmem>>, vector<1024x128xf32>,
    return
  }
  func.func @transform_0(%arg0: i32) -> (i32, i32) {
    %c0_i32 = arith.constant 0 : i32
    %c0_i32_0 = arith.constant 0 : i32
    return %arg0, %c0_i32 : i32, i32
  }
  func.func @transform_1(%arg0: i32) -> (i32, i32) {
    %c0_i32 = arith.constant 0 : i32
    %c0_i32_0 = arith.constant 0 : i32
    return %arg0, %c0_i32 : i32, i32
  }
  func.func @transform_2(%arg0: i32) -> (i32, i32) {
    %c0_i32 = arith.constant 0 : i32
    %c0_i32_0 = arith.constant 0 : i32
    return %arg0, %c0_i32 : i32, i32
  }
  func.func @transform_3(%arg0: i32) -> (i32, i32) {
    %c0_i32 = arith.constant 0 : i32
    %c0_i32_0 = arith.constant 0 : i32
    %c0_i32_1 = arith.constant 0 : i32
    return %c0_i32, %c0_i32_0 : i32, i32
  }
  func.func @transform_4(%arg0: i32) -> (i32, i32) {
    %c0_i32 = arith.constant 0 : i32
    %c0_i32_0 = arith.constant 0 : i32
    %c0_i32_1 = arith.constant 0 : i32
    return %c0_i32, %c0_i32_0 : i32, i32
  }
  func.func @transform_5(%arg0: i32) -> (i32, i32) {
    %c0_i32 = arith.constant 0 : i32
    %c0_i32_0 = arith.constant 0 : i32
    %c0_i32_1 = arith.constant 0 : i32
    return %c0_i32, %c0_i32_0 : i32, i32
  }
  func.func @transform_6(%arg0: i32) -> (i32, i32) {
    %c0_i32 = arith.constant 0 : i32
    %c0_i32_0 = arith.constant 0 : i32
    %c0_i32_1 = arith.constant 0 : i32
    return %c0_i32, %c0_i32_0 : i32, i32
  }
  func.func @transform_7(%arg0: i32) -> (i32, i32) {
    %c0_i32 = arith.constant 0 : i32
    %c0_i32_0 = arith.constant 0 : i32
    return %arg0, %c0_i32 : i32, i32
  }
  func.func @transform_8(%arg0: i32) -> (i32, i32) {
    %c0_i32 = arith.constant 0 : i32
    %c0_i32_0 = arith.constant 0 : i32
    return %arg0, %c0_i32 : i32, i32
  }
}

module attributes {stable_mosaic.version = 14 : i64} {
  func.func @_edge_kernel(%arg0: i32, %arg1: memref<1024x128xf32, #tpu.memory_space<vmem>>, %arg2: memref<1024x128xf32, #tpu.memory_space<vmem>>, %arg3: memref<1024x1xi32, #tpu.memory_space<vmem>>, %arg4: memref<128x128xf32, #tpu.memory_space<vmem>>, %arg5: memref<1x128xf32, #tpu.memory_space<vmem>>, %arg6: memref<128x16384xbf16, #tpu.memory_space<vmem>>, %arg7: memref<128x128xf32, #tpu.memory_space<vmem>>, %arg8: memref<1024x128xf32, #tpu.memory_space<vmem>>, %arg9: memref<1024x128xf32, #tpu.memory_space<vmem>>, %arg10: memref<2048x1024xbf16, #tpu.memory_space<vmem>>, %arg11: memref<2048x1024xbf16, #tpu.memory_space<vmem>>) attributes {dimension_semantics = [#tpu.dimension_semantics<arbitrary>], iteration_bounds = array<i64: 8>, scalar_prefetch = 0 : i64, scratch_operands = 2 : i64, tpu.core_type = #tpu.core_type<tc>, window_params = [{transform_indices = @transform_0, window_bounds = array<i64: 1024, 128>}, {transform_indices = @transform_1, window_bounds = array<i64: 1024, 128>}, {transform_indices = @transform_2, window_bounds = array<i64: 1024, 1>}, {pipeline_mode = #tpu.pipeline_mode<synchronous>, transform_indices = @transform_3, window_bounds = array<i64: 128, 128>}, {pipeline_mode = #tpu.pipeline_mode<synchronous>, transform_indices = @transform_4, window_bounds = array<i64: 1, 128>}, {pipeline_mode = #tpu.pipeline_mode<synchronous>, transform_indices = @transform_5, window_bounds = array<i64: 128, 16384>}, {pipeline_mode = #tpu.pipeline_mode<synchronous>, transform_indices = @transform_6, window_bounds = array<i64: 128, 128>}, {transform_indices = @transform_7, window_bounds = array<i64: 1024, 128>}, {transform_indices = @transform_8, window_bounds = array<i64: 1024, 128>}]} {
    %get3A = arith.constant 0 : index
    %get3A_0 = arith.constant 0 : index
    %get3A_1 = vector.load %arg1[%get3A, %get3A_0] : memref<1024x128xf32, #tpu.memory_space<vmem>>, vector<1024x128xf32>
    %get3A_2 = arith.constant 0 : index
    %get3A_3 = arith.constant 0 : index
    %get3A_4 = vector.load %arg4[%get3A_2, %get3A_3] : memref<128x128xf32, #tpu.memory_space<vmem>>, vector<128x128xf32>
    %dot_general3A = arith.constant dense<0.000000e+00> : vector<1024x128xf32>
    %dot_general3A_5 = tpu.matmul %get3A_1, %get3A_4, %dot_general3A {dimension_numbers = #tpu.dot_dimension_numbers<[1], [0], [0], [1], [0, 0, 1, 1], [], []>, precision = #tpu.contract_precision<fp32>, transpose_lhs_hint = false} : vector<1024x128xf32>, vector<128x128xf32>, vector<1024x128xf32> -> vector<1024x128xf32>
    %get3A_6 = arith.constant 0 : index
    %get3A_7 = arith.constant 0 : index
    %get3A_8 = vector.load %arg5[%get3A_6, %get3A_7] : memref<1x128xf32, #tpu.memory_space<vmem>>, vector<1x128xf32>
    %add3A = vector.broadcast %get3A_8 : vector<1x128xf32> to vector<1024x128xf32>
    %add3A_9 = arith.addf %dot_general3A_5, %add3A : vector<1024x128xf32>
    %max3A = arith.constant 0.000000e+00 : f32
    %max3A_10 = vector.broadcast %max3A : f32 to vector<1024x128xf32>
    %max3A_11 = arith.maximumf %add3A_9, %max3A_10 : vector<1024x128xf32>
    %get3A_12 = arith.constant 0 : index
    %get3A_13 = arith.constant 0 : index
    %get3A_14 = vector.load %arg2[%get3A_12, %get3A_13] : memref<1024x128xf32, #tpu.memory_space<vmem>>, vector<1024x128xf32>
    %convert_element_type3A = arith.truncf %max3A_11 : vector<1024x128xf32> to vector<1024x128xbf16>
    %transpose3A = tpu.transpose %convert_element_type3A, [1, 0] : vector<1024x128xbf16> -> vector<128x1024xbf16>
    %convert_element_type3A_15 = arith.truncf %get3A_14 : vector<1024x128xf32> to vector<1024x128xbf16>
    %transpose3A_16 = tpu.transpose %convert_element_type3A_15, [1, 0] : vector<1024x128xbf16> -> vector<128x1024xbf16>
    %broadcast_in_dim3A = arith.constant 0.000000e+00 : f32
    %broadcast_in_dim3A_17 = vector.broadcast %broadcast_in_dim3A : f32 to vector<128x1024xf32>
    %slice3A = vector.extract_strided_slice %transpose3A {offsets = [0, 0], sizes = [1, 1024], strides = [1, 1]} : vector<128x1024xbf16> to vector<1x1024xbf16>
    %mul3A = vector.broadcast %slice3A : vector<1x1024xbf16> to vector<128x1024xbf16>
    %mul3A_18 = arith.mulf %mul3A, %transpose3A_16 : vector<128x1024xbf16>
    %swap3A = arith.constant 0 : index
    %swap3A_19 = arith.constant 0 : index
    %swap3A_20 = vector.load %arg10[%swap3A, %swap3A_19] : memref<2048x1024xbf16, #tpu.memory_space<vmem>>, vector<128x1024xbf16>
    tpu.vector_store %arg10[%swap3A, %swap3A_19], %mul3A_18 {strides = array<i32>} : memref<2048x1024xbf16, #tpu.memory_space<vmem>>, vector<128x1024xbf16>,
    %slice3A_21 = vector.extract_strided_slice %transpose3A {offsets = [1, 0], sizes = [1, 1024], strides = [1, 1]} : vector<128x1024xbf16> to vector<1x1024xbf16>
    %mul3A_22 = vector.broadcast %slice3A_21 : vector<1x1024xbf16> to vector<128x1024xbf16>
    %mul3A_23 = arith.mulf %mul3A_22, %transpose3A_16 : vector<128x1024xbf16>
    %swap3A_24 = arith.constant 128 : index
    %swap3A_25 = arith.constant 0 : index
    %swap3A_26 = vector.load %arg10[%swap3A_24, %swap3A_25] : memref<2048x1024xbf16, #tpu.memory_space<vmem>>, vector<128x1024xbf16>
    tpu.vector_store %arg10[%swap3A_24, %swap3A_25], %mul3A_23 {strides = array<i32>} : memref<2048x1024xbf16, #tpu.memory_space<vmem>>, vector<128x1024xbf16>,
    %slice3A_27 = vector.extract_strided_slice %transpose3A {offsets = [2, 0], sizes = [1, 1024], strides = [1, 1]} : vector<128x1024xbf16> to vector<1x1024xbf16>
    %mul3A_28 = vector.broadcast %slice3A_27 : vector<1x1024xbf16> to vector<128x1024xbf16>
    %mul3A_29 = arith.mulf %mul3A_28, %transpose3A_16 : vector<128x1024xbf16>
    %swap3A_30 = arith.constant 256 : index
    %swap3A_31 = arith.constant 0 : index
    %swap3A_32 = vector.load %arg10[%swap3A_30, %swap3A_31] : memref<2048x1024xbf16, #tpu.memory_space<vmem>>, vector<128x1024xbf16>
    tpu.vector_store %arg10[%swap3A_30, %swap3A_31], %mul3A_29 {strides = array<i32>} : memref<2048x1024xbf16, #tpu.memory_space<vmem>>, vector<128x1024xbf16>,
    %slice3A_33 = vector.extract_strided_slice %transpose3A {offsets = [3, 0], sizes = [1, 1024], strides = [1, 1]} : vector<128x1024xbf16> to vector<1x1024xbf16>
    %mul3A_34 = vector.broadcast %slice3A_33 : vector<1x1024xbf16> to vector<128x1024xbf16>
    %mul3A_35 = arith.mulf %mul3A_34, %transpose3A_16 : vector<128x1024xbf16>
    %swap3A_36 = arith.constant 384 : index
    %swap3A_37 = arith.constant 0 : index
    %swap3A_38 = vector.load %arg10[%swap3A_36, %swap3A_37] : memref<2048x1024xbf16, #tpu.memory_space<vmem>>, vector<128x1024xbf16>
    tpu.vector_store %arg10[%swap3A_36, %swap3A_37], %mul3A_35 {strides = array<i32>} : memref<2048x1024xbf16, #tpu.memory_space<vmem>>, vector<128x1024xbf16>,
    %slice3A_39 = vector.extract_strided_slice %transpose3A {offsets = [4, 0], sizes = [1, 1024], strides = [1, 1]} : vector<128x1024xbf16> to vector<1x1024xbf16>
    %mul3A_40 = vector.broadcast %slice3A_39 : vector<1x1024xbf16> to vector<128x1024xbf16>
    %mul3A_41 = arith.mulf %mul3A_40, %transpose3A_16 : vector<128x1024xbf16>
    %swap3A_42 = arith.constant 512 : index
    %swap3A_43 = arith.constant 0 : index
    %swap3A_44 = vector.load %arg10[%swap3A_42, %swap3A_43] : memref<2048x1024xbf16, #tpu.memory_space<vmem>>, vector<128x1024xbf16>
    tpu.vector_store %arg10[%swap3A_42, %swap3A_43], %mul3A_41 {strides = array<i32>} : memref<2048x1024xbf16, #tpu.memory_space<vmem>>, vector<128x1024xbf16>,
    %slice3A_45 = vector.extract_strided_slice %transpose3A {offsets = [5, 0], sizes = [1, 1024], strides = [1, 1]} : vector<128x1024xbf16> to vector<1x1024xbf16>
    %mul3A_46 = vector.broadcast %slice3A_45 : vector<1x1024xbf16> to vector<128x1024xbf16>
    %mul3A_47 = arith.mulf %mul3A_46, %transpose3A_16 : vector<128x1024xbf16>
    %swap3A_48 = arith.constant 640 : index
    %swap3A_49 = arith.constant 0 : index
    %swap3A_50 = vector.load %arg10[%swap3A_48, %swap3A_49] : memref<2048x1024xbf16, #tpu.memory_space<vmem>>, vector<128x1024xbf16>
    tpu.vector_store %arg10[%swap3A_48, %swap3A_49], %mul3A_47 {strides = array<i32>} : memref<2048x1024xbf16, #tpu.memory_space<vmem>>, vector<128x1024xbf16>,
    %slice3A_51 = vector.extract_strided_slice %transpose3A {offsets = [6, 0], sizes = [1, 1024], strides = [1, 1]} : vector<128x1024xbf16> to vector<1x1024xbf16>
    %mul3A_52 = vector.broadcast %slice3A_51 : vector<1x1024xbf16> to vector<128x1024xbf16>
    %mul3A_53 = arith.mulf %mul3A_52, %transpose3A_16 : vector<128x1024xbf16>
    %swap3A_54 = arith.constant 768 : index
    %swap3A_55 = arith.constant 0 : index
    %swap3A_56 = vector.load %arg10[%swap3A_54, %swap3A_55] : memref<2048x1024xbf16, #tpu.memory_space<vmem>>, vector<128x1024xbf16>
    tpu.vector_store %arg10[%swap3A_54, %swap3A_55], %mul3A_53 {strides = array<i32>} : memref<2048x1024xbf16, #tpu.memory_space<vmem>>, vector<128x1024xbf16>,
    %slice3A_57 = vector.extract_strided_slice %transpose3A {offsets = [7, 0], sizes = [1, 1024], strides = [1, 1]} : vector<128x1024xbf16> to vector<1x1024xbf16>
    %mul3A_58 = vector.broadcast %slice3A_57 : vector<1x1024xbf16> to vector<128x1024xbf16>
    %mul3A_59 = arith.mulf %mul3A_58, %transpose3A_16 : vector<128x1024xbf16>
    %swap3A_60 = arith.constant 896 : index
    %swap3A_61 = arith.constant 0 : index
    %swap3A_62 = vector.load %arg10[%swap3A_60, %swap3A_61] : memref<2048x1024xbf16, #tpu.memory_space<vmem>>, vector<128x1024xbf16>
    tpu.vector_store %arg10[%swap3A_60, %swap3A_61], %mul3A_59 {strides = array<i32>} : memref<2048x1024xbf16, #tpu.memory_space<vmem>>, vector<128x1024xbf16>,
    %slice3A_63 = vector.extract_strided_slice %transpose3A {offsets = [8, 0], sizes = [1, 1024], strides = [1, 1]} : vector<128x1024xbf16> to vector<1x1024xbf16>
    %mul3A_64 = vector.broadcast %slice3A_63 : vector<1x1024xbf16> to vector<128x1024xbf16>
    %mul3A_65 = arith.mulf %mul3A_64, %transpose3A_16 : vector<128x1024xbf16>
    %swap3A_66 = arith.constant 1024 : index
    %swap3A_67 = arith.constant 0 : index
    %swap3A_68 = vector.load %arg10[%swap3A_66, %swap3A_67] : memref<2048x1024xbf16, #tpu.memory_space<vmem>>, vector<128x1024xbf16>
    tpu.vector_store %arg10[%swap3A_66, %swap3A_67], %mul3A_65 {strides = array<i32>} : memref<2048x1024xbf16, #tpu.memory_space<vmem>>, vector<128x1024xbf16>,
    %slice3A_69 = vector.extract_strided_slice %transpose3A {offsets = [9, 0], sizes = [1, 1024], strides = [1, 1]} : vector<128x1024xbf16> to vector<1x1024xbf16>
    %mul3A_70 = vector.broadcast %slice3A_69 : vector<1x1024xbf16> to vector<128x1024xbf16>
    %mul3A_71 = arith.mulf %mul3A_70, %transpose3A_16 : vector<128x1024xbf16>
    %swap3A_72 = arith.constant 1152 : index
    %swap3A_73 = arith.constant 0 : index
    %swap3A_74 = vector.load %arg10[%swap3A_72, %swap3A_73] : memref<2048x1024xbf16, #tpu.memory_space<vmem>>, vector<128x1024xbf16>
    tpu.vector_store %arg10[%swap3A_72, %swap3A_73], %mul3A_71 {strides = array<i32>} : memref<2048x1024xbf16, #tpu.memory_space<vmem>>, vector<128x1024xbf16>,
    %slice3A_75 = vector.extract_strided_slice %transpose3A {offsets = [10, 0], sizes = [1, 1024], strides = [1, 1]} : vector<128x1024xbf16> to vector<1x1024xbf16>
    %mul3A_76 = vector.broadcast %slice3A_75 : vector<1x1024xbf16> to vector<128x1024xbf16>
    %mul3A_77 = arith.mulf %mul3A_76, %transpose3A_16 : vector<128x1024xbf16>
    %swap3A_78 = arith.constant 1280 : index
    %swap3A_79 = arith.constant 0 : index
    %swap3A_80 = vector.load %arg10[%swap3A_78, %swap3A_79] : memref<2048x1024xbf16, #tpu.memory_space<vmem>>, vector<128x1024xbf16>
    tpu.vector_store %arg10[%swap3A_78, %swap3A_79], %mul3A_77 {strides = array<i32>} : memref<2048x1024xbf16, #tpu.memory_space<vmem>>, vector<128x1024xbf16>,
    %slice3A_81 = vector.extract_strided_slice %transpose3A {offsets = [11, 0], sizes = [1, 1024], strides = [1, 1]} : vector<128x1024xbf16> to vector<1x1024xbf16>
    %mul3A_82 = vector.broadcast %slice3A_81 : vector<1x1024xbf16> to vector<128x1024xbf16>
    %mul3A_83 = arith.mulf %mul3A_82, %transpose3A_16 : vector<128x1024xbf16>
    %swap3A_84 = arith.constant 1408 : index
    %swap3A_85 = arith.constant 0 : index
    %swap3A_86 = vector.load %arg10[%swap3A_84, %swap3A_85] : memref<2048x1024xbf16, #tpu.memory_space<vmem>>, vector<128x1024xbf16>
    tpu.vector_store %arg10[%swap3A_84, %swap3A_85], %mul3A_83 {strides = array<i32>} : memref<2048x1024xbf16, #tpu.memory_space<vmem>>, vector<128x1024xbf16>,
    %slice3A_87 = vector.extract_strided_slice %transpose3A {offsets = [12, 0], sizes = [1, 1024], strides = [1, 1]} : vector<128x1024xbf16> to vector<1x1024xbf16>
    %mul3A_88 = vector.broadcast %slice3A_87 : vector<1x1024xbf16> to vector<128x1024xbf16>
    %mul3A_89 = arith.mulf %mul3A_88, %transpose3A_16 : vector<128x1024xbf16>
    %swap3A_90 = arith.constant 1536 : index
    %swap3A_91 = arith.constant 0 : index
    %swap3A_92 = vector.load %arg10[%swap3A_90, %swap3A_91] : memref<2048x1024xbf16, #tpu.memory_space<vmem>>, vector<128x1024xbf16>
    tpu.vector_store %arg10[%swap3A_90, %swap3A_91], %mul3A_89 {strides = array<i32>} : memref<2048x1024xbf16, #tpu.memory_space<vmem>>, vector<128x1024xbf16>,
    %slice3A_93 = vector.extract_strided_slice %transpose3A {offsets = [13, 0], sizes = [1, 1024], strides = [1, 1]} : vector<128x1024xbf16> to vector<1x1024xbf16>
    %mul3A_94 = vector.broadcast %slice3A_93 : vector<1x1024xbf16> to vector<128x1024xbf16>
    %mul3A_95 = arith.mulf %mul3A_94, %transpose3A_16 : vector<128x1024xbf16>
    %swap3A_96 = arith.constant 1664 : index
    %swap3A_97 = arith.constant 0 : index
    %swap3A_98 = vector.load %arg10[%swap3A_96, %swap3A_97] : memref<2048x1024xbf16, #tpu.memory_space<vmem>>, vector<128x1024xbf16>
    tpu.vector_store %arg10[%swap3A_96, %swap3A_97], %mul3A_95 {strides = array<i32>} : memref<2048x1024xbf16, #tpu.memory_space<vmem>>, vector<128x1024xbf16>,
    %slice3A_99 = vector.extract_strided_slice %transpose3A {offsets = [14, 0], sizes = [1, 1024], strides = [1, 1]} : vector<128x1024xbf16> to vector<1x1024xbf16>
    %mul3A_100 = vector.broadcast %slice3A_99 : vector<1x1024xbf16> to vector<128x1024xbf16>
    %mul3A_101 = arith.mulf %mul3A_100, %transpose3A_16 : vector<128x1024xbf16>
    %swap3A_102 = arith.constant 1792 : index
    %swap3A_103 = arith.constant 0 : index
    %swap3A_104 = vector.load %arg10[%swap3A_102, %swap3A_103] : memref<2048x1024xbf16, #tpu.memory_space<vmem>>, vector<128x1024xbf16>
    tpu.vector_store %arg10[%swap3A_102, %swap3A_103], %mul3A_101 {strides = array<i32>} : memref<2048x1024xbf16, #tpu.memory_space<vmem>>, vector<128x1024xbf16>,
    %slice3A_105 = vector.extract_strided_slice %transpose3A {offsets = [15, 0], sizes = [1, 1024], strides = [1, 1]} : vector<128x1024xbf16> to vector<1x1024xbf16>
    %mul3A_106 = vector.broadcast %slice3A_105 : vector<1x1024xbf16> to vector<128x1024xbf16>
    %mul3A_107 = arith.mulf %mul3A_106, %transpose3A_16 : vector<128x1024xbf16>
    %swap3A_108 = arith.constant 1920 : index
    %swap3A_109 = arith.constant 0 : index
    %swap3A_110 = vector.load %arg10[%swap3A_108, %swap3A_109] : memref<2048x1024xbf16, #tpu.memory_space<vmem>>, vector<128x1024xbf16>
    tpu.vector_store %arg10[%swap3A_108, %swap3A_109], %mul3A_107 {strides = array<i32>} : memref<2048x1024xbf16, #tpu.memory_space<vmem>>, vector<128x1024xbf16>,
    %get3A_111 = arith.constant 0 : index
    %get3A_112 = arith.constant 0 : index
    %get3A_113 = vector.load %arg6[%get3A_111, %get3A_112] : memref<128x16384xbf16, #tpu.memory_space<vmem>>, vector<128x2048xbf16>
    %get3A_114 = arith.constant 0 : index
    %get3A_115 = arith.constant 0 : index
    %get3A_116 = vector.load %arg10[%get3A_114, %get3A_115] : memref<2048x1024xbf16, #tpu.memory_space<vmem>>, vector<2048x1024xbf16>
    %dot_general3A_117 = arith.constant dense<0.000000e+00> : vector<128x1024xf32>
    %dot_general3A_118 = tpu.matmul %get3A_113, %get3A_116, %dot_general3A_117 {dimension_numbers = #tpu.dot_dimension_numbers<[1], [0], [0], [1], [0, 0, 1, 1], [], []>, transpose_lhs_hint = false} : vector<128x2048xbf16>, vector<2048x1024xbf16>, vector<128x1024xf32> -> vector<128x1024xf32>
    %add3A_119 = arith.addf %broadcast_in_dim3A_17, %dot_general3A_118 : vector<128x1024xf32>
    %slice3A_120 = vector.extract_strided_slice %transpose3A {offsets = [16, 0], sizes = [1, 1024], strides = [1, 1]} : vector<128x1024xbf16> to vector<1x1024xbf16>
    %mul3A_121 = vector.broadcast %slice3A_120 : vector<1x1024xbf16> to vector<128x1024xbf16>
    %mul3A_122 = arith.mulf %mul3A_121, %transpose3A_16 : vector<128x1024xbf16>
    %swap3A_123 = arith.constant 0 : index
    %swap3A_124 = arith.constant 0 : index
    %swap3A_125 = vector.load %arg11[%swap3A_123, %swap3A_124] : memref<2048x1024xbf16, #tpu.memory_space<vmem>>, vector<128x1024xbf16>
    tpu.vector_store %arg11[%swap3A_123, %swap3A_124], %mul3A_122 {strides = array<i32>} : memref<2048x1024xbf16, #tpu.memory_space<vmem>>, vector<128x1024xbf16>,
    %slice3A_126 = vector.extract_strided_slice %transpose3A {offsets = [17, 0], sizes = [1, 1024], strides = [1, 1]} : vector<128x1024xbf16> to vector<1x1024xbf16>
    %mul3A_127 = vector.broadcast %slice3A_126 : vector<1x1024xbf16> to vector<128x1024xbf16>
    %mul3A_128 = arith.mulf %mul3A_127, %transpose3A_16 : vector<128x1024xbf16>
    %swap3A_129 = arith.constant 128 : index
    %swap3A_130 = arith.constant 0 : index
    %swap3A_131 = vector.load %arg11[%swap3A_129, %swap3A_130] : memref<2048x1024xbf16, #tpu.memory_space<vmem>>, vector<128x1024xbf16>
    tpu.vector_store %arg11[%swap3A_129, %swap3A_130], %mul3A_128 {strides = array<i32>} : memref<2048x1024xbf16, #tpu.memory_space<vmem>>, vector<128x1024xbf16>,
    %slice3A_132 = vector.extract_strided_slice %transpose3A {offsets = [18, 0], sizes = [1, 1024], strides = [1, 1]} : vector<128x1024xbf16> to vector<1x1024xbf16>
    %mul3A_133 = vector.broadcast %slice3A_132 : vector<1x1024xbf16> to vector<128x1024xbf16>
    %mul3A_134 = arith.mulf %mul3A_133, %transpose3A_16 : vector<128x1024xbf16>
    %swap3A_135 = arith.constant 256 : index
    %swap3A_136 = arith.constant 0 : index
    %swap3A_137 = vector.load %arg11[%swap3A_135, %swap3A_136] : memref<2048x1024xbf16, #tpu.memory_space<vmem>>, vector<128x1024xbf16>
    tpu.vector_store %arg11[%swap3A_135, %swap3A_136], %mul3A_134 {strides = array<i32>} : memref<2048x1024xbf16, #tpu.memory_space<vmem>>, vector<128x1024xbf16>,
    %slice3A_138 = vector.extract_strided_slice %transpose3A {offsets = [19, 0], sizes = [1, 1024], strides = [1, 1]} : vector<128x1024xbf16> to vector<1x1024xbf16>
    %mul3A_139 = vector.broadcast %slice3A_138 : vector<1x1024xbf16> to vector<128x1024xbf16>
    %mul3A_140 = arith.mulf %mul3A_139, %transpose3A_16 : vector<128x1024xbf16>
    %swap3A_141 = arith.constant 384 : index
    %swap3A_142 = arith.constant 0 : index
    %swap3A_143 = vector.load %arg11[%swap3A_141, %swap3A_142] : memref<2048x1024xbf16, #tpu.memory_space<vmem>>, vector<128x1024xbf16>
    tpu.vector_store %arg11[%swap3A_141, %swap3A_142], %mul3A_140 {strides = array<i32>} : memref<2048x1024xbf16, #tpu.memory_space<vmem>>, vector<128x1024xbf16>,
    %slice3A_144 = vector.extract_strided_slice %transpose3A {offsets = [20, 0], sizes = [1, 1024], strides = [1, 1]} : vector<128x1024xbf16> to vector<1x1024xbf16>
    %mul3A_145 = vector.broadcast %slice3A_144 : vector<1x1024xbf16> to vector<128x1024xbf16>
    %mul3A_146 = arith.mulf %mul3A_145, %transpose3A_16 : vector<128x1024xbf16>
    %swap3A_147 = arith.constant 512 : index
    %swap3A_148 = arith.constant 0 : index
    %swap3A_149 = vector.load %arg11[%swap3A_147, %swap3A_148] : memref<2048x1024xbf16, #tpu.memory_space<vmem>>, vector<128x1024xbf16>
    tpu.vector_store %arg11[%swap3A_147, %swap3A_148], %mul3A_146 {strides = array<i32>} : memref<2048x1024xbf16, #tpu.memory_space<vmem>>, vector<128x1024xbf16>,
    %slice3A_150 = vector.extract_strided_slice %transpose3A {offsets = [21, 0], sizes = [1, 1024], strides = [1, 1]} : vector<128x1024xbf16> to vector<1x1024xbf16>
    %mul3A_151 = vector.broadcast %slice3A_150 : vector<1x1024xbf16> to vector<128x1024xbf16>
    %mul3A_152 = arith.mulf %mul3A_151, %transpose3A_16 : vector<128x1024xbf16>
    %swap3A_153 = arith.constant 640 : index
    %swap3A_154 = arith.constant 0 : index
    %swap3A_155 = vector.load %arg11[%swap3A_153, %swap3A_154] : memref<2048x1024xbf16, #tpu.memory_space<vmem>>, vector<128x1024xbf16>
    tpu.vector_store %arg11[%swap3A_153, %swap3A_154], %mul3A_152 {strides = array<i32>} : memref<2048x1024xbf16, #tpu.memory_space<vmem>>, vector<128x1024xbf16>,
    %slice3A_156 = vector.extract_strided_slice %transpose3A {offsets = [22, 0], sizes = [1, 1024], strides = [1, 1]} : vector<128x1024xbf16> to vector<1x1024xbf16>
    %mul3A_157 = vector.broadcast %slice3A_156 : vector<1x1024xbf16> to vector<128x1024xbf16>
    %mul3A_158 = arith.mulf %mul3A_157, %transpose3A_16 : vector<128x1024xbf16>
    %swap3A_159 = arith.constant 768 : index
    %swap3A_160 = arith.constant 0 : index
    %swap3A_161 = vector.load %arg11[%swap3A_159, %swap3A_160] : memref<2048x1024xbf16, #tpu.memory_space<vmem>>, vector<128x1024xbf16>
    tpu.vector_store %arg11[%swap3A_159, %swap3A_160], %mul3A_158 {strides = array<i32>} : memref<2048x1024xbf16, #tpu.memory_space<vmem>>, vector<128x1024xbf16>,
    %slice3A_162 = vector.extract_strided_slice %transpose3A {offsets = [23, 0], sizes = [1, 1024], strides = [1, 1]} : vector<128x1024xbf16> to vector<1x1024xbf16>
    %mul3A_163 = vector.broadcast %slice3A_162 : vector<1x1024xbf16> to vector<128x1024xbf16>
    %mul3A_164 = arith.mulf %mul3A_163, %transpose3A_16 : vector<128x1024xbf16>
    %swap3A_165 = arith.constant 896 : index
    %swap3A_166 = arith.constant 0 : index
    %swap3A_167 = vector.load %arg11[%swap3A_165, %swap3A_166] : memref<2048x1024xbf16, #tpu.memory_space<vmem>>, vector<128x1024xbf16>
    tpu.vector_store %arg11[%swap3A_165, %swap3A_166], %mul3A_164 {strides = array<i32>} : memref<2048x1024xbf16, #tpu.memory_space<vmem>>, vector<128x1024xbf16>,
    %slice3A_168 = vector.extract_strided_slice %transpose3A {offsets = [24, 0], sizes = [1, 1024], strides = [1, 1]} : vector<128x1024xbf16> to vector<1x1024xbf16>
    %mul3A_169 = vector.broadcast %slice3A_168 : vector<1x1024xbf16> to vector<128x1024xbf16>
    %mul3A_170 = arith.mulf %mul3A_169, %transpose3A_16 : vector<128x1024xbf16>
    %swap3A_171 = arith.constant 1024 : index
    %swap3A_172 = arith.constant 0 : index
    %swap3A_173 = vector.load %arg11[%swap3A_171, %swap3A_172] : memref<2048x1024xbf16, #tpu.memory_space<vmem>>, vector<128x1024xbf16>
    tpu.vector_store %arg11[%swap3A_171, %swap3A_172], %mul3A_170 {strides = array<i32>} : memref<2048x1024xbf16, #tpu.memory_space<vmem>>, vector<128x1024xbf16>,
    %slice3A_174 = vector.extract_strided_slice %transpose3A {offsets = [25, 0], sizes = [1, 1024], strides = [1, 1]} : vector<128x1024xbf16> to vector<1x1024xbf16>
    %mul3A_175 = vector.broadcast %slice3A_174 : vector<1x1024xbf16> to vector<128x1024xbf16>
    %mul3A_176 = arith.mulf %mul3A_175, %transpose3A_16 : vector<128x1024xbf16>
    %swap3A_177 = arith.constant 1152 : index
    %swap3A_178 = arith.constant 0 : index
    %swap3A_179 = vector.load %arg11[%swap3A_177, %swap3A_178] : memref<2048x1024xbf16, #tpu.memory_space<vmem>>, vector<128x1024xbf16>
    tpu.vector_store %arg11[%swap3A_177, %swap3A_178], %mul3A_176 {strides = array<i32>} : memref<2048x1024xbf16, #tpu.memory_space<vmem>>, vector<128x1024xbf16>,
    %slice3A_180 = vector.extract_strided_slice %transpose3A {offsets = [26, 0], sizes = [1, 1024], strides = [1, 1]} : vector<128x1024xbf16> to vector<1x1024xbf16>
    %mul3A_181 = vector.broadcast %slice3A_180 : vector<1x1024xbf16> to vector<128x1024xbf16>
    %mul3A_182 = arith.mulf %mul3A_181, %transpose3A_16 : vector<128x1024xbf16>
    %swap3A_183 = arith.constant 1280 : index
    %swap3A_184 = arith.constant 0 : index
    %swap3A_185 = vector.load %arg11[%swap3A_183, %swap3A_184] : memref<2048x1024xbf16, #tpu.memory_space<vmem>>, vector<128x1024xbf16>
    tpu.vector_store %arg11[%swap3A_183, %swap3A_184], %mul3A_182 {strides = array<i32>} : memref<2048x1024xbf16, #tpu.memory_space<vmem>>, vector<128x1024xbf16>,
    %slice3A_186 = vector.extract_strided_slice %transpose3A {offsets = [27, 0], sizes = [1, 1024], strides = [1, 1]} : vector<128x1024xbf16> to vector<1x1024xbf16>
    %mul3A_187 = vector.broadcast %slice3A_186 : vector<1x1024xbf16> to vector<128x1024xbf16>
    %mul3A_188 = arith.mulf %mul3A_187, %transpose3A_16 : vector<128x1024xbf16>
    %swap3A_189 = arith.constant 1408 : index
    %swap3A_190 = arith.constant 0 : index
    %swap3A_191 = vector.load %arg11[%swap3A_189, %swap3A_190] : memref<2048x1024xbf16, #tpu.memory_space<vmem>>, vector<128x1024xbf16>
    tpu.vector_store %arg11[%swap3A_189, %swap3A_190], %mul3A_188 {strides = array<i32>} : memref<2048x1024xbf16, #tpu.memory_space<vmem>>, vector<128x1024xbf16>,
    %slice3A_192 = vector.extract_strided_slice %transpose3A {offsets = [28, 0], sizes = [1, 1024], strides = [1, 1]} : vector<128x1024xbf16> to vector<1x1024xbf16>
    %mul3A_193 = vector.broadcast %slice3A_192 : vector<1x1024xbf16> to vector<128x1024xbf16>
    %mul3A_194 = arith.mulf %mul3A_193, %transpose3A_16 : vector<128x1024xbf16>
    %swap3A_195 = arith.constant 1536 : index
    %swap3A_196 = arith.constant 0 : index
    %swap3A_197 = vector.load %arg11[%swap3A_195, %swap3A_196] : memref<2048x1024xbf16, #tpu.memory_space<vmem>>, vector<128x1024xbf16>
    tpu.vector_store %arg11[%swap3A_195, %swap3A_196], %mul3A_194 {strides = array<i32>} : memref<2048x1024xbf16, #tpu.memory_space<vmem>>, vector<128x1024xbf16>,
    %slice3A_198 = vector.extract_strided_slice %transpose3A {offsets = [29, 0], sizes = [1, 1024], strides = [1, 1]} : vector<128x1024xbf16> to vector<1x1024xbf16>
    %mul3A_199 = vector.broadcast %slice3A_198 : vector<1x1024xbf16> to vector<128x1024xbf16>
    %mul3A_200 = arith.mulf %mul3A_199, %transpose3A_16 : vector<128x1024xbf16>
    %swap3A_201 = arith.constant 1664 : index
    %swap3A_202 = arith.constant 0 : index
    %swap3A_203 = vector.load %arg11[%swap3A_201, %swap3A_202] : memref<2048x1024xbf16, #tpu.memory_space<vmem>>, vector<128x1024xbf16>
    tpu.vector_store %arg11[%swap3A_201, %swap3A_202], %mul3A_200 {strides = array<i32>} : memref<2048x1024xbf16, #tpu.memory_space<vmem>>, vector<128x1024xbf16>,
    %slice3A_204 = vector.extract_strided_slice %transpose3A {offsets = [30, 0], sizes = [1, 1024], strides = [1, 1]} : vector<128x1024xbf16> to vector<1x1024xbf16>
    %mul3A_205 = vector.broadcast %slice3A_204 : vector<1x1024xbf16> to vector<128x1024xbf16>
    %mul3A_206 = arith.mulf %mul3A_205, %transpose3A_16 : vector<128x1024xbf16>
    %swap3A_207 = arith.constant 1792 : index
    %swap3A_208 = arith.constant 0 : index
    %swap3A_209 = vector.load %arg11[%swap3A_207, %swap3A_208] : memref<2048x1024xbf16, #tpu.memory_space<vmem>>, vector<128x1024xbf16>
    tpu.vector_store %arg11[%swap3A_207, %swap3A_208], %mul3A_206 {strides = array<i32>} : memref<2048x1024xbf16, #tpu.memory_space<vmem>>, vector<128x1024xbf16>,
    %slice3A_210 = vector.extract_strided_slice %transpose3A {offsets = [31, 0], sizes = [1, 1024], strides = [1, 1]} : vector<128x1024xbf16> to vector<1x1024xbf16>
    %mul3A_211 = vector.broadcast %slice3A_210 : vector<1x1024xbf16> to vector<128x1024xbf16>
    %mul3A_212 = arith.mulf %mul3A_211, %transpose3A_16 : vector<128x1024xbf16>
    %swap3A_213 = arith.constant 1920 : index
    %swap3A_214 = arith.constant 0 : index
    %swap3A_215 = vector.load %arg11[%swap3A_213, %swap3A_214] : memref<2048x1024xbf16, #tpu.memory_space<vmem>>, vector<128x1024xbf16>
    tpu.vector_store %arg11[%swap3A_213, %swap3A_214], %mul3A_212 {strides = array<i32>} : memref<2048x1024xbf16, #tpu.memory_space<vmem>>, vector<128x1024xbf16>,
    %get3A_216 = arith.constant 0 : index
    %get3A_217 = arith.constant 2048 : index
    %get3A_218 = vector.load %arg6[%get3A_216, %get3A_217] : memref<128x16384xbf16, #tpu.memory_space<vmem>>, vector<128x2048xbf16>
    %get3A_219 = arith.constant 0 : index
    %get3A_220 = arith.constant 0 : index
    %get3A_221 = vector.load %arg11[%get3A_219, %get3A_220] : memref<2048x1024xbf16, #tpu.memory_space<vmem>>, vector<2048x1024xbf16>
    %dot_general3A_222 = arith.constant dense<0.000000e+00> : vector<128x1024xf32>
    %dot_general3A_223 = tpu.matmul %get3A_218, %get3A_221, %dot_general3A_222 {dimension_numbers = #tpu.dot_dimension_numbers<[1], [0], [0], [1], [0, 0, 1, 1], [], []>, transpose_lhs_hint = false} : vector<128x2048xbf16>, vector<2048x1024xbf16>, vector<128x1024xf32> -> vector<128x1024xf32>
    %add3A_224 = arith.addf %add3A_119, %dot_general3A_223 : vector<128x1024xf32>
    %slice3A_225 = vector.extract_strided_slice %transpose3A {offsets = [32, 0], sizes = [1, 1024], strides = [1, 1]} : vector<128x1024xbf16> to vector<1x1024xbf16>
    %mul3A_226 = vector.broadcast %slice3A_225 : vector<1x1024xbf16> to vector<128x1024xbf16>
    %mul3A_227 = arith.mulf %mul3A_226, %transpose3A_16 : vector<128x1024xbf16>
    %swap3A_228 = arith.constant 0 : index
    %swap3A_229 = arith.constant 0 : index
    %swap3A_230 = vector.load %arg10[%swap3A_228, %swap3A_229] : memref<2048x1024xbf16, #tpu.memory_space<vmem>>, vector<128x1024xbf16>
    tpu.vector_store %arg10[%swap3A_228, %swap3A_229], %mul3A_227 {strides = array<i32>} : memref<2048x1024xbf16, #tpu.memory_space<vmem>>, vector<128x1024xbf16>,
    %slice3A_231 = vector.extract_strided_slice %transpose3A {offsets = [33, 0], sizes = [1, 1024], strides = [1, 1]} : vector<128x1024xbf16> to vector<1x1024xbf16>
    %mul3A_232 = vector.broadcast %slice3A_231 : vector<1x1024xbf16> to vector<128x1024xbf16>
    %mul3A_233 = arith.mulf %mul3A_232, %transpose3A_16 : vector<128x1024xbf16>
    %swap3A_234 = arith.constant 128 : index
    %swap3A_235 = arith.constant 0 : index
    %swap3A_236 = vector.load %arg10[%swap3A_234, %swap3A_235] : memref<2048x1024xbf16, #tpu.memory_space<vmem>>, vector<128x1024xbf16>
    tpu.vector_store %arg10[%swap3A_234, %swap3A_235], %mul3A_233 {strides = array<i32>} : memref<2048x1024xbf16, #tpu.memory_space<vmem>>, vector<128x1024xbf16>,
    %slice3A_237 = vector.extract_strided_slice %transpose3A {offsets = [34, 0], sizes = [1, 1024], strides = [1, 1]} : vector<128x1024xbf16> to vector<1x1024xbf16>
    %mul3A_238 = vector.broadcast %slice3A_237 : vector<1x1024xbf16> to vector<128x1024xbf16>
    %mul3A_239 = arith.mulf %mul3A_238, %transpose3A_16 : vector<128x1024xbf16>
    %swap3A_240 = arith.constant 256 : index
    %swap3A_241 = arith.constant 0 : index
    %swap3A_242 = vector.load %arg10[%swap3A_240, %swap3A_241] : memref<2048x1024xbf16, #tpu.memory_space<vmem>>, vector<128x1024xbf16>
    tpu.vector_store %arg10[%swap3A_240, %swap3A_241], %mul3A_239 {strides = array<i32>} : memref<2048x1024xbf16, #tpu.memory_space<vmem>>, vector<128x1024xbf16>,
    %slice3A_243 = vector.extract_strided_slice %transpose3A {offsets = [35, 0], sizes = [1, 1024], strides = [1, 1]} : vector<128x1024xbf16> to vector<1x1024xbf16>
    %mul3A_244 = vector.broadcast %slice3A_243 : vector<1x1024xbf16> to vector<128x1024xbf16>
    %mul3A_245 = arith.mulf %mul3A_244, %transpose3A_16 : vector<128x1024xbf16>
    %swap3A_246 = arith.constant 384 : index
    %swap3A_247 = arith.constant 0 : index
    %swap3A_248 = vector.load %arg10[%swap3A_246, %swap3A_247] : memref<2048x1024xbf16, #tpu.memory_space<vmem>>, vector<128x1024xbf16>
    tpu.vector_store %arg10[%swap3A_246, %swap3A_247], %mul3A_245 {strides = array<i32>} : memref<2048x1024xbf16, #tpu.memory_space<vmem>>, vector<128x1024xbf16>,
    %slice3A_249 = vector.extract_strided_slice %transpose3A {offsets = [36, 0], sizes = [1, 1024], strides = [1, 1]} : vector<128x1024xbf16> to vector<1x1024xbf16>
    %mul3A_250 = vector.broadcast %slice3A_249 : vector<1x1024xbf16> to vector<128x1024xbf16>
    %mul3A_251 = arith.mulf %mul3A_250, %transpose3A_16 : vector<128x1024xbf16>
    %swap3A_252 = arith.constant 512 : index
    %swap3A_253 = arith.constant 0 : index
    %swap3A_254 = vector.load %arg10[%swap3A_252, %swap3A_253] : memref<2048x1024xbf16, #tpu.memory_space<vmem>>, vector<128x1024xbf16>
    tpu.vector_store %arg10[%swap3A_252, %swap3A_253], %mul3A_251 {strides = array<i32>} : memref<2048x1024xbf16, #tpu.memory_space<vmem>>, vector<128x1024xbf16>,
    %slice3A_255 = vector.extract_strided_slice %transpose3A {offsets = [37, 0], sizes = [1, 1024], strides = [1, 1]} : vector<128x1024xbf16> to vector<1x1024xbf16>
    %mul3A_256 = vector.broadcast %slice3A_255 : vector<1x1024xbf16> to vector<128x1024xbf16>
    %mul3A_257 = arith.mulf %mul3A_256, %transpose3A_16 : vector<128x1024xbf16>
    %swap3A_258 = arith.constant 640 : index
    %swap3A_259 = arith.constant 0 : index
    %swap3A_260 = vector.load %arg10[%swap3A_258, %swap3A_259] : memref<2048x1024xbf16, #tpu.memory_space<vmem>>, vector<128x1024xbf16>
    tpu.vector_store %arg10[%swap3A_258, %swap3A_259], %mul3A_257 {strides = array<i32>} : memref<2048x1024xbf16, #tpu.memory_space<vmem>>, vector<128x1024xbf16>,
    %slice3A_261 = vector.extract_strided_slice %transpose3A {offsets = [38, 0], sizes = [1, 1024], strides = [1, 1]} : vector<128x1024xbf16> to vector<1x1024xbf16>
    %mul3A_262 = vector.broadcast %slice3A_261 : vector<1x1024xbf16> to vector<128x1024xbf16>
    %mul3A_263 = arith.mulf %mul3A_262, %transpose3A_16 : vector<128x1024xbf16>
    %swap3A_264 = arith.constant 768 : index
    %swap3A_265 = arith.constant 0 : index
    %swap3A_266 = vector.load %arg10[%swap3A_264, %swap3A_265] : memref<2048x1024xbf16, #tpu.memory_space<vmem>>, vector<128x1024xbf16>
    tpu.vector_store %arg10[%swap3A_264, %swap3A_265], %mul3A_263 {strides = array<i32>} : memref<2048x1024xbf16, #tpu.memory_space<vmem>>, vector<128x1024xbf16>,
    %slice3A_267 = vector.extract_strided_slice %transpose3A {offsets = [39, 0], sizes = [1, 1024], strides = [1, 1]} : vector<128x1024xbf16> to vector<1x1024xbf16>
    %mul3A_268 = vector.broadcast %slice3A_267 : vector<1x1024xbf16> to vector<128x1024xbf16>
    %mul3A_269 = arith.mulf %mul3A_268, %transpose3A_16 : vector<128x1024xbf16>
    %swap3A_270 = arith.constant 896 : index
    %swap3A_271 = arith.constant 0 : index
    %swap3A_272 = vector.load %arg10[%swap3A_270, %swap3A_271] : memref<2048x1024xbf16, #tpu.memory_space<vmem>>, vector<128x1024xbf16>
    tpu.vector_store %arg10[%swap3A_270, %swap3A_271], %mul3A_269 {strides = array<i32>} : memref<2048x1024xbf16, #tpu.memory_space<vmem>>, vector<128x1024xbf16>,
    %slice3A_273 = vector.extract_strided_slice %transpose3A {offsets = [40, 0], sizes = [1, 1024], strides = [1, 1]} : vector<128x1024xbf16> to vector<1x1024xbf16>
    %mul3A_274 = vector.broadcast %slice3A_273 : vector<1x1024xbf16> to vector<128x1024xbf16>
    %mul3A_275 = arith.mulf %mul3A_274, %transpose3A_16 : vector<128x1024xbf16>
    %swap3A_276 = arith.constant 1024 : index
    %swap3A_277 = arith.constant 0 : index
    %swap3A_278 = vector.load %arg10[%swap3A_276, %swap3A_277] : memref<2048x1024xbf16, #tpu.memory_space<vmem>>, vector<128x1024xbf16>
    tpu.vector_store %arg10[%swap3A_276, %swap3A_277], %mul3A_275 {strides = array<i32>} : memref<2048x1024xbf16, #tpu.memory_space<vmem>>, vector<128x1024xbf16>,
    %slice3A_279 = vector.extract_strided_slice %transpose3A {offsets = [41, 0], sizes = [1, 1024], strides = [1, 1]} : vector<128x1024xbf16> to vector<1x1024xbf16>
    %mul3A_280 = vector.broadcast %slice3A_279 : vector<1x1024xbf16> to vector<128x1024xbf16>
    %mul3A_281 = arith.mulf %mul3A_280, %transpose3A_16 : vector<128x1024xbf16>
    %swap3A_282 = arith.constant 1152 : index
    %swap3A_283 = arith.constant 0 : index
    %swap3A_284 = vector.load %arg10[%swap3A_282, %swap3A_283] : memref<2048x1024xbf16, #tpu.memory_space<vmem>>, vector<128x1024xbf16>
    tpu.vector_store %arg10[%swap3A_282, %swap3A_283], %mul3A_281 {strides = array<i32>} : memref<2048x1024xbf16, #tpu.memory_space<vmem>>, vector<128x1024xbf16>,
    %slice3A_285 = vector.extract_strided_slice %transpose3A {offsets = [42, 0], sizes = [1, 1024], strides = [1, 1]} : vector<128x1024xbf16> to vector<1x1024xbf16>
    %mul3A_286 = vector.broadcast %slice3A_285 : vector<1x1024xbf16> to vector<128x1024xbf16>
    %mul3A_287 = arith.mulf %mul3A_286, %transpose3A_16 : vector<128x1024xbf16>
    %swap3A_288 = arith.constant 1280 : index
    %swap3A_289 = arith.constant 0 : index
    %swap3A_290 = vector.load %arg10[%swap3A_288, %swap3A_289] : memref<2048x1024xbf16, #tpu.memory_space<vmem>>, vector<128x1024xbf16>
    tpu.vector_store %arg10[%swap3A_288, %swap3A_289], %mul3A_287 {strides = array<i32>} : memref<2048x1024xbf16, #tpu.memory_space<vmem>>, vector<128x1024xbf16>,
    %slice3A_291 = vector.extract_strided_slice %transpose3A {offsets = [43, 0], sizes = [1, 1024], strides = [1, 1]} : vector<128x1024xbf16> to vector<1x1024xbf16>
    %mul3A_292 = vector.broadcast %slice3A_291 : vector<1x1024xbf16> to vector<128x1024xbf16>
    %mul3A_293 = arith.mulf %mul3A_292, %transpose3A_16 : vector<128x1024xbf16>
    %swap3A_294 = arith.constant 1408 : index
    %swap3A_295 = arith.constant 0 : index
    %swap3A_296 = vector.load %arg10[%swap3A_294, %swap3A_295] : memref<2048x1024xbf16, #tpu.memory_space<vmem>>, vector<128x1024xbf16>
    tpu.vector_store %arg10[%swap3A_294, %swap3A_295], %mul3A_293 {strides = array<i32>} : memref<2048x1024xbf16, #tpu.memory_space<vmem>>, vector<128x1024xbf16>,
    %slice3A_297 = vector.extract_strided_slice %transpose3A {offsets = [44, 0], sizes = [1, 1024], strides = [1, 1]} : vector<128x1024xbf16> to vector<1x1024xbf16>
    %mul3A_298 = vector.broadcast %slice3A_297 : vector<1x1024xbf16> to vector<128x1024xbf16>
    %mul3A_299 = arith.mulf %mul3A_298, %transpose3A_16 : vector<128x1024xbf16>
    %swap3A_300 = arith.constant 1536 : index
    %swap3A_301 = arith.constant 0 : index
    %swap3A_302 = vector.load %arg10[%swap3A_300, %swap3A_301] : memref<2048x1024xbf16, #tpu.memory_space<vmem>>, vector<128x1024xbf16>
    tpu.vector_store %arg10[%swap3A_300, %swap3A_301], %mul3A_299 {strides = array<i32>} : memref<2048x1024xbf16, #tpu.memory_space<vmem>>, vector<128x1024xbf16>,
    %slice3A_303 = vector.extract_strided_slice %transpose3A {offsets = [45, 0], sizes = [1, 1024], strides = [1, 1]} : vector<128x1024xbf16> to vector<1x1024xbf16>
    %mul3A_304 = vector.broadcast %slice3A_303 : vector<1x1024xbf16> to vector<128x1024xbf16>
    %mul3A_305 = arith.mulf %mul3A_304, %transpose3A_16 : vector<128x1024xbf16>
    %swap3A_306 = arith.constant 1664 : index
    %swap3A_307 = arith.constant 0 : index
    %swap3A_308 = vector.load %arg10[%swap3A_306, %swap3A_307] : memref<2048x1024xbf16, #tpu.memory_space<vmem>>, vector<128x1024xbf16>
    tpu.vector_store %arg10[%swap3A_306, %swap3A_307], %mul3A_305 {strides = array<i32>} : memref<2048x1024xbf16, #tpu.memory_space<vmem>>, vector<128x1024xbf16>,
    %slice3A_309 = vector.extract_strided_slice %transpose3A {offsets = [46, 0], sizes = [1, 1024], strides = [1, 1]} : vector<128x1024xbf16> to vector<1x1024xbf16>
    %mul3A_310 = vector.broadcast %slice3A_309 : vector<1x1024xbf16> to vector<128x1024xbf16>
    %mul3A_311 = arith.mulf %mul3A_310, %transpose3A_16 : vector<128x1024xbf16>
    %swap3A_312 = arith.constant 1792 : index
    %swap3A_313 = arith.constant 0 : index
    %swap3A_314 = vector.load %arg10[%swap3A_312, %swap3A_313] : memref<2048x1024xbf16, #tpu.memory_space<vmem>>, vector<128x1024xbf16>
    tpu.vector_store %arg10[%swap3A_312, %swap3A_313], %mul3A_311 {strides = array<i32>} : memref<2048x1024xbf16, #tpu.memory_space<vmem>>, vector<128x1024xbf16>,
    %slice3A_315 = vector.extract_strided_slice %transpose3A {offsets = [47, 0], sizes = [1, 1024], strides = [1, 1]} : vector<128x1024xbf16> to vector<1x1024xbf16>
    %mul3A_316 = vector.broadcast %slice3A_315 : vector<1x1024xbf16> to vector<128x1024xbf16>
    %mul3A_317 = arith.mulf %mul3A_316, %transpose3A_16 : vector<128x1024xbf16>
    %swap3A_318 = arith.constant 1920 : index
    %swap3A_319 = arith.constant 0 : index
    %swap3A_320 = vector.load %arg10[%swap3A_318, %swap3A_319] : memref<2048x1024xbf16, #tpu.memory_space<vmem>>, vector<128x1024xbf16>
    tpu.vector_store %arg10[%swap3A_318, %swap3A_319], %mul3A_317 {strides = array<i32>} : memref<2048x1024xbf16, #tpu.memory_space<vmem>>, vector<128x1024xbf16>,
    %get3A_321 = arith.constant 0 : index
    %get3A_322 = arith.constant 4096 : index
    %get3A_323 = vector.load %arg6[%get3A_321, %get3A_322] : memref<128x16384xbf16, #tpu.memory_space<vmem>>, vector<128x2048xbf16>
    %get3A_324 = arith.constant 0 : index
    %get3A_325 = arith.constant 0 : index
    %get3A_326 = vector.load %arg10[%get3A_324, %get3A_325] : memref<2048x1024xbf16, #tpu.memory_space<vmem>>, vector<2048x1024xbf16>
    %dot_general3A_327 = arith.constant dense<0.000000e+00> : vector<128x1024xf32>
    %dot_general3A_328 = tpu.matmul %get3A_323, %get3A_326, %dot_general3A_327 {dimension_numbers = #tpu.dot_dimension_numbers<[1], [0], [0], [1], [0, 0, 1, 1], [], []>, transpose_lhs_hint = false} : vector<128x2048xbf16>, vector<2048x1024xbf16>, vector<128x1024xf32> -> vector<128x1024xf32>
    %add3A_329 = arith.addf %add3A_224, %dot_general3A_328 : vector<128x1024xf32>
    %slice3A_330 = vector.extract_strided_slice %transpose3A {offsets = [48, 0], sizes = [1, 1024], strides = [1, 1]} : vector<128x1024xbf16> to vector<1x1024xbf16>
    %mul3A_331 = vector.broadcast %slice3A_330 : vector<1x1024xbf16> to vector<128x1024xbf16>
    %mul3A_332 = arith.mulf %mul3A_331, %transpose3A_16 : vector<128x1024xbf16>
    %swap3A_333 = arith.constant 0 : index
    %swap3A_334 = arith.constant 0 : index
    %swap3A_335 = vector.load %arg11[%swap3A_333, %swap3A_334] : memref<2048x1024xbf16, #tpu.memory_space<vmem>>, vector<128x1024xbf16>
    tpu.vector_store %arg11[%swap3A_333, %swap3A_334], %mul3A_332 {strides = array<i32>} : memref<2048x1024xbf16, #tpu.memory_space<vmem>>, vector<128x1024xbf16>,
    %slice3A_336 = vector.extract_strided_slice %transpose3A {offsets = [49, 0], sizes = [1, 1024], strides = [1, 1]} : vector<128x1024xbf16> to vector<1x1024xbf16>
    %mul3A_337 = vector.broadcast %slice3A_336 : vector<1x1024xbf16> to vector<128x1024xbf16>
    %mul3A_338 = arith.mulf %mul3A_337, %transpose3A_16 : vector<128x1024xbf16>
    %swap3A_339 = arith.constant 128 : index
    %swap3A_340 = arith.constant 0 : index
    %swap3A_341 = vector.load %arg11[%swap3A_339, %swap3A_340] : memref<2048x1024xbf16, #tpu.memory_space<vmem>>, vector<128x1024xbf16>
    tpu.vector_store %arg11[%swap3A_339, %swap3A_340], %mul3A_338 {strides = array<i32>} : memref<2048x1024xbf16, #tpu.memory_space<vmem>>, vector<128x1024xbf16>,
    %slice3A_342 = vector.extract_strided_slice %transpose3A {offsets = [50, 0], sizes = [1, 1024], strides = [1, 1]} : vector<128x1024xbf16> to vector<1x1024xbf16>
    %mul3A_343 = vector.broadcast %slice3A_342 : vector<1x1024xbf16> to vector<128x1024xbf16>
    %mul3A_344 = arith.mulf %mul3A_343, %transpose3A_16 : vector<128x1024xbf16>
    %swap3A_345 = arith.constant 256 : index
    %swap3A_346 = arith.constant 0 : index
    %swap3A_347 = vector.load %arg11[%swap3A_345, %swap3A_346] : memref<2048x1024xbf16, #tpu.memory_space<vmem>>, vector<128x1024xbf16>
    tpu.vector_store %arg11[%swap3A_345, %swap3A_346], %mul3A_344 {strides = array<i32>} : memref<2048x1024xbf16, #tpu.memory_space<vmem>>, vector<128x1024xbf16>,
    %slice3A_348 = vector.extract_strided_slice %transpose3A {offsets = [51, 0], sizes = [1, 1024], strides = [1, 1]} : vector<128x1024xbf16> to vector<1x1024xbf16>
    %mul3A_349 = vector.broadcast %slice3A_348 : vector<1x1024xbf16> to vector<128x1024xbf16>
    %mul3A_350 = arith.mulf %mul3A_349, %transpose3A_16 : vector<128x1024xbf16>
    %swap3A_351 = arith.constant 384 : index
    %swap3A_352 = arith.constant 0 : index
    %swap3A_353 = vector.load %arg11[%swap3A_351, %swap3A_352] : memref<2048x1024xbf16, #tpu.memory_space<vmem>>, vector<128x1024xbf16>
    tpu.vector_store %arg11[%swap3A_351, %swap3A_352], %mul3A_350 {strides = array<i32>} : memref<2048x1024xbf16, #tpu.memory_space<vmem>>, vector<128x1024xbf16>,
    %slice3A_354 = vector.extract_strided_slice %transpose3A {offsets = [52, 0], sizes = [1, 1024], strides = [1, 1]} : vector<128x1024xbf16> to vector<1x1024xbf16>
    %mul3A_355 = vector.broadcast %slice3A_354 : vector<1x1024xbf16> to vector<128x1024xbf16>
    %mul3A_356 = arith.mulf %mul3A_355, %transpose3A_16 : vector<128x1024xbf16>
    %swap3A_357 = arith.constant 512 : index
    %swap3A_358 = arith.constant 0 : index
    %swap3A_359 = vector.load %arg11[%swap3A_357, %swap3A_358] : memref<2048x1024xbf16, #tpu.memory_space<vmem>>, vector<128x1024xbf16>
    tpu.vector_store %arg11[%swap3A_357, %swap3A_358], %mul3A_356 {strides = array<i32>} : memref<2048x1024xbf16, #tpu.memory_space<vmem>>, vector<128x1024xbf16>,
    %slice3A_360 = vector.extract_strided_slice %transpose3A {offsets = [53, 0], sizes = [1, 1024], strides = [1, 1]} : vector<128x1024xbf16> to vector<1x1024xbf16>
    %mul3A_361 = vector.broadcast %slice3A_360 : vector<1x1024xbf16> to vector<128x1024xbf16>
    %mul3A_362 = arith.mulf %mul3A_361, %transpose3A_16 : vector<128x1024xbf16>
    %swap3A_363 = arith.constant 640 : index
    %swap3A_364 = arith.constant 0 : index
    %swap3A_365 = vector.load %arg11[%swap3A_363, %swap3A_364] : memref<2048x1024xbf16, #tpu.memory_space<vmem>>, vector<128x1024xbf16>
    tpu.vector_store %arg11[%swap3A_363, %swap3A_364], %mul3A_362 {strides = array<i32>} : memref<2048x1024xbf16, #tpu.memory_space<vmem>>, vector<128x1024xbf16>,
    %slice3A_366 = vector.extract_strided_slice %transpose3A {offsets = [54, 0], sizes = [1, 1024], strides = [1, 1]} : vector<128x1024xbf16> to vector<1x1024xbf16>
    %mul3A_367 = vector.broadcast %slice3A_366 : vector<1x1024xbf16> to vector<128x1024xbf16>
    %mul3A_368 = arith.mulf %mul3A_367, %transpose3A_16 : vector<128x1024xbf16>
    %swap3A_369 = arith.constant 768 : index
    %swap3A_370 = arith.constant 0 : index
    %swap3A_371 = vector.load %arg11[%swap3A_369, %swap3A_370] : memref<2048x1024xbf16, #tpu.memory_space<vmem>>, vector<128x1024xbf16>
    tpu.vector_store %arg11[%swap3A_369, %swap3A_370], %mul3A_368 {strides = array<i32>} : memref<2048x1024xbf16, #tpu.memory_space<vmem>>, vector<128x1024xbf16>,
    %slice3A_372 = vector.extract_strided_slice %transpose3A {offsets = [55, 0], sizes = [1, 1024], strides = [1, 1]} : vector<128x1024xbf16> to vector<1x1024xbf16>
    %mul3A_373 = vector.broadcast %slice3A_372 : vector<1x1024xbf16> to vector<128x1024xbf16>
    %mul3A_374 = arith.mulf %mul3A_373, %transpose3A_16 : vector<128x1024xbf16>
    %swap3A_375 = arith.constant 896 : index
    %swap3A_376 = arith.constant 0 : index
    %swap3A_377 = vector.load %arg11[%swap3A_375, %swap3A_376] : memref<2048x1024xbf16, #tpu.memory_space<vmem>>, vector<128x1024xbf16>
    tpu.vector_store %arg11[%swap3A_375, %swap3A_376], %mul3A_374 {strides = array<i32>} : memref<2048x1024xbf16, #tpu.memory_space<vmem>>, vector<128x1024xbf16>,
    %slice3A_378 = vector.extract_strided_slice %transpose3A {offsets = [56, 0], sizes = [1, 1024], strides = [1, 1]} : vector<128x1024xbf16> to vector<1x1024xbf16>
    %mul3A_379 = vector.broadcast %slice3A_378 : vector<1x1024xbf16> to vector<128x1024xbf16>
    %mul3A_380 = arith.mulf %mul3A_379, %transpose3A_16 : vector<128x1024xbf16>
    %swap3A_381 = arith.constant 1024 : index
    %swap3A_382 = arith.constant 0 : index
    %swap3A_383 = vector.load %arg11[%swap3A_381, %swap3A_382] : memref<2048x1024xbf16, #tpu.memory_space<vmem>>, vector<128x1024xbf16>
    tpu.vector_store %arg11[%swap3A_381, %swap3A_382], %mul3A_380 {strides = array<i32>} : memref<2048x1024xbf16, #tpu.memory_space<vmem>>, vector<128x1024xbf16>,
    %slice3A_384 = vector.extract_strided_slice %transpose3A {offsets = [57, 0], sizes = [1, 1024], strides = [1, 1]} : vector<128x1024xbf16> to vector<1x1024xbf16>
    %mul3A_385 = vector.broadcast %slice3A_384 : vector<1x1024xbf16> to vector<128x1024xbf16>
    %mul3A_386 = arith.mulf %mul3A_385, %transpose3A_16 : vector<128x1024xbf16>
    %swap3A_387 = arith.constant 1152 : index
    %swap3A_388 = arith.constant 0 : index
    %swap3A_389 = vector.load %arg11[%swap3A_387, %swap3A_388] : memref<2048x1024xbf16, #tpu.memory_space<vmem>>, vector<128x1024xbf16>
    tpu.vector_store %arg11[%swap3A_387, %swap3A_388], %mul3A_386 {strides = array<i32>} : memref<2048x1024xbf16, #tpu.memory_space<vmem>>, vector<128x1024xbf16>,
    %slice3A_390 = vector.extract_strided_slice %transpose3A {offsets = [58, 0], sizes = [1, 1024], strides = [1, 1]} : vector<128x1024xbf16> to vector<1x1024xbf16>
    %mul3A_391 = vector.broadcast %slice3A_390 : vector<1x1024xbf16> to vector<128x1024xbf16>
    %mul3A_392 = arith.mulf %mul3A_391, %transpose3A_16 : vector<128x1024xbf16>
    %swap3A_393 = arith.constant 1280 : index
    %swap3A_394 = arith.constant 0 : index
    %swap3A_395 = vector.load %arg11[%swap3A_393, %swap3A_394] : memref<2048x1024xbf16, #tpu.memory_space<vmem>>, vector<128x1024xbf16>
    tpu.vector_store %arg11[%swap3A_393, %swap3A_394], %mul3A_392 {strides = array<i32>} : memref<2048x1024xbf16, #tpu.memory_space<vmem>>, vector<128x1024xbf16>,
    %slice3A_396 = vector.extract_strided_slice %transpose3A {offsets = [59, 0], sizes = [1, 1024], strides = [1, 1]} : vector<128x1024xbf16> to vector<1x1024xbf16>
    %mul3A_397 = vector.broadcast %slice3A_396 : vector<1x1024xbf16> to vector<128x1024xbf16>
    %mul3A_398 = arith.mulf %mul3A_397, %transpose3A_16 : vector<128x1024xbf16>
    %swap3A_399 = arith.constant 1408 : index
    %swap3A_400 = arith.constant 0 : index
    %swap3A_401 = vector.load %arg11[%swap3A_399, %swap3A_400] : memref<2048x1024xbf16, #tpu.memory_space<vmem>>, vector<128x1024xbf16>
    tpu.vector_store %arg11[%swap3A_399, %swap3A_400], %mul3A_398 {strides = array<i32>} : memref<2048x1024xbf16, #tpu.memory_space<vmem>>, vector<128x1024xbf16>,
    %slice3A_402 = vector.extract_strided_slice %transpose3A {offsets = [60, 0], sizes = [1, 1024], strides = [1, 1]} : vector<128x1024xbf16> to vector<1x1024xbf16>
    %mul3A_403 = vector.broadcast %slice3A_402 : vector<1x1024xbf16> to vector<128x1024xbf16>
    %mul3A_404 = arith.mulf %mul3A_403, %transpose3A_16 : vector<128x1024xbf16>
    %swap3A_405 = arith.constant 1536 : index
    %swap3A_406 = arith.constant 0 : index
    %swap3A_407 = vector.load %arg11[%swap3A_405, %swap3A_406] : memref<2048x1024xbf16, #tpu.memory_space<vmem>>, vector<128x1024xbf16>
    tpu.vector_store %arg11[%swap3A_405, %swap3A_406], %mul3A_404 {strides = array<i32>} : memref<2048x1024xbf16, #tpu.memory_space<vmem>>, vector<128x1024xbf16>,
    %slice3A_408 = vector.extract_strided_slice %transpose3A {offsets = [61, 0], sizes = [1, 1024], strides = [1, 1]} : vector<128x1024xbf16> to vector<1x1024xbf16>
    %mul3A_409 = vector.broadcast %slice3A_408 : vector<1x1024xbf16> to vector<128x1024xbf16>
    %mul3A_410 = arith.mulf %mul3A_409, %transpose3A_16 : vector<128x1024xbf16>
    %swap3A_411 = arith.constant 1664 : index
    %swap3A_412 = arith.constant 0 : index
    %swap3A_413 = vector.load %arg11[%swap3A_411, %swap3A_412] : memref<2048x1024xbf16, #tpu.memory_space<vmem>>, vector<128x1024xbf16>
    tpu.vector_store %arg11[%swap3A_411, %swap3A_412], %mul3A_410 {strides = array<i32>} : memref<2048x1024xbf16, #tpu.memory_space<vmem>>, vector<128x1024xbf16>,
    %slice3A_414 = vector.extract_strided_slice %transpose3A {offsets = [62, 0], sizes = [1, 1024], strides = [1, 1]} : vector<128x1024xbf16> to vector<1x1024xbf16>
    %mul3A_415 = vector.broadcast %slice3A_414 : vector<1x1024xbf16> to vector<128x1024xbf16>
    %mul3A_416 = arith.mulf %mul3A_415, %transpose3A_16 : vector<128x1024xbf16>
    %swap3A_417 = arith.constant 1792 : index
    %swap3A_418 = arith.constant 0 : index
    %swap3A_419 = vector.load %arg11[%swap3A_417, %swap3A_418] : memref<2048x1024xbf16, #tpu.memory_space<vmem>>, vector<128x1024xbf16>
    tpu.vector_store %arg11[%swap3A_417, %swap3A_418], %mul3A_416 {strides = array<i32>} : memref<2048x1024xbf16, #tpu.memory_space<vmem>>, vector<128x1024xbf16>,
    %slice3A_420 = vector.extract_strided_slice %transpose3A {offsets = [63, 0], sizes = [1, 1024], strides = [1, 1]} : vector<128x1024xbf16> to vector<1x1024xbf16>
    %mul3A_421 = vector.broadcast %slice3A_420 : vector<1x1024xbf16> to vector<128x1024xbf16>
    %mul3A_422 = arith.mulf %mul3A_421, %transpose3A_16 : vector<128x1024xbf16>
    %swap3A_423 = arith.constant 1920 : index
    %swap3A_424 = arith.constant 0 : index
    %swap3A_425 = vector.load %arg11[%swap3A_423, %swap3A_424] : memref<2048x1024xbf16, #tpu.memory_space<vmem>>, vector<128x1024xbf16>
    tpu.vector_store %arg11[%swap3A_423, %swap3A_424], %mul3A_422 {strides = array<i32>} : memref<2048x1024xbf16, #tpu.memory_space<vmem>>, vector<128x1024xbf16>,
    %get3A_426 = arith.constant 0 : index
    %get3A_427 = arith.constant 6144 : index
    %get3A_428 = vector.load %arg6[%get3A_426, %get3A_427] : memref<128x16384xbf16, #tpu.memory_space<vmem>>, vector<128x2048xbf16>
    %get3A_429 = arith.constant 0 : index
    %get3A_430 = arith.constant 0 : index
    %get3A_431 = vector.load %arg11[%get3A_429, %get3A_430] : memref<2048x1024xbf16, #tpu.memory_space<vmem>>, vector<2048x1024xbf16>
    %dot_general3A_432 = arith.constant dense<0.000000e+00> : vector<128x1024xf32>
    %dot_general3A_433 = tpu.matmul %get3A_428, %get3A_431, %dot_general3A_432 {dimension_numbers = #tpu.dot_dimension_numbers<[1], [0], [0], [1], [0, 0, 1, 1], [], []>, transpose_lhs_hint = false} : vector<128x2048xbf16>, vector<2048x1024xbf16>, vector<128x1024xf32> -> vector<128x1024xf32>
    %add3A_434 = arith.addf %add3A_329, %dot_general3A_433 : vector<128x1024xf32>
    %slice3A_435 = vector.extract_strided_slice %transpose3A {offsets = [64, 0], sizes = [1, 1024], strides = [1, 1]} : vector<128x1024xbf16> to vector<1x1024xbf16>
    %mul3A_436 = vector.broadcast %slice3A_435 : vector<1x1024xbf16> to vector<128x1024xbf16>
    %mul3A_437 = arith.mulf %mul3A_436, %transpose3A_16 : vector<128x1024xbf16>
    %swap3A_438 = arith.constant 0 : index
    %swap3A_439 = arith.constant 0 : index
    %swap3A_440 = vector.load %arg10[%swap3A_438, %swap3A_439] : memref<2048x1024xbf16, #tpu.memory_space<vmem>>, vector<128x1024xbf16>
    tpu.vector_store %arg10[%swap3A_438, %swap3A_439], %mul3A_437 {strides = array<i32>} : memref<2048x1024xbf16, #tpu.memory_space<vmem>>, vector<128x1024xbf16>,
    %slice3A_441 = vector.extract_strided_slice %transpose3A {offsets = [65, 0], sizes = [1, 1024], strides = [1, 1]} : vector<128x1024xbf16> to vector<1x1024xbf16>
    %mul3A_442 = vector.broadcast %slice3A_441 : vector<1x1024xbf16> to vector<128x1024xbf16>
    %mul3A_443 = arith.mulf %mul3A_442, %transpose3A_16 : vector<128x1024xbf16>
    %swap3A_444 = arith.constant 128 : index
    %swap3A_445 = arith.constant 0 : index
    %swap3A_446 = vector.load %arg10[%swap3A_444, %swap3A_445] : memref<2048x1024xbf16, #tpu.memory_space<vmem>>, vector<128x1024xbf16>
    tpu.vector_store %arg10[%swap3A_444, %swap3A_445], %mul3A_443 {strides = array<i32>} : memref<2048x1024xbf16, #tpu.memory_space<vmem>>, vector<128x1024xbf16>,
    %slice3A_447 = vector.extract_strided_slice %transpose3A {offsets = [66, 0], sizes = [1, 1024], strides = [1, 1]} : vector<128x1024xbf16> to vector<1x1024xbf16>
    %mul3A_448 = vector.broadcast %slice3A_447 : vector<1x1024xbf16> to vector<128x1024xbf16>
    %mul3A_449 = arith.mulf %mul3A_448, %transpose3A_16 : vector<128x1024xbf16>
    %swap3A_450 = arith.constant 256 : index
    %swap3A_451 = arith.constant 0 : index
    %swap3A_452 = vector.load %arg10[%swap3A_450, %swap3A_451] : memref<2048x1024xbf16, #tpu.memory_space<vmem>>, vector<128x1024xbf16>
    tpu.vector_store %arg10[%swap3A_450, %swap3A_451], %mul3A_449 {strides = array<i32>} : memref<2048x1024xbf16, #tpu.memory_space<vmem>>, vector<128x1024xbf16>,
    %slice3A_453 = vector.extract_strided_slice %transpose3A {offsets = [67, 0], sizes = [1, 1024], strides = [1, 1]} : vector<128x1024xbf16> to vector<1x1024xbf16>
    %mul3A_454 = vector.broadcast %slice3A_453 : vector<1x1024xbf16> to vector<128x1024xbf16>
    %mul3A_455 = arith.mulf %mul3A_454, %transpose3A_16 : vector<128x1024xbf16>
    %swap3A_456 = arith.constant 384 : index
    %swap3A_457 = arith.constant 0 : index
    %swap3A_458 = vector.load %arg10[%swap3A_456, %swap3A_457] : memref<2048x1024xbf16, #tpu.memory_space<vmem>>, vector<128x1024xbf16>
    tpu.vector_store %arg10[%swap3A_456, %swap3A_457], %mul3A_455 {strides = array<i32>} : memref<2048x1024xbf16, #tpu.memory_space<vmem>>, vector<128x1024xbf16>,
    %slice3A_459 = vector.extract_strided_slice %transpose3A {offsets = [68, 0], sizes = [1, 1024], strides = [1, 1]} : vector<128x1024xbf16> to vector<1x1024xbf16>
    %mul3A_460 = vector.broadcast %slice3A_459 : vector<1x1024xbf16> to vector<128x1024xbf16>
    %mul3A_461 = arith.mulf %mul3A_460, %transpose3A_16 : vector<128x1024xbf16>
    %swap3A_462 = arith.constant 512 : index
    %swap3A_463 = arith.constant 0 : index
    %swap3A_464 = vector.load %arg10[%swap3A_462, %swap3A_463] : memref<2048x1024xbf16, #tpu.memory_space<vmem>>, vector<128x1024xbf16>
    tpu.vector_store %arg10[%swap3A_462, %swap3A_463], %mul3A_461 {strides = array<i32>} : memref<2048x1024xbf16, #tpu.memory_space<vmem>>, vector<128x1024xbf16>,
    %slice3A_465 = vector.extract_strided_slice %transpose3A {offsets = [69, 0], sizes = [1, 1024], strides = [1, 1]} : vector<128x1024xbf16> to vector<1x1024xbf16>
    %mul3A_466 = vector.broadcast %slice3A_465 : vector<1x1024xbf16> to vector<128x1024xbf16>
    %mul3A_467 = arith.mulf %mul3A_466, %transpose3A_16 : vector<128x1024xbf16>
    %swap3A_468 = arith.constant 640 : index
    %swap3A_469 = arith.constant 0 : index
    %swap3A_470 = vector.load %arg10[%swap3A_468, %swap3A_469] : memref<2048x1024xbf16, #tpu.memory_space<vmem>>, vector<128x1024xbf16>
    tpu.vector_store %arg10[%swap3A_468, %swap3A_469], %mul3A_467 {strides = array<i32>} : memref<2048x1024xbf16, #tpu.memory_space<vmem>>, vector<128x1024xbf16>,
    %slice3A_471 = vector.extract_strided_slice %transpose3A {offsets = [70, 0], sizes = [1, 1024], strides = [1, 1]} : vector<128x1024xbf16> to vector<1x1024xbf16>
    %mul3A_472 = vector.broadcast %slice3A_471 : vector<1x1024xbf16> to vector<128x1024xbf16>
    %mul3A_473 = arith.mulf %mul3A_472, %transpose3A_16 : vector<128x1024xbf16>
    %swap3A_474 = arith.constant 768 : index
    %swap3A_475 = arith.constant 0 : index
    %swap3A_476 = vector.load %arg10[%swap3A_474, %swap3A_475] : memref<2048x1024xbf16, #tpu.memory_space<vmem>>, vector<128x1024xbf16>
    tpu.vector_store %arg10[%swap3A_474, %swap3A_475], %mul3A_473 {strides = array<i32>} : memref<2048x1024xbf16, #tpu.memory_space<vmem>>, vector<128x1024xbf16>,
    %slice3A_477 = vector.extract_strided_slice %transpose3A {offsets = [71, 0], sizes = [1, 1024], strides = [1, 1]} : vector<128x1024xbf16> to vector<1x1024xbf16>
    %mul3A_478 = vector.broadcast %slice3A_477 : vector<1x1024xbf16> to vector<128x1024xbf16>
    %mul3A_479 = arith.mulf %mul3A_478, %transpose3A_16 : vector<128x1024xbf16>
    %swap3A_480 = arith.constant 896 : index
    %swap3A_481 = arith.constant 0 : index
    %swap3A_482 = vector.load %arg10[%swap3A_480, %swap3A_481] : memref<2048x1024xbf16, #tpu.memory_space<vmem>>, vector<128x1024xbf16>
    tpu.vector_store %arg10[%swap3A_480, %swap3A_481], %mul3A_479 {strides = array<i32>} : memref<2048x1024xbf16, #tpu.memory_space<vmem>>, vector<128x1024xbf16>,
    %slice3A_483 = vector.extract_strided_slice %transpose3A {offsets = [72, 0], sizes = [1, 1024], strides = [1, 1]} : vector<128x1024xbf16> to vector<1x1024xbf16>
    %mul3A_484 = vector.broadcast %slice3A_483 : vector<1x1024xbf16> to vector<128x1024xbf16>
    %mul3A_485 = arith.mulf %mul3A_484, %transpose3A_16 : vector<128x1024xbf16>
    %swap3A_486 = arith.constant 1024 : index
    %swap3A_487 = arith.constant 0 : index
    %swap3A_488 = vector.load %arg10[%swap3A_486, %swap3A_487] : memref<2048x1024xbf16, #tpu.memory_space<vmem>>, vector<128x1024xbf16>
    tpu.vector_store %arg10[%swap3A_486, %swap3A_487], %mul3A_485 {strides = array<i32>} : memref<2048x1024xbf16, #tpu.memory_space<vmem>>, vector<128x1024xbf16>,
    %slice3A_489 = vector.extract_strided_slice %transpose3A {offsets = [73, 0], sizes = [1, 1024], strides = [1, 1]} : vector<128x1024xbf16> to vector<1x1024xbf16>
    %mul3A_490 = vector.broadcast %slice3A_489 : vector<1x1024xbf16> to vector<128x1024xbf16>
    %mul3A_491 = arith.mulf %mul3A_490, %transpose3A_16 : vector<128x1024xbf16>
    %swap3A_492 = arith.constant 1152 : index
    %swap3A_493 = arith.constant 0 : index
    %swap3A_494 = vector.load %arg10[%swap3A_492, %swap3A_493] : memref<2048x1024xbf16, #tpu.memory_space<vmem>>, vector<128x1024xbf16>
    tpu.vector_store %arg10[%swap3A_492, %swap3A_493], %mul3A_491 {strides = array<i32>} : memref<2048x1024xbf16, #tpu.memory_space<vmem>>, vector<128x1024xbf16>,
    %slice3A_495 = vector.extract_strided_slice %transpose3A {offsets = [74, 0], sizes = [1, 1024], strides = [1, 1]} : vector<128x1024xbf16> to vector<1x1024xbf16>
    %mul3A_496 = vector.broadcast %slice3A_495 : vector<1x1024xbf16> to vector<128x1024xbf16>
    %mul3A_497 = arith.mulf %mul3A_496, %transpose3A_16 : vector<128x1024xbf16>
    %swap3A_498 = arith.constant 1280 : index
    %swap3A_499 = arith.constant 0 : index
    %swap3A_500 = vector.load %arg10[%swap3A_498, %swap3A_499] : memref<2048x1024xbf16, #tpu.memory_space<vmem>>, vector<128x1024xbf16>
    tpu.vector_store %arg10[%swap3A_498, %swap3A_499], %mul3A_497 {strides = array<i32>} : memref<2048x1024xbf16, #tpu.memory_space<vmem>>, vector<128x1024xbf16>,
    %slice3A_501 = vector.extract_strided_slice %transpose3A {offsets = [75, 0], sizes = [1, 1024], strides = [1, 1]} : vector<128x1024xbf16> to vector<1x1024xbf16>
    %mul3A_502 = vector.broadcast %slice3A_501 : vector<1x1024xbf16> to vector<128x1024xbf16>
    %mul3A_503 = arith.mulf %mul3A_502, %transpose3A_16 : vector<128x1024xbf16>
    %swap3A_504 = arith.constant 1408 : index
    %swap3A_505 = arith.constant 0 : index
    %swap3A_506 = vector.load %arg10[%swap3A_504, %swap3A_505] : memref<2048x1024xbf16, #tpu.memory_space<vmem>>, vector<128x1024xbf16>
    tpu.vector_store %arg10[%swap3A_504, %swap3A_505], %mul3A_503 {strides = array<i32>} : memref<2048x1024xbf16, #tpu.memory_space<vmem>>, vector<128x1024xbf16>,
    %slice3A_507 = vector.extract_strided_slice %transpose3A {offsets = [76, 0], sizes = [1, 1024], strides = [1, 1]} : vector<128x1024xbf16> to vector<1x1024xbf16>
    %mul3A_508 = vector.broadcast %slice3A_507 : vector<1x1024xbf16> to vector<128x1024xbf16>
    %mul3A_509 = arith.mulf %mul3A_508, %transpose3A_16 : vector<128x1024xbf16>
    %swap3A_510 = arith.constant 1536 : index
    %swap3A_511 = arith.constant 0 : index
    %swap3A_512 = vector.load %arg10[%swap3A_510, %swap3A_511] : memref<2048x1024xbf16, #tpu.memory_space<vmem>>, vector<128x1024xbf16>
    tpu.vector_store %arg10[%swap3A_510, %swap3A_511], %mul3A_509 {strides = array<i32>} : memref<2048x1024xbf16, #tpu.memory_space<vmem>>, vector<128x1024xbf16>,
    %slice3A_513 = vector.extract_strided_slice %transpose3A {offsets = [77, 0], sizes = [1, 1024], strides = [1, 1]} : vector<128x1024xbf16> to vector<1x1024xbf16>
    %mul3A_514 = vector.broadcast %slice3A_513 : vector<1x1024xbf16> to vector<128x1024xbf16>
    %mul3A_515 = arith.mulf %mul3A_514, %transpose3A_16 : vector<128x1024xbf16>
    %swap3A_516 = arith.constant 1664 : index
    %swap3A_517 = arith.constant 0 : index
    %swap3A_518 = vector.load %arg10[%swap3A_516, %swap3A_517] : memref<2048x1024xbf16, #tpu.memory_space<vmem>>, vector<128x1024xbf16>
    tpu.vector_store %arg10[%swap3A_516, %swap3A_517], %mul3A_515 {strides = array<i32>} : memref<2048x1024xbf16, #tpu.memory_space<vmem>>, vector<128x1024xbf16>,
    %slice3A_519 = vector.extract_strided_slice %transpose3A {offsets = [78, 0], sizes = [1, 1024], strides = [1, 1]} : vector<128x1024xbf16> to vector<1x1024xbf16>
    %mul3A_520 = vector.broadcast %slice3A_519 : vector<1x1024xbf16> to vector<128x1024xbf16>
    %mul3A_521 = arith.mulf %mul3A_520, %transpose3A_16 : vector<128x1024xbf16>
    %swap3A_522 = arith.constant 1792 : index
    %swap3A_523 = arith.constant 0 : index
    %swap3A_524 = vector.load %arg10[%swap3A_522, %swap3A_523] : memref<2048x1024xbf16, #tpu.memory_space<vmem>>, vector<128x1024xbf16>
    tpu.vector_store %arg10[%swap3A_522, %swap3A_523], %mul3A_521 {strides = array<i32>} : memref<2048x1024xbf16, #tpu.memory_space<vmem>>, vector<128x1024xbf16>,
    %slice3A_525 = vector.extract_strided_slice %transpose3A {offsets = [79, 0], sizes = [1, 1024], strides = [1, 1]} : vector<128x1024xbf16> to vector<1x1024xbf16>
    %mul3A_526 = vector.broadcast %slice3A_525 : vector<1x1024xbf16> to vector<128x1024xbf16>
    %mul3A_527 = arith.mulf %mul3A_526, %transpose3A_16 : vector<128x1024xbf16>
    %swap3A_528 = arith.constant 1920 : index
    %swap3A_529 = arith.constant 0 : index
    %swap3A_530 = vector.load %arg10[%swap3A_528, %swap3A_529] : memref<2048x1024xbf16, #tpu.memory_space<vmem>>, vector<128x1024xbf16>
    tpu.vector_store %arg10[%swap3A_528, %swap3A_529], %mul3A_527 {strides = array<i32>} : memref<2048x1024xbf16, #tpu.memory_space<vmem>>, vector<128x1024xbf16>,
    %get3A_531 = arith.constant 0 : index
    %get3A_532 = arith.constant 8192 : index
    %get3A_533 = vector.load %arg6[%get3A_531, %get3A_532] : memref<128x16384xbf16, #tpu.memory_space<vmem>>, vector<128x2048xbf16>
    %get3A_534 = arith.constant 0 : index
    %get3A_535 = arith.constant 0 : index
    %get3A_536 = vector.load %arg10[%get3A_534, %get3A_535] : memref<2048x1024xbf16, #tpu.memory_space<vmem>>, vector<2048x1024xbf16>
    %dot_general3A_537 = arith.constant dense<0.000000e+00> : vector<128x1024xf32>
    %dot_general3A_538 = tpu.matmul %get3A_533, %get3A_536, %dot_general3A_537 {dimension_numbers = #tpu.dot_dimension_numbers<[1], [0], [0], [1], [0, 0, 1, 1], [], []>, transpose_lhs_hint = false} : vector<128x2048xbf16>, vector<2048x1024xbf16>, vector<128x1024xf32> -> vector<128x1024xf32>
    %add3A_539 = arith.addf %add3A_434, %dot_general3A_538 : vector<128x1024xf32>
    %slice3A_540 = vector.extract_strided_slice %transpose3A {offsets = [80, 0], sizes = [1, 1024], strides = [1, 1]} : vector<128x1024xbf16> to vector<1x1024xbf16>
    %mul3A_541 = vector.broadcast %slice3A_540 : vector<1x1024xbf16> to vector<128x1024xbf16>
    %mul3A_542 = arith.mulf %mul3A_541, %transpose3A_16 : vector<128x1024xbf16>
    %swap3A_543 = arith.constant 0 : index
    %swap3A_544 = arith.constant 0 : index
    %swap3A_545 = vector.load %arg11[%swap3A_543, %swap3A_544] : memref<2048x1024xbf16, #tpu.memory_space<vmem>>, vector<128x1024xbf16>
    tpu.vector_store %arg11[%swap3A_543, %swap3A_544], %mul3A_542 {strides = array<i32>} : memref<2048x1024xbf16, #tpu.memory_space<vmem>>, vector<128x1024xbf16>,
    %slice3A_546 = vector.extract_strided_slice %transpose3A {offsets = [81, 0], sizes = [1, 1024], strides = [1, 1]} : vector<128x1024xbf16> to vector<1x1024xbf16>
    %mul3A_547 = vector.broadcast %slice3A_546 : vector<1x1024xbf16> to vector<128x1024xbf16>
    %mul3A_548 = arith.mulf %mul3A_547, %transpose3A_16 : vector<128x1024xbf16>
    %swap3A_549 = arith.constant 128 : index
    %swap3A_550 = arith.constant 0 : index
    %swap3A_551 = vector.load %arg11[%swap3A_549, %swap3A_550] : memref<2048x1024xbf16, #tpu.memory_space<vmem>>, vector<128x1024xbf16>
    tpu.vector_store %arg11[%swap3A_549, %swap3A_550], %mul3A_548 {strides = array<i32>} : memref<2048x1024xbf16, #tpu.memory_space<vmem>>, vector<128x1024xbf16>,
    %slice3A_552 = vector.extract_strided_slice %transpose3A {offsets = [82, 0], sizes = [1, 1024], strides = [1, 1]} : vector<128x1024xbf16> to vector<1x1024xbf16>
    %mul3A_553 = vector.broadcast %slice3A_552 : vector<1x1024xbf16> to vector<128x1024xbf16>
    %mul3A_554 = arith.mulf %mul3A_553, %transpose3A_16 : vector<128x1024xbf16>
    %swap3A_555 = arith.constant 256 : index
    %swap3A_556 = arith.constant 0 : index
    %swap3A_557 = vector.load %arg11[%swap3A_555, %swap3A_556] : memref<2048x1024xbf16, #tpu.memory_space<vmem>>, vector<128x1024xbf16>
    tpu.vector_store %arg11[%swap3A_555, %swap3A_556], %mul3A_554 {strides = array<i32>} : memref<2048x1024xbf16, #tpu.memory_space<vmem>>, vector<128x1024xbf16>,
    %slice3A_558 = vector.extract_strided_slice %transpose3A {offsets = [83, 0], sizes = [1, 1024], strides = [1, 1]} : vector<128x1024xbf16> to vector<1x1024xbf16>
    %mul3A_559 = vector.broadcast %slice3A_558 : vector<1x1024xbf16> to vector<128x1024xbf16>
    %mul3A_560 = arith.mulf %mul3A_559, %transpose3A_16 : vector<128x1024xbf16>
    %swap3A_561 = arith.constant 384 : index
    %swap3A_562 = arith.constant 0 : index
    %swap3A_563 = vector.load %arg11[%swap3A_561, %swap3A_562] : memref<2048x1024xbf16, #tpu.memory_space<vmem>>, vector<128x1024xbf16>
    tpu.vector_store %arg11[%swap3A_561, %swap3A_562], %mul3A_560 {strides = array<i32>} : memref<2048x1024xbf16, #tpu.memory_space<vmem>>, vector<128x1024xbf16>,
    %slice3A_564 = vector.extract_strided_slice %transpose3A {offsets = [84, 0], sizes = [1, 1024], strides = [1, 1]} : vector<128x1024xbf16> to vector<1x1024xbf16>
    %mul3A_565 = vector.broadcast %slice3A_564 : vector<1x1024xbf16> to vector<128x1024xbf16>
    %mul3A_566 = arith.mulf %mul3A_565, %transpose3A_16 : vector<128x1024xbf16>
    %swap3A_567 = arith.constant 512 : index
    %swap3A_568 = arith.constant 0 : index
    %swap3A_569 = vector.load %arg11[%swap3A_567, %swap3A_568] : memref<2048x1024xbf16, #tpu.memory_space<vmem>>, vector<128x1024xbf16>
    tpu.vector_store %arg11[%swap3A_567, %swap3A_568], %mul3A_566 {strides = array<i32>} : memref<2048x1024xbf16, #tpu.memory_space<vmem>>, vector<128x1024xbf16>,
    %slice3A_570 = vector.extract_strided_slice %transpose3A {offsets = [85, 0], sizes = [1, 1024], strides = [1, 1]} : vector<128x1024xbf16> to vector<1x1024xbf16>
    %mul3A_571 = vector.broadcast %slice3A_570 : vector<1x1024xbf16> to vector<128x1024xbf16>
    %mul3A_572 = arith.mulf %mul3A_571, %transpose3A_16 : vector<128x1024xbf16>
    %swap3A_573 = arith.constant 640 : index
    %swap3A_574 = arith.constant 0 : index
    %swap3A_575 = vector.load %arg11[%swap3A_573, %swap3A_574] : memref<2048x1024xbf16, #tpu.memory_space<vmem>>, vector<128x1024xbf16>
    tpu.vector_store %arg11[%swap3A_573, %swap3A_574], %mul3A_572 {strides = array<i32>} : memref<2048x1024xbf16, #tpu.memory_space<vmem>>, vector<128x1024xbf16>,
    %slice3A_576 = vector.extract_strided_slice %transpose3A {offsets = [86, 0], sizes = [1, 1024], strides = [1, 1]} : vector<128x1024xbf16> to vector<1x1024xbf16>
    %mul3A_577 = vector.broadcast %slice3A_576 : vector<1x1024xbf16> to vector<128x1024xbf16>
    %mul3A_578 = arith.mulf %mul3A_577, %transpose3A_16 : vector<128x1024xbf16>
    %swap3A_579 = arith.constant 768 : index
    %swap3A_580 = arith.constant 0 : index
    %swap3A_581 = vector.load %arg11[%swap3A_579, %swap3A_580] : memref<2048x1024xbf16, #tpu.memory_space<vmem>>, vector<128x1024xbf16>
    tpu.vector_store %arg11[%swap3A_579, %swap3A_580], %mul3A_578 {strides = array<i32>} : memref<2048x1024xbf16, #tpu.memory_space<vmem>>, vector<128x1024xbf16>,
    %slice3A_582 = vector.extract_strided_slice %transpose3A {offsets = [87, 0], sizes = [1, 1024], strides = [1, 1]} : vector<128x1024xbf16> to vector<1x1024xbf16>
    %mul3A_583 = vector.broadcast %slice3A_582 : vector<1x1024xbf16> to vector<128x1024xbf16>
    %mul3A_584 = arith.mulf %mul3A_583, %transpose3A_16 : vector<128x1024xbf16>
    %swap3A_585 = arith.constant 896 : index
    %swap3A_586 = arith.constant 0 : index
    %swap3A_587 = vector.load %arg11[%swap3A_585, %swap3A_586] : memref<2048x1024xbf16, #tpu.memory_space<vmem>>, vector<128x1024xbf16>
    tpu.vector_store %arg11[%swap3A_585, %swap3A_586], %mul3A_584 {strides = array<i32>} : memref<2048x1024xbf16, #tpu.memory_space<vmem>>, vector<128x1024xbf16>,
    %slice3A_588 = vector.extract_strided_slice %transpose3A {offsets = [88, 0], sizes = [1, 1024], strides = [1, 1]} : vector<128x1024xbf16> to vector<1x1024xbf16>
    %mul3A_589 = vector.broadcast %slice3A_588 : vector<1x1024xbf16> to vector<128x1024xbf16>
    %mul3A_590 = arith.mulf %mul3A_589, %transpose3A_16 : vector<128x1024xbf16>
    %swap3A_591 = arith.constant 1024 : index
    %swap3A_592 = arith.constant 0 : index
    %swap3A_593 = vector.load %arg11[%swap3A_591, %swap3A_592] : memref<2048x1024xbf16, #tpu.memory_space<vmem>>, vector<128x1024xbf16>
    tpu.vector_store %arg11[%swap3A_591, %swap3A_592], %mul3A_590 {strides = array<i32>} : memref<2048x1024xbf16, #tpu.memory_space<vmem>>, vector<128x1024xbf16>,
    %slice3A_594 = vector.extract_strided_slice %transpose3A {offsets = [89, 0], sizes = [1, 1024], strides = [1, 1]} : vector<128x1024xbf16> to vector<1x1024xbf16>
    %mul3A_595 = vector.broadcast %slice3A_594 : vector<1x1024xbf16> to vector<128x1024xbf16>
    %mul3A_596 = arith.mulf %mul3A_595, %transpose3A_16 : vector<128x1024xbf16>
    %swap3A_597 = arith.constant 1152 : index
    %swap3A_598 = arith.constant 0 : index
    %swap3A_599 = vector.load %arg11[%swap3A_597, %swap3A_598] : memref<2048x1024xbf16, #tpu.memory_space<vmem>>, vector<128x1024xbf16>
    tpu.vector_store %arg11[%swap3A_597, %swap3A_598], %mul3A_596 {strides = array<i32>} : memref<2048x1024xbf16, #tpu.memory_space<vmem>>, vector<128x1024xbf16>,
    %slice3A_600 = vector.extract_strided_slice %transpose3A {offsets = [90, 0], sizes = [1, 1024], strides = [1, 1]} : vector<128x1024xbf16> to vector<1x1024xbf16>
    %mul3A_601 = vector.broadcast %slice3A_600 : vector<1x1024xbf16> to vector<128x1024xbf16>
    %mul3A_602 = arith.mulf %mul3A_601, %transpose3A_16 : vector<128x1024xbf16>
    %swap3A_603 = arith.constant 1280 : index
    %swap3A_604 = arith.constant 0 : index
    %swap3A_605 = vector.load %arg11[%swap3A_603, %swap3A_604] : memref<2048x1024xbf16, #tpu.memory_space<vmem>>, vector<128x1024xbf16>
    tpu.vector_store %arg11[%swap3A_603, %swap3A_604], %mul3A_602 {strides = array<i32>} : memref<2048x1024xbf16, #tpu.memory_space<vmem>>, vector<128x1024xbf16>,
    %slice3A_606 = vector.extract_strided_slice %transpose3A {offsets = [91, 0], sizes = [1, 1024], strides = [1, 1]} : vector<128x1024xbf16> to vector<1x1024xbf16>
    %mul3A_607 = vector.broadcast %slice3A_606 : vector<1x1024xbf16> to vector<128x1024xbf16>
    %mul3A_608 = arith.mulf %mul3A_607, %transpose3A_16 : vector<128x1024xbf16>
    %swap3A_609 = arith.constant 1408 : index
    %swap3A_610 = arith.constant 0 : index
    %swap3A_611 = vector.load %arg11[%swap3A_609, %swap3A_610] : memref<2048x1024xbf16, #tpu.memory_space<vmem>>, vector<128x1024xbf16>
    tpu.vector_store %arg11[%swap3A_609, %swap3A_610], %mul3A_608 {strides = array<i32>} : memref<2048x1024xbf16, #tpu.memory_space<vmem>>, vector<128x1024xbf16>,
    %slice3A_612 = vector.extract_strided_slice %transpose3A {offsets = [92, 0], sizes = [1, 1024], strides = [1, 1]} : vector<128x1024xbf16> to vector<1x1024xbf16>
    %mul3A_613 = vector.broadcast %slice3A_612 : vector<1x1024xbf16> to vector<128x1024xbf16>
    %mul3A_614 = arith.mulf %mul3A_613, %transpose3A_16 : vector<128x1024xbf16>
    %swap3A_615 = arith.constant 1536 : index
    %swap3A_616 = arith.constant 0 : index
    %swap3A_617 = vector.load %arg11[%swap3A_615, %swap3A_616] : memref<2048x1024xbf16, #tpu.memory_space<vmem>>, vector<128x1024xbf16>
    tpu.vector_store %arg11[%swap3A_615, %swap3A_616], %mul3A_614 {strides = array<i32>} : memref<2048x1024xbf16, #tpu.memory_space<vmem>>, vector<128x1024xbf16>,
    %slice3A_618 = vector.extract_strided_slice %transpose3A {offsets = [93, 0], sizes = [1, 1024], strides = [1, 1]} : vector<128x1024xbf16> to vector<1x1024xbf16>
    %mul3A_619 = vector.broadcast %slice3A_618 : vector<1x1024xbf16> to vector<128x1024xbf16>
    %mul3A_620 = arith.mulf %mul3A_619, %transpose3A_16 : vector<128x1024xbf16>
    %swap3A_621 = arith.constant 1664 : index
    %swap3A_622 = arith.constant 0 : index
    %swap3A_623 = vector.load %arg11[%swap3A_621, %swap3A_622] : memref<2048x1024xbf16, #tpu.memory_space<vmem>>, vector<128x1024xbf16>
    tpu.vector_store %arg11[%swap3A_621, %swap3A_622], %mul3A_620 {strides = array<i32>} : memref<2048x1024xbf16, #tpu.memory_space<vmem>>, vector<128x1024xbf16>,
    %slice3A_624 = vector.extract_strided_slice %transpose3A {offsets = [94, 0], sizes = [1, 1024], strides = [1, 1]} : vector<128x1024xbf16> to vector<1x1024xbf16>
    %mul3A_625 = vector.broadcast %slice3A_624 : vector<1x1024xbf16> to vector<128x1024xbf16>
    %mul3A_626 = arith.mulf %mul3A_625, %transpose3A_16 : vector<128x1024xbf16>
    %swap3A_627 = arith.constant 1792 : index
    %swap3A_628 = arith.constant 0 : index
    %swap3A_629 = vector.load %arg11[%swap3A_627, %swap3A_628] : memref<2048x1024xbf16, #tpu.memory_space<vmem>>, vector<128x1024xbf16>
    tpu.vector_store %arg11[%swap3A_627, %swap3A_628], %mul3A_626 {strides = array<i32>} : memref<2048x1024xbf16, #tpu.memory_space<vmem>>, vector<128x1024xbf16>,
    %slice3A_630 = vector.extract_strided_slice %transpose3A {offsets = [95, 0], sizes = [1, 1024], strides = [1, 1]} : vector<128x1024xbf16> to vector<1x1024xbf16>
    %mul3A_631 = vector.broadcast %slice3A_630 : vector<1x1024xbf16> to vector<128x1024xbf16>
    %mul3A_632 = arith.mulf %mul3A_631, %transpose3A_16 : vector<128x1024xbf16>
    %swap3A_633 = arith.constant 1920 : index
    %swap3A_634 = arith.constant 0 : index
    %swap3A_635 = vector.load %arg11[%swap3A_633, %swap3A_634] : memref<2048x1024xbf16, #tpu.memory_space<vmem>>, vector<128x1024xbf16>
    tpu.vector_store %arg11[%swap3A_633, %swap3A_634], %mul3A_632 {strides = array<i32>} : memref<2048x1024xbf16, #tpu.memory_space<vmem>>, vector<128x1024xbf16>,
    %get3A_636 = arith.constant 0 : index
    %get3A_637 = arith.constant 10240 : index
    %get3A_638 = vector.load %arg6[%get3A_636, %get3A_637] : memref<128x16384xbf16, #tpu.memory_space<vmem>>, vector<128x2048xbf16>
    %get3A_639 = arith.constant 0 : index
    %get3A_640 = arith.constant 0 : index
    %get3A_641 = vector.load %arg11[%get3A_639, %get3A_640] : memref<2048x1024xbf16, #tpu.memory_space<vmem>>, vector<2048x1024xbf16>
    %dot_general3A_642 = arith.constant dense<0.000000e+00> : vector<128x1024xf32>
    %dot_general3A_643 = tpu.matmul %get3A_638, %get3A_641, %dot_general3A_642 {dimension_numbers = #tpu.dot_dimension_numbers<[1], [0], [0], [1], [0, 0, 1, 1], [], []>, transpose_lhs_hint = false} : vector<128x2048xbf16>, vector<2048x1024xbf16>, vector<128x1024xf32> -> vector<128x1024xf32>
    %add3A_644 = arith.addf %add3A_539, %dot_general3A_643 : vector<128x1024xf32>
    %slice3A_645 = vector.extract_strided_slice %transpose3A {offsets = [96, 0], sizes = [1, 1024], strides = [1, 1]} : vector<128x1024xbf16> to vector<1x1024xbf16>
    %mul3A_646 = vector.broadcast %slice3A_645 : vector<1x1024xbf16> to vector<128x1024xbf16>
    %mul3A_647 = arith.mulf %mul3A_646, %transpose3A_16 : vector<128x1024xbf16>
    %swap3A_648 = arith.constant 0 : index
    %swap3A_649 = arith.constant 0 : index
    %swap3A_650 = vector.load %arg10[%swap3A_648, %swap3A_649] : memref<2048x1024xbf16, #tpu.memory_space<vmem>>, vector<128x1024xbf16>
    tpu.vector_store %arg10[%swap3A_648, %swap3A_649], %mul3A_647 {strides = array<i32>} : memref<2048x1024xbf16, #tpu.memory_space<vmem>>, vector<128x1024xbf16>,
    %slice3A_651 = vector.extract_strided_slice %transpose3A {offsets = [97, 0], sizes = [1, 1024], strides = [1, 1]} : vector<128x1024xbf16> to vector<1x1024xbf16>
    %mul3A_652 = vector.broadcast %slice3A_651 : vector<1x1024xbf16> to vector<128x1024xbf16>
    %mul3A_653 = arith.mulf %mul3A_652, %transpose3A_16 : vector<128x1024xbf16>
    %swap3A_654 = arith.constant 128 : index
    %swap3A_655 = arith.constant 0 : index
    %swap3A_656 = vector.load %arg10[%swap3A_654, %swap3A_655] : memref<2048x1024xbf16, #tpu.memory_space<vmem>>, vector<128x1024xbf16>
    tpu.vector_store %arg10[%swap3A_654, %swap3A_655], %mul3A_653 {strides = array<i32>} : memref<2048x1024xbf16, #tpu.memory_space<vmem>>, vector<128x1024xbf16>,
    %slice3A_657 = vector.extract_strided_slice %transpose3A {offsets = [98, 0], sizes = [1, 1024], strides = [1, 1]} : vector<128x1024xbf16> to vector<1x1024xbf16>
    %mul3A_658 = vector.broadcast %slice3A_657 : vector<1x1024xbf16> to vector<128x1024xbf16>
    %mul3A_659 = arith.mulf %mul3A_658, %transpose3A_16 : vector<128x1024xbf16>
    %swap3A_660 = arith.constant 256 : index
    %swap3A_661 = arith.constant 0 : index
    %swap3A_662 = vector.load %arg10[%swap3A_660, %swap3A_661] : memref<2048x1024xbf16, #tpu.memory_space<vmem>>, vector<128x1024xbf16>
    tpu.vector_store %arg10[%swap3A_660, %swap3A_661], %mul3A_659 {strides = array<i32>} : memref<2048x1024xbf16, #tpu.memory_space<vmem>>, vector<128x1024xbf16>,
    %slice3A_663 = vector.extract_strided_slice %transpose3A {offsets = [99, 0], sizes = [1, 1024], strides = [1, 1]} : vector<128x1024xbf16> to vector<1x1024xbf16>
    %mul3A_664 = vector.broadcast %slice3A_663 : vector<1x1024xbf16> to vector<128x1024xbf16>
    %mul3A_665 = arith.mulf %mul3A_664, %transpose3A_16 : vector<128x1024xbf16>
    %swap3A_666 = arith.constant 384 : index
    %swap3A_667 = arith.constant 0 : index
    %swap3A_668 = vector.load %arg10[%swap3A_666, %swap3A_667] : memref<2048x1024xbf16, #tpu.memory_space<vmem>>, vector<128x1024xbf16>
    tpu.vector_store %arg10[%swap3A_666, %swap3A_667], %mul3A_665 {strides = array<i32>} : memref<2048x1024xbf16, #tpu.memory_space<vmem>>, vector<128x1024xbf16>,
    %slice3A_669 = vector.extract_strided_slice %transpose3A {offsets = [100, 0], sizes = [1, 1024], strides = [1, 1]} : vector<128x1024xbf16> to vector<1x1024xbf16>
    %mul3A_670 = vector.broadcast %slice3A_669 : vector<1x1024xbf16> to vector<128x1024xbf16>
    %mul3A_671 = arith.mulf %mul3A_670, %transpose3A_16 : vector<128x1024xbf16>
    %swap3A_672 = arith.constant 512 : index
    %swap3A_673 = arith.constant 0 : index
    %swap3A_674 = vector.load %arg10[%swap3A_672, %swap3A_673] : memref<2048x1024xbf16, #tpu.memory_space<vmem>>, vector<128x1024xbf16>
    tpu.vector_store %arg10[%swap3A_672, %swap3A_673], %mul3A_671 {strides = array<i32>} : memref<2048x1024xbf16, #tpu.memory_space<vmem>>, vector<128x1024xbf16>,
    %slice3A_675 = vector.extract_strided_slice %transpose3A {offsets = [101, 0], sizes = [1, 1024], strides = [1, 1]} : vector<128x1024xbf16> to vector<1x1024xbf16>
    %mul3A_676 = vector.broadcast %slice3A_675 : vector<1x1024xbf16> to vector<128x1024xbf16>
    %mul3A_677 = arith.mulf %mul3A_676, %transpose3A_16 : vector<128x1024xbf16>
    %swap3A_678 = arith.constant 640 : index
    %swap3A_679 = arith.constant 0 : index
    %swap3A_680 = vector.load %arg10[%swap3A_678, %swap3A_679] : memref<2048x1024xbf16, #tpu.memory_space<vmem>>, vector<128x1024xbf16>
    tpu.vector_store %arg10[%swap3A_678, %swap3A_679], %mul3A_677 {strides = array<i32>} : memref<2048x1024xbf16, #tpu.memory_space<vmem>>, vector<128x1024xbf16>,
    %slice3A_681 = vector.extract_strided_slice %transpose3A {offsets = [102, 0], sizes = [1, 1024], strides = [1, 1]} : vector<128x1024xbf16> to vector<1x1024xbf16>
    %mul3A_682 = vector.broadcast %slice3A_681 : vector<1x1024xbf16> to vector<128x1024xbf16>
    %mul3A_683 = arith.mulf %mul3A_682, %transpose3A_16 : vector<128x1024xbf16>
    %swap3A_684 = arith.constant 768 : index
    %swap3A_685 = arith.constant 0 : index
    %swap3A_686 = vector.load %arg10[%swap3A_684, %swap3A_685] : memref<2048x1024xbf16, #tpu.memory_space<vmem>>, vector<128x1024xbf16>
    tpu.vector_store %arg10[%swap3A_684, %swap3A_685], %mul3A_683 {strides = array<i32>} : memref<2048x1024xbf16, #tpu.memory_space<vmem>>, vector<128x1024xbf16>,
    %slice3A_687 = vector.extract_strided_slice %transpose3A {offsets = [103, 0], sizes = [1, 1024], strides = [1, 1]} : vector<128x1024xbf16> to vector<1x1024xbf16>
    %mul3A_688 = vector.broadcast %slice3A_687 : vector<1x1024xbf16> to vector<128x1024xbf16>
    %mul3A_689 = arith.mulf %mul3A_688, %transpose3A_16 : vector<128x1024xbf16>
    %swap3A_690 = arith.constant 896 : index
    %swap3A_691 = arith.constant 0 : index
    %swap3A_692 = vector.load %arg10[%swap3A_690, %swap3A_691] : memref<2048x1024xbf16, #tpu.memory_space<vmem>>, vector<128x1024xbf16>
    tpu.vector_store %arg10[%swap3A_690, %swap3A_691], %mul3A_689 {strides = array<i32>} : memref<2048x1024xbf16, #tpu.memory_space<vmem>>, vector<128x1024xbf16>,
    %slice3A_693 = vector.extract_strided_slice %transpose3A {offsets = [104, 0], sizes = [1, 1024], strides = [1, 1]} : vector<128x1024xbf16> to vector<1x1024xbf16>
    %mul3A_694 = vector.broadcast %slice3A_693 : vector<1x1024xbf16> to vector<128x1024xbf16>
    %mul3A_695 = arith.mulf %mul3A_694, %transpose3A_16 : vector<128x1024xbf16>
    %swap3A_696 = arith.constant 1024 : index
    %swap3A_697 = arith.constant 0 : index
    %swap3A_698 = vector.load %arg10[%swap3A_696, %swap3A_697] : memref<2048x1024xbf16, #tpu.memory_space<vmem>>, vector<128x1024xbf16>
    tpu.vector_store %arg10[%swap3A_696, %swap3A_697], %mul3A_695 {strides = array<i32>} : memref<2048x1024xbf16, #tpu.memory_space<vmem>>, vector<128x1024xbf16>,
    %slice3A_699 = vector.extract_strided_slice %transpose3A {offsets = [105, 0], sizes = [1, 1024], strides = [1, 1]} : vector<128x1024xbf16> to vector<1x1024xbf16>
    %mul3A_700 = vector.broadcast %slice3A_699 : vector<1x1024xbf16> to vector<128x1024xbf16>
    %mul3A_701 = arith.mulf %mul3A_700, %transpose3A_16 : vector<128x1024xbf16>
    %swap3A_702 = arith.constant 1152 : index
    %swap3A_703 = arith.constant 0 : index
    %swap3A_704 = vector.load %arg10[%swap3A_702, %swap3A_703] : memref<2048x1024xbf16, #tpu.memory_space<vmem>>, vector<128x1024xbf16>
    tpu.vector_store %arg10[%swap3A_702, %swap3A_703], %mul3A_701 {strides = array<i32>} : memref<2048x1024xbf16, #tpu.memory_space<vmem>>, vector<128x1024xbf16>,
    %slice3A_705 = vector.extract_strided_slice %transpose3A {offsets = [106, 0], sizes = [1, 1024], strides = [1, 1]} : vector<128x1024xbf16> to vector<1x1024xbf16>
    %mul3A_706 = vector.broadcast %slice3A_705 : vector<1x1024xbf16> to vector<128x1024xbf16>
    %mul3A_707 = arith.mulf %mul3A_706, %transpose3A_16 : vector<128x1024xbf16>
    %swap3A_708 = arith.constant 1280 : index
    %swap3A_709 = arith.constant 0 : index
    %swap3A_710 = vector.load %arg10[%swap3A_708, %swap3A_709] : memref<2048x1024xbf16, #tpu.memory_space<vmem>>, vector<128x1024xbf16>
    tpu.vector_store %arg10[%swap3A_708, %swap3A_709], %mul3A_707 {strides = array<i32>} : memref<2048x1024xbf16, #tpu.memory_space<vmem>>, vector<128x1024xbf16>,
    %slice3A_711 = vector.extract_strided_slice %transpose3A {offsets = [107, 0], sizes = [1, 1024], strides = [1, 1]} : vector<128x1024xbf16> to vector<1x1024xbf16>
    %mul3A_712 = vector.broadcast %slice3A_711 : vector<1x1024xbf16> to vector<128x1024xbf16>
    %mul3A_713 = arith.mulf %mul3A_712, %transpose3A_16 : vector<128x1024xbf16>
    %swap3A_714 = arith.constant 1408 : index
    %swap3A_715 = arith.constant 0 : index
    %swap3A_716 = vector.load %arg10[%swap3A_714, %swap3A_715] : memref<2048x1024xbf16, #tpu.memory_space<vmem>>, vector<128x1024xbf16>
    tpu.vector_store %arg10[%swap3A_714, %swap3A_715], %mul3A_713 {strides = array<i32>} : memref<2048x1024xbf16, #tpu.memory_space<vmem>>, vector<128x1024xbf16>,
    %slice3A_717 = vector.extract_strided_slice %transpose3A {offsets = [108, 0], sizes = [1, 1024], strides = [1, 1]} : vector<128x1024xbf16> to vector<1x1024xbf16>
    %mul3A_718 = vector.broadcast %slice3A_717 : vector<1x1024xbf16> to vector<128x1024xbf16>
    %mul3A_719 = arith.mulf %mul3A_718, %transpose3A_16 : vector<128x1024xbf16>
    %swap3A_720 = arith.constant 1536 : index
    %swap3A_721 = arith.constant 0 : index
    %swap3A_722 = vector.load %arg10[%swap3A_720, %swap3A_721] : memref<2048x1024xbf16, #tpu.memory_space<vmem>>, vector<128x1024xbf16>
    tpu.vector_store %arg10[%swap3A_720, %swap3A_721], %mul3A_719 {strides = array<i32>} : memref<2048x1024xbf16, #tpu.memory_space<vmem>>, vector<128x1024xbf16>,
    %slice3A_723 = vector.extract_strided_slice %transpose3A {offsets = [109, 0], sizes = [1, 1024], strides = [1, 1]} : vector<128x1024xbf16> to vector<1x1024xbf16>
    %mul3A_724 = vector.broadcast %slice3A_723 : vector<1x1024xbf16> to vector<128x1024xbf16>
    %mul3A_725 = arith.mulf %mul3A_724, %transpose3A_16 : vector<128x1024xbf16>
    %swap3A_726 = arith.constant 1664 : index
    %swap3A_727 = arith.constant 0 : index
    %swap3A_728 = vector.load %arg10[%swap3A_726, %swap3A_727] : memref<2048x1024xbf16, #tpu.memory_space<vmem>>, vector<128x1024xbf16>
    tpu.vector_store %arg10[%swap3A_726, %swap3A_727], %mul3A_725 {strides = array<i32>} : memref<2048x1024xbf16, #tpu.memory_space<vmem>>, vector<128x1024xbf16>,
    %slice3A_729 = vector.extract_strided_slice %transpose3A {offsets = [110, 0], sizes = [1, 1024], strides = [1, 1]} : vector<128x1024xbf16> to vector<1x1024xbf16>
    %mul3A_730 = vector.broadcast %slice3A_729 : vector<1x1024xbf16> to vector<128x1024xbf16>
    %mul3A_731 = arith.mulf %mul3A_730, %transpose3A_16 : vector<128x1024xbf16>
    %swap3A_732 = arith.constant 1792 : index
    %swap3A_733 = arith.constant 0 : index
    %swap3A_734 = vector.load %arg10[%swap3A_732, %swap3A_733] : memref<2048x1024xbf16, #tpu.memory_space<vmem>>, vector<128x1024xbf16>
    tpu.vector_store %arg10[%swap3A_732, %swap3A_733], %mul3A_731 {strides = array<i32>} : memref<2048x1024xbf16, #tpu.memory_space<vmem>>, vector<128x1024xbf16>,
    %slice3A_735 = vector.extract_strided_slice %transpose3A {offsets = [111, 0], sizes = [1, 1024], strides = [1, 1]} : vector<128x1024xbf16> to vector<1x1024xbf16>
    %mul3A_736 = vector.broadcast %slice3A_735 : vector<1x1024xbf16> to vector<128x1024xbf16>
    %mul3A_737 = arith.mulf %mul3A_736, %transpose3A_16 : vector<128x1024xbf16>
    %swap3A_738 = arith.constant 1920 : index
    %swap3A_739 = arith.constant 0 : index
    %swap3A_740 = vector.load %arg10[%swap3A_738, %swap3A_739] : memref<2048x1024xbf16, #tpu.memory_space<vmem>>, vector<128x1024xbf16>
    tpu.vector_store %arg10[%swap3A_738, %swap3A_739], %mul3A_737 {strides = array<i32>} : memref<2048x1024xbf16, #tpu.memory_space<vmem>>, vector<128x1024xbf16>,
    %get3A_741 = arith.constant 0 : index
    %get3A_742 = arith.constant 12288 : index
    %get3A_743 = vector.load %arg6[%get3A_741, %get3A_742] : memref<128x16384xbf16, #tpu.memory_space<vmem>>, vector<128x2048xbf16>
    %get3A_744 = arith.constant 0 : index
    %get3A_745 = arith.constant 0 : index
    %get3A_746 = vector.load %arg10[%get3A_744, %get3A_745] : memref<2048x1024xbf16, #tpu.memory_space<vmem>>, vector<2048x1024xbf16>
    %dot_general3A_747 = arith.constant dense<0.000000e+00> : vector<128x1024xf32>
    %dot_general3A_748 = tpu.matmul %get3A_743, %get3A_746, %dot_general3A_747 {dimension_numbers = #tpu.dot_dimension_numbers<[1], [0], [0], [1], [0, 0, 1, 1], [], []>, transpose_lhs_hint = false} : vector<128x2048xbf16>, vector<2048x1024xbf16>, vector<128x1024xf32> -> vector<128x1024xf32>
    %add3A_749 = arith.addf %add3A_644, %dot_general3A_748 : vector<128x1024xf32>
    %slice3A_750 = vector.extract_strided_slice %transpose3A {offsets = [112, 0], sizes = [1, 1024], strides = [1, 1]} : vector<128x1024xbf16> to vector<1x1024xbf16>
    %mul3A_751 = vector.broadcast %slice3A_750 : vector<1x1024xbf16> to vector<128x1024xbf16>
    %mul3A_752 = arith.mulf %mul3A_751, %transpose3A_16 : vector<128x1024xbf16>
    %swap3A_753 = arith.constant 0 : index
    %swap3A_754 = arith.constant 0 : index
    %swap3A_755 = vector.load %arg11[%swap3A_753, %swap3A_754] : memref<2048x1024xbf16, #tpu.memory_space<vmem>>, vector<128x1024xbf16>
    tpu.vector_store %arg11[%swap3A_753, %swap3A_754], %mul3A_752 {strides = array<i32>} : memref<2048x1024xbf16, #tpu.memory_space<vmem>>, vector<128x1024xbf16>,
    %slice3A_756 = vector.extract_strided_slice %transpose3A {offsets = [113, 0], sizes = [1, 1024], strides = [1, 1]} : vector<128x1024xbf16> to vector<1x1024xbf16>
    %mul3A_757 = vector.broadcast %slice3A_756 : vector<1x1024xbf16> to vector<128x1024xbf16>
    %mul3A_758 = arith.mulf %mul3A_757, %transpose3A_16 : vector<128x1024xbf16>
    %swap3A_759 = arith.constant 128 : index
    %swap3A_760 = arith.constant 0 : index
    %swap3A_761 = vector.load %arg11[%swap3A_759, %swap3A_760] : memref<2048x1024xbf16, #tpu.memory_space<vmem>>, vector<128x1024xbf16>
    tpu.vector_store %arg11[%swap3A_759, %swap3A_760], %mul3A_758 {strides = array<i32>} : memref<2048x1024xbf16, #tpu.memory_space<vmem>>, vector<128x1024xbf16>,
    %slice3A_762 = vector.extract_strided_slice %transpose3A {offsets = [114, 0], sizes = [1, 1024], strides = [1, 1]} : vector<128x1024xbf16> to vector<1x1024xbf16>
    %mul3A_763 = vector.broadcast %slice3A_762 : vector<1x1024xbf16> to vector<128x1024xbf16>
    %mul3A_764 = arith.mulf %mul3A_763, %transpose3A_16 : vector<128x1024xbf16>
    %swap3A_765 = arith.constant 256 : index
    %swap3A_766 = arith.constant 0 : index
    %swap3A_767 = vector.load %arg11[%swap3A_765, %swap3A_766] : memref<2048x1024xbf16, #tpu.memory_space<vmem>>, vector<128x1024xbf16>
    tpu.vector_store %arg11[%swap3A_765, %swap3A_766], %mul3A_764 {strides = array<i32>} : memref<2048x1024xbf16, #tpu.memory_space<vmem>>, vector<128x1024xbf16>,
    %slice3A_768 = vector.extract_strided_slice %transpose3A {offsets = [115, 0], sizes = [1, 1024], strides = [1, 1]} : vector<128x1024xbf16> to vector<1x1024xbf16>
    %mul3A_769 = vector.broadcast %slice3A_768 : vector<1x1024xbf16> to vector<128x1024xbf16>
    %mul3A_770 = arith.mulf %mul3A_769, %transpose3A_16 : vector<128x1024xbf16>
    %swap3A_771 = arith.constant 384 : index
    %swap3A_772 = arith.constant 0 : index
    %swap3A_773 = vector.load %arg11[%swap3A_771, %swap3A_772] : memref<2048x1024xbf16, #tpu.memory_space<vmem>>, vector<128x1024xbf16>
    tpu.vector_store %arg11[%swap3A_771, %swap3A_772], %mul3A_770 {strides = array<i32>} : memref<2048x1024xbf16, #tpu.memory_space<vmem>>, vector<128x1024xbf16>,
    %slice3A_774 = vector.extract_strided_slice %transpose3A {offsets = [116, 0], sizes = [1, 1024], strides = [1, 1]} : vector<128x1024xbf16> to vector<1x1024xbf16>
    %mul3A_775 = vector.broadcast %slice3A_774 : vector<1x1024xbf16> to vector<128x1024xbf16>
    %mul3A_776 = arith.mulf %mul3A_775, %transpose3A_16 : vector<128x1024xbf16>
    %swap3A_777 = arith.constant 512 : index
    %swap3A_778 = arith.constant 0 : index
    %swap3A_779 = vector.load %arg11[%swap3A_777, %swap3A_778] : memref<2048x1024xbf16, #tpu.memory_space<vmem>>, vector<128x1024xbf16>
    tpu.vector_store %arg11[%swap3A_777, %swap3A_778], %mul3A_776 {strides = array<i32>} : memref<2048x1024xbf16, #tpu.memory_space<vmem>>, vector<128x1024xbf16>,
    %slice3A_780 = vector.extract_strided_slice %transpose3A {offsets = [117, 0], sizes = [1, 1024], strides = [1, 1]} : vector<128x1024xbf16> to vector<1x1024xbf16>
    %mul3A_781 = vector.broadcast %slice3A_780 : vector<1x1024xbf16> to vector<128x1024xbf16>
    %mul3A_782 = arith.mulf %mul3A_781, %transpose3A_16 : vector<128x1024xbf16>
    %swap3A_783 = arith.constant 640 : index
    %swap3A_784 = arith.constant 0 : index
    %swap3A_785 = vector.load %arg11[%swap3A_783, %swap3A_784] : memref<2048x1024xbf16, #tpu.memory_space<vmem>>, vector<128x1024xbf16>
    tpu.vector_store %arg11[%swap3A_783, %swap3A_784], %mul3A_782 {strides = array<i32>} : memref<2048x1024xbf16, #tpu.memory_space<vmem>>, vector<128x1024xbf16>,
    %slice3A_786 = vector.extract_strided_slice %transpose3A {offsets = [118, 0], sizes = [1, 1024], strides = [1, 1]} : vector<128x1024xbf16> to vector<1x1024xbf16>
    %mul3A_787 = vector.broadcast %slice3A_786 : vector<1x1024xbf16> to vector<128x1024xbf16>
    %mul3A_788 = arith.mulf %mul3A_787, %transpose3A_16 : vector<128x1024xbf16>
    %swap3A_789 = arith.constant 768 : index
    %swap3A_790 = arith.constant 0 : index
    %swap3A_791 = vector.load %arg11[%swap3A_789, %swap3A_790] : memref<2048x1024xbf16, #tpu.memory_space<vmem>>, vector<128x1024xbf16>
    tpu.vector_store %arg11[%swap3A_789, %swap3A_790], %mul3A_788 {strides = array<i32>} : memref<2048x1024xbf16, #tpu.memory_space<vmem>>, vector<128x1024xbf16>,
    %slice3A_792 = vector.extract_strided_slice %transpose3A {offsets = [119, 0], sizes = [1, 1024], strides = [1, 1]} : vector<128x1024xbf16> to vector<1x1024xbf16>
    %mul3A_793 = vector.broadcast %slice3A_792 : vector<1x1024xbf16> to vector<128x1024xbf16>
    %mul3A_794 = arith.mulf %mul3A_793, %transpose3A_16 : vector<128x1024xbf16>
    %swap3A_795 = arith.constant 896 : index
    %swap3A_796 = arith.constant 0 : index
    %swap3A_797 = vector.load %arg11[%swap3A_795, %swap3A_796] : memref<2048x1024xbf16, #tpu.memory_space<vmem>>, vector<128x1024xbf16>
    tpu.vector_store %arg11[%swap3A_795, %swap3A_796], %mul3A_794 {strides = array<i32>} : memref<2048x1024xbf16, #tpu.memory_space<vmem>>, vector<128x1024xbf16>,
    %slice3A_798 = vector.extract_strided_slice %transpose3A {offsets = [120, 0], sizes = [1, 1024], strides = [1, 1]} : vector<128x1024xbf16> to vector<1x1024xbf16>
    %mul3A_799 = vector.broadcast %slice3A_798 : vector<1x1024xbf16> to vector<128x1024xbf16>
    %mul3A_800 = arith.mulf %mul3A_799, %transpose3A_16 : vector<128x1024xbf16>
    %swap3A_801 = arith.constant 1024 : index
    %swap3A_802 = arith.constant 0 : index
    %swap3A_803 = vector.load %arg11[%swap3A_801, %swap3A_802] : memref<2048x1024xbf16, #tpu.memory_space<vmem>>, vector<128x1024xbf16>
    tpu.vector_store %arg11[%swap3A_801, %swap3A_802], %mul3A_800 {strides = array<i32>} : memref<2048x1024xbf16, #tpu.memory_space<vmem>>, vector<128x1024xbf16>,
    %slice3A_804 = vector.extract_strided_slice %transpose3A {offsets = [121, 0], sizes = [1, 1024], strides = [1, 1]} : vector<128x1024xbf16> to vector<1x1024xbf16>
    %mul3A_805 = vector.broadcast %slice3A_804 : vector<1x1024xbf16> to vector<128x1024xbf16>
    %mul3A_806 = arith.mulf %mul3A_805, %transpose3A_16 : vector<128x1024xbf16>
    %swap3A_807 = arith.constant 1152 : index
    %swap3A_808 = arith.constant 0 : index
    %swap3A_809 = vector.load %arg11[%swap3A_807, %swap3A_808] : memref<2048x1024xbf16, #tpu.memory_space<vmem>>, vector<128x1024xbf16>
    tpu.vector_store %arg11[%swap3A_807, %swap3A_808], %mul3A_806 {strides = array<i32>} : memref<2048x1024xbf16, #tpu.memory_space<vmem>>, vector<128x1024xbf16>,
    %slice3A_810 = vector.extract_strided_slice %transpose3A {offsets = [122, 0], sizes = [1, 1024], strides = [1, 1]} : vector<128x1024xbf16> to vector<1x1024xbf16>
    %mul3A_811 = vector.broadcast %slice3A_810 : vector<1x1024xbf16> to vector<128x1024xbf16>
    %mul3A_812 = arith.mulf %mul3A_811, %transpose3A_16 : vector<128x1024xbf16>
    %swap3A_813 = arith.constant 1280 : index
    %swap3A_814 = arith.constant 0 : index
    %swap3A_815 = vector.load %arg11[%swap3A_813, %swap3A_814] : memref<2048x1024xbf16, #tpu.memory_space<vmem>>, vector<128x1024xbf16>
    tpu.vector_store %arg11[%swap3A_813, %swap3A_814], %mul3A_812 {strides = array<i32>} : memref<2048x1024xbf16, #tpu.memory_space<vmem>>, vector<128x1024xbf16>,
    %slice3A_816 = vector.extract_strided_slice %transpose3A {offsets = [123, 0], sizes = [1, 1024], strides = [1, 1]} : vector<128x1024xbf16> to vector<1x1024xbf16>
    %mul3A_817 = vector.broadcast %slice3A_816 : vector<1x1024xbf16> to vector<128x1024xbf16>
    %mul3A_818 = arith.mulf %mul3A_817, %transpose3A_16 : vector<128x1024xbf16>
    %swap3A_819 = arith.constant 1408 : index
    %swap3A_820 = arith.constant 0 : index
    %swap3A_821 = vector.load %arg11[%swap3A_819, %swap3A_820] : memref<2048x1024xbf16, #tpu.memory_space<vmem>>, vector<128x1024xbf16>
    tpu.vector_store %arg11[%swap3A_819, %swap3A_820], %mul3A_818 {strides = array<i32>} : memref<2048x1024xbf16, #tpu.memory_space<vmem>>, vector<128x1024xbf16>,
    %slice3A_822 = vector.extract_strided_slice %transpose3A {offsets = [124, 0], sizes = [1, 1024], strides = [1, 1]} : vector<128x1024xbf16> to vector<1x1024xbf16>
    %mul3A_823 = vector.broadcast %slice3A_822 : vector<1x1024xbf16> to vector<128x1024xbf16>
    %mul3A_824 = arith.mulf %mul3A_823, %transpose3A_16 : vector<128x1024xbf16>
    %swap3A_825 = arith.constant 1536 : index
    %swap3A_826 = arith.constant 0 : index
    %swap3A_827 = vector.load %arg11[%swap3A_825, %swap3A_826] : memref<2048x1024xbf16, #tpu.memory_space<vmem>>, vector<128x1024xbf16>
    tpu.vector_store %arg11[%swap3A_825, %swap3A_826], %mul3A_824 {strides = array<i32>} : memref<2048x1024xbf16, #tpu.memory_space<vmem>>, vector<128x1024xbf16>,
    %slice3A_828 = vector.extract_strided_slice %transpose3A {offsets = [125, 0], sizes = [1, 1024], strides = [1, 1]} : vector<128x1024xbf16> to vector<1x1024xbf16>
    %mul3A_829 = vector.broadcast %slice3A_828 : vector<1x1024xbf16> to vector<128x1024xbf16>
    %mul3A_830 = arith.mulf %mul3A_829, %transpose3A_16 : vector<128x1024xbf16>
    %swap3A_831 = arith.constant 1664 : index
    %swap3A_832 = arith.constant 0 : index
    %swap3A_833 = vector.load %arg11[%swap3A_831, %swap3A_832] : memref<2048x1024xbf16, #tpu.memory_space<vmem>>, vector<128x1024xbf16>
    tpu.vector_store %arg11[%swap3A_831, %swap3A_832], %mul3A_830 {strides = array<i32>} : memref<2048x1024xbf16, #tpu.memory_space<vmem>>, vector<128x1024xbf16>,
    %slice3A_834 = vector.extract_strided_slice %transpose3A {offsets = [126, 0], sizes = [1, 1024], strides = [1, 1]} : vector<128x1024xbf16> to vector<1x1024xbf16>
    %mul3A_835 = vector.broadcast %slice3A_834 : vector<1x1024xbf16> to vector<128x1024xbf16>
    %mul3A_836 = arith.mulf %mul3A_835, %transpose3A_16 : vector<128x1024xbf16>
    %swap3A_837 = arith.constant 1792 : index
    %swap3A_838 = arith.constant 0 : index
    %swap3A_839 = vector.load %arg11[%swap3A_837, %swap3A_838] : memref<2048x1024xbf16, #tpu.memory_space<vmem>>, vector<128x1024xbf16>
    tpu.vector_store %arg11[%swap3A_837, %swap3A_838], %mul3A_836 {strides = array<i32>} : memref<2048x1024xbf16, #tpu.memory_space<vmem>>, vector<128x1024xbf16>,
    %slice3A_840 = vector.extract_strided_slice %transpose3A {offsets = [127, 0], sizes = [1, 1024], strides = [1, 1]} : vector<128x1024xbf16> to vector<1x1024xbf16>
    %mul3A_841 = vector.broadcast %slice3A_840 : vector<1x1024xbf16> to vector<128x1024xbf16>
    %mul3A_842 = arith.mulf %mul3A_841, %transpose3A_16 : vector<128x1024xbf16>
    %swap3A_843 = arith.constant 1920 : index
    %swap3A_844 = arith.constant 0 : index
    %swap3A_845 = vector.load %arg11[%swap3A_843, %swap3A_844] : memref<2048x1024xbf16, #tpu.memory_space<vmem>>, vector<128x1024xbf16>
    tpu.vector_store %arg11[%swap3A_843, %swap3A_844], %mul3A_842 {strides = array<i32>} : memref<2048x1024xbf16, #tpu.memory_space<vmem>>, vector<128x1024xbf16>,
    %get3A_846 = arith.constant 0 : index
    %get3A_847 = arith.constant 14336 : index
    %get3A_848 = vector.load %arg6[%get3A_846, %get3A_847] : memref<128x16384xbf16, #tpu.memory_space<vmem>>, vector<128x2048xbf16>
    %get3A_849 = arith.constant 0 : index
    %get3A_850 = arith.constant 0 : index
    %get3A_851 = vector.load %arg11[%get3A_849, %get3A_850] : memref<2048x1024xbf16, #tpu.memory_space<vmem>>, vector<2048x1024xbf16>
    %dot_general3A_852 = arith.constant dense<0.000000e+00> : vector<128x1024xf32>
    %dot_general3A_853 = tpu.matmul %get3A_848, %get3A_851, %dot_general3A_852 {dimension_numbers = #tpu.dot_dimension_numbers<[1], [0], [0], [1], [0, 0, 1, 1], [], []>, transpose_lhs_hint = false} : vector<128x2048xbf16>, vector<2048x1024xbf16>, vector<128x1024xf32> -> vector<128x1024xf32>
    %add3A_854 = arith.addf %add3A_749, %dot_general3A_853 : vector<128x1024xf32>
    %transpose3A_855 = tpu.transpose %add3A_854, [1, 0] : vector<128x1024xf32> -> vector<1024x128xf32>
    %get3A_856 = arith.constant 0 : index
    %get3A_857 = arith.constant 0 : index
    %get3A_858 = vector.load %arg7[%get3A_856, %get3A_857] : memref<128x128xf32, #tpu.memory_space<vmem>>, vector<128x128xf32>
    %dot_general3A_859 = arith.constant dense<0.000000e+00> : vector<1024x128xf32>
    %dot_general3A_860 = tpu.matmul %get3A_14, %get3A_858, %dot_general3A_859 {dimension_numbers = #tpu.dot_dimension_numbers<[1], [0], [0], [1], [0, 0, 1, 1], [], []>, precision = #tpu.contract_precision<fp32>, transpose_lhs_hint = false} : vector<1024x128xf32>, vector<128x128xf32>, vector<1024x128xf32> -> vector<1024x128xf32>
    %add3A_861 = arith.addf %transpose3A_855, %dot_general3A_860 : vector<1024x128xf32>
    %swap3A_862 = arith.constant 0 : index
    %swap3A_863 = arith.constant 0 : index
    %swap3A_864 = vector.load %arg8[%swap3A_862, %swap3A_863] : memref<1024x128xf32, #tpu.memory_space<vmem>>, vector<1024x128xf32>
    tpu.vector_store %arg8[%swap3A_862, %swap3A_863], %add3A_861 {strides = array<i32>} : memref<1024x128xf32, #tpu.memory_space<vmem>>, vector<1024x128xf32>,
    %iota3A = tpu.iota {dimensions = array<i32: 1>} : vector<1024x128xi32>
    %get3A_865 = arith.constant 0 : index
    %get3A_866 = arith.constant 0 : index
    %get3A_867 = vector.load %arg3[%get3A_865, %get3A_866] : memref<1024x1xi32, #tpu.memory_space<vmem>>, vector<1024x1xi32>
    %eq3A = vector.broadcast %get3A_867 : vector<1024x1xi32> to vector<1024x128xi32>
    %eq3A_868 = arith.cmpi eq, %iota3A, %eq3A : vector<1024x128xi32>
    %jit3A = arith.constant 1.000000e+00 : f32
    %jit3A_869 = arith.constant 0.000000e+00 : f32
    %broadcast_in_dim3A_870 = vector.broadcast %jit3A : f32 to vector<1024x128xf32>
    %broadcast_in_dim3A_871 = vector.broadcast %jit3A_869 : f32 to vector<1024x128xf32>
    %select_n3A = arith.select %eq3A_868, %broadcast_in_dim3A_870, %broadcast_in_dim3A_871 : vector<1024x128xi1>, vector<1024x128xf32>
    %swap3A_872 = arith.constant 0 : index
    %swap3A_873 = arith.constant 0 : index
    %swap3A_874 = vector.load %arg9[%swap3A_872, %swap3A_873] : memref<1024x128xf32, #tpu.memory_space<vmem>>, vector<1024x128xf32>
    tpu.vector_store %arg9[%swap3A_872, %swap3A_873], %select_n3A {strides = array<i32>} : memref<1024x128xf32, #tpu.memory_space<vmem>>, vector<1024x128xf32>,
    return
  }
  func.func @transform_0(%arg0: i32) -> (i32, i32) {
    %c0_i32 = arith.constant 0 : i32
    %c0_i32_0 = arith.constant 0 : i32
    return %arg0, %c0_i32 : i32, i32
  }
  func.func @transform_1(%arg0: i32) -> (i32, i32) {
    %c0_i32 = arith.constant 0 : i32
    %c0_i32_0 = arith.constant 0 : i32
    return %arg0, %c0_i32 : i32, i32
  }
  func.func @transform_2(%arg0: i32) -> (i32, i32) {
    %c0_i32 = arith.constant 0 : i32
    %c0_i32_0 = arith.constant 0 : i32
    return %arg0, %c0_i32 : i32, i32
  }
  func.func @transform_3(%arg0: i32) -> (i32, i32) {
    %c0_i32 = arith.constant 0 : i32
    %c0_i32_0 = arith.constant 0 : i32
    %c0_i32_1 = arith.constant 0 : i32
    return %c0_i32, %c0_i32_0 : i32, i32
  }
  func.func @transform_4(%arg0: i32) -> (i32, i32) {
    %c0_i32 = arith.constant 0 : i32
    %c0_i32_0 = arith.constant 0 : i32
    %c0_i32_1 = arith.constant 0 : i32
    return %c0_i32, %c0_i32_0 : i32, i32
  }
  func.func @transform_5(%arg0: i32) -> (i32, i32) {
    %c0_i32 = arith.constant 0 : i32
    %c0_i32_0 = arith.constant 0 : i32
    %c0_i32_1 = arith.constant 0 : i32
    return %c0_i32, %c0_i32_0 : i32, i32
  }
  func.func @transform_6(%arg0: i32) -> (i32, i32) {
    %c0_i32 = arith.constant 0 : i32
    %c0_i32_0 = arith.constant 0 : i32
    %c0_i32_1 = arith.constant 0 : i32
    return %c0_i32, %c0_i32_0 : i32, i32
  }
  func.func @transform_7(%arg0: i32) -> (i32, i32) {
    %c0_i32 = arith.constant 0 : i32
    %c0_i32_0 = arith.constant 0 : i32
    return %arg0, %c0_i32 : i32, i32
  }
  func.func @transform_8(%arg0: i32) -> (i32, i32) {
    %c0_i32 = arith.constant 0 : i32
    %c0_i32_0 = arith.constant 0 : i32
    return %arg0, %c0_i32 : i32, i32
  }
}

module attributes {stable_mosaic.version = 14 : i64} {
  func.func @_final_kernel(%arg0: i32, %arg1: memref<1000x128xf32, #tpu.memory_space<vmem>>, %arg2: memref<1000x128xf32, #tpu.memory_space<vmem>>, %arg3: memref<1000x1xf32, #tpu.memory_space<vmem>>, %arg4: memref<128x128xf32, #tpu.memory_space<vmem>>, %arg5: memref<1x128xf32, #tpu.memory_space<vmem>>, %arg6: memref<1000x128xf32, #tpu.memory_space<vmem>>) attributes {dimension_semantics = [#tpu.dimension_semantics<arbitrary>], iteration_bounds = array<i64: 10>, scalar_prefetch = 0 : i64, scratch_operands = 0 : i64, tpu.core_type = #tpu.core_type<tc>, window_params = [{transform_indices = @transform_0, window_bounds = array<i64: 1000, 128>}, {transform_indices = @transform_1, window_bounds = array<i64: 1000, 128>}, {transform_indices = @transform_2, window_bounds = array<i64: 1000, 1>}, {pipeline_mode = #tpu.pipeline_mode<synchronous>, transform_indices = @transform_3, window_bounds = array<i64: 128, 128>}, {pipeline_mode = #tpu.pipeline_mode<synchronous>, transform_indices = @transform_4, window_bounds = array<i64: 1, 128>}, {transform_indices = @transform_5, window_bounds = array<i64: 1000, 128>}]} {
    %get3A = arith.constant 0 : index
    %get3A_0 = arith.constant 0 : index
    %get3A_1 = vector.load %arg1[%get3A, %get3A_0] : memref<1000x128xf32, #tpu.memory_space<vmem>>, vector<1000x128xf32>
    %get3A_2 = arith.constant 0 : index
    %get3A_3 = arith.constant 0 : index
    %get3A_4 = vector.load %arg2[%get3A_2, %get3A_3] : memref<1000x128xf32, #tpu.memory_space<vmem>>, vector<1000x128xf32>
    %get3A_5 = arith.constant 0 : index
    %get3A_6 = arith.constant 0 : index
    %get3A_7 = vector.load %arg3[%get3A_5, %get3A_6] : memref<1000x1xf32, #tpu.memory_space<vmem>>, vector<1000x1xf32>
    %max3A = arith.constant 1.000000e+00 : f32
    %max3A_8 = vector.broadcast %max3A : f32 to vector<1000x1xf32>
    %max3A_9 = arith.maximumf %get3A_7, %max3A_8 : vector<1000x1xf32>
    %div3A = vector.broadcast %max3A_9 : vector<1000x1xf32> to vector<1000x128xf32>
    %div3A_10 = arith.divf %get3A_4, %div3A : vector<1000x128xf32>
    %get3A_11 = arith.constant 0 : index
    %get3A_12 = arith.constant 0 : index
    %get3A_13 = vector.load %arg4[%get3A_11, %get3A_12] : memref<128x128xf32, #tpu.memory_space<vmem>>, vector<128x128xf32>
    %dot_general3A = arith.constant dense<0.000000e+00> : vector<1000x128xf32>
    %dot_general3A_14 = tpu.matmul %get3A_1, %get3A_13, %dot_general3A {dimension_numbers = #tpu.dot_dimension_numbers<[1], [0], [0], [1], [0, 0, 1, 1], [], []>, precision = #tpu.contract_precision<fp32>, transpose_lhs_hint = false} : vector<1000x128xf32>, vector<128x128xf32>, vector<1000x128xf32> -> vector<1000x128xf32>
    %add3A = arith.addf %div3A_10, %dot_general3A_14 : vector<1000x128xf32>
    %get3A_15 = arith.constant 0 : index
    %get3A_16 = arith.constant 0 : index
    %get3A_17 = vector.load %arg5[%get3A_15, %get3A_16] : memref<1x128xf32, #tpu.memory_space<vmem>>, vector<1x128xf32>
    %add3A_18 = vector.broadcast %get3A_17 : vector<1x128xf32> to vector<1000x128xf32>
    %add3A_19 = arith.addf %add3A, %add3A_18 : vector<1000x128xf32>
    %mul3A = arith.constant 5.000000e-01 : f32
    %mul3A_20 = vector.broadcast %mul3A : f32 to vector<1000x128xf32>
    %mul3A_21 = arith.mulf %mul3A_20, %add3A_19 : vector<1000x128xf32>
    %mul3A_22 = arith.constant 0.707106769 : f32
    %mul3A_23 = vector.broadcast %mul3A_22 : f32 to vector<1000x128xf32>
    %mul3A_24 = arith.mulf %add3A_19, %mul3A_23 : vector<1000x128xf32>
    %erf3A = math.erf %mul3A_24 : vector<1000x128xf32>
    %add3A_25 = arith.constant 1.000000e+00 : f32
    %add3A_26 = vector.broadcast %add3A_25 : f32 to vector<1000x128xf32>
    %add3A_27 = arith.addf %add3A_26, %erf3A : vector<1000x128xf32>
    %mul3A_28 = arith.mulf %mul3A_21, %add3A_27 : vector<1000x128xf32>
    %add3A_29 = arith.addf %get3A_1, %mul3A_28 : vector<1000x128xf32>
    %swap3A = arith.constant 0 : index
    %swap3A_30 = arith.constant 0 : index
    %swap3A_31 = vector.load %arg6[%swap3A, %swap3A_30] : memref<1000x128xf32, #tpu.memory_space<vmem>>, vector<1000x128xf32>
    tpu.vector_store %arg6[%swap3A, %swap3A_30], %add3A_29 {strides = array<i32>} : memref<1000x128xf32, #tpu.memory_space<vmem>>, vector<1000x128xf32>,
    return
  }
  func.func @transform_0(%arg0: i32) -> (i32, i32) {
    %c0_i32 = arith.constant 0 : i32
    %c0_i32_0 = arith.constant 0 : i32
    return %arg0, %c0_i32 : i32, i32
  }
  func.func @transform_1(%arg0: i32) -> (i32, i32) {
    %c0_i32 = arith.constant 0 : i32
    %c0_i32_0 = arith.constant 0 : i32
    return %arg0, %c0_i32 : i32, i32
  }
  func.func @transform_2(%arg0: i32) -> (i32, i32) {
    %c0_i32 = arith.constant 0 : i32
    %c0_i32_0 = arith.constant 0 : i32
    return %arg0, %c0_i32 : i32, i32
  }
  func.func @transform_3(%arg0: i32) -> (i32, i32) {
    %c0_i32 = arith.constant 0 : i32
    %c0_i32_0 = arith.constant 0 : i32
    %c0_i32_1 = arith.constant 0 : i32
    return %c0_i32, %c0_i32_0 : i32, i32
  }
  func.func @transform_4(%arg0: i32) -> (i32, i32) {
    %c0_i32 = arith.constant 0 : i32
    %c0_i32_0 = arith.constant 0 : i32
    %c0_i32_1 = arith.constant 0 : i32
    return %c0_i32, %c0_i32_0 : i32, i32
  }
  func.func @transform_5(%arg0: i32) -> (i32, i32) {
    %c0_i32 = arith.constant 0 : i32
    %c0_i32_0 = arith.constant 0 : i32
    return %arg0, %c0_i32 : i32, i32
  }
}

</mosaic_0001>

<sc_bundles>
// kernel: kernel.12.cloned.1.call-start
scs
__scs_entry_jumppad:
0x0: {  	(pc) =	sbr.rel $0x88, $3  }
0x1: {  	(tag) =	ssettag $0x0;
	lr =	simm.s32 $0x1  }
0x2: {  	[smem:$0x3F98] =	sst lr;
	_ =	strace $0xD0000000  }
0x3: {  	_ = 	snop  }
0x4: {  	_ = 	snop  }
0x5: {  	_ = 	snop  }
0x6: {  	_ = 	snop  }
0x7: {  	_ = 	snop  }
__scs_overlays_trampoline_lowered:
0x8: {  	[smem:$0x3FA7] =	sst s0  }
0x9: {  	[smem:$0x3FA8] =	sst s1  }
0xa: {  	[smem:$0x3FA9] =	sst s2  }
0xb: {  	[smem:$0x3FAA] =	sst s3  }
0xc: {  	[smem:$0x3FAB] =	sst s4  }
0xd: {  	[smem:$0x3FAC] =	sst s5  }
0xe: {  	[smem:$0x3FAD] =	sst s6  }
0xf: {  	[smem:$0x3FAE] =	sst s7  }
0x10: {  	[smem:$0x3FAF] =	sst s8  }
0x11: {  	[smem:$0x3FB0] =	sst s9;
	s0 =	simm.s32 @!p0 $0x0  }
0x12: {  	s1 =	sld [smem:$0x3F96];
	s0 =	simm.s32 @p0 $0x1  }
0x13: {  	[smem:$0x3FB1] =	sst s0;
	s0 =	simm.s32 @!p1 $0x0  }
0x14: {  	s2 =	sld [smem:$0x3F95];
	s0 =	simm.s32 @p1 $0x1  }
0x15: {  	[smem:$0x3FB2] =	sst s0;
	s0 =	simm.s32 @!p2 $0x0  }
0x16: {  	s3 =	sld [smem:$0x3FDB];
	s0 =	simm.s32 @p2 $0x1  }
0x17: {  	s4 =	simm.s32 $0x1BF5;
	[smem:$0x3FB4] =	sst s0  }
0x18: {  	s0 =	sld [smem:$0x3F97];
	_ =	swait.ge [sflag:s4], $0x0  }
0x19: {  	s7 =	sld [smem:$0x3F98]  }
0x1a: {  	s8 =	sadd.s32 $0xFFFFE003, lr  }
0x1b: {  	s9 =	sadd.s32 $0xFFFFFEF7, lr;
	s5 =	simm.s32 $0xFFFFFFFF;
	p2 =	slt.u32 s8, $0xFFFFF086  }
0x1c: {  	p1 =	slt.u32 s9, $0xF7A;
	s5 =	simm.s32 @!p2 $0x0  }
0x1d: {  	s5 =	simm.s32 @p1 $0x1;
	p0 =	seq.s32 s7, s2  }
0x1e: {  	s7 =	smul.u32 @!p0 $0xF7A, s2;
	p2 =	seq.s32 @!p0 s5, $0x0  }
0x1f: {  	s9 =	smul.u32 $0xF7A, s1;
	s8 =	simm.s32 @!p0 $0x1BF5;
	p2 =	por !p2, p0  }
0x20: {  	[sflag:s8] =	ssyncset.s32 @!p0 $0xFFFFF086;
	s6 =	sadd.s32 @!p0 s3, s7;
	s7 =	simm.s32 @!p0 $0x108  }
0x21: {  	s3 =	sadd.s32 s3, s9;
	s6 =	sadd.s32 @!p0 $0x88, s6;
	s7 =	simm.s32 @p2 $0x1082  }
0x22: {  	[simem:s7], [sflag:s8] =	dma.local @!p0 [hbm:s6], $0xF7A  }
0x23: {  	s9 =	sor.u32 $0xD0000000, s2;
	s6 =	simm.s32 $0x108;
	_ =	swait.ge @!p0 [sflag:s8], $0x0  }
0x24: {  	s3 =	sadd.s32 $0x88, s3;
	s6 =	simm.s32 @!p1 $0x1082;
	[sflag:s4] =	ssyncset.s32 $0xFFFFF086  }
0x25: {  	[simem:s6], [sflag:s4] =	dma.local [hbm:s3], $0xF7A  }
0x26: {  	[smem:$0x3F98] =	sst s1;
	(tag) =	ssettag s2;
	_ =	strace s9  }
0x27: {  	s1 =	sld [smem:$0x3FA8]  }
0x28: {  	s2 =	sld [smem:$0x3FA9]  }
0x29: {  	s4 =	sld [smem:$0x3FAB]  }
0x2a: {  	p0 =	seq.s32 s5, $0x0;
	s5 =	sld [smem:$0x3FAC]  }
0x2b: {  	s6 =	sld [smem:$0x3FAD]  }
0x2c: {  	s7 =	sld [smem:$0x3FAE]  }
0x2d: {  	s3 =	simm.s32 $0x108;
	s8 =	sld [smem:$0x3FAF]  }
0x2e: {  	s3 =	simm.s32 @!p0 $0x1082;
	s9 =	sld [smem:$0x3FB0]  }
0x2f: {  	lr =	sadd.s32 s0, s3;
	s0 =	sld [smem:$0x3FA7]  }
0x30: {  	s3 =	sld [smem:$0x3FAA]  }
0x31: {  	[smem:$0x3FB3] =	sst s10  }
0x32: {  	s10 =	sld [smem:$0x3FB1];
	_ =	sdelay $0x3  }
0x33: {  	p0 =	seq.s32 s10, $0x1;
	s10 =	sld [smem:$0x3FB3];
	_ =	sdelay $0x3  }
0x34: {  	[smem:$0x3FB3] =	sst s10  }
0x35: {  	s10 =	sld [smem:$0x3FB2];
	_ =	sdelay $0x3  }
0x36: {  	p1 =	seq.s32 s10, $0x1;
	s10 =	sld [smem:$0x3FB3];
	_ =	sdelay $0x3  }
0x37: {  	[smem:$0x3FB3] =	sst s10  }
0x38: {  	s10 =	sld [smem:$0x3FB4]  }
0x39: {  	_ = 	snop;
	(pc) =	sbr.ind lr, $3  }
0x3a: {  	_ = 	snop  }
0x3b: {  	_ = 	snop  }
0x3c: {  	p2 =	seq.s32 s10, $0x1;
	s10 =	sld [smem:$0x3FB3]  }
0x3d: {  	_ =	shalt  }
0x3e: {  	_ =	shalt  }
0x3f: {  	_ =	shalt  }
0x40: {  	_ =	shalt  }
0x41: {  	_ =	shalt  }
0x42: {  	_ =	shalt  }
0x43: {  	_ =	shalt  }
0x44: {  	_ =	shalt  }
0x45: {  	_ =	shalt  }
0x46: {  	_ =	shalt  }
0x47: {  	_ =	shalt  }
0x48: {  	_ =	shalt  }
0x49: {  	_ =	shalt  }
0x4a: {  	_ =	shalt  }
0x4b: {  	_ =	shalt  }
0x4c: {  	_ =	shalt  }
0x4d: {  	_ =	shalt  }
0x4e: {  	_ =	shalt  }
0x4f: {  	_ =	shalt  }
0x50: {  	_ =	shalt  }
0x51: {  	_ =	shalt  }
0x52: {  	_ =	shalt  }
0x53: {  	_ =	shalt  }
0x54: {  	_ =	shalt  }
0x55: {  	_ =	shalt  }
0x56: {  	_ =	shalt  }
0x57: {  	_ =	shalt  }
0x58: {  	_ =	shalt  }
0x59: {  	_ =	shalt  }
0x5a: {  	_ =	shalt  }
0x5b: {  	_ =	shalt  }
0x5c: {  	_ =	shalt  }
0x5d: {  	_ =	shalt  }
0x5e: {  	_ =	shalt  }
0x5f: {  	_ =	shalt  }
0x60: {  	_ =	shalt  }
0x61: {  	_ =	shalt  }
0x62: {  	_ =	shalt  }
0x63: {  	_ =	shalt  }
0x64: {  	_ =	shalt  }
0x65: {  	_ =	shalt  }
0x66: {  	_ =	shalt  }
0x67: {  	_ =	shalt  }
0x68: {  	_ =	shalt  }
0x69: {  	_ =	shalt  }
0x6a: {  	_ =	shalt  }
0x6b: {  	_ =	shalt  }
0x6c: {  	_ =	shalt  }
0x6d: {  	_ =	shalt  }
0x6e: {  	_ =	shalt  }
0x6f: {  	_ =	shalt  }
0x70: {  	_ =	shalt  }
0x71: {  	_ =	shalt  }
0x72: {  	_ =	shalt  }
0x73: {  	_ =	shalt  }
0x74: {  	_ =	shalt  }
0x75: {  	_ =	shalt  }
0x76: {  	_ =	shalt  }
0x77: {  	_ =	shalt  }
0x78: {  	_ =	shalt  }
0x79: {  	_ =	shalt  }
0x7a: {  	_ =	shalt  }
0x7b: {  	_ =	shalt  }
0x7c: {  	_ =	shalt  }
0x7d: {  	_ =	shalt  }
0x7e: {  	_ =	shalt  }
0x7f: {  	_ =	shalt  }
0x80: {  	_ =	shalt  }
0x81: {  	_ =	shalt  }
0x82: {  	_ =	shalt  }
0x83: {  	_ =	shalt  }
0x84: {  	_ =	shalt  }
0x85: {  	_ =	shalt  }
0x86: {  	_ =	shalt  }
0x87: {  	_ =	shalt  }
.Lfunc_end0:
.L_simem_size_0:
called_computation.1_lowered:
.L_overlay_start_0:
0x88: {  	s2 =	sld [smem:$0x3FD9]  }
0x89: {  	s3 =	sld [smem:$0x3FFE];
	_ =	sdelay $0x1  }
0x8a: {  	s1 =	srdreg.scid  }
0x8b: {  	s0 =	sand.u32 $0x1, s1  }
0x8c: {  	s17 =	sshll.u32 s0, $0xA;
	s2 =	sadd.s32 s3, s2  }
0x8d: {  	s2 =	sadd.s32 s2, s17  }
0x8e: {  	[smem:$0x3FBF] =	sst s2  }
0x8f: {  	_ = 	snop  }
0x90: {  	(tm) =	ssettm $0x1  }
0x91: {  	s18 =	sld [smem:$0x3FFB];
	_ =	sdelay $0x3  }
0x92: {  	_ =	strace s18  }
0x93: {  	s2 =	sld [smem:$0x3FFC];
	_ =	sdelay $0x3  }
0x94: {  	_ =	strace s2  }
0x95: {  	s2 =	sld [smem:$0x3FFD];
	_ =	sdelay $0x3  }
0x96: {  	_ =	strace s2  }
0x97: {  	_ =	strace $0x8FFFFFFF  }
0x98: {  	s19 =	sld [smem:$0x3FDB];
	_ =	sdelay $0x1  }
0x99: {  	s20 =	simm.s32 $_scs_section_size  }
0x9a: {  	s4 =	simm.s32 $_size__tile_overlayer_lowered;
	s5 =	simm.s32 $_tile_overlayer_lowered  }
0x9b: {  	s6 =	simm.s32 $0x1BFF;
	s21 =	sshll.u32 s5, $0x1;
	s3 =	sadd.s32 s20, s19  }
0x9c: {  	s22 =	simm.s32 $0x0;
	s4 =	sshll.u32 s4, $0x1;
	s5 =	sadd.s32 s21, s3  }
0x9d: {  	[timem:s22], [sflag:s6] =	dma.local [hbm:s5], s4  }
0x9e: {  	_ =	swait.ge [sflag:s6], s4  }
0x9f: {  	s4 =	ssub.s32 $0x0, s4;
	[sflag:s6] =	ssyncset.done $0x0  }
0xa0: {  	[sflag:s6] =	ssyncadd.s32 s4;
	_ =	sdelay $0x1  }
0xa1: {  	s23 =	simm.s32 $0x1B8B  }
0xa2: {  	_ =	swait.ge [sflag:s23], $0x1  }
0xa3: {  	[sflag:s23] =	ssyncset.done $0x0  }
0xa4: {  	[sflag:s23] =	ssyncadd.s32 $0xFFFFFFFF  }
0xa5: {  	s4 =	sld [smem:$0x0]  }
0xa6: {  	s5 =	sand.u32 $0xFFFFFFFE, s1  }
0xa7: {  	p0 =	sne.s32 s1, s5  }
0xa8: {  	s5 =	sshll.u32 @p0 s5, $0xE  }
0xa9: {  	s5 =	sadd.s32 @p0 $0x11B8D, s5;
	s6 =	sshll.u32 @p0 s4, $0x11  }
0xaa: {  	s5 =	sor.u32 @p0 s6, s5  }
0xab: {  	[sflag:s5] =	ssyncadd.remote.s32 @p0 $0x1;
	_ =	sdelay $0x1  }
0xac: {  	s5 =	simm.s32 @p0 $0x1B8D  }
0xad: {  	_ =	swait.eq @p0 [sflag:s5], $0x1  }
0xae: {  	[sflag:s5] =	ssyncadd.s32 @p0 $0xFFFFFFFF  }
0xaf: {  	s6 =	sshll.u32 @!p0 s1, $0xE  }
0xb0: {  	s6 =	sor.u32 @!p0 $0x4000, s6;
	s5 =	simm.s32 @!p0 $0x1B8D  }
0xb1: {  	s4 =	sshll.u32 @!p0 s4, $0x11;
	s6 =	sadd.s32 @!p0 $0x11B8D, s6;
	_ =	swait.eq @!p0 [sflag:s5], $0x1  }
0xb2: {  	s4 =	sor.u32 @!p0 s4, s6;
	[sflag:s5] =	ssyncadd.s32 @!p0 $0xFFFFFFFF  }
0xb3: {  	s25 =	simm.s32 $0x1B8E;
	s24 =	sld [smem:$0x3FFE];
	[sflag:s4] =	ssyncadd.remote.s32 @!p0 $0x1  }
0xb4: {  	s26 =	simm.s32 $execute0_lowered;
	[smem:$0x3FD2] =	sst s25  }
0xb5: {  	s5 =	sshll.u32 s26, $0x1;
	_ =	strace $0x8000004C;
	[dreg:$0x1] =	wrdreg $0xFFFFFFFF  }
0xb6: {  	s28 =	simm.s32 $_size_execute0_lowered;
	s3 =	sadd.s32 s3, s5;
	[dreg:$0x0] =	wrdreg $0x0  }
0xb7: {  	s5 =	sshll.u32 s28, $0x1;
	[dreg:$0x2] =	wrdreg s3  }
0xb8: {  	[dreg:$0x3] =	wrdreg s5  }
0xb9: {  	[dreg:$0x4] =	wrdreg $0xC0  }
0xba: {  	_ =	task [dreg:s22], $0x5FFFF  }
0xbb: {  	[dreg:$0x1] =	wrdreg $0xFFFFFFFF  }
0xbc: {  	[dreg:$0x0] =	wrdreg $0x60  }
0xbd: {  	[dreg:$0x2] =	wrdreg s24  }
0xbe: {  	[dreg:$0x3] =	wrdreg $0x108000  }
0xbf: {  	[dreg:$0x4] =	wrdreg $0x1AC000  }
0xc0: {  	[dreg:$0x5] =	wrdreg $0x9  }
0xc1: {  	_ =	task.clear_ibuf [dreg:s22], $0x6FFFF;
	_ =	strace $0x9000004C  }
0xc2: {  	s29 =	simm.s32 $0x9;
	_ =	strace $0x8000004E  }
0xc3: {  	_ =	swait.ge [sflag:s29], $0x1  }
0xc4: {  	[sflag:s29] =	ssyncadd.s32 $0xFFFFFFFF  }
0xc5: {  	_ =	strace $0x9000004E  }
0xc6: {  	_ =	sfence  }
0xc7: {  	s30 =	sld [smem:$0x0];
	_ =	sdelay $0x2  }
0xc8: {  	s31 =	sshll.u32 s1, $0xD;
	s1 =	sshrl.u32 s1, $0x2  }
0xc9: {  	s4 =	sand.u32 $0x4000, s31;
	s1 =	sadd.s32 s1, s30  }
0xca: {  	s0 =	sor.u32 s4, s0;
	s1 =	sshll.u32 s1, $0x11  }
0xcb: {  	s0 =	sor.u32 s1, s0  }
0xcc: {  	s0 =	sadd.s32 $0x8F2B, s0  }
0xcd: {  	[sflag:s0] =	ssyncadd.remote.s32 $0x1  }
0xce: {  	_ =	sfence.sel $0xFFFF  }
0xcf: {  	[dreg:$0x0] =	wrdreg $0xFFFFFFFF;
	(pc) =	sbr.abs _section_cstart, $3  }
0xd0: {  	[dreg:$0x1] =	wrdreg $0xFFFFFFFF  }
0xd1: {  	_ =	task.clear_ibuf [dreg:s22], $0x2FFFF;
	_ =	strace $0x9FFFFFFF  }
0xd2: {  	(tm) =	ssettm $0x7FFFFFFF  }
0xd3: {  	_ =	shalt  }
tec
execute0_lowered:
.L_overlay_start_1:
0x0: {  	(tag) =	ssettag $0x1  }
0x1: {  	s0 =	rddreg [dreg:$0x0]  }
0x2: {  	s3 =	rddreg [dreg:$0x1]  }
0x3: {  	s2 =	rddreg [dreg:$0x2]  }
0x4: {  	s1 =	srdreg.scid;
	s19 =	rddreg [dreg:$0x3]  }
0x5: {  	s4 =	simm.s32 $0x0;
	s14 =	stileid.u32;
	s31 =	simm.s32 $0x400  }
0x6: {  	s30 =	simm.s32 $0x480;
	s29 =	simm.s32 $0x500;
	s6 =	smul.u32 $0xA400, s14  }
0x7: {  	p0 =	por $0x0, $0x0;
	s28 =	simm.s32 $0x180;
	s10 =	smul.u32 $0x29000, s14  }
0x8: {  	s1 =	sand.u32 $0x1, s1;
	[smem:$0x7FF] =	sst s4;
	s26 =	smul.u32 $0x3000, s14  }
0x9: {  	s7 =	sadd.s32 $0x5800, s0;
	s8 =	sadd.s32 $0x86400, s0;
	s13 =	smul.u32 $0x18000, s14  }
0xa: {  	s22 =	sadd.s32 $0x35800, s0;
	s9 =	sshll.u32 s14, $0x7;
	s5 =	smul.u32 $0xA4000, s1  }
0xb: {  	_ =	strace $0x8000004D;
	[dreg:$0x4] =	wrdreg s8;
	s23 =	sshll.u32 s1, $0xB  }
0xc: {  	[dreg:$0x5] =	wrdreg s22;
	s1 =	ssub.s32 $0x2, s1;
	s8 =	sor.u32 s9, s23  }
0xd: {  	s24 =	sshrl.u32 s1, $0x1;
	s25 =	sshrl.u32 s10, $0x2;
	s12 =	sadd.s32 s7, s26  }
0xe: {  	s9 =	sor.u32 $0x800, s26;
	s5 =	sadd.s32 s6, s5;
	s6 =	sadd.s32 $0x56400, s0  }
0xf: {  	s1 =	ssub.s32 s1, s24;
	s10 =	sadd.s32 s25, s3;
	[dreg:$0x8] =	wrdreg s12  }
0x10: {  	s16 =	sadd.s32 s7, s9;
	s12 =	sshll.u32 s14, $0x6;
	s24 =	sshll.u32 s14, $0xA  }
0x11: {  	s5 =	sshrl.u32 s5, $0x3;
	s15 =	sadd.s32 s6, s26;
	[dreg:$0xa] =	wrdreg s16  }
0x12: {  	s17 =	sadd.s32 s6, s9;
	s26 =	smax.u32 s1, $0x1;
	s1 =	rddreg [dreg:$0x4]  }
0x13: {  	s10 =	sshrl.u32 s10, $0x3;
	s16 =	simm.s32 $0x2;
	[dreg:$0x9] =	wrdreg s15  }
0x14: {  	s11 =	sadd.s32 s5, s0;
	s0 =	sadd.s32 s8, s0;
	[dreg:$0xb] =	wrdreg s17  }
0x15: {  	s5 =	sor.u32 $0x1C03, s12;
	s17 =	simm.s32 $0x8800;
	s8 =	sadd.s32 $0xB6400, s0  }
0x16: {  	s12 =	simm.s32 $0x80;
	[dreg:$0x6] =	wrdreg s8;
	s8 =	sadd.s32 $0xB7400, s0  }
0x17: {  	p1 =	sne.s32 s26, $0x1;
	[dreg:$0x7] =	wrdreg s8;
	s8 =	sshrl.u32 s13, $0x3  }
0x18: {  	s18 =	sadd.s32 $0x1000, s8;
	s13 =	sadd.s32 $0x1800, s8;
	s23 =	sadd.s32 $0x2000, s8  }
0x19: {  	s8 =	sadd.s32 $0x2800, s8;
	s20 =	sadd.s32 s7, s18;
	s9 =	sadd.s32 s6, s18  }
0x1a: {  	s21 =	sadd.s32 s7, s13;
	s22 =	sadd.s32 s6, s13;
	s25 =	sadd.s32 s7, s23  }
0x1b: {  	s13 =	sadd.s32 s24, s2;
	s14 =	sadd.s32 s7, s8;
	[dreg:$0xc] =	wrdreg s20  }
0x1c: {  	s15 =	sadd.s32 s6, s8;
	s8 =	sadd.s32 $0x87A00, s11;
	[dreg:$0xd] =	wrdreg s9  }
0x1d: {  	s7 =	simm.s32 $0x3;
	s18 =	simm.s32 $0x800;
	[dreg:$0xe] =	wrdreg s21  }
.Ltmp0:
0x1e: {  	s11 =	simm.s32 $0xC800;
	[dreg:$0xf] =	wrdreg s22;
	(pc) =	sbr.rel @!p1 .LBB2_1-.Ltmp0, $4  }
0x1f: {  	s24 =	simm.s32 $0x600;
	[dreg:$0x10] =	wrdreg s25;
	s22 =	sadd.s32 s6, s23  }
0x20: {  	s6 =	sadd.s32 $0xB0A00, s0;
	s9 =	sshrl.u32 s13, $0x3;
	s21 =	simm.s32 $0x1  }
0x21: {  	s13 =	simm.s32 $0x4800;
	s0 =	sadd.s32 $0xFFFFFFFF, s26;
	s26 =	simm.s32 $0x580  }
0x22: {  	s25 =	simm.s32 $0x200;
	s23 =	simm.s32 $0x280;
	s20 =	simm.s32 $0x680  }
0x23: {  	[spmem:s10], [sflag:s5] =	dma.local [hbm:s1], $0x1480  }
0x24: {  	_ =	swait.ge [sflag:s7], $0x1480  }
0x25: {  	[sflag:s7] =	ssyncset.done $0x0  }
0x26: {  	s19 =	rddreg [dreg:$0x5];
	[sflag:s7] =	ssyncadd.s32 $0xFFFFEB80  }
0x27: {  	[spmem:s9], [sflag:s5] =	dma.local [hbm:s19], $0x80  }
0x28: {  	_ =	swait.ge [sflag:s7], $0x80  }
0x29: {  	[sflag:s7] =	ssyncset.done $0x0  }
0x2a: {  	s19 =	rddreg [dreg:$0x6];
	[sflag:s7] =	ssyncadd.s32 $0xFFFFFF80  }
0x2b: {  	[tilespmem:s4], [sflag:$0x3] =	stream.linear.gather [hbm4b:s19+s4], $0x300, $0x38;
	[tilespmem:$0x1B000] =	vst v63  }
0x2c: {  	_ =	swait.ge [sflag:s7], $0x300  }
0x2d: {  	[sflag:s7] =	ssyncset.done $0x0  }
0x2e: {  	s19 =	rddreg [dreg:$0x7];
	[sflag:s7] =	ssyncadd.s32 $0xFFFFFD00  }
0x2f: {  	[tilespmem:s31], [sflag:$0x3] =	stream.linear.gather [hbm4b:s19+s4], $0x300, $0x38;
	[tilespmem:$0x1B000] =	vst v63  }
0x30: {  	_ =	swait.ge [sflag:s7], $0x300  }
0x31: {  	[sflag:s7] =	ssyncset.done $0x0  }
0x32: {  	[sflag:s7] =	ssyncadd.s32 $0xFFFFFD00  }
0x33: {  	[bflag:$0x0] =	sbarrier.arrive $0xFFFF  }
0x34: {  	s1 =	rddreg [dreg:$0x8]  }
0x35: {  	[tilespmem:s18], [sflag:$0x1] =	stream.linear.gather [hbm4b:s1+s4], $0x4000, $0x38;
	[tilespmem:$0x1B000] =	vst v63  }
0x36: {  	s19 =	smov.u32 s0;
	s0 =	rddreg [dreg:$0x9]  }
0x37: {  	[tilespmem:s17], [sflag:$0x1] =	stream.linear.gather [hbm4b:s0+s4], $0x4000, $0x38;
	[tilespmem:$0x1B000] =	vst v63  }
0x38: {  	_ =	swait.ge [sflag:s21], $0x4000  }
0x39: {  	[sflag:s21] =	ssyncset.done $0x0  }
0x3a: {  	[sflag:s21] =	ssyncadd.s32 $0xFFFFC000  }
0x3b: {  	_ =	swait.ge [sflag:s21], $0x4000  }
0x3c: {  	[sflag:s21] =	ssyncset.done $0x0  }
0x3d: {  	s0 =	rddreg [dreg:$0xa];
	[sflag:s21] =	ssyncadd.s32 $0xFFFFC000  }
0x3e: {  	[tilespmem:s13], [sflag:$0x2] =	stream.linear.gather [hbm4b:s0+s4], $0x4000, $0x38;
	[tilespmem:$0x1B000] =	vst v63  }
0x3f: {  	s1 =	rddreg [dreg:$0xb]  }
0x40: {  	[tilespmem:s11], [sflag:$0x2] =	stream.linear.gather [hbm4b:s1+s4], $0x4000, $0x38;
	[tilespmem:$0x1B000] =	vst v63  }
0x41: {  	_ = 	snop  }
0x42: {  	[spmem:s3] =	stream.indirect.scatter.add.f32 [tilespmem:s18], [sflag:$0x3], $0x80, s4, s12, $0xb8;
	[tilespmem:$0x1B000] =	vst v63  }
0x43: {  	_ =	swait.ge [sflag:s7], $0x4000  }
0x44: {  	[sflag:s7] =	ssyncset.done $0x0  }
0x45: {  	[sflag:s7] =	ssyncadd.s32 $0xFFFFC000  }
0x46: {  	[spmem:s2] =	stream.indirect.scatter.add.f32 [tilespmem:s17], [sflag:$0x3], $0x80, s31, s12, $0xb8;
	[tilespmem:$0x1B000] =	vst v63  }
0x47: {  	_ =	swait.ge [sflag:s7], $0x4000  }
0x48: {  	[sflag:s7] =	ssyncset.done $0x0  }
0x49: {  	[sflag:s7] =	ssyncadd.s32 $0xFFFFC000  }
0x4a: {  	_ =	swait.ge [sflag:s16], $0x4000  }
0x4b: {  	[sflag:s16] =	ssyncset.done $0x0  }
0x4c: {  	[sflag:s16] =	ssyncadd.s32 $0xFFFFC000  }
0x4d: {  	_ =	swait.ge [sflag:s16], $0x4000  }
0x4e: {  	[sflag:s16] =	ssyncset.done $0x0  }
0x4f: {  	s0 =	rddreg [dreg:$0xc];
	[sflag:s16] =	ssyncadd.s32 $0xFFFFC000  }
0x50: {  	[tilespmem:s18], [sflag:$0x1] =	stream.linear.gather [hbm4b:s0+s4], $0x4000, $0x38;
	[tilespmem:$0x1B000] =	vst v63  }
0x51: {  	s1 =	rddreg [dreg:$0xd]  }
0x52: {  	[tilespmem:s17], [sflag:$0x1] =	stream.linear.gather [hbm4b:s1+s4], $0x4000, $0x38;
	[tilespmem:$0x1B000] =	vst v63  }
0x53: {  	_ = 	snop  }
0x54: {  	[spmem:s3] =	stream.indirect.scatter.add.f32 [tilespmem:s13], [sflag:$0x3], $0x80, s12, s12, $0xb8;
	[tilespmem:$0x1B000] =	vst v63  }
0x55: {  	_ =	swait.ge [sflag:s7], $0x4000  }
0x56: {  	[sflag:s7] =	ssyncset.done $0x0  }
0x57: {  	[sflag:s7] =	ssyncadd.s32 $0xFFFFC000  }
0x58: {  	[spmem:s2] =	stream.indirect.scatter.add.f32 [tilespmem:s11], [sflag:$0x3], $0x80, s30, s12, $0xb8;
	[tilespmem:$0x1B000] =	vst v63  }
0x59: {  	_ =	swait.ge [sflag:s7], $0x4000  }
0x5a: {  	[sflag:s7] =	ssyncset.done $0x0  }
0x5b: {  	[sflag:s7] =	ssyncadd.s32 $0xFFFFC000  }
0x5c: {  	_ =	swait.ge [sflag:s21], $0x4000  }
0x5d: {  	[sflag:s21] =	ssyncset.done $0x0  }
0x5e: {  	[sflag:s21] =	ssyncadd.s32 $0xFFFFC000  }
0x5f: {  	_ =	swait.ge [sflag:s21], $0x4000  }
0x60: {  	[sflag:s21] =	ssyncset.done $0x0  }
0x61: {  	s0 =	rddreg [dreg:$0xe];
	[sflag:s21] =	ssyncadd.s32 $0xFFFFC000  }
0x62: {  	[tilespmem:s13], [sflag:$0x2] =	stream.linear.gather [hbm4b:s0+s4], $0x4000, $0x38;
	[tilespmem:$0x1B000] =	vst v63  }
0x63: {  	s1 =	rddreg [dreg:$0xf]  }
0x64: {  	[tilespmem:s11], [sflag:$0x2] =	stream.linear.gather [hbm4b:s1+s4], $0x4000, $0x38;
	[tilespmem:$0x1B000] =	vst v63  }
0x65: {  	s1 =	simm.s32 $0x100  }
0x66: {  	[spmem:s3] =	stream.indirect.scatter.add.f32 [tilespmem:s18], [sflag:$0x3], $0x80, s1, s12, $0xb8;
	[tilespmem:$0x1B000] =	vst v63  }
0x67: {  	_ =	swait.ge [sflag:s7], $0x4000  }
0x68: {  	[sflag:s7] =	ssyncset.done $0x0  }
0x69: {  	[sflag:s7] =	ssyncadd.s32 $0xFFFFC000  }
0x6a: {  	[spmem:s2] =	stream.indirect.scatter.add.f32 [tilespmem:s17], [sflag:$0x3], $0x80, s29, s12, $0xb8;
	[tilespmem:$0x1B000] =	vst v63  }
0x6b: {  	_ =	swait.ge [sflag:s7], $0x4000  }
0x6c: {  	[sflag:s7] =	ssyncset.done $0x0  }
0x6d: {  	[sflag:s7] =	ssyncadd.s32 $0xFFFFC000  }
0x6e: {  	_ =	swait.ge [sflag:s16], $0x4000  }
0x6f: {  	[sflag:s16] =	ssyncset.done $0x0  }
0x70: {  	[sflag:s16] =	ssyncadd.s32 $0xFFFFC000  }
0x71: {  	_ =	swait.ge [sflag:s16], $0x4000  }
0x72: {  	[sflag:s16] =	ssyncset.done $0x0  }
0x73: {  	s1 =	rddreg [dreg:$0x10];
	[sflag:s16] =	ssyncadd.s32 $0xFFFFC000  }
0x74: {  	[tilespmem:s18], [sflag:$0x1] =	stream.linear.gather [hbm4b:s1+s4], $0x4000, $0x38;
	[tilespmem:$0x1B000] =	vst v63  }
0x75: {  	_ = 	snop  }
0x76: {  	[tilespmem:s17], [sflag:$0x1] =	stream.linear.gather [hbm4b:s22+s4], $0x4000, $0x38;
	[tilespmem:$0x1B000] =	vst v63  }
0x77: {  	_ = 	snop  }
0x78: {  	[spmem:s3] =	stream.indirect.scatter.add.f32 [tilespmem:s13], [sflag:$0x3], $0x80, s28, s12, $0xb8;
	[tilespmem:$0x1B000] =	vst v63  }
0x79: {  	_ =	swait.ge [sflag:s7], $0x4000  }
0x7a: {  	[sflag:s7] =	ssyncset.done $0x0  }
0x7b: {  	[sflag:s7] =	ssyncadd.s32 $0xFFFFC000  }
0x7c: {  	[spmem:s2] =	stream.indirect.scatter.add.f32 [tilespmem:s11], [sflag:$0x3], $0x80, s26, s12, $0xb8;
	[tilespmem:$0x1B000] =	vst v63  }
0x7d: {  	_ =	swait.ge [sflag:s7], $0x4000  }
0x7e: {  	[sflag:s7] =	ssyncset.done $0x0  }
0x7f: {  	[sflag:s7] =	ssyncadd.s32 $0xFFFFC000  }
0x80: {  	_ =	swait.ge [sflag:s21], $0x4000  }
0x81: {  	[sflag:s21] =	ssyncset.done $0x0  }
0x82: {  	[sflag:s21] =	ssyncadd.s32 $0xFFFFC000  }
0x83: {  	_ =	swait.ge [sflag:s21], $0x4000  }
0x84: {  	[sflag:s21] =	ssyncset.done $0x0  }
0x85: {  	[sflag:s21] =	ssyncadd.s32 $0xFFFFC000  }
0x86: {  	[tilespmem:s13], [sflag:$0x2] =	stream.linear.gather [hbm4b:s14+s4], $0x4000, $0x38;
	[tilespmem:$0x1B000] =	vst v63  }
0x87: {  	_ = 	snop  }
0x88: {  	[tilespmem:s11], [sflag:$0x2] =	stream.linear.gather [hbm4b:s15+s4], $0x4000, $0x38;
	[tilespmem:$0x1B000] =	vst v63  }
0x89: {  	_ = 	snop  }
0x8a: {  	[spmem:s3] =	stream.indirect.scatter.add.f32 [tilespmem:s18], [sflag:$0x3], $0x80, s25, s12, $0xb8;
	[tilespmem:$0x1B000] =	vst v63  }
0x8b: {  	_ =	swait.ge [sflag:s7], $0x4000  }
0x8c: {  	[sflag:s7] =	ssyncset.done $0x0  }
0x8d: {  	[sflag:s7] =	ssyncadd.s32 $0xFFFFC000  }
0x8e: {  	[spmem:s2] =	stream.indirect.scatter.add.f32 [tilespmem:s17], [sflag:$0x3], $0x80, s24, s12, $0xb8;
	[tilespmem:$0x1B000] =	vst v63  }
0x8f: {  	_ =	swait.ge [sflag:s7], $0x4000  }
0x90: {  	[sflag:s7] =	ssyncset.done $0x0  }
0x91: {  	[sflag:s7] =	ssyncadd.s32 $0xFFFFC000  }
0x92: {  	_ =	swait.ge [sflag:s16], $0x4000  }
0x93: {  	[sflag:s16] =	ssyncset.done $0x0  }
0x94: {  	[sflag:s16] =	ssyncadd.s32 $0xFFFFC000  }
0x95: {  	_ =	swait.ge [sflag:s16], $0x4000  }
0x96: {  	[sflag:s16] =	ssyncset.done $0x0  }
0x97: {  	[sflag:s16] =	ssyncadd.s32 $0xFFFFC000  }
0x98: {  	[spmem:s3] =	stream.indirect.scatter.add.f32 [tilespmem:s13], [sflag:$0x3], $0x80, s23, s12, $0xb8;
	[tilespmem:$0x1B000] =	vst v63  }
0x99: {  	_ =	swait.ge [sflag:s7], $0x4000  }
0x9a: {  	[sflag:s7] =	ssyncset.done $0x0  }
0x9b: {  	[sflag:s7] =	ssyncadd.s32 $0xFFFFC000  }
0x9c: {  	[spmem:s2] =	stream.indirect.scatter.add.f32 [tilespmem:s11], [sflag:$0x3], $0x80, s20, s12, $0xb8;
	[tilespmem:$0x1B000] =	vst v63  }
0x9d: {  	_ =	swait.ge [sflag:s7], $0x4000  }
0x9e: {  	[sflag:s7] =	ssyncset.done $0x0  }
0x9f: {  	[sflag:s7] =	ssyncadd.s32 $0xFFFFC000  }
0xa0: {  	[bflag:$0x0] =	sbarrier.arrive $0xFFFF  }
0xa1: {  	[hbm:s8], [sflag:s5] =	dma.local [spmem:s10], $0x1480  }
0xa2: {  	p1 =	sne.s32 s19, $0x1;
	_ =	swait.ge [sflag:s7], $0x1480  }
.Ltmp1:
0xa3: {  	[sflag:s7] =	ssyncset.done $0x0;
	(pc) =	sbr.rel @!p1 .LBB2_3-.Ltmp1, $4  }
0xa4: {  	[sflag:s7] =	ssyncadd.s32 $0xFFFFEB80  }
0xa5: {  	[hbm:s6], [sflag:s5] =	dma.local [spmem:s9], $0x80  }
0xa6: {  	p0 =	por $0x1, $0x1;
	_ =	swait.ge [sflag:s7], $0x80  }
0xa7: {  	s0 =	sadd.s32 $0xFFFFFFFF, s19;
	s1 =	rddreg [dreg:$0x4];
	[sflag:s7] =	ssyncset.done $0x0  }
.LBB2_4:
0xa8: {  	[sflag:s7] =	ssyncadd.s32 $0xFFFFFF80  }
0xa9: {  	[spmem:s10], [sflag:s5] =	dma.local [hbm:s1], $0x1480  }
0xaa: {  	_ =	swait.ge [sflag:s7], $0x1480  }
0xab: {  	[sflag:s7] =	ssyncset.done $0x0  }
0xac: {  	s19 =	rddreg [dreg:$0x5];
	[sflag:s7] =	ssyncadd.s32 $0xFFFFEB80  }
0xad: {  	[spmem:s9], [sflag:s5] =	dma.local [hbm:s19], $0x80  }
0xae: {  	_ =	swait.ge [sflag:s7], $0x80  }
0xaf: {  	[sflag:s7] =	ssyncset.done $0x0  }
0xb0: {  	s19 =	rddreg [dreg:$0x6];
	[sflag:s7] =	ssyncadd.s32 $0xFFFFFF80  }
0xb1: {  	[tilespmem:s4], [sflag:$0x3] =	stream.linear.gather [hbm4b:s19+s4], $0x300, $0x38;
	[tilespmem:$0x1B000] =	vst v63  }
0xb2: {  	_ =	swait.ge [sflag:s7], $0x300  }
0xb3: {  	[sflag:s7] =	ssyncset.done $0x0  }
0xb4: {  	s19 =	rddreg [dreg:$0x7];
	[sflag:s7] =	ssyncadd.s32 $0xFFFFFD00  }
0xb5: {  	[tilespmem:s31], [sflag:$0x3] =	stream.linear.gather [hbm4b:s19+s4], $0x300, $0x38;
	[tilespmem:$0x1B000] =	vst v63  }
0xb6: {  	_ =	swait.ge [sflag:s7], $0x300  }
0xb7: {  	[sflag:s7] =	ssyncset.done $0x0  }
0xb8: {  	[sflag:s7] =	ssyncadd.s32 $0xFFFFFD00  }
0xb9: {  	[bflag:$0x0] =	sbarrier.arrive $0xFFFF  }
0xba: {  	s1 =	rddreg [dreg:$0x8]  }
0xbb: {  	[tilespmem:s18], [sflag:$0x1] =	stream.linear.gather [hbm4b:s1+s4], $0x4000, $0x38;
	[tilespmem:$0x1B000] =	vst v63  }
0xbc: {  	s19 =	rddreg [dreg:$0x9]  }
0xbd: {  	[tilespmem:s17], [sflag:$0x1] =	stream.linear.gather [hbm4b:s19+s4], $0x4000, $0x38;
	[tilespmem:$0x1B000] =	vst v63  }
0xbe: {  	_ =	swait.ge [sflag:s21], $0x4000  }
0xbf: {  	[sflag:s21] =	ssyncset.done $0x0  }
0xc0: {  	[sflag:s21] =	ssyncadd.s32 $0xFFFFC000  }
0xc1: {  	_ =	swait.ge [sflag:s21], $0x4000  }
0xc2: {  	[sflag:s21] =	ssyncset.done $0x0  }
0xc3: {  	s1 =	rddreg [dreg:$0xa];
	[sflag:s21] =	ssyncadd.s32 $0xFFFFC000  }
0xc4: {  	[tilespmem:s13], [sflag:$0x2] =	stream.linear.gather [hbm4b:s1+s4], $0x4000, $0x38;
	[tilespmem:$0x1B000] =	vst v63  }
0xc5: {  	s19 =	rddreg [dreg:$0xb]  }
0xc6: {  	[tilespmem:s11], [sflag:$0x2] =	stream.linear.gather [hbm4b:s19+s4], $0x4000, $0x38;
	[tilespmem:$0x1B000] =	vst v63  }
0xc7: {  	_ = 	snop  }
0xc8: {  	[spmem:s3] =	stream.indirect.scatter.add.f32 [tilespmem:s18], [sflag:$0x3], $0x80, s4, s12, $0xb8;
	[tilespmem:$0x1B000] =	vst v63  }
0xc9: {  	_ =	swait.ge [sflag:s7], $0x4000  }
0xca: {  	[sflag:s7] =	ssyncset.done $0x0  }
0xcb: {  	[sflag:s7] =	ssyncadd.s32 $0xFFFFC000  }
0xcc: {  	[spmem:s2] =	stream.indirect.scatter.add.f32 [tilespmem:s17], [sflag:$0x3], $0x80, s31, s12, $0xb8;
	[tilespmem:$0x1B000] =	vst v63  }
0xcd: {  	_ =	swait.ge [sflag:s7], $0x4000  }
0xce: {  	[sflag:s7] =	ssyncset.done $0x0  }
0xcf: {  	[sflag:s7] =	ssyncadd.s32 $0xFFFFC000  }
0xd0: {  	_ =	swait.ge [sflag:s16], $0x4000  }
0xd1: {  	[sflag:s16] =	ssyncset.done $0x0  }
0xd2: {  	[sflag:s16] =	ssyncadd.s32 $0xFFFFC000  }
0xd3: {  	_ =	swait.ge [sflag:s16], $0x4000  }
0xd4: {  	[sflag:s16] =	ssyncset.done $0x0  }
0xd5: {  	s1 =	rddreg [dreg:$0xc];
	[sflag:s16] =	ssyncadd.s32 $0xFFFFC000  }
0xd6: {  	[tilespmem:s18], [sflag:$0x1] =	stream.linear.gather [hbm4b:s1+s4], $0x4000, $0x38;
	[tilespmem:$0x1B000] =	vst v63  }
0xd7: {  	s19 =	rddreg [dreg:$0xd]  }
0xd8: {  	[tilespmem:s17], [sflag:$0x1] =	stream.linear.gather [hbm4b:s19+s4], $0x4000, $0x38;
	[tilespmem:$0x1B000] =	vst v63  }
0xd9: {  	_ = 	snop  }
0xda: {  	[spmem:s3] =	stream.indirect.scatter.add.f32 [tilespmem:s13], [sflag:$0x3], $0x80, s12, s12, $0xb8;
	[tilespmem:$0x1B000] =	vst v63  }
0xdb: {  	_ =	swait.ge [sflag:s7], $0x4000  }
0xdc: {  	[sflag:s7] =	ssyncset.done $0x0  }
0xdd: {  	[sflag:s7] =	ssyncadd.s32 $0xFFFFC000  }
0xde: {  	[spmem:s2] =	stream.indirect.scatter.add.f32 [tilespmem:s11], [sflag:$0x3], $0x80, s30, s12, $0xb8;
	[tilespmem:$0x1B000] =	vst v63  }
0xdf: {  	_ =	swait.ge [sflag:s7], $0x4000  }
0xe0: {  	[sflag:s7] =	ssyncset.done $0x0  }
0xe1: {  	[sflag:s7] =	ssyncadd.s32 $0xFFFFC000  }
0xe2: {  	_ =	swait.ge [sflag:s21], $0x4000  }
0xe3: {  	[sflag:s21] =	ssyncset.done $0x0  }
0xe4: {  	[sflag:s21] =	ssyncadd.s32 $0xFFFFC000  }
0xe5: {  	_ =	swait.ge [sflag:s21], $0x4000  }
0xe6: {  	[sflag:s21] =	ssyncset.done $0x0  }
0xe7: {  	s1 =	rddreg [dreg:$0xe];
	[sflag:s21] =	ssyncadd.s32 $0xFFFFC000  }
0xe8: {  	[tilespmem:s13], [sflag:$0x2] =	stream.linear.gather [hbm4b:s1+s4], $0x4000, $0x38;
	[tilespmem:$0x1B000] =	vst v63  }
0xe9: {  	s19 =	rddreg [dreg:$0xf]  }
0xea: {  	[tilespmem:s11], [sflag:$0x2] =	stream.linear.gather [hbm4b:s19+s4], $0x4000, $0x38;
	[tilespmem:$0x1B000] =	vst v63  }
0xeb: {  	s19 =	simm.s32 $0x100  }
0xec: {  	[spmem:s3] =	stream.indirect.scatter.add.f32 [tilespmem:s18], [sflag:$0x3], $0x80, s19, s12, $0xb8;
	[tilespmem:$0x1B000] =	vst v63  }
0xed: {  	_ =	swait.ge [sflag:s7], $0x4000  }
0xee: {  	[sflag:s7] =	ssyncset.done $0x0  }
0xef: {  	[sflag:s7] =	ssyncadd.s32 $0xFFFFC000  }
0xf0: {  	[spmem:s2] =	stream.indirect.scatter.add.f32 [tilespmem:s17], [sflag:$0x3], $0x80, s29, s12, $0xb8;
	[tilespmem:$0x1B000] =	vst v63  }
0xf1: {  	_ =	swait.ge [sflag:s7], $0x4000  }
0xf2: {  	[sflag:s7] =	ssyncset.done $0x0  }
0xf3: {  	[sflag:s7] =	ssyncadd.s32 $0xFFFFC000  }
0xf4: {  	_ =	swait.ge [sflag:s16], $0x4000  }
0xf5: {  	[sflag:s16] =	ssyncset.done $0x0  }
0xf6: {  	[sflag:s16] =	ssyncadd.s32 $0xFFFFC000  }
0xf7: {  	_ =	swait.ge [sflag:s16], $0x4000  }
0xf8: {  	[sflag:s16] =	ssyncset.done $0x0  }
0xf9: {  	s19 =	rddreg [dreg:$0x10];
	[sflag:s16] =	ssyncadd.s32 $0xFFFFC000  }
0xfa: {  	[tilespmem:s18], [sflag:$0x1] =	stream.linear.gather [hbm4b:s19+s4], $0x4000, $0x38;
	[tilespmem:$0x1B000] =	vst v63  }
0xfb: {  	_ = 	snop  }
0xfc: {  	[tilespmem:s17], [sflag:$0x1] =	stream.linear.gather [hbm4b:s22+s4], $0x4000, $0x38;
	[tilespmem:$0x1B000] =	vst v63  }
0xfd: {  	_ = 	snop  }
0xfe: {  	[spmem:s3] =	stream.indirect.scatter.add.f32 [tilespmem:s13], [sflag:$0x3], $0x80, s28, s12, $0xb8;
	[tilespmem:$0x1B000] =	vst v63  }
0xff: {  	_ =	swait.ge [sflag:s7], $0x4000  }
0x100: {  	[sflag:s7] =	ssyncset.done $0x0  }
0x101: {  	[sflag:s7] =	ssyncadd.s32 $0xFFFFC000  }
0x102: {  	[spmem:s2] =	stream.indirect.scatter.add.f32 [tilespmem:s11], [sflag:$0x3], $0x80, s26, s12, $0xb8;
	[tilespmem:$0x1B000] =	vst v63  }
0x103: {  	_ =	swait.ge [sflag:s7], $0x4000  }
0x104: {  	[sflag:s7] =	ssyncset.done $0x0  }
0x105: {  	[sflag:s7] =	ssyncadd.s32 $0xFFFFC000  }
0x106: {  	_ =	swait.ge [sflag:s21], $0x4000  }
0x107: {  	[sflag:s21] =	ssyncset.done $0x0  }
0x108: {  	[sflag:s21] =	ssyncadd.s32 $0xFFFFC000  }
0x109: {  	_ =	swait.ge [sflag:s21], $0x4000  }
0x10a: {  	[sflag:s21] =	ssyncset.done $0x0  }
0x10b: {  	[sflag:s21] =	ssyncadd.s32 $0xFFFFC000  }
0x10c: {  	[tilespmem:s13], [sflag:$0x2] =	stream.linear.gather [hbm4b:s14+s4], $0x4000, $0x38;
	[tilespmem:$0x1B000] =	vst v63  }
0x10d: {  	_ = 	snop  }
0x10e: {  	[tilespmem:s11], [sflag:$0x2] =	stream.linear.gather [hbm4b:s15+s4], $0x4000, $0x38;
	[tilespmem:$0x1B000] =	vst v63  }
0x10f: {  	_ = 	snop  }
0x110: {  	[spmem:s3] =	stream.indirect.scatter.add.f32 [tilespmem:s18], [sflag:$0x3], $0x80, s25, s12, $0xb8;
	[tilespmem:$0x1B000] =	vst v63  }
0x111: {  	_ =	swait.ge [sflag:s7], $0x4000  }
0x112: {  	[sflag:s7] =	ssyncset.done $0x0  }
0x113: {  	[sflag:s7] =	ssyncadd.s32 $0xFFFFC000  }
0x114: {  	[spmem:s2] =	stream.indirect.scatter.add.f32 [tilespmem:s17], [sflag:$0x3], $0x80, s24, s12, $0xb8;
	[tilespmem:$0x1B000] =	vst v63  }
0x115: {  	_ =	swait.ge [sflag:s7], $0x4000  }
0x116: {  	[sflag:s7] =	ssyncset.done $0x0  }
0x117: {  	[sflag:s7] =	ssyncadd.s32 $0xFFFFC000  }
0x118: {  	_ =	swait.ge [sflag:s16], $0x4000  }
0x119: {  	[sflag:s16] =	ssyncset.done $0x0  }
0x11a: {  	[sflag:s16] =	ssyncadd.s32 $0xFFFFC000  }
0x11b: {  	_ =	swait.ge [sflag:s16], $0x4000  }
0x11c: {  	[sflag:s16] =	ssyncset.done $0x0  }
0x11d: {  	[sflag:s16] =	ssyncadd.s32 $0xFFFFC000  }
0x11e: {  	[spmem:s3] =	stream.indirect.scatter.add.f32 [tilespmem:s13], [sflag:$0x3], $0x80, s23, s12, $0xb8;
	[tilespmem:$0x1B000] =	vst v63  }
0x11f: {  	_ =	swait.ge [sflag:s7], $0x4000  }
0x120: {  	[sflag:s7] =	ssyncset.done $0x0  }
0x121: {  	[sflag:s7] =	ssyncadd.s32 $0xFFFFC000  }
0x122: {  	[spmem:s2] =	stream.indirect.scatter.add.f32 [tilespmem:s11], [sflag:$0x3], $0x80, s20, s12, $0xb8;
	[tilespmem:$0x1B000] =	vst v63  }
0x123: {  	_ =	swait.ge [sflag:s7], $0x4000  }
0x124: {  	[sflag:s7] =	ssyncset.done $0x0  }
0x125: {  	[sflag:s7] =	ssyncadd.s32 $0xFFFFC000  }
0x126: {  	[bflag:$0x0] =	sbarrier.arrive $0xFFFF  }
0x127: {  	[hbm:s8], [sflag:s5] =	dma.local [spmem:s10], $0x1480  }
0x128: {  	p1 =	sne.s32 s0, $0x1;
	_ =	swait.ge [sflag:s7], $0x1480  }
.Ltmp2:
0x129: {  	[sflag:s7] =	ssyncset.done $0x0;
	(pc) =	sbr.rel @p1 .LBB2_4-.Ltmp2, $4  }
0x12a: {  	[sflag:s7] =	ssyncadd.s32 $0xFFFFEB80  }
0x12b: {  	[hbm:s6], [sflag:s5] =	dma.local [spmem:s9], $0x80  }
0x12c: {  	_ =	swait.ge [sflag:s7], $0x80  }
0x12d: {  	s0 =	sadd.s32 $0xFFFFFFFF, s0;
	s1 =	rddreg [dreg:$0x4];
	[sflag:s7] =	ssyncset.done $0x0  }
0x12e: {  	s20 =	simm.s32 $0x480;
	s30 =	simm.s32 $0x100;
	s29 =	simm.s32 $0x500  }
0x12f: {  	s28 =	simm.s32 $0x180;
	s26 =	simm.s32 $0x580;
	s25 =	simm.s32 $0x200  }
0x130: {  	s24 =	simm.s32 $0x600;
	s23 =	simm.s32 $0x280;
	s19 =	rddreg [dreg:$0x3]  }
.LBB2_6:
0x131: {  	[sflag:s7] =	ssyncadd.s32 @p0 $0xFFFFFF80  }
0x132: {  	[spmem:s10], [sflag:s5] =	dma.local [hbm:s1], $0x1480  }
0x133: {  	_ =	swait.ge [sflag:s7], $0x1480  }
0x134: {  	[sflag:s7] =	ssyncset.done $0x0  }
0x135: {  	s0 =	rddreg [dreg:$0x5];
	[sflag:s7] =	ssyncadd.s32 $0xFFFFEB80  }
0x136: {  	[spmem:s9], [sflag:s5] =	dma.local [hbm:s0], $0x80  }
0x137: {  	_ =	swait.ge [sflag:s7], $0x80  }
0x138: {  	[sflag:s7] =	ssyncset.done $0x0  }
0x139: {  	s1 =	rddreg [dreg:$0x6];
	[sflag:s7] =	ssyncadd.s32 $0xFFFFFF80  }
0x13a: {  	[tilespmem:s4], [sflag:$0x3] =	stream.linear.gather [hbm4b:s1+s4], $0x300, $0x38;
	[tilespmem:$0x1B000] =	vst v63  }
0x13b: {  	_ =	swait.ge [sflag:s7], $0x300  }
0x13c: {  	[sflag:s7] =	ssyncset.done $0x0  }
0x13d: {  	s1 =	rddreg [dreg:$0x7];
	[sflag:s7] =	ssyncadd.s32 $0xFFFFFD00  }
0x13e: {  	[tilespmem:s31], [sflag:$0x3] =	stream.linear.gather [hbm4b:s1+s4], $0x300, $0x38;
	[tilespmem:$0x1B000] =	vst v63  }
0x13f: {  	_ =	swait.ge [sflag:s7], $0x300  }
0x140: {  	[sflag:s7] =	ssyncset.done $0x0  }
0x141: {  	[sflag:s7] =	ssyncadd.s32 $0xFFFFFD00  }
0x142: {  	[bflag:$0x0] =	sbarrier.arrive $0xFFFF  }
0x143: {  	s0 =	rddreg [dreg:$0x8]  }
0x144: {  	[tilespmem:s18], [sflag:$0x1] =	stream.linear.gather [hbm4b:s0+s4], $0x4000, $0x38;
	[tilespmem:$0x1B000] =	vst v63  }
0x145: {  	s1 =	rddreg [dreg:$0x9]  }
0x146: {  	[tilespmem:s17], [sflag:$0x1] =	stream.linear.gather [hbm4b:s1+s4], $0x4000, $0x38;
	[tilespmem:$0x1B000] =	vst v63  }
0x147: {  	_ =	swait.ge [sflag:s21], $0x4000  }
0x148: {  	[sflag:s21] =	ssyncset.done $0x0  }
0x149: {  	[sflag:s21] =	ssyncadd.s32 $0xFFFFC000  }
0x14a: {  	_ =	swait.ge [sflag:s21], $0x4000  }
0x14b: {  	[sflag:s21] =	ssyncset.done $0x0  }
0x14c: {  	s0 =	rddreg [dreg:$0xa];
	[sflag:s21] =	ssyncadd.s32 $0xFFFFC000  }
0x14d: {  	[tilespmem:s13], [sflag:$0x2] =	stream.linear.gather [hbm4b:s0+s4], $0x4000, $0x38;
	[tilespmem:$0x1B000] =	vst v63  }
0x14e: {  	s1 =	rddreg [dreg:$0xb]  }
0x14f: {  	[tilespmem:s11], [sflag:$0x2] =	stream.linear.gather [hbm4b:s1+s4], $0x4000, $0x38;
	[tilespmem:$0x1B000] =	vst v63  }
0x150: {  	_ = 	snop  }
0x151: {  	[spmem:s3] =	stream.indirect.scatter.add.f32 [tilespmem:s18], [sflag:$0x3], $0x80, s4, s12, $0xb8;
	[tilespmem:$0x1B000] =	vst v63  }
0x152: {  	_ =	swait.ge [sflag:s7], $0x4000  }
0x153: {  	[sflag:s7] =	ssyncset.done $0x0  }
0x154: {  	[sflag:s7] =	ssyncadd.s32 $0xFFFFC000  }
0x155: {  	[spmem:s2] =	stream.indirect.scatter.add.f32 [tilespmem:s17], [sflag:$0x3], $0x80, s31, s12, $0xb8;
	[tilespmem:$0x1B000] =	vst v63  }
0x156: {  	_ =	swait.ge [sflag:s7], $0x4000  }
0x157: {  	[sflag:s7] =	ssyncset.done $0x0  }
0x158: {  	[sflag:s7] =	ssyncadd.s32 $0xFFFFC000  }
0x159: {  	_ =	swait.ge [sflag:s16], $0x4000  }
0x15a: {  	[sflag:s16] =	ssyncset.done $0x0  }
0x15b: {  	[sflag:s16] =	ssyncadd.s32 $0xFFFFC000  }
0x15c: {  	_ =	swait.ge [sflag:s16], $0x4000  }
0x15d: {  	[sflag:s16] =	ssyncset.done $0x0  }
0x15e: {  	s1 =	rddreg [dreg:$0xc];
	[sflag:s16] =	ssyncadd.s32 $0xFFFFC000  }
0x15f: {  	[tilespmem:s18], [sflag:$0x1] =	stream.linear.gather [hbm4b:s1+s4], $0x4000, $0x38;
	[tilespmem:$0x1B000] =	vst v63  }
0x160: {  	s31 =	rddreg [dreg:$0xd]  }
0x161: {  	[tilespmem:s17], [sflag:$0x1] =	stream.linear.gather [hbm4b:s31+s4], $0x4000, $0x38;
	[tilespmem:$0x1B000] =	vst v63  }
0x162: {  	_ = 	snop  }
0x163: {  	[spmem:s3] =	stream.indirect.scatter.add.f32 [tilespmem:s13], [sflag:$0x3], $0x80, s12, s12, $0xb8;
	[tilespmem:$0x1B000] =	vst v63  }
0x164: {  	_ =	swait.ge [sflag:s7], $0x4000  }
0x165: {  	[sflag:s7] =	ssyncset.done $0x0  }
0x166: {  	[sflag:s7] =	ssyncadd.s32 $0xFFFFC000  }
0x167: {  	[spmem:s2] =	stream.indirect.scatter.add.f32 [tilespmem:s11], [sflag:$0x3], $0x80, s20, s12, $0xb8;
	[tilespmem:$0x1B000] =	vst v63  }
0x168: {  	_ =	swait.ge [sflag:s7], $0x4000  }
0x169: {  	[sflag:s7] =	ssyncset.done $0x0  }
0x16a: {  	[sflag:s7] =	ssyncadd.s32 $0xFFFFC000  }
0x16b: {  	_ =	swait.ge [sflag:s21], $0x4000  }
0x16c: {  	[sflag:s21] =	ssyncset.done $0x0  }
0x16d: {  	[sflag:s21] =	ssyncadd.s32 $0xFFFFC000  }
0x16e: {  	_ =	swait.ge [sflag:s21], $0x4000  }
0x16f: {  	[sflag:s21] =	ssyncset.done $0x0  }
0x170: {  	s1 =	rddreg [dreg:$0xe];
	[sflag:s21] =	ssyncadd.s32 $0xFFFFC000  }
0x171: {  	[tilespmem:s13], [sflag:$0x2] =	stream.linear.gather [hbm4b:s1+s4], $0x4000, $0x38;
	[tilespmem:$0x1B000] =	vst v63  }
0x172: {  	s20 =	rddreg [dreg:$0xf]  }
0x173: {  	[tilespmem:s11], [sflag:$0x2] =	stream.linear.gather [hbm4b:s20+s4], $0x4000, $0x38;
	[tilespmem:$0x1B000] =	vst v63  }
0x174: {  	_ = 	snop  }
0x175: {  	[spmem:s3] =	stream.indirect.scatter.add.f32 [tilespmem:s18], [sflag:$0x3], $0x80, s30, s12, $0xb8;
	[tilespmem:$0x1B000] =	vst v63  }
0x176: {  	_ =	swait.ge [sflag:s7], $0x4000  }
0x177: {  	[sflag:s7] =	ssyncset.done $0x0  }
0x178: {  	[sflag:s7] =	ssyncadd.s32 $0xFFFFC000  }
0x179: {  	[spmem:s2] =	stream.indirect.scatter.add.f32 [tilespmem:s17], [sflag:$0x3], $0x80, s29, s12, $0xb8;
	[tilespmem:$0x1B000] =	vst v63  }
0x17a: {  	_ =	swait.ge [sflag:s7], $0x4000  }
0x17b: {  	[sflag:s7] =	ssyncset.done $0x0  }
0x17c: {  	[sflag:s7] =	ssyncadd.s32 $0xFFFFC000  }
0x17d: {  	_ =	swait.ge [sflag:s16], $0x4000  }
0x17e: {  	[sflag:s16] =	ssyncset.done $0x0  }
0x17f: {  	[sflag:s16] =	ssyncadd.s32 $0xFFFFC000  }
0x180: {  	_ =	swait.ge [sflag:s16], $0x4000  }
0x181: {  	[sflag:s16] =	ssyncset.done $0x0  }
0x182: {  	s29 =	rddreg [dreg:$0x10];
	[sflag:s16] =	ssyncadd.s32 $0xFFFFC000  }
0x183: {  	[tilespmem:s18], [sflag:$0x1] =	stream.linear.gather [hbm4b:s29+s4], $0x4000, $0x38;
	[tilespmem:$0x1B000] =	vst v63  }
0x184: {  	_ = 	snop  }
0x185: {  	[tilespmem:s17], [sflag:$0x1] =	stream.linear.gather [hbm4b:s22+s4], $0x4000, $0x38;
	[tilespmem:$0x1B000] =	vst v63  }
0x186: {  	_ = 	snop  }
0x187: {  	[spmem:s3] =	stream.indirect.scatter.add.f32 [tilespmem:s13], [sflag:$0x3], $0x80, s28, s12, $0xb8;
	[tilespmem:$0x1B000] =	vst v63  }
0x188: {  	_ =	swait.ge [sflag:s7], $0x4000  }
0x189: {  	[sflag:s7] =	ssyncset.done $0x0  }
0x18a: {  	[sflag:s7] =	ssyncadd.s32 $0xFFFFC000  }
0x18b: {  	[spmem:s2] =	stream.indirect.scatter.add.f32 [tilespmem:s11], [sflag:$0x3], $0x80, s26, s12, $0xb8;
	[tilespmem:$0x1B000] =	vst v63  }
0x18c: {  	_ =	swait.ge [sflag:s7], $0x4000  }
0x18d: {  	[sflag:s7] =	ssyncset.done $0x0  }
0x18e: {  	[sflag:s7] =	ssyncadd.s32 $0xFFFFC000  }
0x18f: {  	_ =	swait.ge [sflag:s21], $0x4000  }
0x190: {  	[sflag:s21] =	ssyncset.done $0x0  }
0x191: {  	[sflag:s21] =	ssyncadd.s32 $0xFFFFC000  }
0x192: {  	_ =	swait.ge [sflag:s21], $0x4000  }
0x193: {  	[sflag:s21] =	ssyncset.done $0x0  }
0x194: {  	[sflag:s21] =	ssyncadd.s32 $0xFFFFC000  }
0x195: {  	[tilespmem:s13], [sflag:$0x2] =	stream.linear.gather [hbm4b:s14+s4], $0x4000, $0x38;
	[tilespmem:$0x1B000] =	vst v63  }
0x196: {  	_ = 	snop  }
0x197: {  	[tilespmem:s11], [sflag:$0x2] =	stream.linear.gather [hbm4b:s15+s4], $0x4000, $0x38;
	[tilespmem:$0x1B000] =	vst v63  }
0x198: {  	_ = 	snop  }
0x199: {  	[spmem:s3] =	stream.indirect.scatter.add.f32 [tilespmem:s18], [sflag:$0x3], $0x80, s25, s12, $0xb8;
	[tilespmem:$0x1B000] =	vst v63  }
0x19a: {  	_ =	swait.ge [sflag:s7], $0x4000  }
0x19b: {  	[sflag:s7] =	ssyncset.done $0x0  }
0x19c: {  	[sflag:s7] =	ssyncadd.s32 $0xFFFFC000  }
0x19d: {  	[spmem:s2] =	stream.indirect.scatter.add.f32 [tilespmem:s17], [sflag:$0x3], $0x80, s24, s12, $0xb8;
	[tilespmem:$0x1B000] =	vst v63  }
0x19e: {  	_ =	swait.ge [sflag:s7], $0x4000  }
0x19f: {  	[sflag:s7] =	ssyncset.done $0x0  }
0x1a0: {  	[sflag:s7] =	ssyncadd.s32 $0xFFFFC000  }
0x1a1: {  	_ =	swait.ge [sflag:s16], $0x4000  }
0x1a2: {  	[sflag:s16] =	ssyncset.done $0x0  }
0x1a3: {  	[sflag:s16] =	ssyncadd.s32 $0xFFFFC000  }
0x1a4: {  	_ =	swait.ge [sflag:s16], $0x4000  }
0x1a5: {  	[sflag:s16] =	ssyncset.done $0x0  }
0x1a6: {  	[sflag:s16] =	ssyncadd.s32 $0xFFFFC000  }
0x1a7: {  	[spmem:s3] =	stream.indirect.scatter.add.f32 [tilespmem:s13], [sflag:$0x3], $0x80, s23, s12, $0xb8;
	[tilespmem:$0x1B000] =	vst v63  }
0x1a8: {  	_ =	swait.ge [sflag:s7], $0x4000  }
0x1a9: {  	[sflag:s7] =	ssyncset.done $0x0  }
0x1aa: {  	s30 =	simm.s32 $0x680;
	[sflag:s7] =	ssyncadd.s32 $0xFFFFC000  }
0x1ab: {  	[spmem:s2] =	stream.indirect.scatter.add.f32 [tilespmem:s11], [sflag:$0x3], $0x80, s30, s12, $0xb8;
	[tilespmem:$0x1B000] =	vst v63  }
0x1ac: {  	_ =	swait.ge [sflag:s7], $0x4000  }
0x1ad: {  	[sflag:s7] =	ssyncset.done $0x0  }
0x1ae: {  	[sflag:s7] =	ssyncadd.s32 $0xFFFFC000  }
0x1af: {  	[bflag:$0x0] =	sbarrier.arrive $0xFFFF  }
0x1b0: {  	[hbm:s8], [sflag:s5] =	dma.local [spmem:s10], $0x1480  }
0x1b1: {  	_ =	swait.ge [sflag:s7], $0x1480  }
0x1b2: {  	[sflag:s7] =	ssyncset.done $0x0  }
0x1b3: {  	[sflag:s7] =	ssyncadd.s32 $0xFFFFEB80  }
0x1b4: {  	[hbm:s6], [sflag:s5] =	dma.local [spmem:s9], $0x80  }
0x1b5: {  	_ =	swait.ge [sflag:s7], $0x80  }
0x1b6: {  	[sflag:s7] =	ssyncset.done $0x0  }
0x1b7: {  	[sflag:s7] =	ssyncadd.s32 $0xFFFFFF80  }
0x1b8: {  	_ =	sfence.sel $0x180000  }
0x1b9: {  	s31 =	stileid.u32;
	[bflag:$0x0] =	sbarrier.arrive $0xFFFF  }
0x1ba: {  	p0 =	sne.s32 s31, $0x0;
	_ =	strace $0x9000004D  }
0x1bb: {  	s0 =	sadd.s32 @!p0 $0x100000, s19;
	[bflag:$0x2] =	sbarrier.arrive $0xFFFF  }
0x1bc: {  	[sflag:s0] =	ssyncadd.tile.s32 @!p0 $0x1;
	_ =	shalt  }
.LBB2_1:
.Ltmp3:
0x1bd: {  	(pc) =	sbr.rel .LBB2_6-.Ltmp3, $4  }
0x1be: {  	_ = 	snop  }
0x1bf: {  	s20 =	simm.s32 $0x480;
	s30 =	simm.s32 $0x100  }
0x1c0: {  	s29 =	simm.s32 $0x500;
	s28 =	simm.s32 $0x180;
	s26 =	simm.s32 $0x580  }
0x1c1: {  	s25 =	simm.s32 $0x200;
	s24 =	simm.s32 $0x600;
	s23 =	simm.s32 $0x280  }
.LBB2_3:
.Ltmp4:
0x1c2: {  	(pc) =	sbr.rel .LBB2_6-.Ltmp4, $4  }
0x1c3: {  	_ = 	snop  }
0x1c4: {  	s20 =	simm.s32 $0x480;
	s30 =	simm.s32 $0x100;
	s29 =	simm.s32 $0x500  }
0x1c5: {  	s28 =	simm.s32 $0x180;
	s26 =	simm.s32 $0x580;
	s25 =	simm.s32 $0x200  }
0x1c6: {  	s24 =	simm.s32 $0x600;
	s23 =	simm.s32 $0x280;
	s19 =	rddreg [dreg:$0x3]  }
.Lfunc_end2:
_tile_overlayer_lowered:
.L_overlay_start_2:
0x1c7: {  	(tag) =	ssettag $0x2  }
0x1c8: {  	s0 =	rddreg [dreg:$0x0];
	s2 =	stileid.u32  }
0x1c9: {  	s1 =	rddreg [dreg:$0x1];
	p0 =	sne.s32 s2, $0x0  }
0x1ca: {  	s3 =	rddreg [dreg:$0x2];
	[bflag:$0x3] =	sbarrier.arrive $0xFFFF;
	s2 =	simm.s32 @!p0 $0x1C03  }
0x1cb: {  	[timem:s3], [sflag:s2] =	dma.local @!p0 [hbm:s0], s1  }
0x1cc: {  	s0 =	simm.s32 @!p0 $0x3  }
0x1cd: {  	_ =	swait.ge @!p0 [sflag:s0], s1  }
0x1ce: {  	s1 =	ssub.s32 @!p0 $0x0, s1;
	[sflag:s0] =	ssyncset.done @!p0 $0x0  }
0x1cf: {  	[sflag:s0] =	ssyncadd.s32 @!p0 s1  }
0x1d0: {  	[bflag:$0x3] =	sbarrier.arrive $0xFFFF  }
0x1d1: {  	_ =	shalt  }

// kernel: kernel.15.cloned.1.call-start
scs
__scs_entry_jumppad:
0x0: {  	(pc) =	sbr.rel $0x88, $3  }
0x1: {  	(tag) =	ssettag $0x0;
	lr =	simm.s32 $0x1  }
0x2: {  	[smem:$0x3F98] =	sst lr;
	_ =	strace $0xD0000000  }
0x3: {  	_ = 	snop  }
0x4: {  	_ = 	snop  }
0x5: {  	_ = 	snop  }
0x6: {  	_ = 	snop  }
0x7: {  	_ = 	snop  }
__scs_overlays_trampoline_lowered:
0x8: {  	[smem:$0x3FA7] =	sst s0  }
0x9: {  	[smem:$0x3FA8] =	sst s1  }
0xa: {  	[smem:$0x3FA9] =	sst s2  }
0xb: {  	[smem:$0x3FAA] =	sst s3  }
0xc: {  	[smem:$0x3FAB] =	sst s4  }
0xd: {  	[smem:$0x3FAC] =	sst s5  }
0xe: {  	[smem:$0x3FAD] =	sst s6  }
0xf: {  	[smem:$0x3FAE] =	sst s7  }
0x10: {  	[smem:$0x3FAF] =	sst s8  }
0x11: {  	[smem:$0x3FB0] =	sst s9;
	s0 =	simm.s32 @!p0 $0x0  }
0x12: {  	s1 =	sld [smem:$0x3F96];
	s0 =	simm.s32 @p0 $0x1  }
0x13: {  	[smem:$0x3FB1] =	sst s0;
	s0 =	simm.s32 @!p1 $0x0  }
0x14: {  	s2 =	sld [smem:$0x3F95];
	s0 =	simm.s32 @p1 $0x1  }
0x15: {  	[smem:$0x3FB2] =	sst s0;
	s0 =	simm.s32 @!p2 $0x0  }
0x16: {  	s3 =	sld [smem:$0x3FDB];
	s0 =	simm.s32 @p2 $0x1  }
0x17: {  	s4 =	simm.s32 $0x1BF5;
	[smem:$0x3FB4] =	sst s0  }
0x18: {  	s0 =	sld [smem:$0x3F97];
	_ =	swait.ge [sflag:s4], $0x0  }
0x19: {  	s7 =	sld [smem:$0x3F98]  }
0x1a: {  	s8 =	sadd.s32 $0xFFFFE003, lr  }
0x1b: {  	s9 =	sadd.s32 $0xFFFFFEF7, lr;
	s5 =	simm.s32 $0xFFFFFFFF;
	p2 =	slt.u32 s8, $0xFFFFF086  }
0x1c: {  	p1 =	slt.u32 s9, $0xF7A;
	s5 =	simm.s32 @!p2 $0x0  }
0x1d: {  	s5 =	simm.s32 @p1 $0x1;
	p0 =	seq.s32 s7, s2  }
0x1e: {  	s7 =	smul.u32 @!p0 $0xF7A, s2;
	p2 =	seq.s32 @!p0 s5, $0x0  }
0x1f: {  	s9 =	smul.u32 $0xF7A, s1;
	s8 =	simm.s32 @!p0 $0x1BF5;
	p2 =	por !p2, p0  }
0x20: {  	[sflag:s8] =	ssyncset.s32 @!p0 $0xFFFFF086;
	s6 =	sadd.s32 @!p0 s3, s7;
	s7 =	simm.s32 @!p0 $0x108  }
0x21: {  	s3 =	sadd.s32 s3, s9;
	s6 =	sadd.s32 @!p0 $0x88, s6;
	s7 =	simm.s32 @p2 $0x1082  }
0x22: {  	[simem:s7], [sflag:s8] =	dma.local @!p0 [hbm:s6], $0xF7A  }
0x23: {  	s9 =	sor.u32 $0xD0000000, s2;
	s6 =	simm.s32 $0x108;
	_ =	swait.ge @!p0 [sflag:s8], $0x0  }
0x24: {  	s3 =	sadd.s32 $0x88, s3;
	s6 =	simm.s32 @!p1 $0x1082;
	[sflag:s4] =	ssyncset.s32 $0xFFFFF086  }
0x25: {  	[simem:s6], [sflag:s4] =	dma.local [hbm:s3], $0xF7A  }
0x26: {  	[smem:$0x3F98] =	sst s1;
	(tag) =	ssettag s2;
	_ =	strace s9  }
0x27: {  	s1 =	sld [smem:$0x3FA8]  }
0x28: {  	s2 =	sld [smem:$0x3FA9]  }
0x29: {  	s4 =	sld [smem:$0x3FAB]  }
0x2a: {  	p0 =	seq.s32 s5, $0x0;
	s5 =	sld [smem:$0x3FAC]  }
0x2b: {  	s6 =	sld [smem:$0x3FAD]  }
0x2c: {  	s7 =	sld [smem:$0x3FAE]  }
0x2d: {  	s3 =	simm.s32 $0x108;
	s8 =	sld [smem:$0x3FAF]  }
0x2e: {  	s3 =	simm.s32 @!p0 $0x1082;
	s9 =	sld [smem:$0x3FB0]  }
0x2f: {  	lr =	sadd.s32 s0, s3;
	s0 =	sld [smem:$0x3FA7]  }
0x30: {  	s3 =	sld [smem:$0x3FAA]  }
0x31: {  	[smem:$0x3FB3] =	sst s10  }
0x32: {  	s10 =	sld [smem:$0x3FB1];
	_ =	sdelay $0x3  }
0x33: {  	p0 =	seq.s32 s10, $0x1;
	s10 =	sld [smem:$0x3FB3];
	_ =	sdelay $0x3  }
0x34: {  	[smem:$0x3FB3] =	sst s10  }
0x35: {  	s10 =	sld [smem:$0x3FB2];
	_ =	sdelay $0x3  }
0x36: {  	p1 =	seq.s32 s10, $0x1;
	s10 =	sld [smem:$0x3FB3];
	_ =	sdelay $0x3  }
0x37: {  	[smem:$0x3FB3] =	sst s10  }
0x38: {  	s10 =	sld [smem:$0x3FB4]  }
0x39: {  	_ = 	snop;
	(pc) =	sbr.ind lr, $3  }
0x3a: {  	_ = 	snop  }
0x3b: {  	_ = 	snop  }
0x3c: {  	p2 =	seq.s32 s10, $0x1;
	s10 =	sld [smem:$0x3FB3]  }
0x3d: {  	_ =	shalt  }
0x3e: {  	_ =	shalt  }
0x3f: {  	_ =	shalt  }
0x40: {  	_ =	shalt  }
0x41: {  	_ =	shalt  }
0x42: {  	_ =	shalt  }
0x43: {  	_ =	shalt  }
0x44: {  	_ =	shalt  }
0x45: {  	_ =	shalt  }
0x46: {  	_ =	shalt  }
0x47: {  	_ =	shalt  }
0x48: {  	_ =	shalt  }
0x49: {  	_ =	shalt  }
0x4a: {  	_ =	shalt  }
0x4b: {  	_ =	shalt  }
0x4c: {  	_ =	shalt  }
0x4d: {  	_ =	shalt  }
0x4e: {  	_ =	shalt  }
0x4f: {  	_ =	shalt  }
0x50: {  	_ =	shalt  }
0x51: {  	_ =	shalt  }
0x52: {  	_ =	shalt  }
0x53: {  	_ =	shalt  }
0x54: {  	_ =	shalt  }
0x55: {  	_ =	shalt  }
0x56: {  	_ =	shalt  }
0x57: {  	_ =	shalt  }
0x58: {  	_ =	shalt  }
0x59: {  	_ =	shalt  }
0x5a: {  	_ =	shalt  }
0x5b: {  	_ =	shalt  }
0x5c: {  	_ =	shalt  }
0x5d: {  	_ =	shalt  }
0x5e: {  	_ =	shalt  }
0x5f: {  	_ =	shalt  }
0x60: {  	_ =	shalt  }
0x61: {  	_ =	shalt  }
0x62: {  	_ =	shalt  }
0x63: {  	_ =	shalt  }
0x64: {  	_ =	shalt  }
0x65: {  	_ =	shalt  }
0x66: {  	_ =	shalt  }
0x67: {  	_ =	shalt  }
0x68: {  	_ =	shalt  }
0x69: {  	_ =	shalt  }
0x6a: {  	_ =	shalt  }
0x6b: {  	_ =	shalt  }
0x6c: {  	_ =	shalt  }
0x6d: {  	_ =	shalt  }
0x6e: {  	_ =	shalt  }
0x6f: {  	_ =	shalt  }
0x70: {  	_ =	shalt  }
0x71: {  	_ =	shalt  }
0x72: {  	_ =	shalt  }
0x73: {  	_ =	shalt  }
0x74: {  	_ =	shalt  }
0x75: {  	_ =	shalt  }
0x76: {  	_ =	shalt  }
0x77: {  	_ =	shalt  }
0x78: {  	_ =	shalt  }
0x79: {  	_ =	shalt  }
0x7a: {  	_ =	shalt  }
0x7b: {  	_ =	shalt  }
0x7c: {  	_ =	shalt  }
0x7d: {  	_ =	shalt  }
0x7e: {  	_ =	shalt  }
0x7f: {  	_ =	shalt  }
0x80: {  	_ =	shalt  }
0x81: {  	_ =	shalt  }
0x82: {  	_ =	shalt  }
0x83: {  	_ =	shalt  }
0x84: {  	_ =	shalt  }
0x85: {  	_ =	shalt  }
0x86: {  	_ =	shalt  }
0x87: {  	_ =	shalt  }
.Lfunc_end0:
.L_simem_size_0:
called_computation.2_lowered:
.L_overlay_start_0:
0x88: {  	s2 =	sld [smem:$0x3FD9]  }
0x89: {  	s3 =	sld [smem:$0x3FFE];
	_ =	sdelay $0x1  }
0x8a: {  	s1 =	srdreg.scid  }
0x8b: {  	s0 =	sand.u32 $0x1, s1  }
0x8c: {  	s17 =	sshll.u32 s0, $0xA;
	s2 =	sadd.s32 s3, s2  }
0x8d: {  	s2 =	sadd.s32 s2, s17  }
0x8e: {  	[smem:$0x3FBF] =	sst s2  }
0x8f: {  	_ = 	snop  }
0x90: {  	s18 =	sld [smem:$0x3FC9];
	(tm) =	ssettm $0x1  }
0x91: {  	s19 =	sld [smem:$0x3FFB];
	_ =	sdelay $0x3  }
0x92: {  	_ =	strace s19  }
0x93: {  	s2 =	sld [smem:$0x3FFC];
	_ =	sdelay $0x3  }
0x94: {  	_ =	strace s2  }
0x95: {  	s2 =	sld [smem:$0x3FFD];
	_ =	sdelay $0x3  }
0x96: {  	_ =	strace s2  }
0x97: {  	_ =	strace $0x8FFFFFFF  }
0x98: {  	s20 =	sld [smem:$0x3FDB];
	_ =	sdelay $0x1  }
0x99: {  	s4 =	simm.s32 $_scs_section_size  }
0x9a: {  	s5 =	simm.s32 $_size__tile_overlayer_lowered;
	s6 =	simm.s32 $_tile_overlayer_lowered  }
0x9b: {  	s7 =	simm.s32 $0x1BFF;
	s21 =	sshll.u32 s6, $0x1;
	s4 =	sadd.s32 s4, s20  }
0x9c: {  	s22 =	simm.s32 $0x0;
	s5 =	sshll.u32 s5, $0x1;
	s6 =	sadd.s32 s21, s4  }
0x9d: {  	[timem:s22], [sflag:s7] =	dma.local [hbm:s6], s5  }
0x9e: {  	_ =	swait.ge [sflag:s7], s5  }
0x9f: {  	s5 =	ssub.s32 $0x0, s5;
	[sflag:s7] =	ssyncset.done $0x0  }
0xa0: {  	[sflag:s7] =	ssyncadd.s32 s5;
	_ =	sdelay $0x1  }
0xa1: {  	s23 =	simm.s32 $0x1B8B  }
0xa2: {  	_ =	swait.ge [sflag:s23], $0x1  }
0xa3: {  	[sflag:s23] =	ssyncset.done $0x0  }
0xa4: {  	[sflag:s23] =	ssyncadd.s32 $0xFFFFFFFF  }
0xa5: {  	s5 =	sld [smem:$0x0]  }
0xa6: {  	s6 =	sand.u32 $0xFFFFFFFE, s1  }
0xa7: {  	p0 =	sne.s32 s1, s6  }
0xa8: {  	s6 =	sshll.u32 @p0 s6, $0xE  }
0xa9: {  	s6 =	sadd.s32 @p0 $0x11B8D, s6;
	s7 =	sshll.u32 @p0 s5, $0x11  }
0xaa: {  	s6 =	sor.u32 @p0 s7, s6  }
0xab: {  	[sflag:s6] =	ssyncadd.remote.s32 @p0 $0x1;
	_ =	sdelay $0x1  }
0xac: {  	s6 =	simm.s32 @p0 $0x1B8D  }
0xad: {  	_ =	swait.eq @p0 [sflag:s6], $0x1  }
0xae: {  	[sflag:s6] =	ssyncadd.s32 @p0 $0xFFFFFFFF  }
0xaf: {  	s7 =	sshll.u32 @!p0 s1, $0xE  }
0xb0: {  	s7 =	sor.u32 @!p0 $0x4000, s7;
	s6 =	simm.s32 @!p0 $0x1B8D  }
0xb1: {  	s5 =	sshll.u32 @!p0 s5, $0x11;
	s7 =	sadd.s32 @!p0 $0x11B8D, s7;
	_ =	swait.eq @!p0 [sflag:s6], $0x1  }
0xb2: {  	s5 =	sor.u32 @!p0 s5, s7;
	[sflag:s6] =	ssyncadd.s32 @!p0 $0xFFFFFFFF  }
0xb3: {  	s25 =	simm.s32 $0x1B8E;
	s24 =	sld [smem:$0x3FFE];
	[sflag:s5] =	ssyncadd.remote.s32 @!p0 $0x1  }
0xb4: {  	s26 =	simm.s32 $execute0_lowered;
	[smem:$0x3FD2] =	sst s25  }
0xb5: {  	s6 =	sshll.u32 s26, $0x1;
	_ =	strace $0x80000049;
	[dreg:$0x1] =	wrdreg $0xFFFFFFFF  }
0xb6: {  	s28 =	simm.s32 $_size_execute0_lowered;
	s4 =	sadd.s32 s4, s6;
	[dreg:$0x0] =	wrdreg $0x0  }
0xb7: {  	s6 =	sshll.u32 s28, $0x1;
	[dreg:$0x2] =	wrdreg s4  }
0xb8: {  	[dreg:$0x3] =	wrdreg s6  }
0xb9: {  	[dreg:$0x4] =	wrdreg $0xC0  }
0xba: {  	_ =	task [dreg:s22], $0x5FFFF  }
0xbb: {  	[dreg:$0x1] =	wrdreg $0xFFFFFFFF  }
0xbc: {  	[dreg:$0x0] =	wrdreg $0x60  }
0xbd: {  	[dreg:$0x2] =	wrdreg s18  }
0xbe: {  	[dreg:$0x3] =	wrdreg s24  }
0xbf: {  	[dreg:$0x4] =	wrdreg $0xA  }
0xc0: {  	_ =	task.clear_ibuf [dreg:s22], $0x5FFFF;
	_ =	strace $0x90000049  }
0xc1: {  	s29 =	simm.s32 $0xA;
	_ =	strace $0x8000004B  }
0xc2: {  	_ =	swait.ge [sflag:s29], $0x1  }
0xc3: {  	[sflag:s29] =	ssyncadd.s32 $0xFFFFFFFF  }
0xc4: {  	_ =	strace $0x9000004B  }
0xc5: {  	_ =	sfence  }
0xc6: {  	s30 =	sld [smem:$0x0];
	_ =	sdelay $0x2  }
0xc7: {  	s31 =	sshll.u32 s1, $0xD;
	s1 =	sshrl.u32 s1, $0x2  }
0xc8: {  	s4 =	sand.u32 $0x4000, s31;
	s1 =	sadd.s32 s1, s30  }
0xc9: {  	s0 =	sor.u32 s4, s0;
	s1 =	sshll.u32 s1, $0x11  }
0xca: {  	s0 =	sor.u32 s1, s0  }
0xcb: {  	s0 =	sadd.s32 $0x8F2B, s0  }
0xcc: {  	[sflag:s0] =	ssyncadd.remote.s32 $0x1  }
0xcd: {  	_ =	sfence.sel $0xFFFF  }
0xce: {  	[dreg:$0x0] =	wrdreg $0xFFFFFFFF;
	(pc) =	sbr.abs _section_cstart, $3  }
0xcf: {  	[dreg:$0x1] =	wrdreg $0xFFFFFFFF  }
0xd0: {  	_ =	task.clear_ibuf [dreg:s22], $0x2FFFF;
	_ =	strace $0x9FFFFFFF  }
0xd1: {  	(tm) =	ssettm $0x7FFFFFFF  }
tec
execute0_lowered:
.L_overlay_start_1:
0x0: {  	(tag) =	ssettag $0x1  }
0x1: {  	s1 =	srdreg.scid  }
0x2: {  	s0 =	stileid.u32;
	s10 =	sand.u32 $0x1, s1  }
0x3: {  	s2 =	rddreg [dreg:$0x0];
	s3 =	sshll.u32 s0, $0x8;
	s1 =	sshll.u32 s10, $0xC  }
0x4: {  	s11 =	rddreg [dreg:$0x1];
	s12 =	sor.u32 s3, s1  }
0x5: {  	s1 =	rddreg [dreg:$0x2];
	s3 =	simm.s32 $0x0;
	s4 =	sshrl.u32 s12, $0x3  }
0x6: {  	[smem:$0x7FF] =	sst s3;
	s4 =	sadd.s32 s4, s11  }
0x7: {  	_ =	strace $0x8000004A;
	s5 =	sadd.s32 $0x36000, s4;
	s4 =	simm.s32 $0x2  }
0x8: {  	[tilespmem:s3], [sflag:$0x2] =	stream.linear.gather [hbm4b:s5+s3], $0x100, $0x38;
	[tilespmem:$0x8100] =	vst v63  }
0x9: {  	_ =	swait.ge [sflag:s4], $0x100  }
0xa: {  	[sflag:s4] =	ssyncset.done $0x0  }
0xb: {  	s6 =	simm.s32 $0x80;
	s7 =	simm.s32 $0x100;
	[sflag:s4] =	ssyncadd.s32 $0xFFFFFF00  }
0xc: {  	[tilespmem:s7], [sflag:$0x1] =	stream.indirect.gather [hbm4b:s2+s6], $0x80, s3, s6, $0xb8;
	[tilespmem:$0x8100] =	vst v63  }
0xd: {  	s8 =	simm.s32 $0x4100;
	s9 =	simm.s32 $0x1;
	s10 =	ssub.s32 $0x2, s10  }
0xe: {  	[tilespmem:s8], [sflag:$0x1] =	stream.indirect.gather [hbm4b:s2+s6], $0x80, s6, s6, $0xb8;
	[tilespmem:$0x8100] =	vst v63  }
0xf: {  	s13 =	sshrl.u32 s10, $0x1;
	_ =	swait.ge [sflag:s9], $0x4000  }
0x10: {  	s30 =	ssub.s32 s10, s13;
	[sflag:s9] =	ssyncset.done $0x0  }
0x11: {  	s31 =	smax.u32 s30, $0x1;
	[sflag:s9] =	ssyncadd.s32 $0xFFFFC000  }
0x12: {  	s12 =	sshll.u32 s12, $0x4;
	p0 =	sne.s32 s31, $0x1;
	_ =	swait.ge [sflag:s9], $0x4000  }
.Ltmp0:
0x13: {  	s11 =	sadd.s32 s12, s11;
	[sflag:s9] =	ssyncset.done $0x0;
	(pc) =	sbr.rel @!p0 .LBB2_2-.Ltmp0, $4  }
0x14: {  	s10 =	sadd.s32 $0x36400, s11;
	[sflag:s9] =	ssyncadd.s32 $0xFFFFC000  }
0x15: {  	[hbm4b:s10+s3] =	stream.linear.scatter [tilespmem:s7], [sflag:$0x2], $0x8000, $0x38;
	[tilespmem:$0x8100] =	vst v63  }
0x16: {  	_ =	swait.ge [sflag:s4], $0x8000  }
0x17: {  	s11 =	sadd.s32 $0xFFFFFFFF, s31;
	[sflag:s4] =	ssyncset.done $0x0  }
.LBB2_1:
0x18: {  	p0 =	sne.s32 s11, $0x1;
	s11 =	sadd.s32 $0xFFFFFFFF, s11;
	[sflag:s4] =	ssyncadd.s32 $0xFFFF8000  }
0x19: {  	[tilespmem:s3], [sflag:$0x2] =	stream.linear.gather [hbm4b:s5+s3], $0x100, $0x38;
	[tilespmem:$0x8100] =	vst v63  }
0x1a: {  	_ =	swait.ge [sflag:s4], $0x100  }
0x1b: {  	[sflag:s4] =	ssyncset.done $0x0  }
0x1c: {  	[sflag:s4] =	ssyncadd.s32 $0xFFFFFF00  }
0x1d: {  	[tilespmem:s7], [sflag:$0x1] =	stream.indirect.gather [hbm4b:s2+s6], $0x80, s3, s6, $0xb8;
	[tilespmem:$0x8100] =	vst v63  }
0x1e: {  	_ = 	snop  }
0x1f: {  	[tilespmem:s8], [sflag:$0x1] =	stream.indirect.gather [hbm4b:s2+s6], $0x80, s6, s6, $0xb8;
	[tilespmem:$0x8100] =	vst v63  }
0x20: {  	_ =	swait.ge [sflag:s9], $0x4000  }
0x21: {  	[sflag:s9] =	ssyncset.done $0x0  }
0x22: {  	[sflag:s9] =	ssyncadd.s32 $0xFFFFC000  }
0x23: {  	_ =	swait.ge [sflag:s9], $0x4000  }
.Ltmp1:
0x24: {  	[sflag:s9] =	ssyncset.done $0x0;
	(pc) =	sbr.rel @p0 .LBB2_1-.Ltmp1, $4  }
0x25: {  	[sflag:s9] =	ssyncadd.s32 $0xFFFFC000  }
0x26: {  	[hbm4b:s10+s3] =	stream.linear.scatter [tilespmem:s7], [sflag:$0x2], $0x8000, $0x38;
	[tilespmem:$0x8100] =	vst v63  }
0x27: {  	_ =	swait.ge [sflag:s4], $0x8000  }
0x28: {  	[sflag:s4] =	ssyncset.done $0x0  }
.LBB2_2:
0x29: {  	[sflag:s4] =	ssyncadd.s32 $0xFFFF8000  }
0x2a: {  	_ =	sfence.sel $0x180000  }
0x2b: {  	[bflag:$0x0] =	sbarrier.arrive $0xFFFF  }
0x2c: {  	p0 =	sne.s32 s0, $0x0;
	_ =	strace $0x9000004A  }
0x2d: {  	s0 =	sadd.s32 @!p0 $0x100000, s1;
	[bflag:$0x2] =	sbarrier.arrive $0xFFFF  }
0x2e: {  	[sflag:s0] =	ssyncadd.tile.s32 @!p0 $0x1;
	_ =	shalt  }
.Lfunc_end2:
_tile_overlayer_lowered:
.L_overlay_start_2:
0x2f: {  	(tag) =	ssettag $0x2  }
0x30: {  	s0 =	rddreg [dreg:$0x0];
	s2 =	stileid.u32  }
0x31: {  	s1 =	rddreg [dreg:$0x1];
	p0 =	sne.s32 s2, $0x0  }
0x32: {  	s3 =	rddreg [dreg:$0x2];
	[bflag:$0x3] =	sbarrier.arrive $0xFFFF;
	s2 =	simm.s32 @!p0 $0x1C02  }
0x33: {  	[timem:s3], [sflag:s2] =	dma.local @!p0 [hbm:s0], s1  }
0x34: {  	s0 =	simm.s32 @!p0 $0x2  }
0x35: {  	_ =	swait.ge @!p0 [sflag:s0], s1  }
0x36: {  	s1 =	ssub.s32 @!p0 $0x0, s1;
	[sflag:s0] =	ssyncset.done @!p0 $0x0  }
0x37: {  	[sflag:s0] =	ssyncadd.s32 @!p0 s1  }
0x38: {  	[bflag:$0x3] =	sbarrier.arrive $0xFFFF  }
0x39: {  	_ =	shalt  }

// kernel: kernel.18.cloned.1.call-start
scs
__scs_entry_jumppad:
0x0: {  	(pc) =	sbr.rel $0x88, $3  }
0x1: {  	(tag) =	ssettag $0x0;
	lr =	simm.s32 $0x1  }
0x2: {  	[smem:$0x3F98] =	sst lr;
	_ =	strace $0xD0000000  }
0x3: {  	_ = 	snop  }
0x4: {  	_ = 	snop  }
0x5: {  	_ = 	snop  }
0x6: {  	_ = 	snop  }
0x7: {  	_ = 	snop  }
__scs_overlays_trampoline_lowered:
0x8: {  	[smem:$0x3FA7] =	sst s0  }
0x9: {  	[smem:$0x3FA8] =	sst s1  }
0xa: {  	[smem:$0x3FA9] =	sst s2  }
0xb: {  	[smem:$0x3FAA] =	sst s3  }
0xc: {  	[smem:$0x3FAB] =	sst s4  }
0xd: {  	[smem:$0x3FAC] =	sst s5  }
0xe: {  	[smem:$0x3FAD] =	sst s6  }
0xf: {  	[smem:$0x3FAE] =	sst s7  }
0x10: {  	[smem:$0x3FAF] =	sst s8  }
0x11: {  	[smem:$0x3FB0] =	sst s9;
	s0 =	simm.s32 @!p0 $0x0  }
0x12: {  	s1 =	sld [smem:$0x3F96];
	s0 =	simm.s32 @p0 $0x1  }
0x13: {  	[smem:$0x3FB1] =	sst s0;
	s0 =	simm.s32 @!p1 $0x0  }
0x14: {  	s2 =	sld [smem:$0x3F95];
	s0 =	simm.s32 @p1 $0x1  }
0x15: {  	[smem:$0x3FB2] =	sst s0;
	s0 =	simm.s32 @!p2 $0x0  }
0x16: {  	s3 =	sld [smem:$0x3FDB];
	s0 =	simm.s32 @p2 $0x1  }
0x17: {  	s4 =	simm.s32 $0x1BF5;
	[smem:$0x3FB4] =	sst s0  }
0x18: {  	s0 =	sld [smem:$0x3F97];
	_ =	swait.ge [sflag:s4], $0x0  }
0x19: {  	s7 =	sld [smem:$0x3F98]  }
0x1a: {  	s8 =	sadd.s32 $0xFFFFE003, lr  }
0x1b: {  	s9 =	sadd.s32 $0xFFFFFEF7, lr;
	s5 =	simm.s32 $0xFFFFFFFF;
	p2 =	slt.u32 s8, $0xFFFFF086  }
0x1c: {  	p1 =	slt.u32 s9, $0xF7A;
	s5 =	simm.s32 @!p2 $0x0  }
0x1d: {  	s5 =	simm.s32 @p1 $0x1;
	p0 =	seq.s32 s7, s2  }
0x1e: {  	s7 =	smul.u32 @!p0 $0xF7A, s2;
	p2 =	seq.s32 @!p0 s5, $0x0  }
0x1f: {  	s9 =	smul.u32 $0xF7A, s1;
	s8 =	simm.s32 @!p0 $0x1BF5;
	p2 =	por !p2, p0  }
0x20: {  	[sflag:s8] =	ssyncset.s32 @!p0 $0xFFFFF086;
	s6 =	sadd.s32 @!p0 s3, s7;
	s7 =	simm.s32 @!p0 $0x108  }
0x21: {  	s3 =	sadd.s32 s3, s9;
	s6 =	sadd.s32 @!p0 $0x88, s6;
	s7 =	simm.s32 @p2 $0x1082  }
0x22: {  	[simem:s7], [sflag:s8] =	dma.local @!p0 [hbm:s6], $0xF7A  }
0x23: {  	s9 =	sor.u32 $0xD0000000, s2;
	s6 =	simm.s32 $0x108;
	_ =	swait.ge @!p0 [sflag:s8], $0x0  }
0x24: {  	s3 =	sadd.s32 $0x88, s3;
	s6 =	simm.s32 @!p1 $0x1082;
	[sflag:s4] =	ssyncset.s32 $0xFFFFF086  }
0x25: {  	[simem:s6], [sflag:s4] =	dma.local [hbm:s3], $0xF7A  }
0x26: {  	[smem:$0x3F98] =	sst s1;
	(tag) =	ssettag s2;
	_ =	strace s9  }
0x27: {  	s1 =	sld [smem:$0x3FA8]  }
0x28: {  	s2 =	sld [smem:$0x3FA9]  }
0x29: {  	s4 =	sld [smem:$0x3FAB]  }
0x2a: {  	p0 =	seq.s32 s5, $0x0;
	s5 =	sld [smem:$0x3FAC]  }
0x2b: {  	s6 =	sld [smem:$0x3FAD]  }
0x2c: {  	s7 =	sld [smem:$0x3FAE]  }
0x2d: {  	s3 =	simm.s32 $0x108;
	s8 =	sld [smem:$0x3FAF]  }
0x2e: {  	s3 =	simm.s32 @!p0 $0x1082;
	s9 =	sld [smem:$0x3FB0]  }
0x2f: {  	lr =	sadd.s32 s0, s3;
	s0 =	sld [smem:$0x3FA7]  }
0x30: {  	s3 =	sld [smem:$0x3FAA]  }
0x31: {  	[smem:$0x3FB3] =	sst s10  }
0x32: {  	s10 =	sld [smem:$0x3FB1];
	_ =	sdelay $0x3  }
0x33: {  	p0 =	seq.s32 s10, $0x1;
	s10 =	sld [smem:$0x3FB3];
	_ =	sdelay $0x3  }
0x34: {  	[smem:$0x3FB3] =	sst s10  }
0x35: {  	s10 =	sld [smem:$0x3FB2];
	_ =	sdelay $0x3  }
0x36: {  	p1 =	seq.s32 s10, $0x1;
	s10 =	sld [smem:$0x3FB3];
	_ =	sdelay $0x3  }
0x37: {  	[smem:$0x3FB3] =	sst s10  }
0x38: {  	s10 =	sld [smem:$0x3FB4]  }
0x39: {  	_ = 	snop;
	(pc) =	sbr.ind lr, $3  }
0x3a: {  	_ = 	snop  }
0x3b: {  	_ = 	snop  }
0x3c: {  	p2 =	seq.s32 s10, $0x1;
	s10 =	sld [smem:$0x3FB3]  }
0x3d: {  	_ =	shalt  }
0x3e: {  	_ =	shalt  }
0x3f: {  	_ =	shalt  }
0x40: {  	_ =	shalt  }
0x41: {  	_ =	shalt  }
0x42: {  	_ =	shalt  }
0x43: {  	_ =	shalt  }
0x44: {  	_ =	shalt  }
0x45: {  	_ =	shalt  }
0x46: {  	_ =	shalt  }
0x47: {  	_ =	shalt  }
0x48: {  	_ =	shalt  }
0x49: {  	_ =	shalt  }
0x4a: {  	_ =	shalt  }
0x4b: {  	_ =	shalt  }
0x4c: {  	_ =	shalt  }
0x4d: {  	_ =	shalt  }
0x4e: {  	_ =	shalt  }
0x4f: {  	_ =	shalt  }
0x50: {  	_ =	shalt  }
0x51: {  	_ =	shalt  }
0x52: {  	_ =	shalt  }
0x53: {  	_ =	shalt  }
0x54: {  	_ =	shalt  }
0x55: {  	_ =	shalt  }
0x56: {  	_ =	shalt  }
0x57: {  	_ =	shalt  }
0x58: {  	_ =	shalt  }
0x59: {  	_ =	shalt  }
0x5a: {  	_ =	shalt  }
0x5b: {  	_ =	shalt  }
0x5c: {  	_ =	shalt  }
0x5d: {  	_ =	shalt  }
0x5e: {  	_ =	shalt  }
0x5f: {  	_ =	shalt  }
0x60: {  	_ =	shalt  }
0x61: {  	_ =	shalt  }
0x62: {  	_ =	shalt  }
0x63: {  	_ =	shalt  }
0x64: {  	_ =	shalt  }
0x65: {  	_ =	shalt  }
0x66: {  	_ =	shalt  }
0x67: {  	_ =	shalt  }
0x68: {  	_ =	shalt  }
0x69: {  	_ =	shalt  }
0x6a: {  	_ =	shalt  }
0x6b: {  	_ =	shalt  }
0x6c: {  	_ =	shalt  }
0x6d: {  	_ =	shalt  }
0x6e: {  	_ =	shalt  }
0x6f: {  	_ =	shalt  }
0x70: {  	_ =	shalt  }
0x71: {  	_ =	shalt  }
0x72: {  	_ =	shalt  }
0x73: {  	_ =	shalt  }
0x74: {  	_ =	shalt  }
0x75: {  	_ =	shalt  }
0x76: {  	_ =	shalt  }
0x77: {  	_ =	shalt  }
0x78: {  	_ =	shalt  }
0x79: {  	_ =	shalt  }
0x7a: {  	_ =	shalt  }
0x7b: {  	_ =	shalt  }
0x7c: {  	_ =	shalt  }
0x7d: {  	_ =	shalt  }
0x7e: {  	_ =	shalt  }
0x7f: {  	_ =	shalt  }
0x80: {  	_ =	shalt  }
0x81: {  	_ =	shalt  }
0x82: {  	_ =	shalt  }
0x83: {  	_ =	shalt  }
0x84: {  	_ =	shalt  }
0x85: {  	_ =	shalt  }
0x86: {  	_ =	shalt  }
0x87: {  	_ =	shalt  }
.Lfunc_end0:
.L_simem_size_0:
called_computation.3_lowered:
.L_overlay_start_0:
0x88: {  	s2 =	sld [smem:$0x3FD9]  }
0x89: {  	s3 =	sld [smem:$0x3FFE];
	_ =	sdelay $0x1  }
0x8a: {  	s1 =	srdreg.scid  }
0x8b: {  	s0 =	sand.u32 $0x1, s1  }
0x8c: {  	s17 =	sshll.u32 s0, $0xA;
	s2 =	sadd.s32 s3, s2  }
0x8d: {  	s2 =	sadd.s32 s2, s17  }
0x8e: {  	[smem:$0x3FBF] =	sst s2  }
0x8f: {  	_ = 	snop  }
0x90: {  	s18 =	sld [smem:$0x3FD0];
	(tm) =	ssettm $0x1  }
0x91: {  	s19 =	sld [smem:$0x3FFB];
	_ =	sdelay $0x3  }
0x92: {  	_ =	strace s19  }
0x93: {  	s2 =	sld [smem:$0x3FFC];
	_ =	sdelay $0x3  }
0x94: {  	_ =	strace s2  }
0x95: {  	s2 =	sld [smem:$0x3FFD];
	_ =	sdelay $0x3  }
0x96: {  	_ =	strace s2  }
0x97: {  	_ =	strace $0x8FFFFFFF  }
0x98: {  	s20 =	sld [smem:$0x3FDB];
	_ =	sdelay $0x1  }
0x99: {  	s4 =	simm.s32 $_scs_section_size  }
0x9a: {  	s5 =	simm.s32 $_size__tile_overlayer_lowered;
	s6 =	simm.s32 $_tile_overlayer_lowered  }
0x9b: {  	s7 =	simm.s32 $0x1BFF;
	s21 =	sshll.u32 s6, $0x1;
	s4 =	sadd.s32 s4, s20  }
0x9c: {  	s22 =	simm.s32 $0x0;
	s5 =	sshll.u32 s5, $0x1;
	s6 =	sadd.s32 s21, s4  }
0x9d: {  	[timem:s22], [sflag:s7] =	dma.local [hbm:s6], s5  }
0x9e: {  	_ =	swait.ge [sflag:s7], s5  }
0x9f: {  	s5 =	ssub.s32 $0x0, s5;
	[sflag:s7] =	ssyncset.done $0x0  }
0xa0: {  	[sflag:s7] =	ssyncadd.s32 s5;
	_ =	sdelay $0x1  }
0xa1: {  	s23 =	simm.s32 $0x1B8B  }
0xa2: {  	_ =	swait.ge [sflag:s23], $0x1  }
0xa3: {  	[sflag:s23] =	ssyncset.done $0x0  }
0xa4: {  	[sflag:s23] =	ssyncadd.s32 $0xFFFFFFFF  }
0xa5: {  	s5 =	sld [smem:$0x0]  }
0xa6: {  	s6 =	sand.u32 $0xFFFFFFFE, s1  }
0xa7: {  	p0 =	sne.s32 s1, s6  }
0xa8: {  	s6 =	sshll.u32 @p0 s6, $0xE  }
0xa9: {  	s6 =	sadd.s32 @p0 $0x11B8D, s6;
	s7 =	sshll.u32 @p0 s5, $0x11  }
0xaa: {  	s6 =	sor.u32 @p0 s7, s6  }
0xab: {  	[sflag:s6] =	ssyncadd.remote.s32 @p0 $0x1;
	_ =	sdelay $0x1  }
0xac: {  	s6 =	simm.s32 @p0 $0x1B8D  }
0xad: {  	_ =	swait.eq @p0 [sflag:s6], $0x1  }
0xae: {  	[sflag:s6] =	ssyncadd.s32 @p0 $0xFFFFFFFF  }
0xaf: {  	s7 =	sshll.u32 @!p0 s1, $0xE  }
0xb0: {  	s7 =	sor.u32 @!p0 $0x4000, s7;
	s6 =	simm.s32 @!p0 $0x1B8D  }
0xb1: {  	s5 =	sshll.u32 @!p0 s5, $0x11;
	s7 =	sadd.s32 @!p0 $0x11B8D, s7;
	_ =	swait.eq @!p0 [sflag:s6], $0x1  }
0xb2: {  	s5 =	sor.u32 @!p0 s5, s7;
	[sflag:s6] =	ssyncadd.s32 @!p0 $0xFFFFFFFF  }
0xb3: {  	s25 =	simm.s32 $0x1B8E;
	s24 =	sld [smem:$0x3FFE];
	[sflag:s5] =	ssyncadd.remote.s32 @!p0 $0x1  }
0xb4: {  	s26 =	simm.s32 $execute0_lowered;
	[smem:$0x3FD2] =	sst s25  }
0xb5: {  	s6 =	sshll.u32 s26, $0x1;
	_ =	strace $0x8000004F;
	[dreg:$0x1] =	wrdreg $0xFFFFFFFF  }
0xb6: {  	s28 =	simm.s32 $_size_execute0_lowered;
	s4 =	sadd.s32 s4, s6;
	[dreg:$0x0] =	wrdreg $0x0  }
0xb7: {  	s6 =	sshll.u32 s28, $0x1;
	[dreg:$0x2] =	wrdreg s4  }
0xb8: {  	[dreg:$0x3] =	wrdreg s6  }
0xb9: {  	[dreg:$0x4] =	wrdreg $0xC0  }
0xba: {  	_ =	task [dreg:s22], $0x5FFFF  }
0xbb: {  	[dreg:$0x1] =	wrdreg $0xFFFFFFFF  }
0xbc: {  	[dreg:$0x0] =	wrdreg $0x60  }
0xbd: {  	[dreg:$0x2] =	wrdreg s18  }
0xbe: {  	[dreg:$0x3] =	wrdreg s24  }
0xbf: {  	[dreg:$0x4] =	wrdreg $0x104000  }
0xc0: {  	[dreg:$0x5] =	wrdreg $0x1A8000  }
0xc1: {  	[dreg:$0x6] =	wrdreg $0xA  }
0xc2: {  	_ =	task.clear_ibuf [dreg:s22], $0x7FFFF;
	_ =	strace $0x9000004F  }
0xc3: {  	s29 =	simm.s32 $0xA;
	_ =	strace $0x80000051  }
0xc4: {  	_ =	swait.ge [sflag:s29], $0x1  }
0xc5: {  	[sflag:s29] =	ssyncadd.s32 $0xFFFFFFFF  }
0xc6: {  	_ =	strace $0x90000051  }
0xc7: {  	_ =	sfence  }
0xc8: {  	s30 =	sld [smem:$0x0];
	_ =	sdelay $0x2  }
0xc9: {  	s31 =	sshll.u32 s1, $0xD;
	s1 =	sshrl.u32 s1, $0x2  }
0xca: {  	s4 =	sand.u32 $0x4000, s31;
	s1 =	sadd.s32 s1, s30  }
0xcb: {  	s0 =	sor.u32 s4, s0;
	s1 =	sshll.u32 s1, $0x11  }
0xcc: {  	s0 =	sor.u32 s1, s0  }
0xcd: {  	s0 =	sadd.s32 $0x8F2B, s0  }
0xce: {  	[sflag:s0] =	ssyncadd.remote.s32 $0x1  }
0xcf: {  	_ =	sfence.sel $0xFFFF  }
0xd0: {  	[dreg:$0x0] =	wrdreg $0xFFFFFFFF;
	(pc) =	sbr.abs _section_cstart, $3  }
0xd1: {  	[dreg:$0x1] =	wrdreg $0xFFFFFFFF  }
0xd2: {  	_ =	task.clear_ibuf [dreg:s22], $0x2FFFF;
	_ =	strace $0x9FFFFFFF  }
0xd3: {  	(tm) =	ssettm $0x7FFFFFFF  }
tec
execute0_lowered:
.L_overlay_start_1:
0x0: {  	(tag) =	ssettag $0x1  }
0x1: {  	s0 =	rddreg [dreg:$0x0]  }
0x2: {  	s1 =	rddreg [dreg:$0x1]  }
0x3: {  	s3 =	rddreg [dreg:$0x2]  }
0x4: {  	s2 =	rddreg [dreg:$0x3];
	s5 =	simm.s32 $0x0;
	s4 =	srdreg.scid  }
0x5: {  	s14 =	stileid.u32;
	s31 =	simm.s32 $0x200;
	p0 =	por $0x0, $0x0  }
0x6: {  	s30 =	simm.s32 $0x280;
	[smem:$0x7FF] =	sst s5;
	s6 =	sand.u32 $0x1, s4  }
0x7: {  	s8 =	sshll.u32 s14, $0x6;
	s9 =	smul.u32 $0xA400, s14;
	s10 =	sadd.s32 $0x35A00, s1  }
0x8: {  	s11 =	sadd.s32 $0x86400, s1;
	s22 =	sadd.s32 $0x35800, s1;
	s23 =	smul.u32 $0x29000, s14  }
0x9: {  	s12 =	sshll.u32 s14, $0x7;
	s15 =	sshll.u32 s14, $0xA;
	s17 =	sshll.u32 s14, $0xD  }
0xa: {  	_ =	strace $0x80000050;
	s4 =	smul.u32 $0xA4000, s6;
	[dreg:$0x5] =	wrdreg s11  }
0xb: {  	s7 =	sshll.u32 s6, $0xA;
	[dreg:$0x6] =	wrdreg s22;
	s24 =	ssub.s32 $0x2, s6  }
0xc: {  	s18 =	sadd.s32 s0, s17;
	s29 =	sadd.s32 s10, s17;
	s19 =	sor.u32 $0x800, s17  }
0xd: {  	s20 =	sor.u32 $0x1000, s17;
	s22 =	sor.u32 $0x1800, s17;
	s6 =	sshll.u32 s6, $0xB  }
0xe: {  	s17 =	simm.s32 $0x380;
	s7 =	sor.u32 s8, s7;
	s13 =	sshrl.u32 s24, $0x1  }
0xf: {  	s11 =	sshrl.u32 s23, $0x2;
	[dreg:$0x9] =	wrdreg s18;
	s26 =	sadd.s32 s0, s19  }
0x10: {  	s28 =	sadd.s32 s10, s19;
	s21 =	sadd.s32 s0, s20;
	s23 =	sadd.s32 s10, s20  }
0x11: {  	s14 =	sadd.s32 s0, s22;
	s20 =	simm.s32 $0x400;
	s18 =	simm.s32 $0x8400  }
0x12: {  	s19 =	simm.s32 $0x180;
	s7 =	sadd.s32 s7, s1;
	s4 =	sadd.s32 s9, s4  }
0x13: {  	s25 =	ssub.s32 s24, s13;
	s11 =	sadd.s32 s11, s3;
	s13 =	simm.s32 $0x4400  }
0x14: {  	s4 =	sshrl.u32 s4, $0x3;
	s16 =	sadd.s32 $0xB1A00, s7;
	s7 =	sadd.s32 $0xB2200, s7  }
0x15: {  	s25 =	smax.u32 s25, $0x1;
	s9 =	sadd.s32 s4, s1;
	s1 =	sadd.s32 s12, s1  }
0x16: {  	s4 =	sor.u32 $0x1C03, s8;
	[dreg:$0x7] =	wrdreg s16;
	s16 =	sadd.s32 s15, s2  }
0x17: {  	[dreg:$0x8] =	wrdreg s7;
	s15 =	sadd.s32 s10, s22;
	p1 =	sne.s32 s25, $0x1  }
.Ltmp0:
0x18: {  	s10 =	sshrl.u32 s11, $0x3;
	s7 =	simm.s32 $0x3;
	(pc) =	sbr.rel @!p1 .LBB2_3-.Ltmp0, $4  }
0x19: {  	s22 =	simm.s32 $0x1;
	s11 =	simm.s32 $0xC400;
	s12 =	simm.s32 $0x80  }
0x1a: {  	s0 =	sadd.s32 $0xFFFFFFFF, s25;
	s25 =	simm.s32 $0x100;
	s24 =	sadd.s32 s6, s1  }
0x1b: {  	s8 =	sadd.s32 $0xB8400, s9;
	s9 =	sshrl.u32 s16, $0x3;
	s16 =	simm.s32 $0x2  }
0x1c: {  	s1 =	rddreg [dreg:$0x5];
	s6 =	sadd.s32 $0xB2A00, s24;
	s24 =	simm.s32 $0x300  }
0x1d: {  	[spmem:s10], [sflag:s4] =	dma.local [hbm:s1], $0x1480  }
0x1e: {  	_ =	swait.ge [sflag:s7], $0x1480  }
0x1f: {  	[sflag:s7] =	ssyncset.done $0x0  }
0x20: {  	s1 =	rddreg [dreg:$0x6];
	[sflag:s7] =	ssyncadd.s32 $0xFFFFEB80  }
0x21: {  	[spmem:s9], [sflag:s4] =	dma.local [hbm:s1], $0x80  }
0x22: {  	_ =	swait.ge [sflag:s7], $0x80  }
0x23: {  	[sflag:s7] =	ssyncset.done $0x0  }
0x24: {  	s1 =	rddreg [dreg:$0x7];
	[sflag:s7] =	ssyncadd.s32 $0xFFFFFF80  }
0x25: {  	[tilespmem:s5], [sflag:$0x3] =	stream.linear.gather [hbm4b:s1+s5], $0x200, $0x38;
	[tilespmem:$0x1AC00] =	vst v63  }
0x26: {  	_ =	swait.ge [sflag:s7], $0x200  }
0x27: {  	[sflag:s7] =	ssyncset.done $0x0  }
0x28: {  	s1 =	rddreg [dreg:$0x8];
	[sflag:s7] =	ssyncadd.s32 $0xFFFFFE00  }
0x29: {  	[tilespmem:s31], [sflag:$0x3] =	stream.linear.gather [hbm4b:s1+s5], $0x200, $0x38;
	[tilespmem:$0x1AC00] =	vst v63  }
0x2a: {  	_ =	swait.ge [sflag:s7], $0x200  }
0x2b: {  	[sflag:s7] =	ssyncset.done $0x0  }
0x2c: {  	[sflag:s7] =	ssyncadd.s32 $0xFFFFFE00  }
0x2d: {  	[bflag:$0x0] =	sbarrier.arrive $0xFFFF  }
0x2e: {  	s1 =	rddreg [dreg:$0x9]  }
0x2f: {  	[tilespmem:s20], [sflag:$0x1] =	stream.linear.gather [hbm4b:s1+s5], $0x4000, $0x38;
	[tilespmem:$0x1AC00] =	vst v63  }
0x30: {  	_ = 	snop  }
0x31: {  	[tilespmem:s18], [sflag:$0x1] =	stream.linear.gather [hbm4b:s29+s5], $0x4000, $0x38;
	[tilespmem:$0x1AC00] =	vst v63  }
0x32: {  	_ =	swait.ge [sflag:s22], $0x4000  }
0x33: {  	[sflag:s22] =	ssyncset.done $0x0  }
0x34: {  	[sflag:s22] =	ssyncadd.s32 $0xFFFFC000  }
0x35: {  	_ =	swait.ge [sflag:s22], $0x4000  }
0x36: {  	[sflag:s22] =	ssyncset.done $0x0  }
0x37: {  	[sflag:s22] =	ssyncadd.s32 $0xFFFFC000  }
0x38: {  	[tilespmem:s13], [sflag:$0x2] =	stream.linear.gather [hbm4b:s26+s5], $0x4000, $0x38;
	[tilespmem:$0x1AC00] =	vst v63  }
0x39: {  	_ = 	snop  }
0x3a: {  	[tilespmem:s11], [sflag:$0x2] =	stream.linear.gather [hbm4b:s28+s5], $0x4000, $0x38;
	[tilespmem:$0x1AC00] =	vst v63  }
0x3b: {  	_ = 	snop  }
0x3c: {  	[spmem:s3] =	stream.indirect.scatter.add.f32 [tilespmem:s20], [sflag:$0x3], $0x80, s5, s12, $0xb8;
	[tilespmem:$0x1AC00] =	vst v63  }
0x3d: {  	_ =	swait.ge [sflag:s7], $0x4000  }
0x3e: {  	[sflag:s7] =	ssyncset.done $0x0  }
0x3f: {  	[sflag:s7] =	ssyncadd.s32 $0xFFFFC000  }
0x40: {  	[spmem:s2] =	stream.indirect.scatter.add.f32 [tilespmem:s18], [sflag:$0x3], $0x80, s31, s12, $0xb8;
	[tilespmem:$0x1AC00] =	vst v63  }
0x41: {  	_ =	swait.ge [sflag:s7], $0x4000  }
0x42: {  	[sflag:s7] =	ssyncset.done $0x0  }
0x43: {  	[sflag:s7] =	ssyncadd.s32 $0xFFFFC000  }
0x44: {  	_ =	swait.ge [sflag:s16], $0x4000  }
0x45: {  	[sflag:s16] =	ssyncset.done $0x0  }
0x46: {  	[sflag:s16] =	ssyncadd.s32 $0xFFFFC000  }
0x47: {  	_ =	swait.ge [sflag:s16], $0x4000  }
0x48: {  	[sflag:s16] =	ssyncset.done $0x0  }
0x49: {  	[sflag:s16] =	ssyncadd.s32 $0xFFFFC000  }
0x4a: {  	[tilespmem:s20], [sflag:$0x1] =	stream.linear.gather [hbm4b:s21+s5], $0x4000, $0x38;
	[tilespmem:$0x1AC00] =	vst v63  }
0x4b: {  	_ = 	snop  }
0x4c: {  	[tilespmem:s18], [sflag:$0x1] =	stream.linear.gather [hbm4b:s23+s5], $0x4000, $0x38;
	[tilespmem:$0x1AC00] =	vst v63  }
0x4d: {  	_ = 	snop  }
0x4e: {  	[spmem:s3] =	stream.indirect.scatter.add.f32 [tilespmem:s13], [sflag:$0x3], $0x80, s12, s12, $0xb8;
	[tilespmem:$0x1AC00] =	vst v63  }
0x4f: {  	_ =	swait.ge [sflag:s7], $0x4000  }
0x50: {  	[sflag:s7] =	ssyncset.done $0x0  }
0x51: {  	[sflag:s7] =	ssyncadd.s32 $0xFFFFC000  }
0x52: {  	[spmem:s2] =	stream.indirect.scatter.add.f32 [tilespmem:s11], [sflag:$0x3], $0x80, s30, s12, $0xb8;
	[tilespmem:$0x1AC00] =	vst v63  }
0x53: {  	_ =	swait.ge [sflag:s7], $0x4000  }
0x54: {  	[sflag:s7] =	ssyncset.done $0x0  }
0x55: {  	[sflag:s7] =	ssyncadd.s32 $0xFFFFC000  }
0x56: {  	_ =	swait.ge [sflag:s22], $0x4000  }
0x57: {  	[sflag:s22] =	ssyncset.done $0x0  }
0x58: {  	[sflag:s22] =	ssyncadd.s32 $0xFFFFC000  }
0x59: {  	_ =	swait.ge [sflag:s22], $0x4000  }
0x5a: {  	[sflag:s22] =	ssyncset.done $0x0  }
0x5b: {  	[sflag:s22] =	ssyncadd.s32 $0xFFFFC000  }
0x5c: {  	[tilespmem:s13], [sflag:$0x2] =	stream.linear.gather [hbm4b:s14+s5], $0x4000, $0x38;
	[tilespmem:$0x1AC00] =	vst v63  }
0x5d: {  	_ = 	snop  }
0x5e: {  	[tilespmem:s11], [sflag:$0x2] =	stream.linear.gather [hbm4b:s15+s5], $0x4000, $0x38;
	[tilespmem:$0x1AC00] =	vst v63  }
0x5f: {  	_ = 	snop  }
0x60: {  	[spmem:s3] =	stream.indirect.scatter.add.f32 [tilespmem:s20], [sflag:$0x3], $0x80, s25, s12, $0xb8;
	[tilespmem:$0x1AC00] =	vst v63  }
0x61: {  	_ =	swait.ge [sflag:s7], $0x4000  }
0x62: {  	[sflag:s7] =	ssyncset.done $0x0  }
0x63: {  	[sflag:s7] =	ssyncadd.s32 $0xFFFFC000  }
0x64: {  	[spmem:s2] =	stream.indirect.scatter.add.f32 [tilespmem:s18], [sflag:$0x3], $0x80, s24, s12, $0xb8;
	[tilespmem:$0x1AC00] =	vst v63  }
0x65: {  	_ =	swait.ge [sflag:s7], $0x4000  }
0x66: {  	[sflag:s7] =	ssyncset.done $0x0  }
0x67: {  	[sflag:s7] =	ssyncadd.s32 $0xFFFFC000  }
0x68: {  	_ =	swait.ge [sflag:s16], $0x4000  }
0x69: {  	[sflag:s16] =	ssyncset.done $0x0  }
0x6a: {  	[sflag:s16] =	ssyncadd.s32 $0xFFFFC000  }
0x6b: {  	_ =	swait.ge [sflag:s16], $0x4000  }
0x6c: {  	[sflag:s16] =	ssyncset.done $0x0  }
0x6d: {  	[sflag:s16] =	ssyncadd.s32 $0xFFFFC000  }
0x6e: {  	[spmem:s3] =	stream.indirect.scatter.add.f32 [tilespmem:s13], [sflag:$0x3], $0x80, s19, s12, $0xb8;
	[tilespmem:$0x1AC00] =	vst v63  }
0x6f: {  	_ =	swait.ge [sflag:s7], $0x4000  }
0x70: {  	[sflag:s7] =	ssyncset.done $0x0  }
0x71: {  	[sflag:s7] =	ssyncadd.s32 $0xFFFFC000  }
0x72: {  	[spmem:s2] =	stream.indirect.scatter.add.f32 [tilespmem:s11], [sflag:$0x3], $0x80, s17, s12, $0xb8;
	[tilespmem:$0x1AC00] =	vst v63  }
0x73: {  	_ =	swait.ge [sflag:s7], $0x4000  }
0x74: {  	[sflag:s7] =	ssyncset.done $0x0  }
0x75: {  	[sflag:s7] =	ssyncadd.s32 $0xFFFFC000  }
0x76: {  	[bflag:$0x0] =	sbarrier.arrive $0xFFFF  }
0x77: {  	[hbm:s8], [sflag:s4] =	dma.local [spmem:s10], $0x1480  }
0x78: {  	p1 =	sne.s32 s0, $0x1;
	_ =	swait.ge [sflag:s7], $0x1480  }
.Ltmp1:
0x79: {  	[sflag:s7] =	ssyncset.done $0x0;
	(pc) =	sbr.rel @!p1 .LBB2_3-.Ltmp1, $4  }
0x7a: {  	[sflag:s7] =	ssyncadd.s32 $0xFFFFEB80  }
0x7b: {  	[hbm:s6], [sflag:s4] =	dma.local [spmem:s9], $0x80  }
0x7c: {  	s0 =	sadd.s32 $0xFFFFFFFF, s0;
	_ =	swait.ge [sflag:s7], $0x80  }
0x7d: {  	p0 =	por $0x1, $0x1;
	s1 =	rddreg [dreg:$0x5];
	[sflag:s7] =	ssyncset.done $0x0  }
.LBB2_2:
0x7e: {  	[sflag:s7] =	ssyncadd.s32 $0xFFFFFF80  }
0x7f: {  	[spmem:s10], [sflag:s4] =	dma.local [hbm:s1], $0x1480  }
0x80: {  	_ =	swait.ge [sflag:s7], $0x1480  }
0x81: {  	[sflag:s7] =	ssyncset.done $0x0  }
0x82: {  	s1 =	rddreg [dreg:$0x6];
	[sflag:s7] =	ssyncadd.s32 $0xFFFFEB80  }
0x83: {  	[spmem:s9], [sflag:s4] =	dma.local [hbm:s1], $0x80  }
0x84: {  	_ =	swait.ge [sflag:s7], $0x80  }
0x85: {  	[sflag:s7] =	ssyncset.done $0x0  }
0x86: {  	s1 =	rddreg [dreg:$0x7];
	[sflag:s7] =	ssyncadd.s32 $0xFFFFFF80  }
0x87: {  	[tilespmem:s5], [sflag:$0x3] =	stream.linear.gather [hbm4b:s1+s5], $0x200, $0x38;
	[tilespmem:$0x1AC00] =	vst v63  }
0x88: {  	_ =	swait.ge [sflag:s7], $0x200  }
0x89: {  	[sflag:s7] =	ssyncset.done $0x0  }
0x8a: {  	s1 =	rddreg [dreg:$0x8];
	[sflag:s7] =	ssyncadd.s32 $0xFFFFFE00  }
0x8b: {  	[tilespmem:s31], [sflag:$0x3] =	stream.linear.gather [hbm4b:s1+s5], $0x200, $0x38;
	[tilespmem:$0x1AC00] =	vst v63  }
0x8c: {  	_ =	swait.ge [sflag:s7], $0x200  }
0x8d: {  	[sflag:s7] =	ssyncset.done $0x0  }
0x8e: {  	[sflag:s7] =	ssyncadd.s32 $0xFFFFFE00  }
0x8f: {  	[bflag:$0x0] =	sbarrier.arrive $0xFFFF  }
0x90: {  	s1 =	rddreg [dreg:$0x9]  }
0x91: {  	[tilespmem:s20], [sflag:$0x1] =	stream.linear.gather [hbm4b:s1+s5], $0x4000, $0x38;
	[tilespmem:$0x1AC00] =	vst v63  }
0x92: {  	_ = 	snop  }
0x93: {  	[tilespmem:s18], [sflag:$0x1] =	stream.linear.gather [hbm4b:s29+s5], $0x4000, $0x38;
	[tilespmem:$0x1AC00] =	vst v63  }
0x94: {  	_ =	swait.ge [sflag:s22], $0x4000  }
0x95: {  	[sflag:s22] =	ssyncset.done $0x0  }
0x96: {  	[sflag:s22] =	ssyncadd.s32 $0xFFFFC000  }
0x97: {  	_ =	swait.ge [sflag:s22], $0x4000  }
0x98: {  	[sflag:s22] =	ssyncset.done $0x0  }
0x99: {  	[sflag:s22] =	ssyncadd.s32 $0xFFFFC000  }
0x9a: {  	[tilespmem:s13], [sflag:$0x2] =	stream.linear.gather [hbm4b:s26+s5], $0x4000, $0x38;
	[tilespmem:$0x1AC00] =	vst v63  }
0x9b: {  	_ = 	snop  }
0x9c: {  	[tilespmem:s11], [sflag:$0x2] =	stream.linear.gather [hbm4b:s28+s5], $0x4000, $0x38;
	[tilespmem:$0x1AC00] =	vst v63  }
0x9d: {  	_ = 	snop  }
0x9e: {  	[spmem:s3] =	stream.indirect.scatter.add.f32 [tilespmem:s20], [sflag:$0x3], $0x80, s5, s12, $0xb8;
	[tilespmem:$0x1AC00] =	vst v63  }
0x9f: {  	_ =	swait.ge [sflag:s7], $0x4000  }
0xa0: {  	[sflag:s7] =	ssyncset.done $0x0  }
0xa1: {  	[sflag:s7] =	ssyncadd.s32 $0xFFFFC000  }
0xa2: {  	[spmem:s2] =	stream.indirect.scatter.add.f32 [tilespmem:s18], [sflag:$0x3], $0x80, s31, s12, $0xb8;
	[tilespmem:$0x1AC00] =	vst v63  }
0xa3: {  	_ =	swait.ge [sflag:s7], $0x4000  }
0xa4: {  	[sflag:s7] =	ssyncset.done $0x0  }
0xa5: {  	[sflag:s7] =	ssyncadd.s32 $0xFFFFC000  }
0xa6: {  	_ =	swait.ge [sflag:s16], $0x4000  }
0xa7: {  	[sflag:s16] =	ssyncset.done $0x0  }
0xa8: {  	[sflag:s16] =	ssyncadd.s32 $0xFFFFC000  }
0xa9: {  	_ =	swait.ge [sflag:s16], $0x4000  }
0xaa: {  	[sflag:s16] =	ssyncset.done $0x0  }
0xab: {  	[sflag:s16] =	ssyncadd.s32 $0xFFFFC000  }
0xac: {  	[tilespmem:s20], [sflag:$0x1] =	stream.linear.gather [hbm4b:s21+s5], $0x4000, $0x38;
	[tilespmem:$0x1AC00] =	vst v63  }
0xad: {  	_ = 	snop  }
0xae: {  	[tilespmem:s18], [sflag:$0x1] =	stream.linear.gather [hbm4b:s23+s5], $0x4000, $0x38;
	[tilespmem:$0x1AC00] =	vst v63  }
0xaf: {  	_ = 	snop  }
0xb0: {  	[spmem:s3] =	stream.indirect.scatter.add.f32 [tilespmem:s13], [sflag:$0x3], $0x80, s12, s12, $0xb8;
	[tilespmem:$0x1AC00] =	vst v63  }
0xb1: {  	_ =	swait.ge [sflag:s7], $0x4000  }
0xb2: {  	[sflag:s7] =	ssyncset.done $0x0  }
0xb3: {  	[sflag:s7] =	ssyncadd.s32 $0xFFFFC000  }
0xb4: {  	[spmem:s2] =	stream.indirect.scatter.add.f32 [tilespmem:s11], [sflag:$0x3], $0x80, s30, s12, $0xb8;
	[tilespmem:$0x1AC00] =	vst v63  }
0xb5: {  	_ =	swait.ge [sflag:s7], $0x4000  }
0xb6: {  	[sflag:s7] =	ssyncset.done $0x0  }
0xb7: {  	[sflag:s7] =	ssyncadd.s32 $0xFFFFC000  }
0xb8: {  	_ =	swait.ge [sflag:s22], $0x4000  }
0xb9: {  	[sflag:s22] =	ssyncset.done $0x0  }
0xba: {  	[sflag:s22] =	ssyncadd.s32 $0xFFFFC000  }
0xbb: {  	_ =	swait.ge [sflag:s22], $0x4000  }
0xbc: {  	[sflag:s22] =	ssyncset.done $0x0  }
0xbd: {  	[sflag:s22] =	ssyncadd.s32 $0xFFFFC000  }
0xbe: {  	[tilespmem:s13], [sflag:$0x2] =	stream.linear.gather [hbm4b:s14+s5], $0x4000, $0x38;
	[tilespmem:$0x1AC00] =	vst v63  }
0xbf: {  	_ = 	snop  }
0xc0: {  	[tilespmem:s11], [sflag:$0x2] =	stream.linear.gather [hbm4b:s15+s5], $0x4000, $0x38;
	[tilespmem:$0x1AC00] =	vst v63  }
0xc1: {  	_ = 	snop  }
0xc2: {  	[spmem:s3] =	stream.indirect.scatter.add.f32 [tilespmem:s20], [sflag:$0x3], $0x80, s25, s12, $0xb8;
	[tilespmem:$0x1AC00] =	vst v63  }
0xc3: {  	_ =	swait.ge [sflag:s7], $0x4000  }
0xc4: {  	[sflag:s7] =	ssyncset.done $0x0  }
0xc5: {  	[sflag:s7] =	ssyncadd.s32 $0xFFFFC000  }
0xc6: {  	[spmem:s2] =	stream.indirect.scatter.add.f32 [tilespmem:s18], [sflag:$0x3], $0x80, s24, s12, $0xb8;
	[tilespmem:$0x1AC00] =	vst v63  }
0xc7: {  	_ =	swait.ge [sflag:s7], $0x4000  }
0xc8: {  	[sflag:s7] =	ssyncset.done $0x0  }
0xc9: {  	[sflag:s7] =	ssyncadd.s32 $0xFFFFC000  }
0xca: {  	_ =	swait.ge [sflag:s16], $0x4000  }
0xcb: {  	[sflag:s16] =	ssyncset.done $0x0  }
0xcc: {  	[sflag:s16] =	ssyncadd.s32 $0xFFFFC000  }
0xcd: {  	_ =	swait.ge [sflag:s16], $0x4000  }
0xce: {  	[sflag:s16] =	ssyncset.done $0x0  }
0xcf: {  	[sflag:s16] =	ssyncadd.s32 $0xFFFFC000  }
0xd0: {  	[spmem:s3] =	stream.indirect.scatter.add.f32 [tilespmem:s13], [sflag:$0x3], $0x80, s19, s12, $0xb8;
	[tilespmem:$0x1AC00] =	vst v63  }
0xd1: {  	_ =	swait.ge [sflag:s7], $0x4000  }
0xd2: {  	[sflag:s7] =	ssyncset.done $0x0  }
0xd3: {  	[sflag:s7] =	ssyncadd.s32 $0xFFFFC000  }
0xd4: {  	[spmem:s2] =	stream.indirect.scatter.add.f32 [tilespmem:s11], [sflag:$0x3], $0x80, s17, s12, $0xb8;
	[tilespmem:$0x1AC00] =	vst v63  }
0xd5: {  	_ =	swait.ge [sflag:s7], $0x4000  }
0xd6: {  	[sflag:s7] =	ssyncset.done $0x0  }
0xd7: {  	[sflag:s7] =	ssyncadd.s32 $0xFFFFC000  }
0xd8: {  	[bflag:$0x0] =	sbarrier.arrive $0xFFFF  }
0xd9: {  	[hbm:s8], [sflag:s4] =	dma.local [spmem:s10], $0x1480  }
0xda: {  	p1 =	sne.s32 s0, $0x1;
	_ =	swait.ge [sflag:s7], $0x1480  }
.Ltmp2:
0xdb: {  	[sflag:s7] =	ssyncset.done $0x0;
	(pc) =	sbr.rel @p1 .LBB2_2-.Ltmp2, $4  }
0xdc: {  	[sflag:s7] =	ssyncadd.s32 $0xFFFFEB80  }
0xdd: {  	[hbm:s6], [sflag:s4] =	dma.local [spmem:s9], $0x80  }
0xde: {  	_ =	swait.ge [sflag:s7], $0x80  }
0xdf: {  	s0 =	sadd.s32 $0xFFFFFFFF, s0;
	s1 =	rddreg [dreg:$0x5];
	[sflag:s7] =	ssyncset.done $0x0  }
.LBB2_3:
0xe0: {  	[sflag:s7] =	ssyncadd.s32 @p0 $0xFFFFFF80  }
0xe1: {  	[spmem:s10], [sflag:s4] =	dma.local [hbm:s1], $0x1480  }
0xe2: {  	_ =	swait.ge [sflag:s7], $0x1480  }
0xe3: {  	[sflag:s7] =	ssyncset.done $0x0  }
0xe4: {  	s0 =	rddreg [dreg:$0x6];
	[sflag:s7] =	ssyncadd.s32 $0xFFFFEB80  }
0xe5: {  	[spmem:s9], [sflag:s4] =	dma.local [hbm:s0], $0x80  }
0xe6: {  	_ =	swait.ge [sflag:s7], $0x80  }
0xe7: {  	[sflag:s7] =	ssyncset.done $0x0  }
0xe8: {  	s1 =	rddreg [dreg:$0x7];
	[sflag:s7] =	ssyncadd.s32 $0xFFFFFF80  }
0xe9: {  	[tilespmem:s5], [sflag:$0x3] =	stream.linear.gather [hbm4b:s1+s5], $0x200, $0x38;
	[tilespmem:$0x1AC00] =	vst v63  }
0xea: {  	_ =	swait.ge [sflag:s7], $0x200  }
0xeb: {  	[sflag:s7] =	ssyncset.done $0x0  }
0xec: {  	s1 =	rddreg [dreg:$0x8];
	[sflag:s7] =	ssyncadd.s32 $0xFFFFFE00  }
0xed: {  	[tilespmem:s31], [sflag:$0x3] =	stream.linear.gather [hbm4b:s1+s5], $0x200, $0x38;
	[tilespmem:$0x1AC00] =	vst v63  }
0xee: {  	_ =	swait.ge [sflag:s7], $0x200  }
0xef: {  	[sflag:s7] =	ssyncset.done $0x0  }
0xf0: {  	[sflag:s7] =	ssyncadd.s32 $0xFFFFFE00  }
0xf1: {  	[bflag:$0x0] =	sbarrier.arrive $0xFFFF  }
0xf2: {  	s1 =	rddreg [dreg:$0x9]  }
0xf3: {  	[tilespmem:s20], [sflag:$0x1] =	stream.linear.gather [hbm4b:s1+s5], $0x4000, $0x38;
	[tilespmem:$0x1AC00] =	vst v63  }
0xf4: {  	_ = 	snop  }
0xf5: {  	[tilespmem:s18], [sflag:$0x1] =	stream.linear.gather [hbm4b:s29+s5], $0x4000, $0x38;
	[tilespmem:$0x1AC00] =	vst v63  }
0xf6: {  	_ =	swait.ge [sflag:s22], $0x4000  }
0xf7: {  	[sflag:s22] =	ssyncset.done $0x0  }
0xf8: {  	[sflag:s22] =	ssyncadd.s32 $0xFFFFC000  }
0xf9: {  	_ =	swait.ge [sflag:s22], $0x4000  }
0xfa: {  	[sflag:s22] =	ssyncset.done $0x0  }
0xfb: {  	[sflag:s22] =	ssyncadd.s32 $0xFFFFC000  }
0xfc: {  	[tilespmem:s13], [sflag:$0x2] =	stream.linear.gather [hbm4b:s26+s5], $0x4000, $0x38;
	[tilespmem:$0x1AC00] =	vst v63  }
0xfd: {  	_ = 	snop  }
0xfe: {  	[tilespmem:s11], [sflag:$0x2] =	stream.linear.gather [hbm4b:s28+s5], $0x4000, $0x38;
	[tilespmem:$0x1AC00] =	vst v63  }
0xff: {  	_ = 	snop  }
0x100: {  	[spmem:s3] =	stream.indirect.scatter.add.f32 [tilespmem:s20], [sflag:$0x3], $0x80, s5, s12, $0xb8;
	[tilespmem:$0x1AC00] =	vst v63  }
0x101: {  	_ =	swait.ge [sflag:s7], $0x4000  }
0x102: {  	[sflag:s7] =	ssyncset.done $0x0  }
0x103: {  	[sflag:s7] =	ssyncadd.s32 $0xFFFFC000  }
0x104: {  	[spmem:s2] =	stream.indirect.scatter.add.f32 [tilespmem:s18], [sflag:$0x3], $0x80, s31, s12, $0xb8;
	[tilespmem:$0x1AC00] =	vst v63  }
0x105: {  	_ =	swait.ge [sflag:s7], $0x4000  }
0x106: {  	[sflag:s7] =	ssyncset.done $0x0  }
0x107: {  	[sflag:s7] =	ssyncadd.s32 $0xFFFFC000  }
0x108: {  	_ =	swait.ge [sflag:s16], $0x4000  }
0x109: {  	[sflag:s16] =	ssyncset.done $0x0  }
0x10a: {  	[sflag:s16] =	ssyncadd.s32 $0xFFFFC000  }
0x10b: {  	_ =	swait.ge [sflag:s16], $0x4000  }
0x10c: {  	[sflag:s16] =	ssyncset.done $0x0  }
0x10d: {  	[sflag:s16] =	ssyncadd.s32 $0xFFFFC000  }
0x10e: {  	[tilespmem:s20], [sflag:$0x1] =	stream.linear.gather [hbm4b:s21+s5], $0x4000, $0x38;
	[tilespmem:$0x1AC00] =	vst v63  }
0x10f: {  	_ = 	snop  }
0x110: {  	[tilespmem:s18], [sflag:$0x1] =	stream.linear.gather [hbm4b:s23+s5], $0x4000, $0x38;
	[tilespmem:$0x1AC00] =	vst v63  }
0x111: {  	_ = 	snop  }
0x112: {  	[spmem:s3] =	stream.indirect.scatter.add.f32 [tilespmem:s13], [sflag:$0x3], $0x80, s12, s12, $0xb8;
	[tilespmem:$0x1AC00] =	vst v63  }
0x113: {  	_ =	swait.ge [sflag:s7], $0x4000  }
0x114: {  	[sflag:s7] =	ssyncset.done $0x0  }
0x115: {  	[sflag:s7] =	ssyncadd.s32 $0xFFFFC000  }
0x116: {  	[spmem:s2] =	stream.indirect.scatter.add.f32 [tilespmem:s11], [sflag:$0x3], $0x80, s30, s12, $0xb8;
	[tilespmem:$0x1AC00] =	vst v63  }
0x117: {  	_ =	swait.ge [sflag:s7], $0x4000  }
0x118: {  	[sflag:s7] =	ssyncset.done $0x0  }
0x119: {  	[sflag:s7] =	ssyncadd.s32 $0xFFFFC000  }
0x11a: {  	_ =	swait.ge [sflag:s22], $0x4000  }
0x11b: {  	[sflag:s22] =	ssyncset.done $0x0  }
0x11c: {  	[sflag:s22] =	ssyncadd.s32 $0xFFFFC000  }
0x11d: {  	_ =	swait.ge [sflag:s22], $0x4000  }
0x11e: {  	[sflag:s22] =	ssyncset.done $0x0  }
0x11f: {  	[sflag:s22] =	ssyncadd.s32 $0xFFFFC000  }
0x120: {  	[tilespmem:s13], [sflag:$0x2] =	stream.linear.gather [hbm4b:s14+s5], $0x4000, $0x38;
	[tilespmem:$0x1AC00] =	vst v63  }
0x121: {  	_ = 	snop  }
0x122: {  	[tilespmem:s11], [sflag:$0x2] =	stream.linear.gather [hbm4b:s15+s5], $0x4000, $0x38;
	[tilespmem:$0x1AC00] =	vst v63  }
0x123: {  	_ = 	snop  }
0x124: {  	[spmem:s3] =	stream.indirect.scatter.add.f32 [tilespmem:s20], [sflag:$0x3], $0x80, s25, s12, $0xb8;
	[tilespmem:$0x1AC00] =	vst v63  }
0x125: {  	_ =	swait.ge [sflag:s7], $0x4000  }
0x126: {  	[sflag:s7] =	ssyncset.done $0x0  }
0x127: {  	[sflag:s7] =	ssyncadd.s32 $0xFFFFC000  }
0x128: {  	[spmem:s2] =	stream.indirect.scatter.add.f32 [tilespmem:s18], [sflag:$0x3], $0x80, s24, s12, $0xb8;
	[tilespmem:$0x1AC00] =	vst v63  }
0x129: {  	_ =	swait.ge [sflag:s7], $0x4000  }
0x12a: {  	[sflag:s7] =	ssyncset.done $0x0  }
0x12b: {  	[sflag:s7] =	ssyncadd.s32 $0xFFFFC000  }
0x12c: {  	_ =	swait.ge [sflag:s16], $0x4000  }
0x12d: {  	[sflag:s16] =	ssyncset.done $0x0  }
0x12e: {  	[sflag:s16] =	ssyncadd.s32 $0xFFFFC000  }
0x12f: {  	_ =	swait.ge [sflag:s16], $0x4000  }
0x130: {  	[sflag:s16] =	ssyncset.done $0x0  }
0x131: {  	[sflag:s16] =	ssyncadd.s32 $0xFFFFC000  }
0x132: {  	[spmem:s3] =	stream.indirect.scatter.add.f32 [tilespmem:s13], [sflag:$0x3], $0x80, s19, s12, $0xb8;
	[tilespmem:$0x1AC00] =	vst v63  }
0x133: {  	_ =	swait.ge [sflag:s7], $0x4000  }
0x134: {  	[sflag:s7] =	ssyncset.done $0x0  }
0x135: {  	[sflag:s7] =	ssyncadd.s32 $0xFFFFC000  }
0x136: {  	[spmem:s2] =	stream.indirect.scatter.add.f32 [tilespmem:s11], [sflag:$0x3], $0x80, s17, s12, $0xb8;
	[tilespmem:$0x1AC00] =	vst v63  }
0x137: {  	_ =	swait.ge [sflag:s7], $0x4000  }
0x138: {  	[sflag:s7] =	ssyncset.done $0x0  }
0x139: {  	[sflag:s7] =	ssyncadd.s32 $0xFFFFC000  }
0x13a: {  	[bflag:$0x0] =	sbarrier.arrive $0xFFFF  }
0x13b: {  	[hbm:s8], [sflag:s4] =	dma.local [spmem:s10], $0x1480  }
0x13c: {  	_ =	swait.ge [sflag:s7], $0x1480  }
0x13d: {  	[sflag:s7] =	ssyncset.done $0x0  }
0x13e: {  	[sflag:s7] =	ssyncadd.s32 $0xFFFFEB80  }
0x13f: {  	[hbm:s6], [sflag:s4] =	dma.local [spmem:s9], $0x80  }
0x140: {  	_ =	swait.ge [sflag:s7], $0x80  }
0x141: {  	[sflag:s7] =	ssyncset.done $0x0  }
0x142: {  	[sflag:s7] =	ssyncadd.s32 $0xFFFFFF80  }
0x143: {  	_ =	sfence.sel $0x180000  }
0x144: {  	[bflag:$0x0] =	sbarrier.arrive $0xFFFF  }
0x145: {  	_ =	strace $0x90000050  }
0x146: {  	s31 =	stileid.u32;
	[bflag:$0x2] =	sbarrier.arrive $0xFFFF  }
0x147: {  	p0 =	sne.s32 s31, $0x0;
	s0 =	rddreg [dreg:$0x4]  }
0x148: {  	s0 =	sadd.s32 @!p0 $0x100000, s0  }
0x149: {  	[sflag:s0] =	ssyncadd.tile.s32 @!p0 $0x1;
	_ =	shalt  }
.Lfunc_end2:
_tile_overlayer_lowered:
.L_overlay_start_2:
0x14a: {  	(tag) =	ssettag $0x2  }
0x14b: {  	s0 =	rddreg [dreg:$0x0];
	s2 =	stileid.u32  }
0x14c: {  	s1 =	rddreg [dreg:$0x1];
	p0 =	sne.s32 s2, $0x0  }
0x14d: {  	s3 =	rddreg [dreg:$0x2];
	[bflag:$0x3] =	sbarrier.arrive $0xFFFF;
	s2 =	simm.s32 @!p0 $0x1C03  }
0x14e: {  	[timem:s3], [sflag:s2] =	dma.local @!p0 [hbm:s0], s1  }
0x14f: {  	s0 =	simm.s32 @!p0 $0x3  }
0x150: {  	_ =	swait.ge @!p0 [sflag:s0], s1  }
0x151: {  	s1 =	ssub.s32 @!p0 $0x0, s1;
	[sflag:s0] =	ssyncset.done @!p0 $0x0  }
0x152: {  	[sflag:s0] =	ssyncadd.s32 @!p0 s1  }
0x153: {  	[bflag:$0x3] =	sbarrier.arrive $0xFFFF  }
0x154: {  	_ =	shalt  }

// kernel: kernel.9.cloned.1.call-start
scs
__scs_entry_jumppad:
0x0: {  	(pc) =	sbr.rel $0x88, $3  }
0x1: {  	(tag) =	ssettag $0x0;
	lr =	simm.s32 $0x1  }
0x2: {  	[smem:$0x3F98] =	sst lr;
	_ =	strace $0xD0000000  }
0x3: {  	_ = 	snop  }
0x4: {  	_ = 	snop  }
0x5: {  	_ = 	snop  }
0x6: {  	_ = 	snop  }
0x7: {  	_ = 	snop  }
__scs_overlays_trampoline_lowered:
0x8: {  	[smem:$0x3FA7] =	sst s0  }
0x9: {  	[smem:$0x3FA8] =	sst s1  }
0xa: {  	[smem:$0x3FA9] =	sst s2  }
0xb: {  	[smem:$0x3FAA] =	sst s3  }
0xc: {  	[smem:$0x3FAB] =	sst s4  }
0xd: {  	[smem:$0x3FAC] =	sst s5  }
0xe: {  	[smem:$0x3FAD] =	sst s6  }
0xf: {  	[smem:$0x3FAE] =	sst s7  }
0x10: {  	[smem:$0x3FAF] =	sst s8  }
0x11: {  	[smem:$0x3FB0] =	sst s9;
	s0 =	simm.s32 @!p0 $0x0  }
0x12: {  	s1 =	sld [smem:$0x3F96];
	s0 =	simm.s32 @p0 $0x1  }
0x13: {  	[smem:$0x3FB1] =	sst s0;
	s0 =	simm.s32 @!p1 $0x0  }
0x14: {  	s2 =	sld [smem:$0x3F95];
	s0 =	simm.s32 @p1 $0x1  }
0x15: {  	[smem:$0x3FB2] =	sst s0;
	s0 =	simm.s32 @!p2 $0x0  }
0x16: {  	s3 =	sld [smem:$0x3FDB];
	s0 =	simm.s32 @p2 $0x1  }
0x17: {  	s4 =	simm.s32 $0x1BF5;
	[smem:$0x3FB4] =	sst s0  }
0x18: {  	s0 =	sld [smem:$0x3F97];
	_ =	swait.ge [sflag:s4], $0x0  }
0x19: {  	s7 =	sld [smem:$0x3F98]  }
0x1a: {  	s8 =	sadd.s32 $0xFFFFE003, lr  }
0x1b: {  	s9 =	sadd.s32 $0xFFFFFEF7, lr;
	s5 =	simm.s32 $0xFFFFFFFF;
	p2 =	slt.u32 s8, $0xFFFFF086  }
0x1c: {  	p1 =	slt.u32 s9, $0xF7A;
	s5 =	simm.s32 @!p2 $0x0  }
0x1d: {  	s5 =	simm.s32 @p1 $0x1;
	p0 =	seq.s32 s7, s2  }
0x1e: {  	s7 =	smul.u32 @!p0 $0xF7A, s2;
	p2 =	seq.s32 @!p0 s5, $0x0  }
0x1f: {  	s9 =	smul.u32 $0xF7A, s1;
	s8 =	simm.s32 @!p0 $0x1BF5;
	p2 =	por !p2, p0  }
0x20: {  	[sflag:s8] =	ssyncset.s32 @!p0 $0xFFFFF086;
	s6 =	sadd.s32 @!p0 s3, s7;
	s7 =	simm.s32 @!p0 $0x108  }
0x21: {  	s3 =	sadd.s32 s3, s9;
	s6 =	sadd.s32 @!p0 $0x88, s6;
	s7 =	simm.s32 @p2 $0x1082  }
0x22: {  	[simem:s7], [sflag:s8] =	dma.local @!p0 [hbm:s6], $0xF7A  }
0x23: {  	s9 =	sor.u32 $0xD0000000, s2;
	s6 =	simm.s32 $0x108;
	_ =	swait.ge @!p0 [sflag:s8], $0x0  }
0x24: {  	s3 =	sadd.s32 $0x88, s3;
	s6 =	simm.s32 @!p1 $0x1082;
	[sflag:s4] =	ssyncset.s32 $0xFFFFF086  }
0x25: {  	[simem:s6], [sflag:s4] =	dma.local [hbm:s3], $0xF7A  }
0x26: {  	[smem:$0x3F98] =	sst s1;
	(tag) =	ssettag s2;
	_ =	strace s9  }
0x27: {  	s1 =	sld [smem:$0x3FA8]  }
0x28: {  	s2 =	sld [smem:$0x3FA9]  }
0x29: {  	s4 =	sld [smem:$0x3FAB]  }
0x2a: {  	p0 =	seq.s32 s5, $0x0;
	s5 =	sld [smem:$0x3FAC]  }
0x2b: {  	s6 =	sld [smem:$0x3FAD]  }
0x2c: {  	s7 =	sld [smem:$0x3FAE]  }
0x2d: {  	s3 =	simm.s32 $0x108;
	s8 =	sld [smem:$0x3FAF]  }
0x2e: {  	s3 =	simm.s32 @!p0 $0x1082;
	s9 =	sld [smem:$0x3FB0]  }
0x2f: {  	lr =	sadd.s32 s0, s3;
	s0 =	sld [smem:$0x3FA7]  }
0x30: {  	s3 =	sld [smem:$0x3FAA]  }
0x31: {  	[smem:$0x3FB3] =	sst s10  }
0x32: {  	s10 =	sld [smem:$0x3FB1];
	_ =	sdelay $0x3  }
0x33: {  	p0 =	seq.s32 s10, $0x1;
	s10 =	sld [smem:$0x3FB3];
	_ =	sdelay $0x3  }
0x34: {  	[smem:$0x3FB3] =	sst s10  }
0x35: {  	s10 =	sld [smem:$0x3FB2];
	_ =	sdelay $0x3  }
0x36: {  	p1 =	seq.s32 s10, $0x1;
	s10 =	sld [smem:$0x3FB3];
	_ =	sdelay $0x3  }
0x37: {  	[smem:$0x3FB3] =	sst s10  }
0x38: {  	s10 =	sld [smem:$0x3FB4]  }
0x39: {  	_ = 	snop;
	(pc) =	sbr.ind lr, $3  }
0x3a: {  	_ = 	snop  }
0x3b: {  	_ = 	snop  }
0x3c: {  	p2 =	seq.s32 s10, $0x1;
	s10 =	sld [smem:$0x3FB3]  }
0x3d: {  	_ =	shalt  }
0x3e: {  	_ =	shalt  }
0x3f: {  	_ =	shalt  }
0x40: {  	_ =	shalt  }
0x41: {  	_ =	shalt  }
0x42: {  	_ =	shalt  }
0x43: {  	_ =	shalt  }
0x44: {  	_ =	shalt  }
0x45: {  	_ =	shalt  }
0x46: {  	_ =	shalt  }
0x47: {  	_ =	shalt  }
0x48: {  	_ =	shalt  }
0x49: {  	_ =	shalt  }
0x4a: {  	_ =	shalt  }
0x4b: {  	_ =	shalt  }
0x4c: {  	_ =	shalt  }
0x4d: {  	_ =	shalt  }
0x4e: {  	_ =	shalt  }
0x4f: {  	_ =	shalt  }
0x50: {  	_ =	shalt  }
0x51: {  	_ =	shalt  }
0x52: {  	_ =	shalt  }
0x53: {  	_ =	shalt  }
0x54: {  	_ =	shalt  }
0x55: {  	_ =	shalt  }
0x56: {  	_ =	shalt  }
0x57: {  	_ =	shalt  }
0x58: {  	_ =	shalt  }
0x59: {  	_ =	shalt  }
0x5a: {  	_ =	shalt  }
0x5b: {  	_ =	shalt  }
0x5c: {  	_ =	shalt  }
0x5d: {  	_ =	shalt  }
0x5e: {  	_ =	shalt  }
0x5f: {  	_ =	shalt  }
0x60: {  	_ =	shalt  }
0x61: {  	_ =	shalt  }
0x62: {  	_ =	shalt  }
0x63: {  	_ =	shalt  }
0x64: {  	_ =	shalt  }
0x65: {  	_ =	shalt  }
0x66: {  	_ =	shalt  }
0x67: {  	_ =	shalt  }
0x68: {  	_ =	shalt  }
0x69: {  	_ =	shalt  }
0x6a: {  	_ =	shalt  }
0x6b: {  	_ =	shalt  }
0x6c: {  	_ =	shalt  }
0x6d: {  	_ =	shalt  }
0x6e: {  	_ =	shalt  }
0x6f: {  	_ =	shalt  }
0x70: {  	_ =	shalt  }
0x71: {  	_ =	shalt  }
0x72: {  	_ =	shalt  }
0x73: {  	_ =	shalt  }
0x74: {  	_ =	shalt  }
0x75: {  	_ =	shalt  }
0x76: {  	_ =	shalt  }
0x77: {  	_ =	shalt  }
0x78: {  	_ =	shalt  }
0x79: {  	_ =	shalt  }
0x7a: {  	_ =	shalt  }
0x7b: {  	_ =	shalt  }
0x7c: {  	_ =	shalt  }
0x7d: {  	_ =	shalt  }
0x7e: {  	_ =	shalt  }
0x7f: {  	_ =	shalt  }
0x80: {  	_ =	shalt  }
0x81: {  	_ =	shalt  }
0x82: {  	_ =	shalt  }
0x83: {  	_ =	shalt  }
0x84: {  	_ =	shalt  }
0x85: {  	_ =	shalt  }
0x86: {  	_ =	shalt  }
0x87: {  	_ =	shalt  }
.Lfunc_end0:
.L_simem_size_0:
called_computation_lowered:
.L_overlay_start_0:
0x88: {  	s2 =	sld [smem:$0x3FD9]  }
0x89: {  	s3 =	sld [smem:$0x3FFE];
	_ =	sdelay $0x1  }
0x8a: {  	s1 =	srdreg.scid  }
0x8b: {  	s0 =	sand.u32 $0x1, s1  }
0x8c: {  	s17 =	sshll.u32 s0, $0xA;
	s2 =	sadd.s32 s3, s2  }
0x8d: {  	s2 =	sadd.s32 s2, s17  }
0x8e: {  	[smem:$0x3FBF] =	sst s2  }
0x8f: {  	_ = 	snop  }
0x90: {  	s2 =	sld [smem:$0x3FC9];
	(tm) =	ssettm $0x1  }
0x91: {  	s18 =	sld [smem:$0x3FFB];
	_ =	sdelay $0x3  }
0x92: {  	_ =	strace s18  }
0x93: {  	s3 =	sld [smem:$0x3FFC];
	_ =	sdelay $0x3  }
0x94: {  	_ =	strace s3  }
0x95: {  	s3 =	sld [smem:$0x3FFD];
	_ =	sdelay $0x3  }
0x96: {  	_ =	strace s3  }
0x97: {  	_ =	strace $0x8FFFFFFF  }
0x98: {  	s19 =	sld [smem:$0x3FDB];
	_ =	sdelay $0x1  }
0x99: {  	s4 =	simm.s32 $_scs_section_size  }
0x9a: {  	s5 =	simm.s32 $_size__tile_overlayer_lowered;
	s6 =	simm.s32 $_tile_overlayer_lowered  }
0x9b: {  	s22 =	simm.s32 $0x1BFF;
	s21 =	sshll.u32 s6, $0x1;
	s3 =	sadd.s32 s4, s19  }
0x9c: {  	s7 =	simm.s32 $0x0;
	s20 =	sshll.u32 s5, $0x1;
	s5 =	sadd.s32 s21, s3  }
0x9d: {  	[timem:s7], [sflag:s22] =	dma.local [hbm:s5], s20  }
0x9e: {  	_ =	swait.ge [sflag:s22], s20  }
0x9f: {  	s4 =	ssub.s32 $0x0, s20;
	[sflag:s22] =	ssyncset.done $0x0  }
0xa0: {  	[sflag:s22] =	ssyncadd.s32 s4;
	_ =	sdelay $0x1  }
0xa1: {  	s23 =	simm.s32 $0x1B8B  }
0xa2: {  	_ =	swait.ge [sflag:s23], $0x1  }
0xa3: {  	[sflag:s23] =	ssyncset.done $0x0  }
0xa4: {  	s25 =	simm.s32 $0x1B8E;
	s24 =	sld [smem:$0x3FFE];
	[sflag:s23] =	ssyncadd.s32 $0xFFFFFFFF  }
0xa5: {  	s26 =	simm.s32 $execute0_lowered;
	[smem:$0x3FD2] =	sst s25  }
0xa6: {  	s5 =	sshll.u32 s26, $0x1;
	_ =	strace $0x80000046;
	[dreg:$0x1] =	wrdreg $0xFFFFFFFF  }
0xa7: {  	s28 =	simm.s32 $_size_execute0_lowered;
	s3 =	sadd.s32 s3, s5;
	[dreg:$0x0] =	wrdreg $0x0  }
0xa8: {  	s5 =	sshll.u32 s28, $0x1;
	[dreg:$0x2] =	wrdreg s3  }
0xa9: {  	[dreg:$0x3] =	wrdreg s5  }
0xaa: {  	[dreg:$0x4] =	wrdreg $0xC0  }
0xab: {  	_ =	task [dreg:s7], $0x5FFFF  }
0xac: {  	[dreg:$0x1] =	wrdreg $0xFFFFFFFF  }
0xad: {  	[dreg:$0x0] =	wrdreg $0x60  }
0xae: {  	[dreg:$0x2] =	wrdreg s2  }
0xaf: {  	[dreg:$0x3] =	wrdreg s24  }
0xb0: {  	[dreg:$0x4] =	wrdreg $0x9  }
0xb1: {  	_ =	task.clear_ibuf [dreg:s7], $0x5FFFF;
	_ =	strace $0x90000046  }
0xb2: {  	s29 =	simm.s32 $0x9;
	_ =	strace $0x80000048  }
0xb3: {  	_ =	swait.ge [sflag:s29], $0x1  }
0xb4: {  	[sflag:s29] =	ssyncadd.s32 $0xFFFFFFFF  }
0xb5: {  	_ =	strace $0x90000048  }
0xb6: {  	_ =	sfence  }
0xb7: {  	s30 =	sld [smem:$0x0];
	_ =	sdelay $0x2  }
0xb8: {  	s31 =	sshll.u32 s1, $0xD;
	s1 =	sshrl.u32 s1, $0x2  }
0xb9: {  	s3 =	sand.u32 $0x4000, s31;
	s1 =	sadd.s32 s1, s30  }
0xba: {  	s0 =	sor.u32 s3, s0;
	s1 =	sshll.u32 s1, $0x11  }
0xbb: {  	s0 =	sor.u32 s1, s0  }
0xbc: {  	s0 =	sadd.s32 $0x8F2B, s0  }
0xbd: {  	[sflag:s0] =	ssyncadd.remote.s32 $0x1  }
0xbe: {  	_ =	sfence.sel $0xFFFF  }
0xbf: {  	[dreg:$0x0] =	wrdreg $0xFFFFFFFF;
	(pc) =	sbr.abs _section_cstart, $3  }
0xc0: {  	[dreg:$0x1] =	wrdreg $0xFFFFFFFF  }
0xc1: {  	_ =	task.clear_ibuf [dreg:s7], $0x2FFFF;
	_ =	strace $0x9FFFFFFF  }
0xc2: {  	(tm) =	ssettm $0x7FFFFFFF  }
0xc3: {  	_ =	shalt  }
tec
execute0_lowered:
.L_overlay_start_1:
0x0: {  	(tag) =	ssettag $0x1  }
0x1: {  	s0 =	srdreg.scid  }
0x2: {  	s12 =	sand.u32 $0x1, s0  }
0x3: {  	s2 =	rddreg [dreg:$0x0];
	s0 =	stileid.u32;
	s1 =	sshll.u32 s12, $0x4  }
0x4: {  	s13 =	rddreg [dreg:$0x1];
	s3 =	simm.s32 $0x0;
	s14 =	sor.u32 s0, s1  }
0x5: {  	[smem:$0x7FF] =	sst s3;
	s4 =	sshll.u32 s14, $0x6  }
0x6: {  	s1 =	rddreg [dreg:$0x2];
	s4 =	sadd.s32 s4, s13  }
0x7: {  	_ =	strace $0x80000047;
	s5 =	sadd.s32 $0x5800, s4;
	s4 =	simm.s32 $0x2  }
0x8: {  	[tilespmem:s3], [sflag:$0x2] =	stream.linear.gather [hbm4b:s5+s3], $0x180, $0x38;
	[tilespmem:$0xC200] =	vst v63  }
0x9: {  	_ =	swait.ge [sflag:s4], $0x180  }
0xa: {  	[sflag:s4] =	ssyncset.done $0x0  }
0xb: {  	s6 =	simm.s32 $0x80;
	s7 =	simm.s32 $0x200;
	[sflag:s4] =	ssyncadd.s32 $0xFFFFFE80  }
0xc: {  	[tilespmem:s7], [sflag:$0x1] =	stream.indirect.gather [hbm4b:s2+s6], $0x80, s3, s6, $0xb8;
	[tilespmem:$0xC200] =	vst v63  }
0xd: {  	s8 =	simm.s32 $0x4200  }
0xe: {  	[tilespmem:s8], [sflag:$0x1] =	stream.indirect.gather [hbm4b:s2+s6], $0x80, s6, s6, $0xb8;
	[tilespmem:$0xC200] =	vst v63  }
0xf: {  	s9 =	simm.s32 $0x100;
	s10 =	simm.s32 $0x8200;
	s11 =	simm.s32 $0x1  }
0x10: {  	[tilespmem:s10], [sflag:$0x1] =	stream.indirect.gather [hbm4b:s2+s6], $0x80, s9, s6, $0xb8;
	[tilespmem:$0xC200] =	vst v63  }
0x11: {  	_ =	swait.ge [sflag:s11], $0x4000  }
0x12: {  	[sflag:s11] =	ssyncset.done $0x0  }
0x13: {  	s12 =	ssub.s32 $0x2, s12;
	[sflag:s11] =	ssyncadd.s32 $0xFFFFC000  }
0x14: {  	s15 =	sshrl.u32 s12, $0x1;
	_ =	swait.ge [sflag:s11], $0x4000  }
0x15: {  	s30 =	ssub.s32 s12, s15;
	[sflag:s11] =	ssyncset.done $0x0  }
0x16: {  	s14 =	smul.u32 $0x1800, s14;
	s31 =	smax.u32 s30, $0x1;
	[sflag:s11] =	ssyncadd.s32 $0xFFFFC000  }
0x17: {  	p0 =	sne.s32 s31, $0x1;
	_ =	swait.ge [sflag:s11], $0x4000  }
.Ltmp0:
0x18: {  	s13 =	sadd.s32 s14, s13;
	[sflag:s11] =	ssyncset.done $0x0;
	(pc) =	sbr.rel @!p0 .LBB2_2-.Ltmp0, $4  }
0x19: {  	s12 =	sadd.s32 $0x6000, s13;
	[sflag:s11] =	ssyncadd.s32 $0xFFFFC000  }
0x1a: {  	[hbm4b:s12+s3] =	stream.linear.scatter [tilespmem:s7], [sflag:$0x2], $0xC000, $0x38;
	[tilespmem:$0xC200] =	vst v63  }
0x1b: {  	_ =	swait.ge [sflag:s4], $0xC000  }
0x1c: {  	s13 =	sadd.s32 $0xFFFFFFFF, s31;
	[sflag:s4] =	ssyncset.done $0x0  }
.LBB2_1:
0x1d: {  	p0 =	sne.s32 s13, $0x1;
	s13 =	sadd.s32 $0xFFFFFFFF, s13;
	[sflag:s4] =	ssyncadd.s32 $0xFFFF4000  }
0x1e: {  	[tilespmem:s3], [sflag:$0x2] =	stream.linear.gather [hbm4b:s5+s3], $0x180, $0x38;
	[tilespmem:$0xC200] =	vst v63  }
0x1f: {  	_ =	swait.ge [sflag:s4], $0x180  }
0x20: {  	[sflag:s4] =	ssyncset.done $0x0  }
0x21: {  	[sflag:s4] =	ssyncadd.s32 $0xFFFFFE80  }
0x22: {  	[tilespmem:s7], [sflag:$0x1] =	stream.indirect.gather [hbm4b:s2+s6], $0x80, s3, s6, $0xb8;
	[tilespmem:$0xC200] =	vst v63  }
0x23: {  	_ = 	snop  }
0x24: {  	[tilespmem:s8], [sflag:$0x1] =	stream.indirect.gather [hbm4b:s2+s6], $0x80, s6, s6, $0xb8;
	[tilespmem:$0xC200] =	vst v63  }
0x25: {  	_ = 	snop  }
0x26: {  	[tilespmem:s10], [sflag:$0x1] =	stream.indirect.gather [hbm4b:s2+s6], $0x80, s9, s6, $0xb8;
	[tilespmem:$0xC200] =	vst v63  }
0x27: {  	_ =	swait.ge [sflag:s11], $0x4000  }
0x28: {  	[sflag:s11] =	ssyncset.done $0x0  }
0x29: {  	[sflag:s11] =	ssyncadd.s32 $0xFFFFC000  }
0x2a: {  	_ =	swait.ge [sflag:s11], $0x4000  }
0x2b: {  	[sflag:s11] =	ssyncset.done $0x0  }
0x2c: {  	[sflag:s11] =	ssyncadd.s32 $0xFFFFC000  }
0x2d: {  	_ =	swait.ge [sflag:s11], $0x4000  }
.Ltmp1:
0x2e: {  	[sflag:s11] =	ssyncset.done $0x0;
	(pc) =	sbr.rel @p0 .LBB2_1-.Ltmp1, $4  }
0x2f: {  	[sflag:s11] =	ssyncadd.s32 $0xFFFFC000  }
0x30: {  	[hbm4b:s12+s3] =	stream.linear.scatter [tilespmem:s7], [sflag:$0x2], $0xC000, $0x38;
	[tilespmem:$0xC200] =	vst v63  }
0x31: {  	_ =	swait.ge [sflag:s4], $0xC000  }
0x32: {  	[sflag:s4] =	ssyncset.done $0x0  }
.LBB2_2:
0x33: {  	[sflag:s4] =	ssyncadd.s32 $0xFFFF4000  }
0x34: {  	_ =	sfence.sel $0x180000  }
0x35: {  	[bflag:$0x0] =	sbarrier.arrive $0xFFFF  }
0x36: {  	p0 =	sne.s32 s0, $0x0;
	_ =	strace $0x90000047  }
0x37: {  	s0 =	sadd.s32 @!p0 $0x100000, s1;
	[bflag:$0x2] =	sbarrier.arrive $0xFFFF  }
0x38: {  	[sflag:s0] =	ssyncadd.tile.s32 @!p0 $0x1;
	_ =	shalt  }
.Lfunc_end2:
_tile_overlayer_lowered:
.L_overlay_start_2:
0x39: {  	(tag) =	ssettag $0x2  }
0x3a: {  	s0 =	rddreg [dreg:$0x0];
	s2 =	stileid.u32  }
0x3b: {  	s1 =	rddreg [dreg:$0x1];
	p0 =	sne.s32 s2, $0x0  }
0x3c: {  	s3 =	rddreg [dreg:$0x2];
	[bflag:$0x3] =	sbarrier.arrive $0xFFFF;
	s2 =	simm.s32 @!p0 $0x1C02  }
0x3d: {  	[timem:s3], [sflag:s2] =	dma.local @!p0 [hbm:s0], s1  }
0x3e: {  	s0 =	simm.s32 @!p0 $0x2  }
0x3f: {  	_ =	swait.ge @!p0 [sflag:s0], s1  }
0x40: {  	s1 =	ssub.s32 @!p0 $0x0, s1;
	[sflag:s0] =	ssyncset.done @!p0 $0x0  }
0x41: {  	[sflag:s0] =	ssyncadd.s32 @!p0 s1  }
0x42: {  	[bflag:$0x3] =	sbarrier.arrive $0xFFFF  }
0x43: {  	_ =	shalt  }

</sc_bundles>
